<compile_context>
chip_gen: v7x
topology: tpu7x:2x2x1
jax: 0.10.2.dev20260603
libtpu: 0.0.44.dev20260713+nightly
codegen_flags: <defaults>
</compile_context>

<pallas_src>
import functools

import jax
import jax.numpy as jnp
from jax import lax
from jax.experimental import pallas as pl
from jax.experimental.pallas import tpu as pltpu
from jax.experimental.pallas import tpu_sc as plsc

VOCAB = 1000000
EMBED_DIM = 64
TOTAL = 16384 * 20
NUM_WORKERS = 32
BPW = TOTAL // NUM_WORKERS
CHUNK = 512
NCHUNK = BPW // CHUNK

SLAB_W = 256
N_SLABS = 3906
NI = 123


def _transpose_table(weight_t, weight_tail):
    mesh = plsc.VectorSubcoreMesh(core_axis_name="c", subcore_axis_name="s")

    @functools.partial(
        pl.kernel,
        mesh=mesh,
        out_type=jax.ShapeDtypeStruct((VOCAB // 2, 128), jnp.float32),
        scratch_types=[
            pltpu.VMEM((64, SLAB_W), jnp.float32),
            pltpu.VMEM((64, SLAB_W), jnp.float32),
            pltpu.VMEM((SLAB_W // 2, 128), jnp.float32),
            pltpu.VMEM((SLAB_W // 2, 128), jnp.float32),
            pltpu.VMEM((64, 128), jnp.float32),
            pltpu.VMEM((32, 128), jnp.float32),
            pltpu.SemaphoreType.DMA,
            pltpu.SemaphoreType.DMA,
            pltpu.SemaphoreType.DMA,
            pltpu.SemaphoreType.DMA,
        ],
        compiler_params=pltpu.CompilerParams(
            use_tc_tiling_on_sc=True, needs_layout_passes=False),
    )
    def k(wt_hbm, wtail_hbm, out_hbm, in0_v, in1_v, tr0_v, tr1_v,
          tin_v, ttr_v, r0, r1, w0, w1):
        wid = lax.axis_index("s") * 2 + lax.axis_index("c")
        iota16 = lax.iota(jnp.int32, 16)
        in_b = (in0_v, in1_v)
        tr_b = (tr0_v, tr1_v)
        rsem = (r0, r1)
        wsem = (w0, w1)

        def s_of(i):
            return wid + NUM_WORKERS * i

        def valid(i):
            return s_of(i) < N_SLABS

        def read_issue(i, b):
            for tr in range(8):
                pltpu.async_copy(
                    wt_hbm.at[pl.ds(8 * tr, 8),
                              pl.ds(s_of(i) * SLAB_W, SLAB_W)],
                    in_b[b].at[pl.ds(8 * tr, 8), :], rsem[b])

        def read_wait(b):
            pltpu.make_async_copy(
                wt_hbm.at[:, pl.ds(0, SLAB_W)], in_b[b], rsem[b]).wait()

        def write_issue(i, b):
            pltpu.async_copy(
                tr_b[b],
                out_hbm.at[pl.ds(s_of(i) * (SLAB_W // 2), SLAB_W // 2), :],
                wsem[b])

        def write_wait(b):
            pltpu.make_async_copy(
                tr_b[b],
                out_hbm.at[pl.ds(0, SLAB_W // 2), :], wsem[b]).wait()

        lane = iota16
        pvec = lax.shift_right_logical(lane, 3)
        p64v = lax.shift_left(pvec, 6)
        foct8 = lax.shift_left(lane & 7, 3)
        fvecs = [foct8 + f_in for f_in in range(8)]
        coutv = [p64v + fv for fv in fvecs]

        def transpose(b):
            def t_body(t, c):
                ub64 = lax.shift_left(lax.shift_right_logical(t, 4), 6)
                d = t & 15
                g4 = lax.shift_left((lane + d) & 15, 2)
                for u0 in range(4):
                    uvec = g4 + (ub64 + u0)
                    vvec = lax.shift_left(uvec, 1) + pvec
                    for f_in in range(8):
                        vals = plsc.load_gather(
                            in_b[b], [fvecs[f_in], vvec])
                        plsc.store_scatter(
                            tr_b[b], [uvec, coutv[f_in]], vals)
                return c

            lax.fori_loop(0, (SLAB_W // 128) * 16, t_body, 0)

        @pl.when(valid(0))
        def _prime():
            read_issue(0, 0)

        def pair_body(t, carry):
            for b in range(2):
                i = 2 * t + b

                @pl.when(valid(i))
                def _(i=i, b=b):
                    read_wait(b)

                    @pl.when(valid(i + 1))
                    def _():
                        read_issue(i + 1, 1 - b)

                    @pl.when(i >= 2)
                    def _():
                        write_wait(b)

                    transpose(b)
                    write_issue(i, b)

            return carry

        lax.fori_loop(0, (NI + 1) // 2, pair_body, 0)
        write_wait(0)
        write_wait(1)

        @pl.when(wid == NUM_WORKERS - 1)
        def _tail():
            pltpu.sync_copy(wtail_hbm, tin_v)

            def u_body(u, c):
                for j in range(8):
                    f_idx = ((16 * j) % 64) + iota16
                    col = iota16 * 0 + (2 * u + (j // 4))
                    ttr_v[u, pl.ds(16 * j, 16)] = plsc.load_gather(
                        tin_v, [f_idx, col])
                return c

            lax.fori_loop(0, 32, u_body, 0)
            pltpu.sync_copy(
                ttr_v, out_hbm.at[pl.ds(N_SLABS * (SLAB_W // 2), 32), :])

    return k(weight_t, weight_tail)


def _emb_lookup(idx_flat, table_lin):
    mesh = plsc.VectorSubcoreMesh(core_axis_name="c", subcore_axis_name="s")

    @functools.partial(
        pl.kernel,
        mesh=mesh,
        out_type=jax.ShapeDtypeStruct((TOTAL, EMBED_DIM), jnp.float32),
        scratch_types=[
            pltpu.VMEM((BPW,), jnp.int32),
            pltpu.VMEM((2, CHUNK, EMBED_DIM), jnp.float32),
            pltpu.SemaphoreType.DMA,
            pltpu.SemaphoreType.DMA,
        ],
        compiler_params=pltpu.CompilerParams(use_tc_tiling_on_sc=False),
    )
    def k(idx_hbm, table_hbm, out_hbm, idx_v, rows_v, gsem, wsem):
        wid = lax.axis_index("s") * 2 + lax.axis_index("c")
        base = wid * BPW
        pltpu.sync_copy(idx_hbm.at[pl.ds(base, BPW)], idx_v)

        def gather(c, b):
            return pltpu.async_copy(
                table_hbm.at[idx_v.at[pl.ds(c * CHUNK, CHUNK)]],
                rows_v.at[b], gsem)

        def write(c, b):
            return pltpu.async_copy(
                rows_v.at[b], out_hbm.at[pl.ds(base + c * CHUNK, CHUNK)], wsem)

        writes = [None] * NCHUNK
        g = gather(0, 0)
        for c in range(NCHUNK):
            b = c % 2
            if c + 1 < NCHUNK:
                if c >= 1:
                    writes[c - 1].wait()
                g_next = gather(c + 1, (c + 1) % 2)
            g.wait()
            writes[c] = write(c, b)
            if c + 1 < NCHUNK:
                g = g_next
        writes[NCHUNK - 2].wait()
        writes[NCHUNK - 1].wait()

    return k(idx_flat, table_lin)


def kernel(input, weight):
    idx = input.reshape(-1).astype(jnp.int32)
    wtail = jnp.pad(weight[VOCAB - 64:].T, ((0, 0), (0, 64)))
    table_fused = _transpose_table(weight.T, wtail)
    table_lin = table_fused.reshape(VOCAB, EMBED_DIM)
    out = _emb_lookup(idx, table_lin)
    return out.reshape(input.shape + (EMBED_DIM,))

# --- scband reference (transcript-rebuilt; emitter-appended) ---
"""Pipeline reference for scband-embedding-layer-33827162423645 (READ-ONLY COPY).

The authoritative reference and input builder live on the scoring server;
editing this copy changes nothing except your own understanding.
"""

import jax, jax.numpy as jnp
import numpy as np

VOCAB = 1000000
EMBED_DIM = 64
BATCH = 16384
HIST = 20

def setup_inputs(seed: int = 0) -> dict:
    key = jax.random.key(seed)
    k_idx, k_w = jax.random.split(key)
    input = jax.random.randint(k_idx, (BATCH, HIST), 0, VOCAB, dtype=jnp.int64)
    weight = jax.random.normal(k_w, (VOCAB, EMBED_DIM), dtype=jnp.float32) * 0.02
    return {"input": input, "weight": weight}

def reference(input, weight):
    # F.embedding(input, weight) == row gather from the table
    return jnp.take(weight, input, axis=0)

if __name__ == "__main__":
    import jax
    _d = setup_inputs()
    print(jax.jit(kernel)(*tuple(_d.values())))

</pallas_src>

<mosaic_0001>
#map = affine_map<(d0, d1) -> (0, 0)>
module attributes {stable_mosaic.version = 14 : i64} {
  func.func @k(%arg0: i32, %arg1: i32, %arg2: memref<64x1000000xf32, #tpu.memory_space<hbm>>, %arg3: memref<64x128xf32, #tpu.memory_space<hbm>>, %arg4: memref<500000x128xf32, #tpu.memory_space<hbm>>, %arg5: memref<64x256xf32, #tpu.memory_space<vmem>>, %arg6: memref<64x256xf32, #tpu.memory_space<vmem>>, %arg7: memref<128x128xf32, #tpu.memory_space<vmem>>, %arg8: memref<128x128xf32, #tpu.memory_space<vmem>>, %arg9: memref<64x128xf32, #tpu.memory_space<vmem>>, %arg10: memref<32x128xf32, #tpu.memory_space<vmem>>, %arg11: memref<!tpu.dma_semaphore, #tpu.memory_space<semaphore_mem>>, %arg12: memref<!tpu.dma_semaphore, #tpu.memory_space<semaphore_mem>>, %arg13: memref<!tpu.dma_semaphore, #tpu.memory_space<semaphore_mem>>, %arg14: memref<!tpu.dma_semaphore, #tpu.memory_space<semaphore_mem>>) attributes {dimension_semantics = [#tpu.dimension_semantics<core_parallel>, #tpu.dimension_semantics<subcore_parallel>], iteration_bounds = array<i64: 2, 16>, scalar_prefetch = 0 : i64, scratch_operands = 10 : i64, tpu.core_type = #tpu.core_type<sc_vector_subcore>, window_params = [{transform_indices = #map}, {transform_indices = #map}, {transform_indices = #map}]} {
    %mul3A = arith.constant 2 : i32
    %mul3A_0 = arith.muli %arg1, %mul3A : i32
    %add3A = arith.addi %mul3A_0, %arg0 : i32
    %iota3A = tpu.iota {dimensions = array<i32: 0>} : vector<16xi32>
    %shift_right_logical3A = arith.constant 3 : i32
    %shift_right_logical3A_1 = vector.broadcast %shift_right_logical3A : i32 to vector<16xi32>
    %shift_right_logical3A_2 = arith.shrui %iota3A, %shift_right_logical3A_1 : vector<16xi32>
    %shift_left3A = arith.constant 6 : i32
    %shift_left3A_3 = vector.broadcast %shift_left3A : i32 to vector<16xi32>
    %shift_left3A_4 = arith.shli %shift_right_logical3A_2, %shift_left3A_3 : vector<16xi32>
    %and3A = arith.constant 7 : i32
    %and3A_5 = vector.broadcast %and3A : i32 to vector<16xi32>
    %and3A_6 = arith.andi %iota3A, %and3A_5 : vector<16xi32>
    %shift_left3A_7 = arith.constant 3 : i32
    %shift_left3A_8 = vector.broadcast %shift_left3A_7 : i32 to vector<16xi32>
    %shift_left3A_9 = arith.shli %and3A_6, %shift_left3A_8 : vector<16xi32>
    %add3A_10 = arith.constant 0 : i32
    %add3A_11 = vector.broadcast %add3A_10 : i32 to vector<16xi32>
    %add3A_12 = arith.addi %shift_left3A_9, %add3A_11 : vector<16xi32>
    %add3A_13 = arith.constant 1 : i32
    %add3A_14 = vector.broadcast %add3A_13 : i32 to vector<16xi32>
    %add3A_15 = arith.addi %shift_left3A_9, %add3A_14 : vector<16xi32>
    %add3A_16 = arith.constant 2 : i32
    %add3A_17 = vector.broadcast %add3A_16 : i32 to vector<16xi32>
    %add3A_18 = arith.addi %shift_left3A_9, %add3A_17 : vector<16xi32>
    %add3A_19 = arith.constant 3 : i32
    %add3A_20 = vector.broadcast %add3A_19 : i32 to vector<16xi32>
    %add3A_21 = arith.addi %shift_left3A_9, %add3A_20 : vector<16xi32>
    %add3A_22 = arith.constant 4 : i32
    %add3A_23 = vector.broadcast %add3A_22 : i32 to vector<16xi32>
    %add3A_24 = arith.addi %shift_left3A_9, %add3A_23 : vector<16xi32>
    %add3A_25 = arith.constant 5 : i32
    %add3A_26 = vector.broadcast %add3A_25 : i32 to vector<16xi32>
    %add3A_27 = arith.addi %shift_left3A_9, %add3A_26 : vector<16xi32>
    %add3A_28 = arith.constant 6 : i32
    %add3A_29 = vector.broadcast %add3A_28 : i32 to vector<16xi32>
    %add3A_30 = arith.addi %shift_left3A_9, %add3A_29 : vector<16xi32>
    %add3A_31 = arith.constant 7 : i32
    %add3A_32 = vector.broadcast %add3A_31 : i32 to vector<16xi32>
    %add3A_33 = arith.addi %shift_left3A_9, %add3A_32 : vector<16xi32>
    %add3A_34 = arith.addi %shift_left3A_4, %add3A_12 : vector<16xi32>
    %add3A_35 = arith.addi %shift_left3A_4, %add3A_15 : vector<16xi32>
    %add3A_36 = arith.addi %shift_left3A_4, %add3A_18 : vector<16xi32>
    %add3A_37 = arith.addi %shift_left3A_4, %add3A_21 : vector<16xi32>
    %add3A_38 = arith.addi %shift_left3A_4, %add3A_24 : vector<16xi32>
    %add3A_39 = arith.addi %shift_left3A_4, %add3A_27 : vector<16xi32>
    %add3A_40 = arith.addi %shift_left3A_4, %add3A_30 : vector<16xi32>
    %add3A_41 = arith.addi %shift_left3A_4, %add3A_33 : vector<16xi32>
    %add3A_42 = arith.constant 0 : i32
    %add3A_43 = arith.addi %add3A, %add3A_42 : i32
    %lt3A = arith.constant 3906 : i32
    %lt3A_44 = arith.cmpi slt, %add3A_43, %lt3A : i32
    %convert_element_type3A = arith.extui %lt3A_44 : i1 to i32
    %cond3A = arith.constant 0 : i32
    %cond3A_45 = arith.cmpi ne, %convert_element_type3A, %cond3A : i32
    scf.if %cond3A_45 {
      %add3A_66 = arith.constant 0 : i32
      %add3A_67 = arith.addi %add3A, %add3A_66 : i32
      %mul3A_68 = arith.constant 256 : i32
      %mul3A_69 = arith.muli %add3A_67, %mul3A_68 : i32
      %dma_start3A = arith.constant 0 : i32
      %dma_start3A_70 = arith.constant 0 : i32
      %dma_start3A_71 = tpu.memref_slice %arg5[%dma_start3A, %dma_start3A_70] : memref<64x256xf32, #tpu.memory_space<vmem>> -> memref<8x256xf32, #tpu.memory_space<vmem>>
      %dma_start3A_72 = arith.constant 0 : i32
      %dma_start3A_73 = tpu.memref_slice %arg2[%dma_start3A_72, %mul3A_69] : memref<64x1000000xf32, #tpu.memory_space<hbm>> -> memref<8x256xf32, #tpu.memory_space<hbm>>
      %dma_start3A_74 = arith.constant 0 : i32
      %dma_start3A_75 = arith.constant 0 : i32
      %dma_start3A_76 = tpu.memref_slice %arg5[%dma_start3A_74, %dma_start3A_75] : memref<64x256xf32, #tpu.memory_space<vmem>> -> memref<8x256xf32, #tpu.memory_space<vmem>>
      %dma_start3A_77 = arith.constant 0 : i32
      %dma_start3A_78 = tpu.memref_slice %arg2[%dma_start3A_77, %mul3A_69] : memref<64x1000000xf32, #tpu.memory_space<hbm>> -> memref<8x256xf32, #tpu.memory_space<hbm>>
      tpu.enqueue_dma source(%dma_start3A_78 : memref<8x256xf32, #tpu.memory_space<hbm>>) target(%dma_start3A_76 : memref<8x256xf32, #tpu.memory_space<vmem>>) target_semaphore(%arg11 : memref<!tpu.dma_semaphore, #tpu.memory_space<semaphore_mem>>)
      %add3A_79 = arith.constant 0 : i32
      %add3A_80 = arith.addi %add3A, %add3A_79 : i32
      %mul3A_81 = arith.constant 256 : i32
      %mul3A_82 = arith.muli %add3A_80, %mul3A_81 : i32
      %dma_start3A_83 = arith.constant 8 : i32
      %dma_start3A_84 = arith.constant 0 : i32
      %dma_start3A_85 = tpu.memref_slice %arg5[%dma_start3A_83, %dma_start3A_84] : memref<64x256xf32, #tpu.memory_space<vmem>> -> memref<8x256xf32, #tpu.memory_space<vmem>>
      %dma_start3A_86 = arith.constant 8 : i32
      %dma_start3A_87 = tpu.memref_slice %arg2[%dma_start3A_86, %mul3A_82] : memref<64x1000000xf32, #tpu.memory_space<hbm>> -> memref<8x256xf32, #tpu.memory_space<hbm>>
      %dma_start3A_88 = arith.constant 8 : i32
      %dma_start3A_89 = arith.constant 0 : i32
      %dma_start3A_90 = tpu.memref_slice %arg5[%dma_start3A_88, %dma_start3A_89] : memref<64x256xf32, #tpu.memory_space<vmem>> -> memref<8x256xf32, #tpu.memory_space<vmem>>
      %dma_start3A_91 = arith.constant 8 : i32
      %dma_start3A_92 = tpu.memref_slice %arg2[%dma_start3A_91, %mul3A_82] : memref<64x1000000xf32, #tpu.memory_space<hbm>> -> memref<8x256xf32, #tpu.memory_space<hbm>>
      tpu.enqueue_dma source(%dma_start3A_92 : memref<8x256xf32, #tpu.memory_space<hbm>>) target(%dma_start3A_90 : memref<8x256xf32, #tpu.memory_space<vmem>>) target_semaphore(%arg11 : memref<!tpu.dma_semaphore, #tpu.memory_space<semaphore_mem>>)
      %add3A_93 = arith.constant 0 : i32
      %add3A_94 = arith.addi %add3A, %add3A_93 : i32
      %mul3A_95 = arith.constant 256 : i32
      %mul3A_96 = arith.muli %add3A_94, %mul3A_95 : i32
      %dma_start3A_97 = arith.constant 16 : i32
      %dma_start3A_98 = arith.constant 0 : i32
      %dma_start3A_99 = tpu.memref_slice %arg5[%dma_start3A_97, %dma_start3A_98] : memref<64x256xf32, #tpu.memory_space<vmem>> -> memref<8x256xf32, #tpu.memory_space<vmem>>
      %dma_start3A_100 = arith.constant 16 : i32
      %dma_start3A_101 = tpu.memref_slice %arg2[%dma_start3A_100, %mul3A_96] : memref<64x1000000xf32, #tpu.memory_space<hbm>> -> memref<8x256xf32, #tpu.memory_space<hbm>>
      %dma_start3A_102 = arith.constant 16 : i32
      %dma_start3A_103 = arith.constant 0 : i32
      %dma_start3A_104 = tpu.memref_slice %arg5[%dma_start3A_102, %dma_start3A_103] : memref<64x256xf32, #tpu.memory_space<vmem>> -> memref<8x256xf32, #tpu.memory_space<vmem>>
      %dma_start3A_105 = arith.constant 16 : i32
      %dma_start3A_106 = tpu.memref_slice %arg2[%dma_start3A_105, %mul3A_96] : memref<64x1000000xf32, #tpu.memory_space<hbm>> -> memref<8x256xf32, #tpu.memory_space<hbm>>
      tpu.enqueue_dma source(%dma_start3A_106 : memref<8x256xf32, #tpu.memory_space<hbm>>) target(%dma_start3A_104 : memref<8x256xf32, #tpu.memory_space<vmem>>) target_semaphore(%arg11 : memref<!tpu.dma_semaphore, #tpu.memory_space<semaphore_mem>>)
      %add3A_107 = arith.constant 0 : i32
      %add3A_108 = arith.addi %add3A, %add3A_107 : i32
      %mul3A_109 = arith.constant 256 : i32
      %mul3A_110 = arith.muli %add3A_108, %mul3A_109 : i32
      %dma_start3A_111 = arith.constant 24 : i32
      %dma_start3A_112 = arith.constant 0 : i32
      %dma_start3A_113 = tpu.memref_slice %arg5[%dma_start3A_111, %dma_start3A_112] : memref<64x256xf32, #tpu.memory_space<vmem>> -> memref<8x256xf32, #tpu.memory_space<vmem>>
      %dma_start3A_114 = arith.constant 24 : i32
      %dma_start3A_115 = tpu.memref_slice %arg2[%dma_start3A_114, %mul3A_110] : memref<64x1000000xf32, #tpu.memory_space<hbm>> -> memref<8x256xf32, #tpu.memory_space<hbm>>
      %dma_start3A_116 = arith.constant 24 : i32
      %dma_start3A_117 = arith.constant 0 : i32
      %dma_start3A_118 = tpu.memref_slice %arg5[%dma_start3A_116, %dma_start3A_117] : memref<64x256xf32, #tpu.memory_space<vmem>> -> memref<8x256xf32, #tpu.memory_space<vmem>>
      %dma_start3A_119 = arith.constant 24 : i32
      %dma_start3A_120 = tpu.memref_slice %arg2[%dma_start3A_119, %mul3A_110] : memref<64x1000000xf32, #tpu.memory_space<hbm>> -> memref<8x256xf32, #tpu.memory_space<hbm>>
      tpu.enqueue_dma source(%dma_start3A_120 : memref<8x256xf32, #tpu.memory_space<hbm>>) target(%dma_start3A_118 : memref<8x256xf32, #tpu.memory_space<vmem>>) target_semaphore(%arg11 : memref<!tpu.dma_semaphore, #tpu.memory_space<semaphore_mem>>)
      %add3A_121 = arith.constant 0 : i32
      %add3A_122 = arith.addi %add3A, %add3A_121 : i32
      %mul3A_123 = arith.constant 256 : i32
      %mul3A_124 = arith.muli %add3A_122, %mul3A_123 : i32
      %dma_start3A_125 = arith.constant 32 : i32
      %dma_start3A_126 = arith.constant 0 : i32
      %dma_start3A_127 = tpu.memref_slice %arg5[%dma_start3A_125, %dma_start3A_126] : memref<64x256xf32, #tpu.memory_space<vmem>> -> memref<8x256xf32, #tpu.memory_space<vmem>>
      %dma_start3A_128 = arith.constant 32 : i32
      %dma_start3A_129 = tpu.memref_slice %arg2[%dma_start3A_128, %mul3A_124] : memref<64x1000000xf32, #tpu.memory_space<hbm>> -> memref<8x256xf32, #tpu.memory_space<hbm>>
      %dma_start3A_130 = arith.constant 32 : i32
      %dma_start3A_131 = arith.constant 0 : i32
      %dma_start3A_132 = tpu.memref_slice %arg5[%dma_start3A_130, %dma_start3A_131] : memref<64x256xf32, #tpu.memory_space<vmem>> -> memref<8x256xf32, #tpu.memory_space<vmem>>
      %dma_start3A_133 = arith.constant 32 : i32
      %dma_start3A_134 = tpu.memref_slice %arg2[%dma_start3A_133, %mul3A_124] : memref<64x1000000xf32, #tpu.memory_space<hbm>> -> memref<8x256xf32, #tpu.memory_space<hbm>>
      tpu.enqueue_dma source(%dma_start3A_134 : memref<8x256xf32, #tpu.memory_space<hbm>>) target(%dma_start3A_132 : memref<8x256xf32, #tpu.memory_space<vmem>>) target_semaphore(%arg11 : memref<!tpu.dma_semaphore, #tpu.memory_space<semaphore_mem>>)
      %add3A_135 = arith.constant 0 : i32
      %add3A_136 = arith.addi %add3A, %add3A_135 : i32
      %mul3A_137 = arith.constant 256 : i32
      %mul3A_138 = arith.muli %add3A_136, %mul3A_137 : i32
      %dma_start3A_139 = arith.constant 40 : i32
      %dma_start3A_140 = arith.constant 0 : i32
      %dma_start3A_141 = tpu.memref_slice %arg5[%dma_start3A_139, %dma_start3A_140] : memref<64x256xf32, #tpu.memory_space<vmem>> -> memref<8x256xf32, #tpu.memory_space<vmem>>
      %dma_start3A_142 = arith.constant 40 : i32
      %dma_start3A_143 = tpu.memref_slice %arg2[%dma_start3A_142, %mul3A_138] : memref<64x1000000xf32, #tpu.memory_space<hbm>> -> memref<8x256xf32, #tpu.memory_space<hbm>>
      %dma_start3A_144 = arith.constant 40 : i32
      %dma_start3A_145 = arith.constant 0 : i32
      %dma_start3A_146 = tpu.memref_slice %arg5[%dma_start3A_144, %dma_start3A_145] : memref<64x256xf32, #tpu.memory_space<vmem>> -> memref<8x256xf32, #tpu.memory_space<vmem>>
      %dma_start3A_147 = arith.constant 40 : i32
      %dma_start3A_148 = tpu.memref_slice %arg2[%dma_start3A_147, %mul3A_138] : memref<64x1000000xf32, #tpu.memory_space<hbm>> -> memref<8x256xf32, #tpu.memory_space<hbm>>
      tpu.enqueue_dma source(%dma_start3A_148 : memref<8x256xf32, #tpu.memory_space<hbm>>) target(%dma_start3A_146 : memref<8x256xf32, #tpu.memory_space<vmem>>) target_semaphore(%arg11 : memref<!tpu.dma_semaphore, #tpu.memory_space<semaphore_mem>>)
      %add3A_149 = arith.constant 0 : i32
      %add3A_150 = arith.addi %add3A, %add3A_149 : i32
      %mul3A_151 = arith.constant 256 : i32
      %mul3A_152 = arith.muli %add3A_150, %mul3A_151 : i32
      %dma_start3A_153 = arith.constant 48 : i32
      %dma_start3A_154 = arith.constant 0 : i32
      %dma_start3A_155 = tpu.memref_slice %arg5[%dma_start3A_153, %dma_start3A_154] : memref<64x256xf32, #tpu.memory_space<vmem>> -> memref<8x256xf32, #tpu.memory_space<vmem>>
      %dma_start3A_156 = arith.constant 48 : i32
      %dma_start3A_157 = tpu.memref_slice %arg2[%dma_start3A_156, %mul3A_152] : memref<64x1000000xf32, #tpu.memory_space<hbm>> -> memref<8x256xf32, #tpu.memory_space<hbm>>
      %dma_start3A_158 = arith.constant 48 : i32
      %dma_start3A_159 = arith.constant 0 : i32
      %dma_start3A_160 = tpu.memref_slice %arg5[%dma_start3A_158, %dma_start3A_159] : memref<64x256xf32, #tpu.memory_space<vmem>> -> memref<8x256xf32, #tpu.memory_space<vmem>>
      %dma_start3A_161 = arith.constant 48 : i32
      %dma_start3A_162 = tpu.memref_slice %arg2[%dma_start3A_161, %mul3A_152] : memref<64x1000000xf32, #tpu.memory_space<hbm>> -> memref<8x256xf32, #tpu.memory_space<hbm>>
      tpu.enqueue_dma source(%dma_start3A_162 : memref<8x256xf32, #tpu.memory_space<hbm>>) target(%dma_start3A_160 : memref<8x256xf32, #tpu.memory_space<vmem>>) target_semaphore(%arg11 : memref<!tpu.dma_semaphore, #tpu.memory_space<semaphore_mem>>)
      %add3A_163 = arith.constant 0 : i32
      %add3A_164 = arith.addi %add3A, %add3A_163 : i32
      %mul3A_165 = arith.constant 256 : i32
      %mul3A_166 = arith.muli %add3A_164, %mul3A_165 : i32
      %dma_start3A_167 = arith.constant 56 : i32
      %dma_start3A_168 = arith.constant 0 : i32
      %dma_start3A_169 = tpu.memref_slice %arg5[%dma_start3A_167, %dma_start3A_168] : memref<64x256xf32, #tpu.memory_space<vmem>> -> memref<8x256xf32, #tpu.memory_space<vmem>>
      %dma_start3A_170 = arith.constant 56 : i32
      %dma_start3A_171 = tpu.memref_slice %arg2[%dma_start3A_170, %mul3A_166] : memref<64x1000000xf32, #tpu.memory_space<hbm>> -> memref<8x256xf32, #tpu.memory_space<hbm>>
      %dma_start3A_172 = arith.constant 56 : i32
      %dma_start3A_173 = arith.constant 0 : i32
      %dma_start3A_174 = tpu.memref_slice %arg5[%dma_start3A_172, %dma_start3A_173] : memref<64x256xf32, #tpu.memory_space<vmem>> -> memref<8x256xf32, #tpu.memory_space<vmem>>
      %dma_start3A_175 = arith.constant 56 : i32
      %dma_start3A_176 = tpu.memref_slice %arg2[%dma_start3A_175, %mul3A_166] : memref<64x1000000xf32, #tpu.memory_space<hbm>> -> memref<8x256xf32, #tpu.memory_space<hbm>>
      tpu.enqueue_dma source(%dma_start3A_176 : memref<8x256xf32, #tpu.memory_space<hbm>>) target(%dma_start3A_174 : memref<8x256xf32, #tpu.memory_space<vmem>>) target_semaphore(%arg11 : memref<!tpu.dma_semaphore, #tpu.memory_space<semaphore_mem>>)
    } else {
    }
    %scan3A = arith.constant 0 : i32
    %scan3A_46 = arith.constant 0 : i32
    %scan3A_47 = arith.constant 62 : i32
    %scan3A_48 = arith.addi %scan3A_46, %scan3A_47 : i32
    %scan3A_49 = arith.constant 1 : i32
    scf.for %scan3A_66 = %scan3A_46 to %scan3A_48 step %scan3A_49  : i32 {
      %mul3A_67 = arith.constant 2 : i32
      %mul3A_68 = arith.muli %mul3A_67, %scan3A_66 : i32
      %add3A_69 = arith.constant 0 : i32
      %add3A_70 = arith.addi %mul3A_68, %add3A_69 : i32
      %mul3A_71 = arith.constant 32 : i32
      %mul3A_72 = arith.muli %mul3A_71, %add3A_70 : i32
      %add3A_73 = arith.addi %add3A, %mul3A_72 : i32
      %lt3A_74 = arith.constant 3906 : i32
      %lt3A_75 = arith.cmpi slt, %add3A_73, %lt3A_74 : i32
      %convert_element_type3A_76 = arith.extui %lt3A_75 : i1 to i32
      %cond3A_77 = arith.constant 0 : i32
      %cond3A_78 = arith.cmpi ne, %convert_element_type3A_76, %cond3A_77 : i32
      scf.if %cond3A_78 {
        %dma_wait3A_91 = arith.constant 0 : i32
        %dma_wait3A_92 = arith.constant 0 : i32
        %dma_wait3A_93 = tpu.memref_slice %arg2[%dma_wait3A_91, %dma_wait3A_92] : memref<64x1000000xf32, #tpu.memory_space<hbm>> -> memref<64x256xf32, #tpu.memory_space<hbm>>
        %dma_wait3A_94 = arith.constant 0 : i32
        %dma_wait3A_95 = arith.constant 0 : i32
        %dma_wait3A_96 = tpu.memref_slice %arg2[%dma_wait3A_94, %dma_wait3A_95] : memref<64x1000000xf32, #tpu.memory_space<hbm>> -> memref<64x256xf32, #tpu.memory_space<hbm>>
        tpu.wait_dma2 semaphore(%arg11 : memref<!tpu.dma_semaphore, #tpu.memory_space<semaphore_mem>>) src(%dma_wait3A_96 : memref<64x256xf32, #tpu.memory_space<hbm>>) dst(%arg5 : memref<64x256xf32, #tpu.memory_space<vmem>>)
        %add3A_97 = arith.constant 1 : i32
        %add3A_98 = arith.addi %add3A_70, %add3A_97 : i32
        %mul3A_99 = arith.constant 32 : i32
        %mul3A_100 = arith.muli %mul3A_99, %add3A_98 : i32
        %add3A_101 = arith.addi %add3A, %mul3A_100 : i32
        %lt3A_102 = arith.constant 3906 : i32
        %lt3A_103 = arith.cmpi slt, %add3A_101, %lt3A_102 : i32
        %convert_element_type3A_104 = arith.extui %lt3A_103 : i1 to i32
        %cond3A_105 = arith.constant 0 : i32
        %cond3A_106 = arith.cmpi ne, %convert_element_type3A_104, %cond3A_105 : i32
        scf.if %cond3A_106 {
          %add3A_125 = arith.constant 1 : i32
          %add3A_126 = arith.addi %add3A_70, %add3A_125 : i32
          %mul3A_127 = arith.constant 32 : i32
          %mul3A_128 = arith.muli %mul3A_127, %add3A_126 : i32
          %add3A_129 = arith.addi %add3A, %mul3A_128 : i32
          %mul3A_130 = arith.constant 256 : i32
          %mul3A_131 = arith.muli %add3A_129, %mul3A_130 : i32
          %dma_start3A_132 = arith.constant 0 : i32
          %dma_start3A_133 = arith.constant 0 : i32
          %dma_start3A_134 = tpu.memref_slice %arg6[%dma_start3A_132, %dma_start3A_133] : memref<64x256xf32, #tpu.memory_space<vmem>> -> memref<8x256xf32, #tpu.memory_space<vmem>>
          %dma_start3A_135 = arith.constant 0 : i32
          %dma_start3A_136 = tpu.memref_slice %arg2[%dma_start3A_135, %mul3A_131] : memref<64x1000000xf32, #tpu.memory_space<hbm>> -> memref<8x256xf32, #tpu.memory_space<hbm>>
          %dma_start3A_137 = arith.constant 0 : i32
          %dma_start3A_138 = arith.constant 0 : i32
          %dma_start3A_139 = tpu.memref_slice %arg6[%dma_start3A_137, %dma_start3A_138] : memref<64x256xf32, #tpu.memory_space<vmem>> -> memref<8x256xf32, #tpu.memory_space<vmem>>
          %dma_start3A_140 = arith.constant 0 : i32
          %dma_start3A_141 = tpu.memref_slice %arg2[%dma_start3A_140, %mul3A_131] : memref<64x1000000xf32, #tpu.memory_space<hbm>> -> memref<8x256xf32, #tpu.memory_space<hbm>>
          tpu.enqueue_dma source(%dma_start3A_141 : memref<8x256xf32, #tpu.memory_space<hbm>>) target(%dma_start3A_139 : memref<8x256xf32, #tpu.memory_space<vmem>>) target_semaphore(%arg12 : memref<!tpu.dma_semaphore, #tpu.memory_space<semaphore_mem>>)
          %mul3A_142 = arith.constant 32 : i32
          %mul3A_143 = arith.muli %mul3A_142, %add3A_126 : i32
          %add3A_144 = arith.addi %add3A, %mul3A_143 : i32
          %mul3A_145 = arith.constant 256 : i32
          %mul3A_146 = arith.muli %add3A_144, %mul3A_145 : i32
          %dma_start3A_147 = arith.constant 8 : i32
          %dma_start3A_148 = arith.constant 0 : i32
          %dma_start3A_149 = tpu.memref_slice %arg6[%dma_start3A_147, %dma_start3A_148] : memref<64x256xf32, #tpu.memory_space<vmem>> -> memref<8x256xf32, #tpu.memory_space<vmem>>
          %dma_start3A_150 = arith.constant 8 : i32
          %dma_start3A_151 = tpu.memref_slice %arg2[%dma_start3A_150, %mul3A_146] : memref<64x1000000xf32, #tpu.memory_space<hbm>> -> memref<8x256xf32, #tpu.memory_space<hbm>>
          %dma_start3A_152 = arith.constant 8 : i32
          %dma_start3A_153 = arith.constant 0 : i32
          %dma_start3A_154 = tpu.memref_slice %arg6[%dma_start3A_152, %dma_start3A_153] : memref<64x256xf32, #tpu.memory_space<vmem>> -> memref<8x256xf32, #tpu.memory_space<vmem>>
          %dma_start3A_155 = arith.constant 8 : i32
          %dma_start3A_156 = tpu.memref_slice %arg2[%dma_start3A_155, %mul3A_146] : memref<64x1000000xf32, #tpu.memory_space<hbm>> -> memref<8x256xf32, #tpu.memory_space<hbm>>
          tpu.enqueue_dma source(%dma_start3A_156 : memref<8x256xf32, #tpu.memory_space<hbm>>) target(%dma_start3A_154 : memref<8x256xf32, #tpu.memory_space<vmem>>) target_semaphore(%arg12 : memref<!tpu.dma_semaphore, #tpu.memory_space<semaphore_mem>>)
          %mul3A_157 = arith.constant 32 : i32
          %mul3A_158 = arith.muli %mul3A_157, %add3A_126 : i32
          %add3A_159 = arith.addi %add3A, %mul3A_158 : i32
          %mul3A_160 = arith.constant 256 : i32
          %mul3A_161 = arith.muli %add3A_159, %mul3A_160 : i32
          %dma_start3A_162 = arith.constant 16 : i32
          %dma_start3A_163 = arith.constant 0 : i32
          %dma_start3A_164 = tpu.memref_slice %arg6[%dma_start3A_162, %dma_start3A_163] : memref<64x256xf32, #tpu.memory_space<vmem>> -> memref<8x256xf32, #tpu.memory_space<vmem>>
          %dma_start3A_165 = arith.constant 16 : i32
          %dma_start3A_166 = tpu.memref_slice %arg2[%dma_start3A_165, %mul3A_161] : memref<64x1000000xf32, #tpu.memory_space<hbm>> -> memref<8x256xf32, #tpu.memory_space<hbm>>
          %dma_start3A_167 = arith.constant 16 : i32
          %dma_start3A_168 = arith.constant 0 : i32
          %dma_start3A_169 = tpu.memref_slice %arg6[%dma_start3A_167, %dma_start3A_168] : memref<64x256xf32, #tpu.memory_space<vmem>> -> memref<8x256xf32, #tpu.memory_space<vmem>>
          %dma_start3A_170 = arith.constant 16 : i32
          %dma_start3A_171 = tpu.memref_slice %arg2[%dma_start3A_170, %mul3A_161] : memref<64x1000000xf32, #tpu.memory_space<hbm>> -> memref<8x256xf32, #tpu.memory_space<hbm>>
          tpu.enqueue_dma source(%dma_start3A_171 : memref<8x256xf32, #tpu.memory_space<hbm>>) target(%dma_start3A_169 : memref<8x256xf32, #tpu.memory_space<vmem>>) target_semaphore(%arg12 : memref<!tpu.dma_semaphore, #tpu.memory_space<semaphore_mem>>)
          %mul3A_172 = arith.constant 32 : i32
          %mul3A_173 = arith.muli %mul3A_172, %add3A_126 : i32
          %add3A_174 = arith.addi %add3A, %mul3A_173 : i32
          %mul3A_175 = arith.constant 256 : i32
          %mul3A_176 = arith.muli %add3A_174, %mul3A_175 : i32
          %dma_start3A_177 = arith.constant 24 : i32
          %dma_start3A_178 = arith.constant 0 : i32
          %dma_start3A_179 = tpu.memref_slice %arg6[%dma_start3A_177, %dma_start3A_178] : memref<64x256xf32, #tpu.memory_space<vmem>> -> memref<8x256xf32, #tpu.memory_space<vmem>>
          %dma_start3A_180 = arith.constant 24 : i32
          %dma_start3A_181 = tpu.memref_slice %arg2[%dma_start3A_180, %mul3A_176] : memref<64x1000000xf32, #tpu.memory_space<hbm>> -> memref<8x256xf32, #tpu.memory_space<hbm>>
          %dma_start3A_182 = arith.constant 24 : i32
          %dma_start3A_183 = arith.constant 0 : i32
          %dma_start3A_184 = tpu.memref_slice %arg6[%dma_start3A_182, %dma_start3A_183] : memref<64x256xf32, #tpu.memory_space<vmem>> -> memref<8x256xf32, #tpu.memory_space<vmem>>
          %dma_start3A_185 = arith.constant 24 : i32
          %dma_start3A_186 = tpu.memref_slice %arg2[%dma_start3A_185, %mul3A_176] : memref<64x1000000xf32, #tpu.memory_space<hbm>> -> memref<8x256xf32, #tpu.memory_space<hbm>>
          tpu.enqueue_dma source(%dma_start3A_186 : memref<8x256xf32, #tpu.memory_space<hbm>>) target(%dma_start3A_184 : memref<8x256xf32, #tpu.memory_space<vmem>>) target_semaphore(%arg12 : memref<!tpu.dma_semaphore, #tpu.memory_space<semaphore_mem>>)
          %mul3A_187 = arith.constant 32 : i32
          %mul3A_188 = arith.muli %mul3A_187, %add3A_126 : i32
          %add3A_189 = arith.addi %add3A, %mul3A_188 : i32
          %mul3A_190 = arith.constant 256 : i32
          %mul3A_191 = arith.muli %add3A_189, %mul3A_190 : i32
          %dma_start3A_192 = arith.constant 32 : i32
          %dma_start3A_193 = arith.constant 0 : i32
          %dma_start3A_194 = tpu.memref_slice %arg6[%dma_start3A_192, %dma_start3A_193] : memref<64x256xf32, #tpu.memory_space<vmem>> -> memref<8x256xf32, #tpu.memory_space<vmem>>
          %dma_start3A_195 = arith.constant 32 : i32
          %dma_start3A_196 = tpu.memref_slice %arg2[%dma_start3A_195, %mul3A_191] : memref<64x1000000xf32, #tpu.memory_space<hbm>> -> memref<8x256xf32, #tpu.memory_space<hbm>>
          %dma_start3A_197 = arith.constant 32 : i32
          %dma_start3A_198 = arith.constant 0 : i32
          %dma_start3A_199 = tpu.memref_slice %arg6[%dma_start3A_197, %dma_start3A_198] : memref<64x256xf32, #tpu.memory_space<vmem>> -> memref<8x256xf32, #tpu.memory_space<vmem>>
          %dma_start3A_200 = arith.constant 32 : i32
          %dma_start3A_201 = tpu.memref_slice %arg2[%dma_start3A_200, %mul3A_191] : memref<64x1000000xf32, #tpu.memory_space<hbm>> -> memref<8x256xf32, #tpu.memory_space<hbm>>
          tpu.enqueue_dma source(%dma_start3A_201 : memref<8x256xf32, #tpu.memory_space<hbm>>) target(%dma_start3A_199 : memref<8x256xf32, #tpu.memory_space<vmem>>) target_semaphore(%arg12 : memref<!tpu.dma_semaphore, #tpu.memory_space<semaphore_mem>>)
          %mul3A_202 = arith.constant 32 : i32
          %mul3A_203 = arith.muli %mul3A_202, %add3A_126 : i32
          %add3A_204 = arith.addi %add3A, %mul3A_203 : i32
          %mul3A_205 = arith.constant 256 : i32
          %mul3A_206 = arith.muli %add3A_204, %mul3A_205 : i32
          %dma_start3A_207 = arith.constant 40 : i32
          %dma_start3A_208 = arith.constant 0 : i32
          %dma_start3A_209 = tpu.memref_slice %arg6[%dma_start3A_207, %dma_start3A_208] : memref<64x256xf32, #tpu.memory_space<vmem>> -> memref<8x256xf32, #tpu.memory_space<vmem>>
          %dma_start3A_210 = arith.constant 40 : i32
          %dma_start3A_211 = tpu.memref_slice %arg2[%dma_start3A_210, %mul3A_206] : memref<64x1000000xf32, #tpu.memory_space<hbm>> -> memref<8x256xf32, #tpu.memory_space<hbm>>
          %dma_start3A_212 = arith.constant 40 : i32
          %dma_start3A_213 = arith.constant 0 : i32
          %dma_start3A_214 = tpu.memref_slice %arg6[%dma_start3A_212, %dma_start3A_213] : memref<64x256xf32, #tpu.memory_space<vmem>> -> memref<8x256xf32, #tpu.memory_space<vmem>>
          %dma_start3A_215 = arith.constant 40 : i32
          %dma_start3A_216 = tpu.memref_slice %arg2[%dma_start3A_215, %mul3A_206] : memref<64x1000000xf32, #tpu.memory_space<hbm>> -> memref<8x256xf32, #tpu.memory_space<hbm>>
          tpu.enqueue_dma source(%dma_start3A_216 : memref<8x256xf32, #tpu.memory_space<hbm>>) target(%dma_start3A_214 : memref<8x256xf32, #tpu.memory_space<vmem>>) target_semaphore(%arg12 : memref<!tpu.dma_semaphore, #tpu.memory_space<semaphore_mem>>)
          %mul3A_217 = arith.constant 32 : i32
          %mul3A_218 = arith.muli %mul3A_217, %add3A_126 : i32
          %add3A_219 = arith.addi %add3A, %mul3A_218 : i32
          %mul3A_220 = arith.constant 256 : i32
          %mul3A_221 = arith.muli %add3A_219, %mul3A_220 : i32
          %dma_start3A_222 = arith.constant 48 : i32
          %dma_start3A_223 = arith.constant 0 : i32
          %dma_start3A_224 = tpu.memref_slice %arg6[%dma_start3A_222, %dma_start3A_223] : memref<64x256xf32, #tpu.memory_space<vmem>> -> memref<8x256xf32, #tpu.memory_space<vmem>>
          %dma_start3A_225 = arith.constant 48 : i32
          %dma_start3A_226 = tpu.memref_slice %arg2[%dma_start3A_225, %mul3A_221] : memref<64x1000000xf32, #tpu.memory_space<hbm>> -> memref<8x256xf32, #tpu.memory_space<hbm>>
          %dma_start3A_227 = arith.constant 48 : i32
          %dma_start3A_228 = arith.constant 0 : i32
          %dma_start3A_229 = tpu.memref_slice %arg6[%dma_start3A_227, %dma_start3A_228] : memref<64x256xf32, #tpu.memory_space<vmem>> -> memref<8x256xf32, #tpu.memory_space<vmem>>
          %dma_start3A_230 = arith.constant 48 : i32
          %dma_start3A_231 = tpu.memref_slice %arg2[%dma_start3A_230, %mul3A_221] : memref<64x1000000xf32, #tpu.memory_space<hbm>> -> memref<8x256xf32, #tpu.memory_space<hbm>>
          tpu.enqueue_dma source(%dma_start3A_231 : memref<8x256xf32, #tpu.memory_space<hbm>>) target(%dma_start3A_229 : memref<8x256xf32, #tpu.memory_space<vmem>>) target_semaphore(%arg12 : memref<!tpu.dma_semaphore, #tpu.memory_space<semaphore_mem>>)
          %mul3A_232 = arith.constant 32 : i32
          %mul3A_233 = arith.muli %mul3A_232, %add3A_126 : i32
          %add3A_234 = arith.addi %add3A, %mul3A_233 : i32
          %mul3A_235 = arith.constant 256 : i32
          %mul3A_236 = arith.muli %add3A_234, %mul3A_235 : i32
          %dma_start3A_237 = arith.constant 56 : i32
          %dma_start3A_238 = arith.constant 0 : i32
          %dma_start3A_239 = tpu.memref_slice %arg6[%dma_start3A_237, %dma_start3A_238] : memref<64x256xf32, #tpu.memory_space<vmem>> -> memref<8x256xf32, #tpu.memory_space<vmem>>
          %dma_start3A_240 = arith.constant 56 : i32
          %dma_start3A_241 = tpu.memref_slice %arg2[%dma_start3A_240, %mul3A_236] : memref<64x1000000xf32, #tpu.memory_space<hbm>> -> memref<8x256xf32, #tpu.memory_space<hbm>>
          %dma_start3A_242 = arith.constant 56 : i32
          %dma_start3A_243 = arith.constant 0 : i32
          %dma_start3A_244 = tpu.memref_slice %arg6[%dma_start3A_242, %dma_start3A_243] : memref<64x256xf32, #tpu.memory_space<vmem>> -> memref<8x256xf32, #tpu.memory_space<vmem>>
          %dma_start3A_245 = arith.constant 56 : i32
          %dma_start3A_246 = tpu.memref_slice %arg2[%dma_start3A_245, %mul3A_236] : memref<64x1000000xf32, #tpu.memory_space<hbm>> -> memref<8x256xf32, #tpu.memory_space<hbm>>
          tpu.enqueue_dma source(%dma_start3A_246 : memref<8x256xf32, #tpu.memory_space<hbm>>) target(%dma_start3A_244 : memref<8x256xf32, #tpu.memory_space<vmem>>) target_semaphore(%arg12 : memref<!tpu.dma_semaphore, #tpu.memory_space<semaphore_mem>>)
        } else {
        }
        %ge3A = arith.constant 2 : i32
        %ge3A_107 = arith.cmpi sge, %add3A_70, %ge3A : i32
        %convert_element_type3A_108 = arith.extui %ge3A_107 : i1 to i32
        %cond3A_109 = arith.constant 0 : i32
        %cond3A_110 = arith.cmpi ne, %convert_element_type3A_108, %cond3A_109 : i32
        scf.if %cond3A_110 {
          %dma_wait3A_125 = arith.constant 0 : i32
          %dma_wait3A_126 = arith.constant 0 : i32
          %dma_wait3A_127 = tpu.memref_slice %arg4[%dma_wait3A_125, %dma_wait3A_126] : memref<500000x128xf32, #tpu.memory_space<hbm>> -> memref<128x128xf32, #tpu.memory_space<hbm>>
          %dma_wait3A_128 = arith.constant 0 : i32
          %dma_wait3A_129 = arith.constant 0 : i32
          %dma_wait3A_130 = tpu.memref_slice %arg4[%dma_wait3A_128, %dma_wait3A_129] : memref<500000x128xf32, #tpu.memory_space<hbm>> -> memref<128x128xf32, #tpu.memory_space<hbm>>
          tpu.wait_dma2 semaphore(%arg13 : memref<!tpu.dma_semaphore, #tpu.memory_space<semaphore_mem>>) src(%arg7 : memref<128x128xf32, #tpu.memory_space<vmem>>) dst(%dma_wait3A_130 : memref<128x128xf32, #tpu.memory_space<hbm>>)
        } else {
        }
        %scan3A_111 = arith.constant 0 : i32
        %scan3A_112 = arith.constant 0 : i32
        %scan3A_113 = arith.constant 32 : i32
        %scan3A_114 = arith.addi %scan3A_112, %scan3A_113 : i32
        %scan3A_115 = arith.constant 1 : i32
        scf.for %scan3A_125 = %scan3A_112 to %scan3A_114 step %scan3A_115  : i32 {
          %shift_right_logical3A_126 = arith.constant 4 : i32
          %shift_right_logical3A_127 = arith.shrui %scan3A_125, %shift_right_logical3A_126 : i32
          %shift_left3A_128 = arith.constant 6 : i32
          %shift_left3A_129 = arith.shli %shift_right_logical3A_127, %shift_left3A_128 : i32
          %and3A_130 = arith.constant 15 : i32
          %and3A_131 = arith.andi %scan3A_125, %and3A_130 : i32
          %add3A_132 = vector.broadcast %and3A_131 : i32 to vector<16xi32>
          %add3A_133 = arith.addi %iota3A, %add3A_132 : vector<16xi32>
          %and3A_134 = arith.constant 15 : i32
          %and3A_135 = vector.broadcast %and3A_134 : i32 to vector<16xi32>
          %and3A_136 = arith.andi %add3A_133, %and3A_135 : vector<16xi32>
          %shift_left3A_137 = arith.constant 2 : i32
          %shift_left3A_138 = vector.broadcast %shift_left3A_137 : i32 to vector<16xi32>
          %shift_left3A_139 = arith.shli %and3A_136, %shift_left3A_138 : vector<16xi32>
          %add3A_140 = arith.constant 0 : i32
          %add3A_141 = arith.addi %shift_left3A_129, %add3A_140 : i32
          %add3A_142 = vector.broadcast %add3A_141 : i32 to vector<16xi32>
          %add3A_143 = arith.addi %shift_left3A_139, %add3A_142 : vector<16xi32>
          %shift_left3A_144 = arith.constant 1 : i32
          %shift_left3A_145 = vector.broadcast %shift_left3A_144 : i32 to vector<16xi32>
          %shift_left3A_146 = arith.shli %add3A_143, %shift_left3A_145 : vector<16xi32>
          %add3A_147 = arith.addi %shift_left3A_146, %shift_right_logical3A_2 : vector<16xi32>
          %gather3A = tpu.vector_load_idx %arg5[%add3A_12, %add3A_147] : memref<64x256xf32, #tpu.memory_space<vmem>>[vector<16xi32>, vector<16xi32>], vector<16xf32>,
          tpu.vector_store_idx %arg7[%add3A_143, %add3A_34], %gather3A : memref<128x128xf32, #tpu.memory_space<vmem>>[vector<16xi32>, vector<16xi32>], vector<16xf32>,
          %gather3A_148 = tpu.vector_load_idx %arg5[%add3A_15, %add3A_147] : memref<64x256xf32, #tpu.memory_space<vmem>>[vector<16xi32>, vector<16xi32>], vector<16xf32>,
          tpu.vector_store_idx %arg7[%add3A_143, %add3A_35], %gather3A_148 : memref<128x128xf32, #tpu.memory_space<vmem>>[vector<16xi32>, vector<16xi32>], vector<16xf32>,
          %gather3A_149 = tpu.vector_load_idx %arg5[%add3A_18, %add3A_147] : memref<64x256xf32, #tpu.memory_space<vmem>>[vector<16xi32>, vector<16xi32>], vector<16xf32>,
          tpu.vector_store_idx %arg7[%add3A_143, %add3A_36], %gather3A_149 : memref<128x128xf32, #tpu.memory_space<vmem>>[vector<16xi32>, vector<16xi32>], vector<16xf32>,
          %gather3A_150 = tpu.vector_load_idx %arg5[%add3A_21, %add3A_147] : memref<64x256xf32, #tpu.memory_space<vmem>>[vector<16xi32>, vector<16xi32>], vector<16xf32>,
          tpu.vector_store_idx %arg7[%add3A_143, %add3A_37], %gather3A_150 : memref<128x128xf32, #tpu.memory_space<vmem>>[vector<16xi32>, vector<16xi32>], vector<16xf32>,
          %gather3A_151 = tpu.vector_load_idx %arg5[%add3A_24, %add3A_147] : memref<64x256xf32, #tpu.memory_space<vmem>>[vector<16xi32>, vector<16xi32>], vector<16xf32>,
          tpu.vector_store_idx %arg7[%add3A_143, %add3A_38], %gather3A_151 : memref<128x128xf32, #tpu.memory_space<vmem>>[vector<16xi32>, vector<16xi32>], vector<16xf32>,
          %gather3A_152 = tpu.vector_load_idx %arg5[%add3A_27, %add3A_147] : memref<64x256xf32, #tpu.memory_space<vmem>>[vector<16xi32>, vector<16xi32>], vector<16xf32>,
          tpu.vector_store_idx %arg7[%add3A_143, %add3A_39], %gather3A_152 : memref<128x128xf32, #tpu.memory_space<vmem>>[vector<16xi32>, vector<16xi32>], vector<16xf32>,
          %gather3A_153 = tpu.vector_load_idx %arg5[%add3A_30, %add3A_147] : memref<64x256xf32, #tpu.memory_space<vmem>>[vector<16xi32>, vector<16xi32>], vector<16xf32>,
          tpu.vector_store_idx %arg7[%add3A_143, %add3A_40], %gather3A_153 : memref<128x128xf32, #tpu.memory_space<vmem>>[vector<16xi32>, vector<16xi32>], vector<16xf32>,
          %gather3A_154 = tpu.vector_load_idx %arg5[%add3A_33, %add3A_147] : memref<64x256xf32, #tpu.memory_space<vmem>>[vector<16xi32>, vector<16xi32>], vector<16xf32>,
          tpu.vector_store_idx %arg7[%add3A_143, %add3A_41], %gather3A_154 : memref<128x128xf32, #tpu.memory_space<vmem>>[vector<16xi32>, vector<16xi32>], vector<16xf32>,
          %add3A_155 = arith.constant 1 : i32
          %add3A_156 = arith.addi %shift_left3A_129, %add3A_155 : i32
          %add3A_157 = vector.broadcast %add3A_156 : i32 to vector<16xi32>
          %add3A_158 = arith.addi %shift_left3A_139, %add3A_157 : vector<16xi32>
          %shift_left3A_159 = arith.constant 1 : i32
          %shift_left3A_160 = vector.broadcast %shift_left3A_159 : i32 to vector<16xi32>
          %shift_left3A_161 = arith.shli %add3A_158, %shift_left3A_160 : vector<16xi32>
          %add3A_162 = arith.addi %shift_left3A_161, %shift_right_logical3A_2 : vector<16xi32>
          %gather3A_163 = tpu.vector_load_idx %arg5[%add3A_12, %add3A_162] : memref<64x256xf32, #tpu.memory_space<vmem>>[vector<16xi32>, vector<16xi32>], vector<16xf32>,
          tpu.vector_store_idx %arg7[%add3A_158, %add3A_34], %gather3A_163 : memref<128x128xf32, #tpu.memory_space<vmem>>[vector<16xi32>, vector<16xi32>], vector<16xf32>,
          %gather3A_164 = tpu.vector_load_idx %arg5[%add3A_15, %add3A_162] : memref<64x256xf32, #tpu.memory_space<vmem>>[vector<16xi32>, vector<16xi32>], vector<16xf32>,
          tpu.vector_store_idx %arg7[%add3A_158, %add3A_35], %gather3A_164 : memref<128x128xf32, #tpu.memory_space<vmem>>[vector<16xi32>, vector<16xi32>], vector<16xf32>,
          %gather3A_165 = tpu.vector_load_idx %arg5[%add3A_18, %add3A_162] : memref<64x256xf32, #tpu.memory_space<vmem>>[vector<16xi32>, vector<16xi32>], vector<16xf32>,
          tpu.vector_store_idx %arg7[%add3A_158, %add3A_36], %gather3A_165 : memref<128x128xf32, #tpu.memory_space<vmem>>[vector<16xi32>, vector<16xi32>], vector<16xf32>,
          %gather3A_166 = tpu.vector_load_idx %arg5[%add3A_21, %add3A_162] : memref<64x256xf32, #tpu.memory_space<vmem>>[vector<16xi32>, vector<16xi32>], vector<16xf32>,
          tpu.vector_store_idx %arg7[%add3A_158, %add3A_37], %gather3A_166 : memref<128x128xf32, #tpu.memory_space<vmem>>[vector<16xi32>, vector<16xi32>], vector<16xf32>,
          %gather3A_167 = tpu.vector_load_idx %arg5[%add3A_24, %add3A_162] : memref<64x256xf32, #tpu.memory_space<vmem>>[vector<16xi32>, vector<16xi32>], vector<16xf32>,
          tpu.vector_store_idx %arg7[%add3A_158, %add3A_38], %gather3A_167 : memref<128x128xf32, #tpu.memory_space<vmem>>[vector<16xi32>, vector<16xi32>], vector<16xf32>,
          %gather3A_168 = tpu.vector_load_idx %arg5[%add3A_27, %add3A_162] : memref<64x256xf32, #tpu.memory_space<vmem>>[vector<16xi32>, vector<16xi32>], vector<16xf32>,
          tpu.vector_store_idx %arg7[%add3A_158, %add3A_39], %gather3A_168 : memref<128x128xf32, #tpu.memory_space<vmem>>[vector<16xi32>, vector<16xi32>], vector<16xf32>,
          %gather3A_169 = tpu.vector_load_idx %arg5[%add3A_30, %add3A_162] : memref<64x256xf32, #tpu.memory_space<vmem>>[vector<16xi32>, vector<16xi32>], vector<16xf32>,
          tpu.vector_store_idx %arg7[%add3A_158, %add3A_40], %gather3A_169 : memref<128x128xf32, #tpu.memory_space<vmem>>[vector<16xi32>, vector<16xi32>], vector<16xf32>,
          %gather3A_170 = tpu.vector_load_idx %arg5[%add3A_33, %add3A_162] : memref<64x256xf32, #tpu.memory_space<vmem>>[vector<16xi32>, vector<16xi32>], vector<16xf32>,
          tpu.vector_store_idx %arg7[%add3A_158, %add3A_41], %gather3A_170 : memref<128x128xf32, #tpu.memory_space<vmem>>[vector<16xi32>, vector<16xi32>], vector<16xf32>,
          %add3A_171 = arith.constant 2 : i32
          %add3A_172 = arith.addi %shift_left3A_129, %add3A_171 : i32
          %add3A_173 = vector.broadcast %add3A_172 : i32 to vector<16xi32>
          %add3A_174 = arith.addi %shift_left3A_139, %add3A_173 : vector<16xi32>
          %shift_left3A_175 = arith.constant 1 : i32
          %shift_left3A_176 = vector.broadcast %shift_left3A_175 : i32 to vector<16xi32>
          %shift_left3A_177 = arith.shli %add3A_174, %shift_left3A_176 : vector<16xi32>
          %add3A_178 = arith.addi %shift_left3A_177, %shift_right_logical3A_2 : vector<16xi32>
          %gather3A_179 = tpu.vector_load_idx %arg5[%add3A_12, %add3A_178] : memref<64x256xf32, #tpu.memory_space<vmem>>[vector<16xi32>, vector<16xi32>], vector<16xf32>,
          tpu.vector_store_idx %arg7[%add3A_174, %add3A_34], %gather3A_179 : memref<128x128xf32, #tpu.memory_space<vmem>>[vector<16xi32>, vector<16xi32>], vector<16xf32>,
          %gather3A_180 = tpu.vector_load_idx %arg5[%add3A_15, %add3A_178] : memref<64x256xf32, #tpu.memory_space<vmem>>[vector<16xi32>, vector<16xi32>], vector<16xf32>,
          tpu.vector_store_idx %arg7[%add3A_174, %add3A_35], %gather3A_180 : memref<128x128xf32, #tpu.memory_space<vmem>>[vector<16xi32>, vector<16xi32>], vector<16xf32>,
          %gather3A_181 = tpu.vector_load_idx %arg5[%add3A_18, %add3A_178] : memref<64x256xf32, #tpu.memory_space<vmem>>[vector<16xi32>, vector<16xi32>], vector<16xf32>,
          tpu.vector_store_idx %arg7[%add3A_174, %add3A_36], %gather3A_181 : memref<128x128xf32, #tpu.memory_space<vmem>>[vector<16xi32>, vector<16xi32>], vector<16xf32>,
          %gather3A_182 = tpu.vector_load_idx %arg5[%add3A_21, %add3A_178] : memref<64x256xf32, #tpu.memory_space<vmem>>[vector<16xi32>, vector<16xi32>], vector<16xf32>,
          tpu.vector_store_idx %arg7[%add3A_174, %add3A_37], %gather3A_182 : memref<128x128xf32, #tpu.memory_space<vmem>>[vector<16xi32>, vector<16xi32>], vector<16xf32>,
          %gather3A_183 = tpu.vector_load_idx %arg5[%add3A_24, %add3A_178] : memref<64x256xf32, #tpu.memory_space<vmem>>[vector<16xi32>, vector<16xi32>], vector<16xf32>,
          tpu.vector_store_idx %arg7[%add3A_174, %add3A_38], %gather3A_183 : memref<128x128xf32, #tpu.memory_space<vmem>>[vector<16xi32>, vector<16xi32>], vector<16xf32>,
          %gather3A_184 = tpu.vector_load_idx %arg5[%add3A_27, %add3A_178] : memref<64x256xf32, #tpu.memory_space<vmem>>[vector<16xi32>, vector<16xi32>], vector<16xf32>,
          tpu.vector_store_idx %arg7[%add3A_174, %add3A_39], %gather3A_184 : memref<128x128xf32, #tpu.memory_space<vmem>>[vector<16xi32>, vector<16xi32>], vector<16xf32>,
          %gather3A_185 = tpu.vector_load_idx %arg5[%add3A_30, %add3A_178] : memref<64x256xf32, #tpu.memory_space<vmem>>[vector<16xi32>, vector<16xi32>], vector<16xf32>,
          tpu.vector_store_idx %arg7[%add3A_174, %add3A_40], %gather3A_185 : memref<128x128xf32, #tpu.memory_space<vmem>>[vector<16xi32>, vector<16xi32>], vector<16xf32>,
          %gather3A_186 = tpu.vector_load_idx %arg5[%add3A_33, %add3A_178] : memref<64x256xf32, #tpu.memory_space<vmem>>[vector<16xi32>, vector<16xi32>], vector<16xf32>,
          tpu.vector_store_idx %arg7[%add3A_174, %add3A_41], %gather3A_186 : memref<128x128xf32, #tpu.memory_space<vmem>>[vector<16xi32>, vector<16xi32>], vector<16xf32>,
          %add3A_187 = arith.constant 3 : i32
          %add3A_188 = arith.addi %shift_left3A_129, %add3A_187 : i32
          %add3A_189 = vector.broadcast %add3A_188 : i32 to vector<16xi32>
          %add3A_190 = arith.addi %shift_left3A_139, %add3A_189 : vector<16xi32>
          %shift_left3A_191 = arith.constant 1 : i32
          %shift_left3A_192 = vector.broadcast %shift_left3A_191 : i32 to vector<16xi32>
          %shift_left3A_193 = arith.shli %add3A_190, %shift_left3A_192 : vector<16xi32>
          %add3A_194 = arith.addi %shift_left3A_193, %shift_right_logical3A_2 : vector<16xi32>
          %gather3A_195 = tpu.vector_load_idx %arg5[%add3A_12, %add3A_194] : memref<64x256xf32, #tpu.memory_space<vmem>>[vector<16xi32>, vector<16xi32>], vector<16xf32>,
          tpu.vector_store_idx %arg7[%add3A_190, %add3A_34], %gather3A_195 : memref<128x128xf32, #tpu.memory_space<vmem>>[vector<16xi32>, vector<16xi32>], vector<16xf32>,
          %gather3A_196 = tpu.vector_load_idx %arg5[%add3A_15, %add3A_194] : memref<64x256xf32, #tpu.memory_space<vmem>>[vector<16xi32>, vector<16xi32>], vector<16xf32>,
          tpu.vector_store_idx %arg7[%add3A_190, %add3A_35], %gather3A_196 : memref<128x128xf32, #tpu.memory_space<vmem>>[vector<16xi32>, vector<16xi32>], vector<16xf32>,
          %gather3A_197 = tpu.vector_load_idx %arg5[%add3A_18, %add3A_194] : memref<64x256xf32, #tpu.memory_space<vmem>>[vector<16xi32>, vector<16xi32>], vector<16xf32>,
          tpu.vector_store_idx %arg7[%add3A_190, %add3A_36], %gather3A_197 : memref<128x128xf32, #tpu.memory_space<vmem>>[vector<16xi32>, vector<16xi32>], vector<16xf32>,
          %gather3A_198 = tpu.vector_load_idx %arg5[%add3A_21, %add3A_194] : memref<64x256xf32, #tpu.memory_space<vmem>>[vector<16xi32>, vector<16xi32>], vector<16xf32>,
          tpu.vector_store_idx %arg7[%add3A_190, %add3A_37], %gather3A_198 : memref<128x128xf32, #tpu.memory_space<vmem>>[vector<16xi32>, vector<16xi32>], vector<16xf32>,
          %gather3A_199 = tpu.vector_load_idx %arg5[%add3A_24, %add3A_194] : memref<64x256xf32, #tpu.memory_space<vmem>>[vector<16xi32>, vector<16xi32>], vector<16xf32>,
          tpu.vector_store_idx %arg7[%add3A_190, %add3A_38], %gather3A_199 : memref<128x128xf32, #tpu.memory_space<vmem>>[vector<16xi32>, vector<16xi32>], vector<16xf32>,
          %gather3A_200 = tpu.vector_load_idx %arg5[%add3A_27, %add3A_194] : memref<64x256xf32, #tpu.memory_space<vmem>>[vector<16xi32>, vector<16xi32>], vector<16xf32>,
          tpu.vector_store_idx %arg7[%add3A_190, %add3A_39], %gather3A_200 : memref<128x128xf32, #tpu.memory_space<vmem>>[vector<16xi32>, vector<16xi32>], vector<16xf32>,
          %gather3A_201 = tpu.vector_load_idx %arg5[%add3A_30, %add3A_194] : memref<64x256xf32, #tpu.memory_space<vmem>>[vector<16xi32>, vector<16xi32>], vector<16xf32>,
          tpu.vector_store_idx %arg7[%add3A_190, %add3A_40], %gather3A_201 : memref<128x128xf32, #tpu.memory_space<vmem>>[vector<16xi32>, vector<16xi32>], vector<16xf32>,
          %gather3A_202 = tpu.vector_load_idx %arg5[%add3A_33, %add3A_194] : memref<64x256xf32, #tpu.memory_space<vmem>>[vector<16xi32>, vector<16xi32>], vector<16xf32>,
          tpu.vector_store_idx %arg7[%add3A_190, %add3A_41], %gather3A_202 : memref<128x128xf32, #tpu.memory_space<vmem>>[vector<16xi32>, vector<16xi32>], vector<16xf32>,
        }
        %scan3A_116 = arith.constant 32 : i32
        %mul3A_117 = arith.constant 32 : i32
        %mul3A_118 = arith.muli %mul3A_117, %add3A_70 : i32
        %add3A_119 = arith.addi %add3A, %mul3A_118 : i32
        %mul3A_120 = arith.constant 128 : i32
        %mul3A_121 = arith.muli %add3A_119, %mul3A_120 : i32
        %dma_start3A = arith.constant 0 : i32
        %dma_start3A_122 = tpu.memref_slice %arg4[%mul3A_121, %dma_start3A] : memref<500000x128xf32, #tpu.memory_space<hbm>> -> memref<128x128xf32, #tpu.memory_space<hbm>>
        %dma_start3A_123 = arith.constant 0 : i32
        %dma_start3A_124 = tpu.memref_slice %arg4[%mul3A_121, %dma_start3A_123] : memref<500000x128xf32, #tpu.memory_space<hbm>> -> memref<128x128xf32, #tpu.memory_space<hbm>>
        tpu.enqueue_dma source(%arg7 : memref<128x128xf32, #tpu.memory_space<vmem>>) target(%dma_start3A_124 : memref<128x128xf32, #tpu.memory_space<hbm>>) target_semaphore(%arg13 : memref<!tpu.dma_semaphore, #tpu.memory_space<semaphore_mem>>)
      } else {
      }
      %mul3A_79 = arith.constant 2 : i32
      %mul3A_80 = arith.muli %mul3A_79, %scan3A_66 : i32
      %add3A_81 = arith.constant 1 : i32
      %add3A_82 = arith.addi %mul3A_80, %add3A_81 : i32
      %mul3A_83 = arith.constant 32 : i32
      %mul3A_84 = arith.muli %mul3A_83, %add3A_82 : i32
      %add3A_85 = arith.addi %add3A, %mul3A_84 : i32
      %lt3A_86 = arith.constant 3906 : i32
      %lt3A_87 = arith.cmpi slt, %add3A_85, %lt3A_86 : i32
      %convert_element_type3A_88 = arith.extui %lt3A_87 : i1 to i32
      %cond3A_89 = arith.constant 0 : i32
      %cond3A_90 = arith.cmpi ne, %convert_element_type3A_88, %cond3A_89 : i32
      scf.if %cond3A_90 {
        %dma_wait3A_91 = arith.constant 0 : i32
        %dma_wait3A_92 = arith.constant 0 : i32
        %dma_wait3A_93 = tpu.memref_slice %arg2[%dma_wait3A_91, %dma_wait3A_92] : memref<64x1000000xf32, #tpu.memory_space<hbm>> -> memref<64x256xf32, #tpu.memory_space<hbm>>
        %dma_wait3A_94 = arith.constant 0 : i32
        %dma_wait3A_95 = arith.constant 0 : i32
        %dma_wait3A_96 = tpu.memref_slice %arg2[%dma_wait3A_94, %dma_wait3A_95] : memref<64x1000000xf32, #tpu.memory_space<hbm>> -> memref<64x256xf32, #tpu.memory_space<hbm>>
        tpu.wait_dma2 semaphore(%arg12 : memref<!tpu.dma_semaphore, #tpu.memory_space<semaphore_mem>>) src(%dma_wait3A_96 : memref<64x256xf32, #tpu.memory_space<hbm>>) dst(%arg6 : memref<64x256xf32, #tpu.memory_space<vmem>>)
        %add3A_97 = arith.constant 1 : i32
        %add3A_98 = arith.addi %add3A_82, %add3A_97 : i32
        %mul3A_99 = arith.constant 32 : i32
        %mul3A_100 = arith.muli %mul3A_99, %add3A_98 : i32
        %add3A_101 = arith.addi %add3A, %mul3A_100 : i32
        %lt3A_102 = arith.constant 3906 : i32
        %lt3A_103 = arith.cmpi slt, %add3A_101, %lt3A_102 : i32
        %convert_element_type3A_104 = arith.extui %lt3A_103 : i1 to i32
        %cond3A_105 = arith.constant 0 : i32
        %cond3A_106 = arith.cmpi ne, %convert_element_type3A_104, %cond3A_105 : i32
        scf.if %cond3A_106 {
          %add3A_125 = arith.constant 1 : i32
          %add3A_126 = arith.addi %add3A_82, %add3A_125 : i32
          %mul3A_127 = arith.constant 32 : i32
          %mul3A_128 = arith.muli %mul3A_127, %add3A_126 : i32
          %add3A_129 = arith.addi %add3A, %mul3A_128 : i32
          %mul3A_130 = arith.constant 256 : i32
          %mul3A_131 = arith.muli %add3A_129, %mul3A_130 : i32
          %dma_start3A_132 = arith.constant 0 : i32
          %dma_start3A_133 = arith.constant 0 : i32
          %dma_start3A_134 = tpu.memref_slice %arg5[%dma_start3A_132, %dma_start3A_133] : memref<64x256xf32, #tpu.memory_space<vmem>> -> memref<8x256xf32, #tpu.memory_space<vmem>>
          %dma_start3A_135 = arith.constant 0 : i32
          %dma_start3A_136 = tpu.memref_slice %arg2[%dma_start3A_135, %mul3A_131] : memref<64x1000000xf32, #tpu.memory_space<hbm>> -> memref<8x256xf32, #tpu.memory_space<hbm>>
          %dma_start3A_137 = arith.constant 0 : i32
          %dma_start3A_138 = arith.constant 0 : i32
          %dma_start3A_139 = tpu.memref_slice %arg5[%dma_start3A_137, %dma_start3A_138] : memref<64x256xf32, #tpu.memory_space<vmem>> -> memref<8x256xf32, #tpu.memory_space<vmem>>
          %dma_start3A_140 = arith.constant 0 : i32
          %dma_start3A_141 = tpu.memref_slice %arg2[%dma_start3A_140, %mul3A_131] : memref<64x1000000xf32, #tpu.memory_space<hbm>> -> memref<8x256xf32, #tpu.memory_space<hbm>>
          tpu.enqueue_dma source(%dma_start3A_141 : memref<8x256xf32, #tpu.memory_space<hbm>>) target(%dma_start3A_139 : memref<8x256xf32, #tpu.memory_space<vmem>>) target_semaphore(%arg11 : memref<!tpu.dma_semaphore, #tpu.memory_space<semaphore_mem>>)
          %mul3A_142 = arith.constant 32 : i32
          %mul3A_143 = arith.muli %mul3A_142, %add3A_126 : i32
          %add3A_144 = arith.addi %add3A, %mul3A_143 : i32
          %mul3A_145 = arith.constant 256 : i32
          %mul3A_146 = arith.muli %add3A_144, %mul3A_145 : i32
          %dma_start3A_147 = arith.constant 8 : i32
          %dma_start3A_148 = arith.constant 0 : i32
          %dma_start3A_149 = tpu.memref_slice %arg5[%dma_start3A_147, %dma_start3A_148] : memref<64x256xf32, #tpu.memory_space<vmem>> -> memref<8x256xf32, #tpu.memory_space<vmem>>
          %dma_start3A_150 = arith.constant 8 : i32
          %dma_start3A_151 = tpu.memref_slice %arg2[%dma_start3A_150, %mul3A_146] : memref<64x1000000xf32, #tpu.memory_space<hbm>> -> memref<8x256xf32, #tpu.memory_space<hbm>>
          %dma_start3A_152 = arith.constant 8 : i32
          %dma_start3A_153 = arith.constant 0 : i32
          %dma_start3A_154 = tpu.memref_slice %arg5[%dma_start3A_152, %dma_start3A_153] : memref<64x256xf32, #tpu.memory_space<vmem>> -> memref<8x256xf32, #tpu.memory_space<vmem>>
          %dma_start3A_155 = arith.constant 8 : i32
          %dma_start3A_156 = tpu.memref_slice %arg2[%dma_start3A_155, %mul3A_146] : memref<64x1000000xf32, #tpu.memory_space<hbm>> -> memref<8x256xf32, #tpu.memory_space<hbm>>
          tpu.enqueue_dma source(%dma_start3A_156 : memref<8x256xf32, #tpu.memory_space<hbm>>) target(%dma_start3A_154 : memref<8x256xf32, #tpu.memory_space<vmem>>) target_semaphore(%arg11 : memref<!tpu.dma_semaphore, #tpu.memory_space<semaphore_mem>>)
          %mul3A_157 = arith.constant 32 : i32
          %mul3A_158 = arith.muli %mul3A_157, %add3A_126 : i32
          %add3A_159 = arith.addi %add3A, %mul3A_158 : i32
          %mul3A_160 = arith.constant 256 : i32
          %mul3A_161 = arith.muli %add3A_159, %mul3A_160 : i32
          %dma_start3A_162 = arith.constant 16 : i32
          %dma_start3A_163 = arith.constant 0 : i32
          %dma_start3A_164 = tpu.memref_slice %arg5[%dma_start3A_162, %dma_start3A_163] : memref<64x256xf32, #tpu.memory_space<vmem>> -> memref<8x256xf32, #tpu.memory_space<vmem>>
          %dma_start3A_165 = arith.constant 16 : i32
          %dma_start3A_166 = tpu.memref_slice %arg2[%dma_start3A_165, %mul3A_161] : memref<64x1000000xf32, #tpu.memory_space<hbm>> -> memref<8x256xf32, #tpu.memory_space<hbm>>
          %dma_start3A_167 = arith.constant 16 : i32
          %dma_start3A_168 = arith.constant 0 : i32
          %dma_start3A_169 = tpu.memref_slice %arg5[%dma_start3A_167, %dma_start3A_168] : memref<64x256xf32, #tpu.memory_space<vmem>> -> memref<8x256xf32, #tpu.memory_space<vmem>>
          %dma_start3A_170 = arith.constant 16 : i32
          %dma_start3A_171 = tpu.memref_slice %arg2[%dma_start3A_170, %mul3A_161] : memref<64x1000000xf32, #tpu.memory_space<hbm>> -> memref<8x256xf32, #tpu.memory_space<hbm>>
          tpu.enqueue_dma source(%dma_start3A_171 : memref<8x256xf32, #tpu.memory_space<hbm>>) target(%dma_start3A_169 : memref<8x256xf32, #tpu.memory_space<vmem>>) target_semaphore(%arg11 : memref<!tpu.dma_semaphore, #tpu.memory_space<semaphore_mem>>)
          %mul3A_172 = arith.constant 32 : i32
          %mul3A_173 = arith.muli %mul3A_172, %add3A_126 : i32
          %add3A_174 = arith.addi %add3A, %mul3A_173 : i32
          %mul3A_175 = arith.constant 256 : i32
          %mul3A_176 = arith.muli %add3A_174, %mul3A_175 : i32
          %dma_start3A_177 = arith.constant 24 : i32
          %dma_start3A_178 = arith.constant 0 : i32
          %dma_start3A_179 = tpu.memref_slice %arg5[%dma_start3A_177, %dma_start3A_178] : memref<64x256xf32, #tpu.memory_space<vmem>> -> memref<8x256xf32, #tpu.memory_space<vmem>>
          %dma_start3A_180 = arith.constant 24 : i32
          %dma_start3A_181 = tpu.memref_slice %arg2[%dma_start3A_180, %mul3A_176] : memref<64x1000000xf32, #tpu.memory_space<hbm>> -> memref<8x256xf32, #tpu.memory_space<hbm>>
          %dma_start3A_182 = arith.constant 24 : i32
          %dma_start3A_183 = arith.constant 0 : i32
          %dma_start3A_184 = tpu.memref_slice %arg5[%dma_start3A_182, %dma_start3A_183] : memref<64x256xf32, #tpu.memory_space<vmem>> -> memref<8x256xf32, #tpu.memory_space<vmem>>
          %dma_start3A_185 = arith.constant 24 : i32
          %dma_start3A_186 = tpu.memref_slice %arg2[%dma_start3A_185, %mul3A_176] : memref<64x1000000xf32, #tpu.memory_space<hbm>> -> memref<8x256xf32, #tpu.memory_space<hbm>>
          tpu.enqueue_dma source(%dma_start3A_186 : memref<8x256xf32, #tpu.memory_space<hbm>>) target(%dma_start3A_184 : memref<8x256xf32, #tpu.memory_space<vmem>>) target_semaphore(%arg11 : memref<!tpu.dma_semaphore, #tpu.memory_space<semaphore_mem>>)
          %mul3A_187 = arith.constant 32 : i32
          %mul3A_188 = arith.muli %mul3A_187, %add3A_126 : i32
          %add3A_189 = arith.addi %add3A, %mul3A_188 : i32
          %mul3A_190 = arith.constant 256 : i32
          %mul3A_191 = arith.muli %add3A_189, %mul3A_190 : i32
          %dma_start3A_192 = arith.constant 32 : i32
          %dma_start3A_193 = arith.constant 0 : i32
          %dma_start3A_194 = tpu.memref_slice %arg5[%dma_start3A_192, %dma_start3A_193] : memref<64x256xf32, #tpu.memory_space<vmem>> -> memref<8x256xf32, #tpu.memory_space<vmem>>
          %dma_start3A_195 = arith.constant 32 : i32
          %dma_start3A_196 = tpu.memref_slice %arg2[%dma_start3A_195, %mul3A_191] : memref<64x1000000xf32, #tpu.memory_space<hbm>> -> memref<8x256xf32, #tpu.memory_space<hbm>>
          %dma_start3A_197 = arith.constant 32 : i32
          %dma_start3A_198 = arith.constant 0 : i32
          %dma_start3A_199 = tpu.memref_slice %arg5[%dma_start3A_197, %dma_start3A_198] : memref<64x256xf32, #tpu.memory_space<vmem>> -> memref<8x256xf32, #tpu.memory_space<vmem>>
          %dma_start3A_200 = arith.constant 32 : i32
          %dma_start3A_201 = tpu.memref_slice %arg2[%dma_start3A_200, %mul3A_191] : memref<64x1000000xf32, #tpu.memory_space<hbm>> -> memref<8x256xf32, #tpu.memory_space<hbm>>
          tpu.enqueue_dma source(%dma_start3A_201 : memref<8x256xf32, #tpu.memory_space<hbm>>) target(%dma_start3A_199 : memref<8x256xf32, #tpu.memory_space<vmem>>) target_semaphore(%arg11 : memref<!tpu.dma_semaphore, #tpu.memory_space<semaphore_mem>>)
          %mul3A_202 = arith.constant 32 : i32
          %mul3A_203 = arith.muli %mul3A_202, %add3A_126 : i32
          %add3A_204 = arith.addi %add3A, %mul3A_203 : i32
          %mul3A_205 = arith.constant 256 : i32
          %mul3A_206 = arith.muli %add3A_204, %mul3A_205 : i32
          %dma_start3A_207 = arith.constant 40 : i32
          %dma_start3A_208 = arith.constant 0 : i32
          %dma_start3A_209 = tpu.memref_slice %arg5[%dma_start3A_207, %dma_start3A_208] : memref<64x256xf32, #tpu.memory_space<vmem>> -> memref<8x256xf32, #tpu.memory_space<vmem>>
          %dma_start3A_210 = arith.constant 40 : i32
          %dma_start3A_211 = tpu.memref_slice %arg2[%dma_start3A_210, %mul3A_206] : memref<64x1000000xf32, #tpu.memory_space<hbm>> -> memref<8x256xf32, #tpu.memory_space<hbm>>
          %dma_start3A_212 = arith.constant 40 : i32
          %dma_start3A_213 = arith.constant 0 : i32
          %dma_start3A_214 = tpu.memref_slice %arg5[%dma_start3A_212, %dma_start3A_213] : memref<64x256xf32, #tpu.memory_space<vmem>> -> memref<8x256xf32, #tpu.memory_space<vmem>>
          %dma_start3A_215 = arith.constant 40 : i32
          %dma_start3A_216 = tpu.memref_slice %arg2[%dma_start3A_215, %mul3A_206] : memref<64x1000000xf32, #tpu.memory_space<hbm>> -> memref<8x256xf32, #tpu.memory_space<hbm>>
          tpu.enqueue_dma source(%dma_start3A_216 : memref<8x256xf32, #tpu.memory_space<hbm>>) target(%dma_start3A_214 : memref<8x256xf32, #tpu.memory_space<vmem>>) target_semaphore(%arg11 : memref<!tpu.dma_semaphore, #tpu.memory_space<semaphore_mem>>)
          %mul3A_217 = arith.constant 32 : i32
          %mul3A_218 = arith.muli %mul3A_217, %add3A_126 : i32
          %add3A_219 = arith.addi %add3A, %mul3A_218 : i32
          %mul3A_220 = arith.constant 256 : i32
          %mul3A_221 = arith.muli %add3A_219, %mul3A_220 : i32
          %dma_start3A_222 = arith.constant 48 : i32
          %dma_start3A_223 = arith.constant 0 : i32
          %dma_start3A_224 = tpu.memref_slice %arg5[%dma_start3A_222, %dma_start3A_223] : memref<64x256xf32, #tpu.memory_space<vmem>> -> memref<8x256xf32, #tpu.memory_space<vmem>>
          %dma_start3A_225 = arith.constant 48 : i32
          %dma_start3A_226 = tpu.memref_slice %arg2[%dma_start3A_225, %mul3A_221] : memref<64x1000000xf32, #tpu.memory_space<hbm>> -> memref<8x256xf32, #tpu.memory_space<hbm>>
          %dma_start3A_227 = arith.constant 48 : i32
          %dma_start3A_228 = arith.constant 0 : i32
          %dma_start3A_229 = tpu.memref_slice %arg5[%dma_start3A_227, %dma_start3A_228] : memref<64x256xf32, #tpu.memory_space<vmem>> -> memref<8x256xf32, #tpu.memory_space<vmem>>
          %dma_start3A_230 = arith.constant 48 : i32
          %dma_start3A_231 = tpu.memref_slice %arg2[%dma_start3A_230, %mul3A_221] : memref<64x1000000xf32, #tpu.memory_space<hbm>> -> memref<8x256xf32, #tpu.memory_space<hbm>>
          tpu.enqueue_dma source(%dma_start3A_231 : memref<8x256xf32, #tpu.memory_space<hbm>>) target(%dma_start3A_229 : memref<8x256xf32, #tpu.memory_space<vmem>>) target_semaphore(%arg11 : memref<!tpu.dma_semaphore, #tpu.memory_space<semaphore_mem>>)
          %mul3A_232 = arith.constant 32 : i32
          %mul3A_233 = arith.muli %mul3A_232, %add3A_126 : i32
          %add3A_234 = arith.addi %add3A, %mul3A_233 : i32
          %mul3A_235 = arith.constant 256 : i32
          %mul3A_236 = arith.muli %add3A_234, %mul3A_235 : i32
          %dma_start3A_237 = arith.constant 56 : i32
          %dma_start3A_238 = arith.constant 0 : i32
          %dma_start3A_239 = tpu.memref_slice %arg5[%dma_start3A_237, %dma_start3A_238] : memref<64x256xf32, #tpu.memory_space<vmem>> -> memref<8x256xf32, #tpu.memory_space<vmem>>
          %dma_start3A_240 = arith.constant 56 : i32
          %dma_start3A_241 = tpu.memref_slice %arg2[%dma_start3A_240, %mul3A_236] : memref<64x1000000xf32, #tpu.memory_space<hbm>> -> memref<8x256xf32, #tpu.memory_space<hbm>>
          %dma_start3A_242 = arith.constant 56 : i32
          %dma_start3A_243 = arith.constant 0 : i32
          %dma_start3A_244 = tpu.memref_slice %arg5[%dma_start3A_242, %dma_start3A_243] : memref<64x256xf32, #tpu.memory_space<vmem>> -> memref<8x256xf32, #tpu.memory_space<vmem>>
          %dma_start3A_245 = arith.constant 56 : i32
          %dma_start3A_246 = tpu.memref_slice %arg2[%dma_start3A_245, %mul3A_236] : memref<64x1000000xf32, #tpu.memory_space<hbm>> -> memref<8x256xf32, #tpu.memory_space<hbm>>
          tpu.enqueue_dma source(%dma_start3A_246 : memref<8x256xf32, #tpu.memory_space<hbm>>) target(%dma_start3A_244 : memref<8x256xf32, #tpu.memory_space<vmem>>) target_semaphore(%arg11 : memref<!tpu.dma_semaphore, #tpu.memory_space<semaphore_mem>>)
        } else {
        }
        %ge3A = arith.constant 2 : i32
        %ge3A_107 = arith.cmpi sge, %add3A_82, %ge3A : i32
        %convert_element_type3A_108 = arith.extui %ge3A_107 : i1 to i32
        %cond3A_109 = arith.constant 0 : i32
        %cond3A_110 = arith.cmpi ne, %convert_element_type3A_108, %cond3A_109 : i32
        scf.if %cond3A_110 {
          %dma_wait3A_125 = arith.constant 0 : i32
          %dma_wait3A_126 = arith.constant 0 : i32
          %dma_wait3A_127 = tpu.memref_slice %arg4[%dma_wait3A_125, %dma_wait3A_126] : memref<500000x128xf32, #tpu.memory_space<hbm>> -> memref<128x128xf32, #tpu.memory_space<hbm>>
          %dma_wait3A_128 = arith.constant 0 : i32
          %dma_wait3A_129 = arith.constant 0 : i32
          %dma_wait3A_130 = tpu.memref_slice %arg4[%dma_wait3A_128, %dma_wait3A_129] : memref<500000x128xf32, #tpu.memory_space<hbm>> -> memref<128x128xf32, #tpu.memory_space<hbm>>
          tpu.wait_dma2 semaphore(%arg14 : memref<!tpu.dma_semaphore, #tpu.memory_space<semaphore_mem>>) src(%arg8 : memref<128x128xf32, #tpu.memory_space<vmem>>) dst(%dma_wait3A_130 : memref<128x128xf32, #tpu.memory_space<hbm>>)
        } else {
        }
        %scan3A_111 = arith.constant 0 : i32
        %scan3A_112 = arith.constant 0 : i32
        %scan3A_113 = arith.constant 32 : i32
        %scan3A_114 = arith.addi %scan3A_112, %scan3A_113 : i32
        %scan3A_115 = arith.constant 1 : i32
        scf.for %scan3A_125 = %scan3A_112 to %scan3A_114 step %scan3A_115  : i32 {
          %shift_right_logical3A_126 = arith.constant 4 : i32
          %shift_right_logical3A_127 = arith.shrui %scan3A_125, %shift_right_logical3A_126 : i32
          %shift_left3A_128 = arith.constant 6 : i32
          %shift_left3A_129 = arith.shli %shift_right_logical3A_127, %shift_left3A_128 : i32
          %and3A_130 = arith.constant 15 : i32
          %and3A_131 = arith.andi %scan3A_125, %and3A_130 : i32
          %add3A_132 = vector.broadcast %and3A_131 : i32 to vector<16xi32>
          %add3A_133 = arith.addi %iota3A, %add3A_132 : vector<16xi32>
          %and3A_134 = arith.constant 15 : i32
          %and3A_135 = vector.broadcast %and3A_134 : i32 to vector<16xi32>
          %and3A_136 = arith.andi %add3A_133, %and3A_135 : vector<16xi32>
          %shift_left3A_137 = arith.constant 2 : i32
          %shift_left3A_138 = vector.broadcast %shift_left3A_137 : i32 to vector<16xi32>
          %shift_left3A_139 = arith.shli %and3A_136, %shift_left3A_138 : vector<16xi32>
          %add3A_140 = arith.constant 0 : i32
          %add3A_141 = arith.addi %shift_left3A_129, %add3A_140 : i32
          %add3A_142 = vector.broadcast %add3A_141 : i32 to vector<16xi32>
          %add3A_143 = arith.addi %shift_left3A_139, %add3A_142 : vector<16xi32>
          %shift_left3A_144 = arith.constant 1 : i32
          %shift_left3A_145 = vector.broadcast %shift_left3A_144 : i32 to vector<16xi32>
          %shift_left3A_146 = arith.shli %add3A_143, %shift_left3A_145 : vector<16xi32>
          %add3A_147 = arith.addi %shift_left3A_146, %shift_right_logical3A_2 : vector<16xi32>
          %gather3A = tpu.vector_load_idx %arg6[%add3A_12, %add3A_147] : memref<64x256xf32, #tpu.memory_space<vmem>>[vector<16xi32>, vector<16xi32>], vector<16xf32>,
          tpu.vector_store_idx %arg8[%add3A_143, %add3A_34], %gather3A : memref<128x128xf32, #tpu.memory_space<vmem>>[vector<16xi32>, vector<16xi32>], vector<16xf32>,
          %gather3A_148 = tpu.vector_load_idx %arg6[%add3A_15, %add3A_147] : memref<64x256xf32, #tpu.memory_space<vmem>>[vector<16xi32>, vector<16xi32>], vector<16xf32>,
          tpu.vector_store_idx %arg8[%add3A_143, %add3A_35], %gather3A_148 : memref<128x128xf32, #tpu.memory_space<vmem>>[vector<16xi32>, vector<16xi32>], vector<16xf32>,
          %gather3A_149 = tpu.vector_load_idx %arg6[%add3A_18, %add3A_147] : memref<64x256xf32, #tpu.memory_space<vmem>>[vector<16xi32>, vector<16xi32>], vector<16xf32>,
          tpu.vector_store_idx %arg8[%add3A_143, %add3A_36], %gather3A_149 : memref<128x128xf32, #tpu.memory_space<vmem>>[vector<16xi32>, vector<16xi32>], vector<16xf32>,
          %gather3A_150 = tpu.vector_load_idx %arg6[%add3A_21, %add3A_147] : memref<64x256xf32, #tpu.memory_space<vmem>>[vector<16xi32>, vector<16xi32>], vector<16xf32>,
          tpu.vector_store_idx %arg8[%add3A_143, %add3A_37], %gather3A_150 : memref<128x128xf32, #tpu.memory_space<vmem>>[vector<16xi32>, vector<16xi32>], vector<16xf32>,
          %gather3A_151 = tpu.vector_load_idx %arg6[%add3A_24, %add3A_147] : memref<64x256xf32, #tpu.memory_space<vmem>>[vector<16xi32>, vector<16xi32>], vector<16xf32>,
          tpu.vector_store_idx %arg8[%add3A_143, %add3A_38], %gather3A_151 : memref<128x128xf32, #tpu.memory_space<vmem>>[vector<16xi32>, vector<16xi32>], vector<16xf32>,
          %gather3A_152 = tpu.vector_load_idx %arg6[%add3A_27, %add3A_147] : memref<64x256xf32, #tpu.memory_space<vmem>>[vector<16xi32>, vector<16xi32>], vector<16xf32>,
          tpu.vector_store_idx %arg8[%add3A_143, %add3A_39], %gather3A_152 : memref<128x128xf32, #tpu.memory_space<vmem>>[vector<16xi32>, vector<16xi32>], vector<16xf32>,
          %gather3A_153 = tpu.vector_load_idx %arg6[%add3A_30, %add3A_147] : memref<64x256xf32, #tpu.memory_space<vmem>>[vector<16xi32>, vector<16xi32>], vector<16xf32>,
          tpu.vector_store_idx %arg8[%add3A_143, %add3A_40], %gather3A_153 : memref<128x128xf32, #tpu.memory_space<vmem>>[vector<16xi32>, vector<16xi32>], vector<16xf32>,
          %gather3A_154 = tpu.vector_load_idx %arg6[%add3A_33, %add3A_147] : memref<64x256xf32, #tpu.memory_space<vmem>>[vector<16xi32>, vector<16xi32>], vector<16xf32>,
          tpu.vector_store_idx %arg8[%add3A_143, %add3A_41], %gather3A_154 : memref<128x128xf32, #tpu.memory_space<vmem>>[vector<16xi32>, vector<16xi32>], vector<16xf32>,
          %add3A_155 = arith.constant 1 : i32
          %add3A_156 = arith.addi %shift_left3A_129, %add3A_155 : i32
          %add3A_157 = vector.broadcast %add3A_156 : i32 to vector<16xi32>
          %add3A_158 = arith.addi %shift_left3A_139, %add3A_157 : vector<16xi32>
          %shift_left3A_159 = arith.constant 1 : i32
          %shift_left3A_160 = vector.broadcast %shift_left3A_159 : i32 to vector<16xi32>
          %shift_left3A_161 = arith.shli %add3A_158, %shift_left3A_160 : vector<16xi32>
          %add3A_162 = arith.addi %shift_left3A_161, %shift_right_logical3A_2 : vector<16xi32>
          %gather3A_163 = tpu.vector_load_idx %arg6[%add3A_12, %add3A_162] : memref<64x256xf32, #tpu.memory_space<vmem>>[vector<16xi32>, vector<16xi32>], vector<16xf32>,
          tpu.vector_store_idx %arg8[%add3A_158, %add3A_34], %gather3A_163 : memref<128x128xf32, #tpu.memory_space<vmem>>[vector<16xi32>, vector<16xi32>], vector<16xf32>,
          %gather3A_164 = tpu.vector_load_idx %arg6[%add3A_15, %add3A_162] : memref<64x256xf32, #tpu.memory_space<vmem>>[vector<16xi32>, vector<16xi32>], vector<16xf32>,
          tpu.vector_store_idx %arg8[%add3A_158, %add3A_35], %gather3A_164 : memref<128x128xf32, #tpu.memory_space<vmem>>[vector<16xi32>, vector<16xi32>], vector<16xf32>,
          %gather3A_165 = tpu.vector_load_idx %arg6[%add3A_18, %add3A_162] : memref<64x256xf32, #tpu.memory_space<vmem>>[vector<16xi32>, vector<16xi32>], vector<16xf32>,
          tpu.vector_store_idx %arg8[%add3A_158, %add3A_36], %gather3A_165 : memref<128x128xf32, #tpu.memory_space<vmem>>[vector<16xi32>, vector<16xi32>], vector<16xf32>,
          %gather3A_166 = tpu.vector_load_idx %arg6[%add3A_21, %add3A_162] : memref<64x256xf32, #tpu.memory_space<vmem>>[vector<16xi32>, vector<16xi32>], vector<16xf32>,
          tpu.vector_store_idx %arg8[%add3A_158, %add3A_37], %gather3A_166 : memref<128x128xf32, #tpu.memory_space<vmem>>[vector<16xi32>, vector<16xi32>], vector<16xf32>,
          %gather3A_167 = tpu.vector_load_idx %arg6[%add3A_24, %add3A_162] : memref<64x256xf32, #tpu.memory_space<vmem>>[vector<16xi32>, vector<16xi32>], vector<16xf32>,
          tpu.vector_store_idx %arg8[%add3A_158, %add3A_38], %gather3A_167 : memref<128x128xf32, #tpu.memory_space<vmem>>[vector<16xi32>, vector<16xi32>], vector<16xf32>,
          %gather3A_168 = tpu.vector_load_idx %arg6[%add3A_27, %add3A_162] : memref<64x256xf32, #tpu.memory_space<vmem>>[vector<16xi32>, vector<16xi32>], vector<16xf32>,
          tpu.vector_store_idx %arg8[%add3A_158, %add3A_39], %gather3A_168 : memref<128x128xf32, #tpu.memory_space<vmem>>[vector<16xi32>, vector<16xi32>], vector<16xf32>,
          %gather3A_169 = tpu.vector_load_idx %arg6[%add3A_30, %add3A_162] : memref<64x256xf32, #tpu.memory_space<vmem>>[vector<16xi32>, vector<16xi32>], vector<16xf32>,
          tpu.vector_store_idx %arg8[%add3A_158, %add3A_40], %gather3A_169 : memref<128x128xf32, #tpu.memory_space<vmem>>[vector<16xi32>, vector<16xi32>], vector<16xf32>,
          %gather3A_170 = tpu.vector_load_idx %arg6[%add3A_33, %add3A_162] : memref<64x256xf32, #tpu.memory_space<vmem>>[vector<16xi32>, vector<16xi32>], vector<16xf32>,
          tpu.vector_store_idx %arg8[%add3A_158, %add3A_41], %gather3A_170 : memref<128x128xf32, #tpu.memory_space<vmem>>[vector<16xi32>, vector<16xi32>], vector<16xf32>,
          %add3A_171 = arith.constant 2 : i32
          %add3A_172 = arith.addi %shift_left3A_129, %add3A_171 : i32
          %add3A_173 = vector.broadcast %add3A_172 : i32 to vector<16xi32>
          %add3A_174 = arith.addi %shift_left3A_139, %add3A_173 : vector<16xi32>
          %shift_left3A_175 = arith.constant 1 : i32
          %shift_left3A_176 = vector.broadcast %shift_left3A_175 : i32 to vector<16xi32>
          %shift_left3A_177 = arith.shli %add3A_174, %shift_left3A_176 : vector<16xi32>
          %add3A_178 = arith.addi %shift_left3A_177, %shift_right_logical3A_2 : vector<16xi32>
          %gather3A_179 = tpu.vector_load_idx %arg6[%add3A_12, %add3A_178] : memref<64x256xf32, #tpu.memory_space<vmem>>[vector<16xi32>, vector<16xi32>], vector<16xf32>,
          tpu.vector_store_idx %arg8[%add3A_174, %add3A_34], %gather3A_179 : memref<128x128xf32, #tpu.memory_space<vmem>>[vector<16xi32>, vector<16xi32>], vector<16xf32>,
          %gather3A_180 = tpu.vector_load_idx %arg6[%add3A_15, %add3A_178] : memref<64x256xf32, #tpu.memory_space<vmem>>[vector<16xi32>, vector<16xi32>], vector<16xf32>,
          tpu.vector_store_idx %arg8[%add3A_174, %add3A_35], %gather3A_180 : memref<128x128xf32, #tpu.memory_space<vmem>>[vector<16xi32>, vector<16xi32>], vector<16xf32>,
          %gather3A_181 = tpu.vector_load_idx %arg6[%add3A_18, %add3A_178] : memref<64x256xf32, #tpu.memory_space<vmem>>[vector<16xi32>, vector<16xi32>], vector<16xf32>,
          tpu.vector_store_idx %arg8[%add3A_174, %add3A_36], %gather3A_181 : memref<128x128xf32, #tpu.memory_space<vmem>>[vector<16xi32>, vector<16xi32>], vector<16xf32>,
          %gather3A_182 = tpu.vector_load_idx %arg6[%add3A_21, %add3A_178] : memref<64x256xf32, #tpu.memory_space<vmem>>[vector<16xi32>, vector<16xi32>], vector<16xf32>,
          tpu.vector_store_idx %arg8[%add3A_174, %add3A_37], %gather3A_182 : memref<128x128xf32, #tpu.memory_space<vmem>>[vector<16xi32>, vector<16xi32>], vector<16xf32>,
          %gather3A_183 = tpu.vector_load_idx %arg6[%add3A_24, %add3A_178] : memref<64x256xf32, #tpu.memory_space<vmem>>[vector<16xi32>, vector<16xi32>], vector<16xf32>,
          tpu.vector_store_idx %arg8[%add3A_174, %add3A_38], %gather3A_183 : memref<128x128xf32, #tpu.memory_space<vmem>>[vector<16xi32>, vector<16xi32>], vector<16xf32>,
          %gather3A_184 = tpu.vector_load_idx %arg6[%add3A_27, %add3A_178] : memref<64x256xf32, #tpu.memory_space<vmem>>[vector<16xi32>, vector<16xi32>], vector<16xf32>,
          tpu.vector_store_idx %arg8[%add3A_174, %add3A_39], %gather3A_184 : memref<128x128xf32, #tpu.memory_space<vmem>>[vector<16xi32>, vector<16xi32>], vector<16xf32>,
          %gather3A_185 = tpu.vector_load_idx %arg6[%add3A_30, %add3A_178] : memref<64x256xf32, #tpu.memory_space<vmem>>[vector<16xi32>, vector<16xi32>], vector<16xf32>,
          tpu.vector_store_idx %arg8[%add3A_174, %add3A_40], %gather3A_185 : memref<128x128xf32, #tpu.memory_space<vmem>>[vector<16xi32>, vector<16xi32>], vector<16xf32>,
          %gather3A_186 = tpu.vector_load_idx %arg6[%add3A_33, %add3A_178] : memref<64x256xf32, #tpu.memory_space<vmem>>[vector<16xi32>, vector<16xi32>], vector<16xf32>,
          tpu.vector_store_idx %arg8[%add3A_174, %add3A_41], %gather3A_186 : memref<128x128xf32, #tpu.memory_space<vmem>>[vector<16xi32>, vector<16xi32>], vector<16xf32>,
          %add3A_187 = arith.constant 3 : i32
          %add3A_188 = arith.addi %shift_left3A_129, %add3A_187 : i32
          %add3A_189 = vector.broadcast %add3A_188 : i32 to vector<16xi32>
          %add3A_190 = arith.addi %shift_left3A_139, %add3A_189 : vector<16xi32>
          %shift_left3A_191 = arith.constant 1 : i32
          %shift_left3A_192 = vector.broadcast %shift_left3A_191 : i32 to vector<16xi32>
          %shift_left3A_193 = arith.shli %add3A_190, %shift_left3A_192 : vector<16xi32>
          %add3A_194 = arith.addi %shift_left3A_193, %shift_right_logical3A_2 : vector<16xi32>
          %gather3A_195 = tpu.vector_load_idx %arg6[%add3A_12, %add3A_194] : memref<64x256xf32, #tpu.memory_space<vmem>>[vector<16xi32>, vector<16xi32>], vector<16xf32>,
          tpu.vector_store_idx %arg8[%add3A_190, %add3A_34], %gather3A_195 : memref<128x128xf32, #tpu.memory_space<vmem>>[vector<16xi32>, vector<16xi32>], vector<16xf32>,
          %gather3A_196 = tpu.vector_load_idx %arg6[%add3A_15, %add3A_194] : memref<64x256xf32, #tpu.memory_space<vmem>>[vector<16xi32>, vector<16xi32>], vector<16xf32>,
          tpu.vector_store_idx %arg8[%add3A_190, %add3A_35], %gather3A_196 : memref<128x128xf32, #tpu.memory_space<vmem>>[vector<16xi32>, vector<16xi32>], vector<16xf32>,
          %gather3A_197 = tpu.vector_load_idx %arg6[%add3A_18, %add3A_194] : memref<64x256xf32, #tpu.memory_space<vmem>>[vector<16xi32>, vector<16xi32>], vector<16xf32>,
          tpu.vector_store_idx %arg8[%add3A_190, %add3A_36], %gather3A_197 : memref<128x128xf32, #tpu.memory_space<vmem>>[vector<16xi32>, vector<16xi32>], vector<16xf32>,
          %gather3A_198 = tpu.vector_load_idx %arg6[%add3A_21, %add3A_194] : memref<64x256xf32, #tpu.memory_space<vmem>>[vector<16xi32>, vector<16xi32>], vector<16xf32>,
          tpu.vector_store_idx %arg8[%add3A_190, %add3A_37], %gather3A_198 : memref<128x128xf32, #tpu.memory_space<vmem>>[vector<16xi32>, vector<16xi32>], vector<16xf32>,
          %gather3A_199 = tpu.vector_load_idx %arg6[%add3A_24, %add3A_194] : memref<64x256xf32, #tpu.memory_space<vmem>>[vector<16xi32>, vector<16xi32>], vector<16xf32>,
          tpu.vector_store_idx %arg8[%add3A_190, %add3A_38], %gather3A_199 : memref<128x128xf32, #tpu.memory_space<vmem>>[vector<16xi32>, vector<16xi32>], vector<16xf32>,
          %gather3A_200 = tpu.vector_load_idx %arg6[%add3A_27, %add3A_194] : memref<64x256xf32, #tpu.memory_space<vmem>>[vector<16xi32>, vector<16xi32>], vector<16xf32>,
          tpu.vector_store_idx %arg8[%add3A_190, %add3A_39], %gather3A_200 : memref<128x128xf32, #tpu.memory_space<vmem>>[vector<16xi32>, vector<16xi32>], vector<16xf32>,
          %gather3A_201 = tpu.vector_load_idx %arg6[%add3A_30, %add3A_194] : memref<64x256xf32, #tpu.memory_space<vmem>>[vector<16xi32>, vector<16xi32>], vector<16xf32>,
          tpu.vector_store_idx %arg8[%add3A_190, %add3A_40], %gather3A_201 : memref<128x128xf32, #tpu.memory_space<vmem>>[vector<16xi32>, vector<16xi32>], vector<16xf32>,
          %gather3A_202 = tpu.vector_load_idx %arg6[%add3A_33, %add3A_194] : memref<64x256xf32, #tpu.memory_space<vmem>>[vector<16xi32>, vector<16xi32>], vector<16xf32>,
          tpu.vector_store_idx %arg8[%add3A_190, %add3A_41], %gather3A_202 : memref<128x128xf32, #tpu.memory_space<vmem>>[vector<16xi32>, vector<16xi32>], vector<16xf32>,
        }
        %scan3A_116 = arith.constant 32 : i32
        %mul3A_117 = arith.constant 32 : i32
        %mul3A_118 = arith.muli %mul3A_117, %add3A_82 : i32
        %add3A_119 = arith.addi %add3A, %mul3A_118 : i32
        %mul3A_120 = arith.constant 128 : i32
        %mul3A_121 = arith.muli %add3A_119, %mul3A_120 : i32
        %dma_start3A = arith.constant 0 : i32
        %dma_start3A_122 = tpu.memref_slice %arg4[%mul3A_121, %dma_start3A] : memref<500000x128xf32, #tpu.memory_space<hbm>> -> memref<128x128xf32, #tpu.memory_space<hbm>>
        %dma_start3A_123 = arith.constant 0 : i32
        %dma_start3A_124 = tpu.memref_slice %arg4[%mul3A_121, %dma_start3A_123] : memref<500000x128xf32, #tpu.memory_space<hbm>> -> memref<128x128xf32, #tpu.memory_space<hbm>>
        tpu.enqueue_dma source(%arg8 : memref<128x128xf32, #tpu.memory_space<vmem>>) target(%dma_start3A_124 : memref<128x128xf32, #tpu.memory_space<hbm>>) target_semaphore(%arg14 : memref<!tpu.dma_semaphore, #tpu.memory_space<semaphore_mem>>)
      } else {
      }
    }
    %scan3A_50 = arith.constant 62 : i32
    %dma_wait3A = arith.constant 0 : i32
    %dma_wait3A_51 = arith.constant 0 : i32
    %dma_wait3A_52 = tpu.memref_slice %arg4[%dma_wait3A, %dma_wait3A_51] : memref<500000x128xf32, #tpu.memory_space<hbm>> -> memref<128x128xf32, #tpu.memory_space<hbm>>
    %dma_wait3A_53 = arith.constant 0 : i32
    %dma_wait3A_54 = arith.constant 0 : i32
    %dma_wait3A_55 = tpu.memref_slice %arg4[%dma_wait3A_53, %dma_wait3A_54] : memref<500000x128xf32, #tpu.memory_space<hbm>> -> memref<128x128xf32, #tpu.memory_space<hbm>>
    tpu.wait_dma2 semaphore(%arg13 : memref<!tpu.dma_semaphore, #tpu.memory_space<semaphore_mem>>) src(%arg7 : memref<128x128xf32, #tpu.memory_space<vmem>>) dst(%dma_wait3A_55 : memref<128x128xf32, #tpu.memory_space<hbm>>)
    %dma_wait3A_56 = arith.constant 0 : i32
    %dma_wait3A_57 = arith.constant 0 : i32
    %dma_wait3A_58 = tpu.memref_slice %arg4[%dma_wait3A_56, %dma_wait3A_57] : memref<500000x128xf32, #tpu.memory_space<hbm>> -> memref<128x128xf32, #tpu.memory_space<hbm>>
    %dma_wait3A_59 = arith.constant 0 : i32
    %dma_wait3A_60 = arith.constant 0 : i32
    %dma_wait3A_61 = tpu.memref_slice %arg4[%dma_wait3A_59, %dma_wait3A_60] : memref<500000x128xf32, #tpu.memory_space<hbm>> -> memref<128x128xf32, #tpu.memory_space<hbm>>
    tpu.wait_dma2 semaphore(%arg14 : memref<!tpu.dma_semaphore, #tpu.memory_space<semaphore_mem>>) src(%arg8 : memref<128x128xf32, #tpu.memory_space<vmem>>) dst(%dma_wait3A_61 : memref<128x128xf32, #tpu.memory_space<hbm>>)
    %eq3A = arith.constant 31 : i32
    %eq3A_62 = arith.cmpi eq, %add3A, %eq3A : i32
    %convert_element_type3A_63 = arith.extui %eq3A_62 : i1 to i32
    %cond3A_64 = arith.constant 0 : i32
    %cond3A_65 = arith.cmpi ne, %convert_element_type3A_63, %cond3A_64 : i32
    scf.if %cond3A_65 {
      "tpu.region"() ({
        %run_scoped3A = tpu.sem_alloc : memref<!tpu.dma_semaphore, #tpu.memory_space<semaphore_mem>>
        tpu.enqueue_dma source(%arg3 : memref<64x128xf32, #tpu.memory_space<hbm>>) target(%arg9 : memref<64x128xf32, #tpu.memory_space<vmem>>) target_semaphore(%run_scoped3A : memref<!tpu.dma_semaphore, #tpu.memory_space<semaphore_mem>>)
        tpu.wait_dma2 semaphore(%run_scoped3A : memref<!tpu.dma_semaphore, #tpu.memory_space<semaphore_mem>>) src(%arg3 : memref<64x128xf32, #tpu.memory_space<hbm>>) dst(%arg9 : memref<64x128xf32, #tpu.memory_space<vmem>>)
        tpu.yield
      }) : () -> ()
      %scan3A_66 = arith.constant 0 : i32
      %scan3A_67 = arith.constant 0 : i32
      %scan3A_68 = arith.constant 32 : i32
      %scan3A_69 = arith.addi %scan3A_67, %scan3A_68 : i32
      %scan3A_70 = arith.constant 1 : i32
      scf.for %scan3A_72 = %scan3A_67 to %scan3A_69 step %scan3A_70  : i32 {
        %add3A_73 = arith.constant 0 : i32
        %add3A_74 = vector.broadcast %add3A_73 : i32 to vector<16xi32>
        %add3A_75 = arith.addi %add3A_74, %iota3A : vector<16xi32>
        %mul3A_76 = arith.constant 0 : i32
        %mul3A_77 = vector.broadcast %mul3A_76 : i32 to vector<16xi32>
        %mul3A_78 = arith.muli %iota3A, %mul3A_77 : vector<16xi32>
        %mul3A_79 = arith.constant 2 : i32
        %mul3A_80 = arith.muli %mul3A_79, %scan3A_72 : i32
        %add3A_81 = arith.constant 0 : i32
        %add3A_82 = arith.addi %mul3A_80, %add3A_81 : i32
        %add3A_83 = vector.broadcast %add3A_82 : i32 to vector<16xi32>
        %add3A_84 = arith.addi %mul3A_78, %add3A_83 : vector<16xi32>
        %gather3A = tpu.vector_load_idx %arg9[%add3A_75, %add3A_84] : memref<64x128xf32, #tpu.memory_space<vmem>>[vector<16xi32>, vector<16xi32>], vector<16xf32>,
        %swap3A = arith.index_cast %scan3A_72 : i32 to index
        %swap3A_85 = arith.constant 0 : index
        %swap3A_86 = tpu.vector_load %arg10[%swap3A, %swap3A_85] {strides = array<i32>} : memref<32x128xf32, #tpu.memory_space<vmem>>, vector<16xf32>,
        tpu.vector_store %arg10[%swap3A, %swap3A_85], %gather3A {strides = array<i32>} : memref<32x128xf32, #tpu.memory_space<vmem>>, vector<16xf32>,
        %add3A_87 = arith.constant 16 : i32
        %add3A_88 = vector.broadcast %add3A_87 : i32 to vector<16xi32>
        %add3A_89 = arith.addi %add3A_88, %iota3A : vector<16xi32>
        %mul3A_90 = arith.constant 0 : i32
        %mul3A_91 = vector.broadcast %mul3A_90 : i32 to vector<16xi32>
        %mul3A_92 = arith.muli %iota3A, %mul3A_91 : vector<16xi32>
        %mul3A_93 = arith.constant 2 : i32
        %mul3A_94 = arith.muli %mul3A_93, %scan3A_72 : i32
        %add3A_95 = arith.constant 0 : i32
        %add3A_96 = arith.addi %mul3A_94, %add3A_95 : i32
        %add3A_97 = vector.broadcast %add3A_96 : i32 to vector<16xi32>
        %add3A_98 = arith.addi %mul3A_92, %add3A_97 : vector<16xi32>
        %gather3A_99 = tpu.vector_load_idx %arg9[%add3A_89, %add3A_98] : memref<64x128xf32, #tpu.memory_space<vmem>>[vector<16xi32>, vector<16xi32>], vector<16xf32>,
        %swap3A_100 = arith.index_cast %scan3A_72 : i32 to index
        %swap3A_101 = arith.constant 16 : index
        %swap3A_102 = tpu.vector_load %arg10[%swap3A_100, %swap3A_101] {strides = array<i32>} : memref<32x128xf32, #tpu.memory_space<vmem>>, vector<16xf32>,
        tpu.vector_store %arg10[%swap3A_100, %swap3A_101], %gather3A_99 {strides = array<i32>} : memref<32x128xf32, #tpu.memory_space<vmem>>, vector<16xf32>,
        %add3A_103 = arith.constant 32 : i32
        %add3A_104 = vector.broadcast %add3A_103 : i32 to vector<16xi32>
        %add3A_105 = arith.addi %add3A_104, %iota3A : vector<16xi32>
        %mul3A_106 = arith.constant 0 : i32
        %mul3A_107 = vector.broadcast %mul3A_106 : i32 to vector<16xi32>
        %mul3A_108 = arith.muli %iota3A, %mul3A_107 : vector<16xi32>
        %mul3A_109 = arith.constant 2 : i32
        %mul3A_110 = arith.muli %mul3A_109, %scan3A_72 : i32
        %add3A_111 = arith.constant 0 : i32
        %add3A_112 = arith.addi %mul3A_110, %add3A_111 : i32
        %add3A_113 = vector.broadcast %add3A_112 : i32 to vector<16xi32>
        %add3A_114 = arith.addi %mul3A_108, %add3A_113 : vector<16xi32>
        %gather3A_115 = tpu.vector_load_idx %arg9[%add3A_105, %add3A_114] : memref<64x128xf32, #tpu.memory_space<vmem>>[vector<16xi32>, vector<16xi32>], vector<16xf32>,
        %swap3A_116 = arith.index_cast %scan3A_72 : i32 to index
        %swap3A_117 = arith.constant 32 : index
        %swap3A_118 = tpu.vector_load %arg10[%swap3A_116, %swap3A_117] {strides = array<i32>} : memref<32x128xf32, #tpu.memory_space<vmem>>, vector<16xf32>,
        tpu.vector_store %arg10[%swap3A_116, %swap3A_117], %gather3A_115 {strides = array<i32>} : memref<32x128xf32, #tpu.memory_space<vmem>>, vector<16xf32>,
        %add3A_119 = arith.constant 48 : i32
        %add3A_120 = vector.broadcast %add3A_119 : i32 to vector<16xi32>
        %add3A_121 = arith.addi %add3A_120, %iota3A : vector<16xi32>
        %mul3A_122 = arith.constant 0 : i32
        %mul3A_123 = vector.broadcast %mul3A_122 : i32 to vector<16xi32>
        %mul3A_124 = arith.muli %iota3A, %mul3A_123 : vector<16xi32>
        %mul3A_125 = arith.constant 2 : i32
        %mul3A_126 = arith.muli %mul3A_125, %scan3A_72 : i32
        %add3A_127 = arith.constant 0 : i32
        %add3A_128 = arith.addi %mul3A_126, %add3A_127 : i32
        %add3A_129 = vector.broadcast %add3A_128 : i32 to vector<16xi32>
        %add3A_130 = arith.addi %mul3A_124, %add3A_129 : vector<16xi32>
        %gather3A_131 = tpu.vector_load_idx %arg9[%add3A_121, %add3A_130] : memref<64x128xf32, #tpu.memory_space<vmem>>[vector<16xi32>, vector<16xi32>], vector<16xf32>,
        %swap3A_132 = arith.index_cast %scan3A_72 : i32 to index
        %swap3A_133 = arith.constant 48 : index
        %swap3A_134 = tpu.vector_load %arg10[%swap3A_132, %swap3A_133] {strides = array<i32>} : memref<32x128xf32, #tpu.memory_space<vmem>>, vector<16xf32>,
        tpu.vector_store %arg10[%swap3A_132, %swap3A_133], %gather3A_131 {strides = array<i32>} : memref<32x128xf32, #tpu.memory_space<vmem>>, vector<16xf32>,
        %add3A_135 = arith.constant 0 : i32
        %add3A_136 = vector.broadcast %add3A_135 : i32 to vector<16xi32>
        %add3A_137 = arith.addi %add3A_136, %iota3A : vector<16xi32>
        %mul3A_138 = arith.constant 0 : i32
        %mul3A_139 = vector.broadcast %mul3A_138 : i32 to vector<16xi32>
        %mul3A_140 = arith.muli %iota3A, %mul3A_139 : vector<16xi32>
        %mul3A_141 = arith.constant 2 : i32
        %mul3A_142 = arith.muli %mul3A_141, %scan3A_72 : i32
        %add3A_143 = arith.constant 1 : i32
        %add3A_144 = arith.addi %mul3A_142, %add3A_143 : i32
        %add3A_145 = vector.broadcast %add3A_144 : i32 to vector<16xi32>
        %add3A_146 = arith.addi %mul3A_140, %add3A_145 : vector<16xi32>
        %gather3A_147 = tpu.vector_load_idx %arg9[%add3A_137, %add3A_146] : memref<64x128xf32, #tpu.memory_space<vmem>>[vector<16xi32>, vector<16xi32>], vector<16xf32>,
        %swap3A_148 = arith.index_cast %scan3A_72 : i32 to index
        %swap3A_149 = arith.constant 64 : index
        %swap3A_150 = tpu.vector_load %arg10[%swap3A_148, %swap3A_149] {strides = array<i32>} : memref<32x128xf32, #tpu.memory_space<vmem>>, vector<16xf32>,
        tpu.vector_store %arg10[%swap3A_148, %swap3A_149], %gather3A_147 {strides = array<i32>} : memref<32x128xf32, #tpu.memory_space<vmem>>, vector<16xf32>,
        %add3A_151 = arith.constant 16 : i32
        %add3A_152 = vector.broadcast %add3A_151 : i32 to vector<16xi32>
        %add3A_153 = arith.addi %add3A_152, %iota3A : vector<16xi32>
        %mul3A_154 = arith.constant 0 : i32
        %mul3A_155 = vector.broadcast %mul3A_154 : i32 to vector<16xi32>
        %mul3A_156 = arith.muli %iota3A, %mul3A_155 : vector<16xi32>
        %mul3A_157 = arith.constant 2 : i32
        %mul3A_158 = arith.muli %mul3A_157, %scan3A_72 : i32
        %add3A_159 = arith.constant 1 : i32
        %add3A_160 = arith.addi %mul3A_158, %add3A_159 : i32
        %add3A_161 = vector.broadcast %add3A_160 : i32 to vector<16xi32>
        %add3A_162 = arith.addi %mul3A_156, %add3A_161 : vector<16xi32>
        %gather3A_163 = tpu.vector_load_idx %arg9[%add3A_153, %add3A_162] : memref<64x128xf32, #tpu.memory_space<vmem>>[vector<16xi32>, vector<16xi32>], vector<16xf32>,
        %swap3A_164 = arith.index_cast %scan3A_72 : i32 to index
        %swap3A_165 = arith.constant 80 : index
        %swap3A_166 = tpu.vector_load %arg10[%swap3A_164, %swap3A_165] {strides = array<i32>} : memref<32x128xf32, #tpu.memory_space<vmem>>, vector<16xf32>,
        tpu.vector_store %arg10[%swap3A_164, %swap3A_165], %gather3A_163 {strides = array<i32>} : memref<32x128xf32, #tpu.memory_space<vmem>>, vector<16xf32>,
        %add3A_167 = arith.constant 32 : i32
        %add3A_168 = vector.broadcast %add3A_167 : i32 to vector<16xi32>
        %add3A_169 = arith.addi %add3A_168, %iota3A : vector<16xi32>
        %mul3A_170 = arith.constant 0 : i32
        %mul3A_171 = vector.broadcast %mul3A_170 : i32 to vector<16xi32>
        %mul3A_172 = arith.muli %iota3A, %mul3A_171 : vector<16xi32>
        %mul3A_173 = arith.constant 2 : i32
        %mul3A_174 = arith.muli %mul3A_173, %scan3A_72 : i32
        %add3A_175 = arith.constant 1 : i32
        %add3A_176 = arith.addi %mul3A_174, %add3A_175 : i32
        %add3A_177 = vector.broadcast %add3A_176 : i32 to vector<16xi32>
        %add3A_178 = arith.addi %mul3A_172, %add3A_177 : vector<16xi32>
        %gather3A_179 = tpu.vector_load_idx %arg9[%add3A_169, %add3A_178] : memref<64x128xf32, #tpu.memory_space<vmem>>[vector<16xi32>, vector<16xi32>], vector<16xf32>,
        %swap3A_180 = arith.index_cast %scan3A_72 : i32 to index
        %swap3A_181 = arith.constant 96 : index
        %swap3A_182 = tpu.vector_load %arg10[%swap3A_180, %swap3A_181] {strides = array<i32>} : memref<32x128xf32, #tpu.memory_space<vmem>>, vector<16xf32>,
        tpu.vector_store %arg10[%swap3A_180, %swap3A_181], %gather3A_179 {strides = array<i32>} : memref<32x128xf32, #tpu.memory_space<vmem>>, vector<16xf32>,
        %add3A_183 = arith.constant 48 : i32
        %add3A_184 = vector.broadcast %add3A_183 : i32 to vector<16xi32>
        %add3A_185 = arith.addi %add3A_184, %iota3A : vector<16xi32>
        %mul3A_186 = arith.constant 0 : i32
        %mul3A_187 = vector.broadcast %mul3A_186 : i32 to vector<16xi32>
        %mul3A_188 = arith.muli %iota3A, %mul3A_187 : vector<16xi32>
        %mul3A_189 = arith.constant 2 : i32
        %mul3A_190 = arith.muli %mul3A_189, %scan3A_72 : i32
        %add3A_191 = arith.constant 1 : i32
        %add3A_192 = arith.addi %mul3A_190, %add3A_191 : i32
        %add3A_193 = vector.broadcast %add3A_192 : i32 to vector<16xi32>
        %add3A_194 = arith.addi %mul3A_188, %add3A_193 : vector<16xi32>
        %gather3A_195 = tpu.vector_load_idx %arg9[%add3A_185, %add3A_194] : memref<64x128xf32, #tpu.memory_space<vmem>>[vector<16xi32>, vector<16xi32>], vector<16xf32>,
        %swap3A_196 = arith.index_cast %scan3A_72 : i32 to index
        %swap3A_197 = arith.constant 112 : index
        %swap3A_198 = tpu.vector_load %arg10[%swap3A_196, %swap3A_197] {strides = array<i32>} : memref<32x128xf32, #tpu.memory_space<vmem>>, vector<16xf32>,
        tpu.vector_store %arg10[%swap3A_196, %swap3A_197], %gather3A_195 {strides = array<i32>} : memref<32x128xf32, #tpu.memory_space<vmem>>, vector<16xf32>,
      }
      %scan3A_71 = arith.constant 32 : i32
      "tpu.region"() ({
        %run_scoped3A = tpu.sem_alloc : memref<!tpu.dma_semaphore, #tpu.memory_space<semaphore_mem>>
        %dma_start3A = arith.constant 499968 : i32
        %dma_start3A_72 = arith.constant 0 : i32
        %dma_start3A_73 = tpu.memref_slice %arg4[%dma_start3A, %dma_start3A_72] : memref<500000x128xf32, #tpu.memory_space<hbm>> -> memref<32x128xf32, #tpu.memory_space<hbm>>
        %dma_start3A_74 = arith.constant 499968 : i32
        %dma_start3A_75 = arith.constant 0 : i32
        %dma_start3A_76 = tpu.memref_slice %arg4[%dma_start3A_74, %dma_start3A_75] : memref<500000x128xf32, #tpu.memory_space<hbm>> -> memref<32x128xf32, #tpu.memory_space<hbm>>
        tpu.enqueue_dma source(%arg10 : memref<32x128xf32, #tpu.memory_space<vmem>>) target(%dma_start3A_76 : memref<32x128xf32, #tpu.memory_space<hbm>>) target_semaphore(%run_scoped3A : memref<!tpu.dma_semaphore, #tpu.memory_space<semaphore_mem>>)
        %dma_wait3A_77 = arith.constant 499968 : i32
        %dma_wait3A_78 = arith.constant 0 : i32
        %dma_wait3A_79 = tpu.memref_slice %arg4[%dma_wait3A_77, %dma_wait3A_78] : memref<500000x128xf32, #tpu.memory_space<hbm>> -> memref<32x128xf32, #tpu.memory_space<hbm>>
        %dma_wait3A_80 = arith.constant 499968 : i32
        %dma_wait3A_81 = arith.constant 0 : i32
        %dma_wait3A_82 = tpu.memref_slice %arg4[%dma_wait3A_80, %dma_wait3A_81] : memref<500000x128xf32, #tpu.memory_space<hbm>> -> memref<32x128xf32, #tpu.memory_space<hbm>>
        tpu.wait_dma2 semaphore(%run_scoped3A : memref<!tpu.dma_semaphore, #tpu.memory_space<semaphore_mem>>) src(%arg10 : memref<32x128xf32, #tpu.memory_space<vmem>>) dst(%dma_wait3A_82 : memref<32x128xf32, #tpu.memory_space<hbm>>)
        tpu.yield
      }) : () -> ()
    } else {
    }
    return
  }
}

#map = affine_map<(d0, d1) -> (0)>
#map1 = affine_map<(d0, d1) -> (0, 0)>
module attributes {stable_mosaic.version = 14 : i64} {
  func.func @k(%arg0: i32, %arg1: i32, %arg2: memref<327680xi32, #tpu.memory_space<hbm>>, %arg3: memref<1000000x64xf32, #tpu.memory_space<hbm>>, %arg4: memref<327680x64xf32, #tpu.memory_space<hbm>>, %arg5: memref<10240xi32, #tpu.memory_space<vmem>>, %arg6: memref<2x512x64xf32, #tpu.memory_space<vmem>>, %arg7: memref<!tpu.dma_semaphore, #tpu.memory_space<semaphore_mem>>, %arg8: memref<!tpu.dma_semaphore, #tpu.memory_space<semaphore_mem>>) attributes {dimension_semantics = [#tpu.dimension_semantics<core_parallel>, #tpu.dimension_semantics<subcore_parallel>], iteration_bounds = array<i64: 2, 16>, scalar_prefetch = 0 : i64, scratch_operands = 4 : i64, tpu.core_type = #tpu.core_type<sc_vector_subcore>, window_params = [{transform_indices = #map}, {transform_indices = #map1}, {transform_indices = #map1}]} {
    %mul3A = arith.constant 2 : i32
    %mul3A_0 = arith.muli %arg1, %mul3A : i32
    %add3A = arith.addi %mul3A_0, %arg0 : i32
    %mul3A_1 = arith.constant 10240 : i32
    %mul3A_2 = arith.muli %add3A, %mul3A_1 : i32
    "tpu.region"() ({
      %run_scoped3A = tpu.sem_alloc : memref<!tpu.dma_semaphore, #tpu.memory_space<semaphore_mem>>
      %dma_start3A_961 = tpu.memref_slice %arg2[%mul3A_2] : memref<327680xi32, #tpu.memory_space<hbm>> -> memref<10240xi32, #tpu.memory_space<hbm>>
      %dma_start3A_962 = tpu.memref_slice %arg2[%mul3A_2] : memref<327680xi32, #tpu.memory_space<hbm>> -> memref<10240xi32, #tpu.memory_space<hbm>>
      tpu.enqueue_dma source(%dma_start3A_962 : memref<10240xi32, #tpu.memory_space<hbm>>) target(%arg5 : memref<10240xi32, #tpu.memory_space<vmem>>) target_semaphore(%run_scoped3A : memref<!tpu.dma_semaphore, #tpu.memory_space<semaphore_mem>>)
      %dma_wait3A_963 = tpu.memref_slice %arg2[%mul3A_2] : memref<327680xi32, #tpu.memory_space<hbm>> -> memref<10240xi32, #tpu.memory_space<hbm>>
      %dma_wait3A_964 = tpu.memref_slice %arg2[%mul3A_2] : memref<327680xi32, #tpu.memory_space<hbm>> -> memref<10240xi32, #tpu.memory_space<hbm>>
      tpu.wait_dma2 semaphore(%run_scoped3A : memref<!tpu.dma_semaphore, #tpu.memory_space<semaphore_mem>>) src(%dma_wait3A_964 : memref<10240xi32, #tpu.memory_space<hbm>>) dst(%arg5 : memref<10240xi32, #tpu.memory_space<vmem>>)
      tpu.yield
    }) : () -> ()
    %dma_start3A = arith.constant 0 : i32
    %dma_start3A_3 = arith.constant 0 : i32
    %dma_start3A_4 = arith.constant 0 : i32
    %dma_start3A_5 = tpu.memref_slice %arg6[%dma_start3A, %dma_start3A_3, %dma_start3A_4] : memref<2x512x64xf32, #tpu.memory_space<vmem>> -> memref<1x512x64xf32, #tpu.memory_space<vmem>>
    %dma_start3A_6 = tpu.memref_squeeze %dma_start3A_5 : memref<1x512x64xf32, #tpu.memory_space<vmem>> -> memref<512x64xf32, #tpu.memory_space<vmem>>
    %dma_start3A_7 = arith.constant 0 : i32
    %dma_start3A_8 = tpu.memref_slice %arg5[%dma_start3A_7] : memref<10240xi32, #tpu.memory_space<vmem>> -> memref<512xi32, #tpu.memory_space<vmem>>
    %dma_start3A_9 = arith.constant 0 : i32
    %dma_start3A_10 = arith.constant 0 : i32
    %dma_start3A_11 = tpu.memref_slice %arg3[%dma_start3A_9, %dma_start3A_10] : memref<1000000x64xf32, #tpu.memory_space<hbm>> -> memref<1000000x64xf32, #tpu.memory_space<hbm>>
    tpu.enqueue_indirect_dma source(%dma_start3A_11 : memref<1000000x64xf32, #tpu.memory_space<hbm>>) target(%dma_start3A_6 : memref<512x64xf32, #tpu.memory_space<vmem>>) offsets(%dma_start3A_8 : memref<512xi32, #tpu.memory_space<vmem>>) semaphore(%arg7 : memref<!tpu.dma_semaphore, #tpu.memory_space<semaphore_mem>>)
    %dma_start3A_12 = arith.constant 1 : i32
    %dma_start3A_13 = arith.constant 0 : i32
    %dma_start3A_14 = arith.constant 0 : i32
    %dma_start3A_15 = tpu.memref_slice %arg6[%dma_start3A_12, %dma_start3A_13, %dma_start3A_14] : memref<2x512x64xf32, #tpu.memory_space<vmem>> -> memref<1x512x64xf32, #tpu.memory_space<vmem>>
    %dma_start3A_16 = tpu.memref_squeeze %dma_start3A_15 : memref<1x512x64xf32, #tpu.memory_space<vmem>> -> memref<512x64xf32, #tpu.memory_space<vmem>>
    %dma_start3A_17 = arith.constant 512 : i32
    %dma_start3A_18 = tpu.memref_slice %arg5[%dma_start3A_17] : memref<10240xi32, #tpu.memory_space<vmem>> -> memref<512xi32, #tpu.memory_space<vmem>>
    %dma_start3A_19 = arith.constant 0 : i32
    %dma_start3A_20 = arith.constant 0 : i32
    %dma_start3A_21 = tpu.memref_slice %arg3[%dma_start3A_19, %dma_start3A_20] : memref<1000000x64xf32, #tpu.memory_space<hbm>> -> memref<1000000x64xf32, #tpu.memory_space<hbm>>
    tpu.enqueue_indirect_dma source(%dma_start3A_21 : memref<1000000x64xf32, #tpu.memory_space<hbm>>) target(%dma_start3A_16 : memref<512x64xf32, #tpu.memory_space<vmem>>) offsets(%dma_start3A_18 : memref<512xi32, #tpu.memory_space<vmem>>) semaphore(%arg7 : memref<!tpu.dma_semaphore, #tpu.memory_space<semaphore_mem>>)
    %dma_wait3A = arith.constant 0 : i32
    %dma_wait3A_22 = arith.constant 0 : i32
    %dma_wait3A_23 = arith.constant 0 : i32
    %dma_wait3A_24 = tpu.memref_slice %arg6[%dma_wait3A, %dma_wait3A_22, %dma_wait3A_23] : memref<2x512x64xf32, #tpu.memory_space<vmem>> -> memref<1x512x64xf32, #tpu.memory_space<vmem>>
    %dma_wait3A_25 = tpu.memref_squeeze %dma_wait3A_24 : memref<1x512x64xf32, #tpu.memory_space<vmem>> -> memref<512x64xf32, #tpu.memory_space<vmem>>
    %dma_wait3A_26 = arith.constant 0 : i32
    %dma_wait3A_27 = tpu.memref_slice %arg5[%dma_wait3A_26] : memref<10240xi32, #tpu.memory_space<vmem>> -> memref<512xi32, #tpu.memory_space<vmem>>
    %dma_wait3A_28 = arith.constant 0 : i32
    %dma_wait3A_29 = arith.constant 0 : i32
    %dma_wait3A_30 = tpu.memref_slice %arg3[%dma_wait3A_28, %dma_wait3A_29] : memref<1000000x64xf32, #tpu.memory_space<hbm>> -> memref<1000000x64xf32, #tpu.memory_space<hbm>>
    tpu.wait_indirect_dma semaphore(%arg7 : memref<!tpu.dma_semaphore, #tpu.memory_space<semaphore_mem>>) src(%dma_wait3A_30 : memref<1000000x64xf32, #tpu.memory_space<hbm>>) dst(%dma_wait3A_25 : memref<512x64xf32, #tpu.memory_space<vmem>>)
    %add3A_31 = arith.constant 0 : i32
    %add3A_32 = arith.addi %mul3A_2, %add3A_31 : i32
    %dma_start3A_33 = arith.constant 0 : i32
    %dma_start3A_34 = arith.constant 0 : i32
    %dma_start3A_35 = arith.constant 0 : i32
    %dma_start3A_36 = tpu.memref_slice %arg6[%dma_start3A_33, %dma_start3A_34, %dma_start3A_35] : memref<2x512x64xf32, #tpu.memory_space<vmem>> -> memref<1x512x64xf32, #tpu.memory_space<vmem>>
    %dma_start3A_37 = tpu.memref_squeeze %dma_start3A_36 : memref<1x512x64xf32, #tpu.memory_space<vmem>> -> memref<512x64xf32, #tpu.memory_space<vmem>>
    %dma_start3A_38 = arith.constant 0 : i32
    %dma_start3A_39 = tpu.memref_slice %arg4[%add3A_32, %dma_start3A_38] : memref<327680x64xf32, #tpu.memory_space<hbm>> -> memref<512x64xf32, #tpu.memory_space<hbm>>
    %dma_start3A_40 = arith.constant 0 : i32
    %dma_start3A_41 = tpu.memref_slice %arg4[%add3A_32, %dma_start3A_40] : memref<327680x64xf32, #tpu.memory_space<hbm>> -> memref<512x64xf32, #tpu.memory_space<hbm>>
    %dma_start3A_42 = arith.constant 0 : i32
    %dma_start3A_43 = arith.constant 0 : i32
    %dma_start3A_44 = tpu.memref_slice %arg6[%dma_start3A_33, %dma_start3A_42, %dma_start3A_43] : memref<2x512x64xf32, #tpu.memory_space<vmem>> -> memref<1x512x64xf32, #tpu.memory_space<vmem>>
    %dma_start3A_45 = tpu.memref_squeeze %dma_start3A_44 : memref<1x512x64xf32, #tpu.memory_space<vmem>> -> memref<512x64xf32, #tpu.memory_space<vmem>>
    tpu.enqueue_dma source(%dma_start3A_45 : memref<512x64xf32, #tpu.memory_space<vmem>>) target(%dma_start3A_41 : memref<512x64xf32, #tpu.memory_space<hbm>>) target_semaphore(%arg8 : memref<!tpu.dma_semaphore, #tpu.memory_space<semaphore_mem>>)
    %dma_wait3A_46 = arith.constant 0 : i32
    %dma_wait3A_47 = arith.constant 0 : i32
    %dma_wait3A_48 = arith.constant 0 : i32
    %dma_wait3A_49 = tpu.memref_slice %arg6[%dma_wait3A_46, %dma_wait3A_47, %dma_wait3A_48] : memref<2x512x64xf32, #tpu.memory_space<vmem>> -> memref<1x512x64xf32, #tpu.memory_space<vmem>>
    %dma_wait3A_50 = tpu.memref_squeeze %dma_wait3A_49 : memref<1x512x64xf32, #tpu.memory_space<vmem>> -> memref<512x64xf32, #tpu.memory_space<vmem>>
    %dma_wait3A_51 = arith.constant 0 : i32
    %dma_wait3A_52 = tpu.memref_slice %arg4[%add3A_32, %dma_wait3A_51] : memref<327680x64xf32, #tpu.memory_space<hbm>> -> memref<512x64xf32, #tpu.memory_space<hbm>>
    %dma_wait3A_53 = arith.constant 0 : i32
    %dma_wait3A_54 = tpu.memref_slice %arg4[%add3A_32, %dma_wait3A_53] : memref<327680x64xf32, #tpu.memory_space<hbm>> -> memref<512x64xf32, #tpu.memory_space<hbm>>
    %dma_wait3A_55 = arith.constant 0 : i32
    %dma_wait3A_56 = arith.constant 0 : i32
    %dma_wait3A_57 = tpu.memref_slice %arg6[%dma_wait3A_46, %dma_wait3A_55, %dma_wait3A_56] : memref<2x512x64xf32, #tpu.memory_space<vmem>> -> memref<1x512x64xf32, #tpu.memory_space<vmem>>
    %dma_wait3A_58 = tpu.memref_squeeze %dma_wait3A_57 : memref<1x512x64xf32, #tpu.memory_space<vmem>> -> memref<512x64xf32, #tpu.memory_space<vmem>>
    tpu.wait_dma2 semaphore(%arg8 : memref<!tpu.dma_semaphore, #tpu.memory_space<semaphore_mem>>) src(%dma_wait3A_58 : memref<512x64xf32, #tpu.memory_space<vmem>>) dst(%dma_wait3A_54 : memref<512x64xf32, #tpu.memory_space<hbm>>)
    %dma_start3A_59 = arith.constant 0 : i32
    %dma_start3A_60 = arith.constant 0 : i32
    %dma_start3A_61 = arith.constant 0 : i32
    %dma_start3A_62 = tpu.memref_slice %arg6[%dma_start3A_59, %dma_start3A_60, %dma_start3A_61] : memref<2x512x64xf32, #tpu.memory_space<vmem>> -> memref<1x512x64xf32, #tpu.memory_space<vmem>>
    %dma_start3A_63 = tpu.memref_squeeze %dma_start3A_62 : memref<1x512x64xf32, #tpu.memory_space<vmem>> -> memref<512x64xf32, #tpu.memory_space<vmem>>
    %dma_start3A_64 = arith.constant 1024 : i32
    %dma_start3A_65 = tpu.memref_slice %arg5[%dma_start3A_64] : memref<10240xi32, #tpu.memory_space<vmem>> -> memref<512xi32, #tpu.memory_space<vmem>>
    %dma_start3A_66 = arith.constant 0 : i32
    %dma_start3A_67 = arith.constant 0 : i32
    %dma_start3A_68 = tpu.memref_slice %arg3[%dma_start3A_66, %dma_start3A_67] : memref<1000000x64xf32, #tpu.memory_space<hbm>> -> memref<1000000x64xf32, #tpu.memory_space<hbm>>
    tpu.enqueue_indirect_dma source(%dma_start3A_68 : memref<1000000x64xf32, #tpu.memory_space<hbm>>) target(%dma_start3A_63 : memref<512x64xf32, #tpu.memory_space<vmem>>) offsets(%dma_start3A_65 : memref<512xi32, #tpu.memory_space<vmem>>) semaphore(%arg7 : memref<!tpu.dma_semaphore, #tpu.memory_space<semaphore_mem>>)
    %dma_wait3A_69 = arith.constant 1 : i32
    %dma_wait3A_70 = arith.constant 0 : i32
    %dma_wait3A_71 = arith.constant 0 : i32
    %dma_wait3A_72 = tpu.memref_slice %arg6[%dma_wait3A_69, %dma_wait3A_70, %dma_wait3A_71] : memref<2x512x64xf32, #tpu.memory_space<vmem>> -> memref<1x512x64xf32, #tpu.memory_space<vmem>>
    %dma_wait3A_73 = tpu.memref_squeeze %dma_wait3A_72 : memref<1x512x64xf32, #tpu.memory_space<vmem>> -> memref<512x64xf32, #tpu.memory_space<vmem>>
    %dma_wait3A_74 = arith.constant 512 : i32
    %dma_wait3A_75 = tpu.memref_slice %arg5[%dma_wait3A_74] : memref<10240xi32, #tpu.memory_space<vmem>> -> memref<512xi32, #tpu.memory_space<vmem>>
    %dma_wait3A_76 = arith.constant 0 : i32
    %dma_wait3A_77 = arith.constant 0 : i32
    %dma_wait3A_78 = tpu.memref_slice %arg3[%dma_wait3A_76, %dma_wait3A_77] : memref<1000000x64xf32, #tpu.memory_space<hbm>> -> memref<1000000x64xf32, #tpu.memory_space<hbm>>
    tpu.wait_indirect_dma semaphore(%arg7 : memref<!tpu.dma_semaphore, #tpu.memory_space<semaphore_mem>>) src(%dma_wait3A_78 : memref<1000000x64xf32, #tpu.memory_space<hbm>>) dst(%dma_wait3A_73 : memref<512x64xf32, #tpu.memory_space<vmem>>)
    %add3A_79 = arith.constant 512 : i32
    %add3A_80 = arith.addi %mul3A_2, %add3A_79 : i32
    %dma_start3A_81 = arith.constant 1 : i32
    %dma_start3A_82 = arith.constant 0 : i32
    %dma_start3A_83 = arith.constant 0 : i32
    %dma_start3A_84 = tpu.memref_slice %arg6[%dma_start3A_81, %dma_start3A_82, %dma_start3A_83] : memref<2x512x64xf32, #tpu.memory_space<vmem>> -> memref<1x512x64xf32, #tpu.memory_space<vmem>>
    %dma_start3A_85 = tpu.memref_squeeze %dma_start3A_84 : memref<1x512x64xf32, #tpu.memory_space<vmem>> -> memref<512x64xf32, #tpu.memory_space<vmem>>
    %dma_start3A_86 = arith.constant 0 : i32
    %dma_start3A_87 = tpu.memref_slice %arg4[%add3A_80, %dma_start3A_86] : memref<327680x64xf32, #tpu.memory_space<hbm>> -> memref<512x64xf32, #tpu.memory_space<hbm>>
    %dma_start3A_88 = arith.constant 0 : i32
    %dma_start3A_89 = tpu.memref_slice %arg4[%add3A_80, %dma_start3A_88] : memref<327680x64xf32, #tpu.memory_space<hbm>> -> memref<512x64xf32, #tpu.memory_space<hbm>>
    %dma_start3A_90 = arith.constant 0 : i32
    %dma_start3A_91 = arith.constant 0 : i32
    %dma_start3A_92 = tpu.memref_slice %arg6[%dma_start3A_81, %dma_start3A_90, %dma_start3A_91] : memref<2x512x64xf32, #tpu.memory_space<vmem>> -> memref<1x512x64xf32, #tpu.memory_space<vmem>>
    %dma_start3A_93 = tpu.memref_squeeze %dma_start3A_92 : memref<1x512x64xf32, #tpu.memory_space<vmem>> -> memref<512x64xf32, #tpu.memory_space<vmem>>
    tpu.enqueue_dma source(%dma_start3A_93 : memref<512x64xf32, #tpu.memory_space<vmem>>) target(%dma_start3A_89 : memref<512x64xf32, #tpu.memory_space<hbm>>) target_semaphore(%arg8 : memref<!tpu.dma_semaphore, #tpu.memory_space<semaphore_mem>>)
    %dma_wait3A_94 = arith.constant 1 : i32
    %dma_wait3A_95 = arith.constant 0 : i32
    %dma_wait3A_96 = arith.constant 0 : i32
    %dma_wait3A_97 = tpu.memref_slice %arg6[%dma_wait3A_94, %dma_wait3A_95, %dma_wait3A_96] : memref<2x512x64xf32, #tpu.memory_space<vmem>> -> memref<1x512x64xf32, #tpu.memory_space<vmem>>
    %dma_wait3A_98 = tpu.memref_squeeze %dma_wait3A_97 : memref<1x512x64xf32, #tpu.memory_space<vmem>> -> memref<512x64xf32, #tpu.memory_space<vmem>>
    %dma_wait3A_99 = arith.constant 0 : i32
    %dma_wait3A_100 = tpu.memref_slice %arg4[%add3A_80, %dma_wait3A_99] : memref<327680x64xf32, #tpu.memory_space<hbm>> -> memref<512x64xf32, #tpu.memory_space<hbm>>
    %dma_wait3A_101 = arith.constant 0 : i32
    %dma_wait3A_102 = tpu.memref_slice %arg4[%add3A_80, %dma_wait3A_101] : memref<327680x64xf32, #tpu.memory_space<hbm>> -> memref<512x64xf32, #tpu.memory_space<hbm>>
    %dma_wait3A_103 = arith.constant 0 : i32
    %dma_wait3A_104 = arith.constant 0 : i32
    %dma_wait3A_105 = tpu.memref_slice %arg6[%dma_wait3A_94, %dma_wait3A_103, %dma_wait3A_104] : memref<2x512x64xf32, #tpu.memory_space<vmem>> -> memref<1x512x64xf32, #tpu.memory_space<vmem>>
    %dma_wait3A_106 = tpu.memref_squeeze %dma_wait3A_105 : memref<1x512x64xf32, #tpu.memory_space<vmem>> -> memref<512x64xf32, #tpu.memory_space<vmem>>
    tpu.wait_dma2 semaphore(%arg8 : memref<!tpu.dma_semaphore, #tpu.memory_space<semaphore_mem>>) src(%dma_wait3A_106 : memref<512x64xf32, #tpu.memory_space<vmem>>) dst(%dma_wait3A_102 : memref<512x64xf32, #tpu.memory_space<hbm>>)
    %dma_start3A_107 = arith.constant 1 : i32
    %dma_start3A_108 = arith.constant 0 : i32
    %dma_start3A_109 = arith.constant 0 : i32
    %dma_start3A_110 = tpu.memref_slice %arg6[%dma_start3A_107, %dma_start3A_108, %dma_start3A_109] : memref<2x512x64xf32, #tpu.memory_space<vmem>> -> memref<1x512x64xf32, #tpu.memory_space<vmem>>
    %dma_start3A_111 = tpu.memref_squeeze %dma_start3A_110 : memref<1x512x64xf32, #tpu.memory_space<vmem>> -> memref<512x64xf32, #tpu.memory_space<vmem>>
    %dma_start3A_112 = arith.constant 1536 : i32
    %dma_start3A_113 = tpu.memref_slice %arg5[%dma_start3A_112] : memref<10240xi32, #tpu.memory_space<vmem>> -> memref<512xi32, #tpu.memory_space<vmem>>
    %dma_start3A_114 = arith.constant 0 : i32
    %dma_start3A_115 = arith.constant 0 : i32
    %dma_start3A_116 = tpu.memref_slice %arg3[%dma_start3A_114, %dma_start3A_115] : memref<1000000x64xf32, #tpu.memory_space<hbm>> -> memref<1000000x64xf32, #tpu.memory_space<hbm>>
    tpu.enqueue_indirect_dma source(%dma_start3A_116 : memref<1000000x64xf32, #tpu.memory_space<hbm>>) target(%dma_start3A_111 : memref<512x64xf32, #tpu.memory_space<vmem>>) offsets(%dma_start3A_113 : memref<512xi32, #tpu.memory_space<vmem>>) semaphore(%arg7 : memref<!tpu.dma_semaphore, #tpu.memory_space<semaphore_mem>>)
    %dma_wait3A_117 = arith.constant 0 : i32
    %dma_wait3A_118 = arith.constant 0 : i32
    %dma_wait3A_119 = arith.constant 0 : i32
    %dma_wait3A_120 = tpu.memref_slice %arg6[%dma_wait3A_117, %dma_wait3A_118, %dma_wait3A_119] : memref<2x512x64xf32, #tpu.memory_space<vmem>> -> memref<1x512x64xf32, #tpu.memory_space<vmem>>
    %dma_wait3A_121 = tpu.memref_squeeze %dma_wait3A_120 : memref<1x512x64xf32, #tpu.memory_space<vmem>> -> memref<512x64xf32, #tpu.memory_space<vmem>>
    %dma_wait3A_122 = arith.constant 1024 : i32
    %dma_wait3A_123 = tpu.memref_slice %arg5[%dma_wait3A_122] : memref<10240xi32, #tpu.memory_space<vmem>> -> memref<512xi32, #tpu.memory_space<vmem>>
    %dma_wait3A_124 = arith.constant 0 : i32
    %dma_wait3A_125 = arith.constant 0 : i32
    %dma_wait3A_126 = tpu.memref_slice %arg3[%dma_wait3A_124, %dma_wait3A_125] : memref<1000000x64xf32, #tpu.memory_space<hbm>> -> memref<1000000x64xf32, #tpu.memory_space<hbm>>
    tpu.wait_indirect_dma semaphore(%arg7 : memref<!tpu.dma_semaphore, #tpu.memory_space<semaphore_mem>>) src(%dma_wait3A_126 : memref<1000000x64xf32, #tpu.memory_space<hbm>>) dst(%dma_wait3A_121 : memref<512x64xf32, #tpu.memory_space<vmem>>)
    %add3A_127 = arith.constant 1024 : i32
    %add3A_128 = arith.addi %mul3A_2, %add3A_127 : i32
    %dma_start3A_129 = arith.constant 0 : i32
    %dma_start3A_130 = arith.constant 0 : i32
    %dma_start3A_131 = arith.constant 0 : i32
    %dma_start3A_132 = tpu.memref_slice %arg6[%dma_start3A_129, %dma_start3A_130, %dma_start3A_131] : memref<2x512x64xf32, #tpu.memory_space<vmem>> -> memref<1x512x64xf32, #tpu.memory_space<vmem>>
    %dma_start3A_133 = tpu.memref_squeeze %dma_start3A_132 : memref<1x512x64xf32, #tpu.memory_space<vmem>> -> memref<512x64xf32, #tpu.memory_space<vmem>>
    %dma_start3A_134 = arith.constant 0 : i32
    %dma_start3A_135 = tpu.memref_slice %arg4[%add3A_128, %dma_start3A_134] : memref<327680x64xf32, #tpu.memory_space<hbm>> -> memref<512x64xf32, #tpu.memory_space<hbm>>
    %dma_start3A_136 = arith.constant 0 : i32
    %dma_start3A_137 = tpu.memref_slice %arg4[%add3A_128, %dma_start3A_136] : memref<327680x64xf32, #tpu.memory_space<hbm>> -> memref<512x64xf32, #tpu.memory_space<hbm>>
    %dma_start3A_138 = arith.constant 0 : i32
    %dma_start3A_139 = arith.constant 0 : i32
    %dma_start3A_140 = tpu.memref_slice %arg6[%dma_start3A_129, %dma_start3A_138, %dma_start3A_139] : memref<2x512x64xf32, #tpu.memory_space<vmem>> -> memref<1x512x64xf32, #tpu.memory_space<vmem>>
    %dma_start3A_141 = tpu.memref_squeeze %dma_start3A_140 : memref<1x512x64xf32, #tpu.memory_space<vmem>> -> memref<512x64xf32, #tpu.memory_space<vmem>>
    tpu.enqueue_dma source(%dma_start3A_141 : memref<512x64xf32, #tpu.memory_space<vmem>>) target(%dma_start3A_137 : memref<512x64xf32, #tpu.memory_space<hbm>>) target_semaphore(%arg8 : memref<!tpu.dma_semaphore, #tpu.memory_space<semaphore_mem>>)
    %dma_wait3A_142 = arith.constant 0 : i32
    %dma_wait3A_143 = arith.constant 0 : i32
    %dma_wait3A_144 = arith.constant 0 : i32
    %dma_wait3A_145 = tpu.memref_slice %arg6[%dma_wait3A_142, %dma_wait3A_143, %dma_wait3A_144] : memref<2x512x64xf32, #tpu.memory_space<vmem>> -> memref<1x512x64xf32, #tpu.memory_space<vmem>>
    %dma_wait3A_146 = tpu.memref_squeeze %dma_wait3A_145 : memref<1x512x64xf32, #tpu.memory_space<vmem>> -> memref<512x64xf32, #tpu.memory_space<vmem>>
    %dma_wait3A_147 = arith.constant 0 : i32
    %dma_wait3A_148 = tpu.memref_slice %arg4[%add3A_128, %dma_wait3A_147] : memref<327680x64xf32, #tpu.memory_space<hbm>> -> memref<512x64xf32, #tpu.memory_space<hbm>>
    %dma_wait3A_149 = arith.constant 0 : i32
    %dma_wait3A_150 = tpu.memref_slice %arg4[%add3A_128, %dma_wait3A_149] : memref<327680x64xf32, #tpu.memory_space<hbm>> -> memref<512x64xf32, #tpu.memory_space<hbm>>
    %dma_wait3A_151 = arith.constant 0 : i32
    %dma_wait3A_152 = arith.constant 0 : i32
    %dma_wait3A_153 = tpu.memref_slice %arg6[%dma_wait3A_142, %dma_wait3A_151, %dma_wait3A_152] : memref<2x512x64xf32, #tpu.memory_space<vmem>> -> memref<1x512x64xf32, #tpu.memory_space<vmem>>
    %dma_wait3A_154 = tpu.memref_squeeze %dma_wait3A_153 : memref<1x512x64xf32, #tpu.memory_space<vmem>> -> memref<512x64xf32, #tpu.memory_space<vmem>>
    tpu.wait_dma2 semaphore(%arg8 : memref<!tpu.dma_semaphore, #tpu.memory_space<semaphore_mem>>) src(%dma_wait3A_154 : memref<512x64xf32, #tpu.memory_space<vmem>>) dst(%dma_wait3A_150 : memref<512x64xf32, #tpu.memory_space<hbm>>)
    %dma_start3A_155 = arith.constant 0 : i32
    %dma_start3A_156 = arith.constant 0 : i32
    %dma_start3A_157 = arith.constant 0 : i32
    %dma_start3A_158 = tpu.memref_slice %arg6[%dma_start3A_155, %dma_start3A_156, %dma_start3A_157] : memref<2x512x64xf32, #tpu.memory_space<vmem>> -> memref<1x512x64xf32, #tpu.memory_space<vmem>>
    %dma_start3A_159 = tpu.memref_squeeze %dma_start3A_158 : memref<1x512x64xf32, #tpu.memory_space<vmem>> -> memref<512x64xf32, #tpu.memory_space<vmem>>
    %dma_start3A_160 = arith.constant 2048 : i32
    %dma_start3A_161 = tpu.memref_slice %arg5[%dma_start3A_160] : memref<10240xi32, #tpu.memory_space<vmem>> -> memref<512xi32, #tpu.memory_space<vmem>>
    %dma_start3A_162 = arith.constant 0 : i32
    %dma_start3A_163 = arith.constant 0 : i32
    %dma_start3A_164 = tpu.memref_slice %arg3[%dma_start3A_162, %dma_start3A_163] : memref<1000000x64xf32, #tpu.memory_space<hbm>> -> memref<1000000x64xf32, #tpu.memory_space<hbm>>
    tpu.enqueue_indirect_dma source(%dma_start3A_164 : memref<1000000x64xf32, #tpu.memory_space<hbm>>) target(%dma_start3A_159 : memref<512x64xf32, #tpu.memory_space<vmem>>) offsets(%dma_start3A_161 : memref<512xi32, #tpu.memory_space<vmem>>) semaphore(%arg7 : memref<!tpu.dma_semaphore, #tpu.memory_space<semaphore_mem>>)
    %dma_wait3A_165 = arith.constant 1 : i32
    %dma_wait3A_166 = arith.constant 0 : i32
    %dma_wait3A_167 = arith.constant 0 : i32
    %dma_wait3A_168 = tpu.memref_slice %arg6[%dma_wait3A_165, %dma_wait3A_166, %dma_wait3A_167] : memref<2x512x64xf32, #tpu.memory_space<vmem>> -> memref<1x512x64xf32, #tpu.memory_space<vmem>>
    %dma_wait3A_169 = tpu.memref_squeeze %dma_wait3A_168 : memref<1x512x64xf32, #tpu.memory_space<vmem>> -> memref<512x64xf32, #tpu.memory_space<vmem>>
    %dma_wait3A_170 = arith.constant 1536 : i32
    %dma_wait3A_171 = tpu.memref_slice %arg5[%dma_wait3A_170] : memref<10240xi32, #tpu.memory_space<vmem>> -> memref<512xi32, #tpu.memory_space<vmem>>
    %dma_wait3A_172 = arith.constant 0 : i32
    %dma_wait3A_173 = arith.constant 0 : i32
    %dma_wait3A_174 = tpu.memref_slice %arg3[%dma_wait3A_172, %dma_wait3A_173] : memref<1000000x64xf32, #tpu.memory_space<hbm>> -> memref<1000000x64xf32, #tpu.memory_space<hbm>>
    tpu.wait_indirect_dma semaphore(%arg7 : memref<!tpu.dma_semaphore, #tpu.memory_space<semaphore_mem>>) src(%dma_wait3A_174 : memref<1000000x64xf32, #tpu.memory_space<hbm>>) dst(%dma_wait3A_169 : memref<512x64xf32, #tpu.memory_space<vmem>>)
    %add3A_175 = arith.constant 1536 : i32
    %add3A_176 = arith.addi %mul3A_2, %add3A_175 : i32
    %dma_start3A_177 = arith.constant 1 : i32
    %dma_start3A_178 = arith.constant 0 : i32
    %dma_start3A_179 = arith.constant 0 : i32
    %dma_start3A_180 = tpu.memref_slice %arg6[%dma_start3A_177, %dma_start3A_178, %dma_start3A_179] : memref<2x512x64xf32, #tpu.memory_space<vmem>> -> memref<1x512x64xf32, #tpu.memory_space<vmem>>
    %dma_start3A_181 = tpu.memref_squeeze %dma_start3A_180 : memref<1x512x64xf32, #tpu.memory_space<vmem>> -> memref<512x64xf32, #tpu.memory_space<vmem>>
    %dma_start3A_182 = arith.constant 0 : i32
    %dma_start3A_183 = tpu.memref_slice %arg4[%add3A_176, %dma_start3A_182] : memref<327680x64xf32, #tpu.memory_space<hbm>> -> memref<512x64xf32, #tpu.memory_space<hbm>>
    %dma_start3A_184 = arith.constant 0 : i32
    %dma_start3A_185 = tpu.memref_slice %arg4[%add3A_176, %dma_start3A_184] : memref<327680x64xf32, #tpu.memory_space<hbm>> -> memref<512x64xf32, #tpu.memory_space<hbm>>
    %dma_start3A_186 = arith.constant 0 : i32
    %dma_start3A_187 = arith.constant 0 : i32
    %dma_start3A_188 = tpu.memref_slice %arg6[%dma_start3A_177, %dma_start3A_186, %dma_start3A_187] : memref<2x512x64xf32, #tpu.memory_space<vmem>> -> memref<1x512x64xf32, #tpu.memory_space<vmem>>
    %dma_start3A_189 = tpu.memref_squeeze %dma_start3A_188 : memref<1x512x64xf32, #tpu.memory_space<vmem>> -> memref<512x64xf32, #tpu.memory_space<vmem>>
    tpu.enqueue_dma source(%dma_start3A_189 : memref<512x64xf32, #tpu.memory_space<vmem>>) target(%dma_start3A_185 : memref<512x64xf32, #tpu.memory_space<hbm>>) target_semaphore(%arg8 : memref<!tpu.dma_semaphore, #tpu.memory_space<semaphore_mem>>)
    %dma_wait3A_190 = arith.constant 1 : i32
    %dma_wait3A_191 = arith.constant 0 : i32
    %dma_wait3A_192 = arith.constant 0 : i32
    %dma_wait3A_193 = tpu.memref_slice %arg6[%dma_wait3A_190, %dma_wait3A_191, %dma_wait3A_192] : memref<2x512x64xf32, #tpu.memory_space<vmem>> -> memref<1x512x64xf32, #tpu.memory_space<vmem>>
    %dma_wait3A_194 = tpu.memref_squeeze %dma_wait3A_193 : memref<1x512x64xf32, #tpu.memory_space<vmem>> -> memref<512x64xf32, #tpu.memory_space<vmem>>
    %dma_wait3A_195 = arith.constant 0 : i32
    %dma_wait3A_196 = tpu.memref_slice %arg4[%add3A_176, %dma_wait3A_195] : memref<327680x64xf32, #tpu.memory_space<hbm>> -> memref<512x64xf32, #tpu.memory_space<hbm>>
    %dma_wait3A_197 = arith.constant 0 : i32
    %dma_wait3A_198 = tpu.memref_slice %arg4[%add3A_176, %dma_wait3A_197] : memref<327680x64xf32, #tpu.memory_space<hbm>> -> memref<512x64xf32, #tpu.memory_space<hbm>>
    %dma_wait3A_199 = arith.constant 0 : i32
    %dma_wait3A_200 = arith.constant 0 : i32
    %dma_wait3A_201 = tpu.memref_slice %arg6[%dma_wait3A_190, %dma_wait3A_199, %dma_wait3A_200] : memref<2x512x64xf32, #tpu.memory_space<vmem>> -> memref<1x512x64xf32, #tpu.memory_space<vmem>>
    %dma_wait3A_202 = tpu.memref_squeeze %dma_wait3A_201 : memref<1x512x64xf32, #tpu.memory_space<vmem>> -> memref<512x64xf32, #tpu.memory_space<vmem>>
    tpu.wait_dma2 semaphore(%arg8 : memref<!tpu.dma_semaphore, #tpu.memory_space<semaphore_mem>>) src(%dma_wait3A_202 : memref<512x64xf32, #tpu.memory_space<vmem>>) dst(%dma_wait3A_198 : memref<512x64xf32, #tpu.memory_space<hbm>>)
    %dma_start3A_203 = arith.constant 1 : i32
    %dma_start3A_204 = arith.constant 0 : i32
    %dma_start3A_205 = arith.constant 0 : i32
    %dma_start3A_206 = tpu.memref_slice %arg6[%dma_start3A_203, %dma_start3A_204, %dma_start3A_205] : memref<2x512x64xf32, #tpu.memory_space<vmem>> -> memref<1x512x64xf32, #tpu.memory_space<vmem>>
    %dma_start3A_207 = tpu.memref_squeeze %dma_start3A_206 : memref<1x512x64xf32, #tpu.memory_space<vmem>> -> memref<512x64xf32, #tpu.memory_space<vmem>>
    %dma_start3A_208 = arith.constant 2560 : i32
    %dma_start3A_209 = tpu.memref_slice %arg5[%dma_start3A_208] : memref<10240xi32, #tpu.memory_space<vmem>> -> memref<512xi32, #tpu.memory_space<vmem>>
    %dma_start3A_210 = arith.constant 0 : i32
    %dma_start3A_211 = arith.constant 0 : i32
    %dma_start3A_212 = tpu.memref_slice %arg3[%dma_start3A_210, %dma_start3A_211] : memref<1000000x64xf32, #tpu.memory_space<hbm>> -> memref<1000000x64xf32, #tpu.memory_space<hbm>>
    tpu.enqueue_indirect_dma source(%dma_start3A_212 : memref<1000000x64xf32, #tpu.memory_space<hbm>>) target(%dma_start3A_207 : memref<512x64xf32, #tpu.memory_space<vmem>>) offsets(%dma_start3A_209 : memref<512xi32, #tpu.memory_space<vmem>>) semaphore(%arg7 : memref<!tpu.dma_semaphore, #tpu.memory_space<semaphore_mem>>)
    %dma_wait3A_213 = arith.constant 0 : i32
    %dma_wait3A_214 = arith.constant 0 : i32
    %dma_wait3A_215 = arith.constant 0 : i32
    %dma_wait3A_216 = tpu.memref_slice %arg6[%dma_wait3A_213, %dma_wait3A_214, %dma_wait3A_215] : memref<2x512x64xf32, #tpu.memory_space<vmem>> -> memref<1x512x64xf32, #tpu.memory_space<vmem>>
    %dma_wait3A_217 = tpu.memref_squeeze %dma_wait3A_216 : memref<1x512x64xf32, #tpu.memory_space<vmem>> -> memref<512x64xf32, #tpu.memory_space<vmem>>
    %dma_wait3A_218 = arith.constant 2048 : i32
    %dma_wait3A_219 = tpu.memref_slice %arg5[%dma_wait3A_218] : memref<10240xi32, #tpu.memory_space<vmem>> -> memref<512xi32, #tpu.memory_space<vmem>>
    %dma_wait3A_220 = arith.constant 0 : i32
    %dma_wait3A_221 = arith.constant 0 : i32
    %dma_wait3A_222 = tpu.memref_slice %arg3[%dma_wait3A_220, %dma_wait3A_221] : memref<1000000x64xf32, #tpu.memory_space<hbm>> -> memref<1000000x64xf32, #tpu.memory_space<hbm>>
    tpu.wait_indirect_dma semaphore(%arg7 : memref<!tpu.dma_semaphore, #tpu.memory_space<semaphore_mem>>) src(%dma_wait3A_222 : memref<1000000x64xf32, #tpu.memory_space<hbm>>) dst(%dma_wait3A_217 : memref<512x64xf32, #tpu.memory_space<vmem>>)
    %add3A_223 = arith.constant 2048 : i32
    %add3A_224 = arith.addi %mul3A_2, %add3A_223 : i32
    %dma_start3A_225 = arith.constant 0 : i32
    %dma_start3A_226 = arith.constant 0 : i32
    %dma_start3A_227 = arith.constant 0 : i32
    %dma_start3A_228 = tpu.memref_slice %arg6[%dma_start3A_225, %dma_start3A_226, %dma_start3A_227] : memref<2x512x64xf32, #tpu.memory_space<vmem>> -> memref<1x512x64xf32, #tpu.memory_space<vmem>>
    %dma_start3A_229 = tpu.memref_squeeze %dma_start3A_228 : memref<1x512x64xf32, #tpu.memory_space<vmem>> -> memref<512x64xf32, #tpu.memory_space<vmem>>
    %dma_start3A_230 = arith.constant 0 : i32
    %dma_start3A_231 = tpu.memref_slice %arg4[%add3A_224, %dma_start3A_230] : memref<327680x64xf32, #tpu.memory_space<hbm>> -> memref<512x64xf32, #tpu.memory_space<hbm>>
    %dma_start3A_232 = arith.constant 0 : i32
    %dma_start3A_233 = tpu.memref_slice %arg4[%add3A_224, %dma_start3A_232] : memref<327680x64xf32, #tpu.memory_space<hbm>> -> memref<512x64xf32, #tpu.memory_space<hbm>>
    %dma_start3A_234 = arith.constant 0 : i32
    %dma_start3A_235 = arith.constant 0 : i32
    %dma_start3A_236 = tpu.memref_slice %arg6[%dma_start3A_225, %dma_start3A_234, %dma_start3A_235] : memref<2x512x64xf32, #tpu.memory_space<vmem>> -> memref<1x512x64xf32, #tpu.memory_space<vmem>>
    %dma_start3A_237 = tpu.memref_squeeze %dma_start3A_236 : memref<1x512x64xf32, #tpu.memory_space<vmem>> -> memref<512x64xf32, #tpu.memory_space<vmem>>
    tpu.enqueue_dma source(%dma_start3A_237 : memref<512x64xf32, #tpu.memory_space<vmem>>) target(%dma_start3A_233 : memref<512x64xf32, #tpu.memory_space<hbm>>) target_semaphore(%arg8 : memref<!tpu.dma_semaphore, #tpu.memory_space<semaphore_mem>>)
    %dma_wait3A_238 = arith.constant 0 : i32
    %dma_wait3A_239 = arith.constant 0 : i32
    %dma_wait3A_240 = arith.constant 0 : i32
    %dma_wait3A_241 = tpu.memref_slice %arg6[%dma_wait3A_238, %dma_wait3A_239, %dma_wait3A_240] : memref<2x512x64xf32, #tpu.memory_space<vmem>> -> memref<1x512x64xf32, #tpu.memory_space<vmem>>
    %dma_wait3A_242 = tpu.memref_squeeze %dma_wait3A_241 : memref<1x512x64xf32, #tpu.memory_space<vmem>> -> memref<512x64xf32, #tpu.memory_space<vmem>>
    %dma_wait3A_243 = arith.constant 0 : i32
    %dma_wait3A_244 = tpu.memref_slice %arg4[%add3A_224, %dma_wait3A_243] : memref<327680x64xf32, #tpu.memory_space<hbm>> -> memref<512x64xf32, #tpu.memory_space<hbm>>
    %dma_wait3A_245 = arith.constant 0 : i32
    %dma_wait3A_246 = tpu.memref_slice %arg4[%add3A_224, %dma_wait3A_245] : memref<327680x64xf32, #tpu.memory_space<hbm>> -> memref<512x64xf32, #tpu.memory_space<hbm>>
    %dma_wait3A_247 = arith.constant 0 : i32
    %dma_wait3A_248 = arith.constant 0 : i32
    %dma_wait3A_249 = tpu.memref_slice %arg6[%dma_wait3A_238, %dma_wait3A_247, %dma_wait3A_248] : memref<2x512x64xf32, #tpu.memory_space<vmem>> -> memref<1x512x64xf32, #tpu.memory_space<vmem>>
    %dma_wait3A_250 = tpu.memref_squeeze %dma_wait3A_249 : memref<1x512x64xf32, #tpu.memory_space<vmem>> -> memref<512x64xf32, #tpu.memory_space<vmem>>
    tpu.wait_dma2 semaphore(%arg8 : memref<!tpu.dma_semaphore, #tpu.memory_space<semaphore_mem>>) src(%dma_wait3A_250 : memref<512x64xf32, #tpu.memory_space<vmem>>) dst(%dma_wait3A_246 : memref<512x64xf32, #tpu.memory_space<hbm>>)
    %dma_start3A_251 = arith.constant 0 : i32
    %dma_start3A_252 = arith.constant 0 : i32
    %dma_start3A_253 = arith.constant 0 : i32
    %dma_start3A_254 = tpu.memref_slice %arg6[%dma_start3A_251, %dma_start3A_252, %dma_start3A_253] : memref<2x512x64xf32, #tpu.memory_space<vmem>> -> memref<1x512x64xf32, #tpu.memory_space<vmem>>
    %dma_start3A_255 = tpu.memref_squeeze %dma_start3A_254 : memref<1x512x64xf32, #tpu.memory_space<vmem>> -> memref<512x64xf32, #tpu.memory_space<vmem>>
    %dma_start3A_256 = arith.constant 3072 : i32
    %dma_start3A_257 = tpu.memref_slice %arg5[%dma_start3A_256] : memref<10240xi32, #tpu.memory_space<vmem>> -> memref<512xi32, #tpu.memory_space<vmem>>
    %dma_start3A_258 = arith.constant 0 : i32
    %dma_start3A_259 = arith.constant 0 : i32
    %dma_start3A_260 = tpu.memref_slice %arg3[%dma_start3A_258, %dma_start3A_259] : memref<1000000x64xf32, #tpu.memory_space<hbm>> -> memref<1000000x64xf32, #tpu.memory_space<hbm>>
    tpu.enqueue_indirect_dma source(%dma_start3A_260 : memref<1000000x64xf32, #tpu.memory_space<hbm>>) target(%dma_start3A_255 : memref<512x64xf32, #tpu.memory_space<vmem>>) offsets(%dma_start3A_257 : memref<512xi32, #tpu.memory_space<vmem>>) semaphore(%arg7 : memref<!tpu.dma_semaphore, #tpu.memory_space<semaphore_mem>>)
    %dma_wait3A_261 = arith.constant 1 : i32
    %dma_wait3A_262 = arith.constant 0 : i32
    %dma_wait3A_263 = arith.constant 0 : i32
    %dma_wait3A_264 = tpu.memref_slice %arg6[%dma_wait3A_261, %dma_wait3A_262, %dma_wait3A_263] : memref<2x512x64xf32, #tpu.memory_space<vmem>> -> memref<1x512x64xf32, #tpu.memory_space<vmem>>
    %dma_wait3A_265 = tpu.memref_squeeze %dma_wait3A_264 : memref<1x512x64xf32, #tpu.memory_space<vmem>> -> memref<512x64xf32, #tpu.memory_space<vmem>>
    %dma_wait3A_266 = arith.constant 2560 : i32
    %dma_wait3A_267 = tpu.memref_slice %arg5[%dma_wait3A_266] : memref<10240xi32, #tpu.memory_space<vmem>> -> memref<512xi32, #tpu.memory_space<vmem>>
    %dma_wait3A_268 = arith.constant 0 : i32
    %dma_wait3A_269 = arith.constant 0 : i32
    %dma_wait3A_270 = tpu.memref_slice %arg3[%dma_wait3A_268, %dma_wait3A_269] : memref<1000000x64xf32, #tpu.memory_space<hbm>> -> memref<1000000x64xf32, #tpu.memory_space<hbm>>
    tpu.wait_indirect_dma semaphore(%arg7 : memref<!tpu.dma_semaphore, #tpu.memory_space<semaphore_mem>>) src(%dma_wait3A_270 : memref<1000000x64xf32, #tpu.memory_space<hbm>>) dst(%dma_wait3A_265 : memref<512x64xf32, #tpu.memory_space<vmem>>)
    %add3A_271 = arith.constant 2560 : i32
    %add3A_272 = arith.addi %mul3A_2, %add3A_271 : i32
    %dma_start3A_273 = arith.constant 1 : i32
    %dma_start3A_274 = arith.constant 0 : i32
    %dma_start3A_275 = arith.constant 0 : i32
    %dma_start3A_276 = tpu.memref_slice %arg6[%dma_start3A_273, %dma_start3A_274, %dma_start3A_275] : memref<2x512x64xf32, #tpu.memory_space<vmem>> -> memref<1x512x64xf32, #tpu.memory_space<vmem>>
    %dma_start3A_277 = tpu.memref_squeeze %dma_start3A_276 : memref<1x512x64xf32, #tpu.memory_space<vmem>> -> memref<512x64xf32, #tpu.memory_space<vmem>>
    %dma_start3A_278 = arith.constant 0 : i32
    %dma_start3A_279 = tpu.memref_slice %arg4[%add3A_272, %dma_start3A_278] : memref<327680x64xf32, #tpu.memory_space<hbm>> -> memref<512x64xf32, #tpu.memory_space<hbm>>
    %dma_start3A_280 = arith.constant 0 : i32
    %dma_start3A_281 = tpu.memref_slice %arg4[%add3A_272, %dma_start3A_280] : memref<327680x64xf32, #tpu.memory_space<hbm>> -> memref<512x64xf32, #tpu.memory_space<hbm>>
    %dma_start3A_282 = arith.constant 0 : i32
    %dma_start3A_283 = arith.constant 0 : i32
    %dma_start3A_284 = tpu.memref_slice %arg6[%dma_start3A_273, %dma_start3A_282, %dma_start3A_283] : memref<2x512x64xf32, #tpu.memory_space<vmem>> -> memref<1x512x64xf32, #tpu.memory_space<vmem>>
    %dma_start3A_285 = tpu.memref_squeeze %dma_start3A_284 : memref<1x512x64xf32, #tpu.memory_space<vmem>> -> memref<512x64xf32, #tpu.memory_space<vmem>>
    tpu.enqueue_dma source(%dma_start3A_285 : memref<512x64xf32, #tpu.memory_space<vmem>>) target(%dma_start3A_281 : memref<512x64xf32, #tpu.memory_space<hbm>>) target_semaphore(%arg8 : memref<!tpu.dma_semaphore, #tpu.memory_space<semaphore_mem>>)
    %dma_wait3A_286 = arith.constant 1 : i32
    %dma_wait3A_287 = arith.constant 0 : i32
    %dma_wait3A_288 = arith.constant 0 : i32
    %dma_wait3A_289 = tpu.memref_slice %arg6[%dma_wait3A_286, %dma_wait3A_287, %dma_wait3A_288] : memref<2x512x64xf32, #tpu.memory_space<vmem>> -> memref<1x512x64xf32, #tpu.memory_space<vmem>>
    %dma_wait3A_290 = tpu.memref_squeeze %dma_wait3A_289 : memref<1x512x64xf32, #tpu.memory_space<vmem>> -> memref<512x64xf32, #tpu.memory_space<vmem>>
    %dma_wait3A_291 = arith.constant 0 : i32
    %dma_wait3A_292 = tpu.memref_slice %arg4[%add3A_272, %dma_wait3A_291] : memref<327680x64xf32, #tpu.memory_space<hbm>> -> memref<512x64xf32, #tpu.memory_space<hbm>>
    %dma_wait3A_293 = arith.constant 0 : i32
    %dma_wait3A_294 = tpu.memref_slice %arg4[%add3A_272, %dma_wait3A_293] : memref<327680x64xf32, #tpu.memory_space<hbm>> -> memref<512x64xf32, #tpu.memory_space<hbm>>
    %dma_wait3A_295 = arith.constant 0 : i32
    %dma_wait3A_296 = arith.constant 0 : i32
    %dma_wait3A_297 = tpu.memref_slice %arg6[%dma_wait3A_286, %dma_wait3A_295, %dma_wait3A_296] : memref<2x512x64xf32, #tpu.memory_space<vmem>> -> memref<1x512x64xf32, #tpu.memory_space<vmem>>
    %dma_wait3A_298 = tpu.memref_squeeze %dma_wait3A_297 : memref<1x512x64xf32, #tpu.memory_space<vmem>> -> memref<512x64xf32, #tpu.memory_space<vmem>>
    tpu.wait_dma2 semaphore(%arg8 : memref<!tpu.dma_semaphore, #tpu.memory_space<semaphore_mem>>) src(%dma_wait3A_298 : memref<512x64xf32, #tpu.memory_space<vmem>>) dst(%dma_wait3A_294 : memref<512x64xf32, #tpu.memory_space<hbm>>)
    %dma_start3A_299 = arith.constant 1 : i32
    %dma_start3A_300 = arith.constant 0 : i32
    %dma_start3A_301 = arith.constant 0 : i32
    %dma_start3A_302 = tpu.memref_slice %arg6[%dma_start3A_299, %dma_start3A_300, %dma_start3A_301] : memref<2x512x64xf32, #tpu.memory_space<vmem>> -> memref<1x512x64xf32, #tpu.memory_space<vmem>>
    %dma_start3A_303 = tpu.memref_squeeze %dma_start3A_302 : memref<1x512x64xf32, #tpu.memory_space<vmem>> -> memref<512x64xf32, #tpu.memory_space<vmem>>
    %dma_start3A_304 = arith.constant 3584 : i32
    %dma_start3A_305 = tpu.memref_slice %arg5[%dma_start3A_304] : memref<10240xi32, #tpu.memory_space<vmem>> -> memref<512xi32, #tpu.memory_space<vmem>>
    %dma_start3A_306 = arith.constant 0 : i32
    %dma_start3A_307 = arith.constant 0 : i32
    %dma_start3A_308 = tpu.memref_slice %arg3[%dma_start3A_306, %dma_start3A_307] : memref<1000000x64xf32, #tpu.memory_space<hbm>> -> memref<1000000x64xf32, #tpu.memory_space<hbm>>
    tpu.enqueue_indirect_dma source(%dma_start3A_308 : memref<1000000x64xf32, #tpu.memory_space<hbm>>) target(%dma_start3A_303 : memref<512x64xf32, #tpu.memory_space<vmem>>) offsets(%dma_start3A_305 : memref<512xi32, #tpu.memory_space<vmem>>) semaphore(%arg7 : memref<!tpu.dma_semaphore, #tpu.memory_space<semaphore_mem>>)
    %dma_wait3A_309 = arith.constant 0 : i32
    %dma_wait3A_310 = arith.constant 0 : i32
    %dma_wait3A_311 = arith.constant 0 : i32
    %dma_wait3A_312 = tpu.memref_slice %arg6[%dma_wait3A_309, %dma_wait3A_310, %dma_wait3A_311] : memref<2x512x64xf32, #tpu.memory_space<vmem>> -> memref<1x512x64xf32, #tpu.memory_space<vmem>>
    %dma_wait3A_313 = tpu.memref_squeeze %dma_wait3A_312 : memref<1x512x64xf32, #tpu.memory_space<vmem>> -> memref<512x64xf32, #tpu.memory_space<vmem>>
    %dma_wait3A_314 = arith.constant 3072 : i32
    %dma_wait3A_315 = tpu.memref_slice %arg5[%dma_wait3A_314] : memref<10240xi32, #tpu.memory_space<vmem>> -> memref<512xi32, #tpu.memory_space<vmem>>
    %dma_wait3A_316 = arith.constant 0 : i32
    %dma_wait3A_317 = arith.constant 0 : i32
    %dma_wait3A_318 = tpu.memref_slice %arg3[%dma_wait3A_316, %dma_wait3A_317] : memref<1000000x64xf32, #tpu.memory_space<hbm>> -> memref<1000000x64xf32, #tpu.memory_space<hbm>>
    tpu.wait_indirect_dma semaphore(%arg7 : memref<!tpu.dma_semaphore, #tpu.memory_space<semaphore_mem>>) src(%dma_wait3A_318 : memref<1000000x64xf32, #tpu.memory_space<hbm>>) dst(%dma_wait3A_313 : memref<512x64xf32, #tpu.memory_space<vmem>>)
    %add3A_319 = arith.constant 3072 : i32
    %add3A_320 = arith.addi %mul3A_2, %add3A_319 : i32
    %dma_start3A_321 = arith.constant 0 : i32
    %dma_start3A_322 = arith.constant 0 : i32
    %dma_start3A_323 = arith.constant 0 : i32
    %dma_start3A_324 = tpu.memref_slice %arg6[%dma_start3A_321, %dma_start3A_322, %dma_start3A_323] : memref<2x512x64xf32, #tpu.memory_space<vmem>> -> memref<1x512x64xf32, #tpu.memory_space<vmem>>
    %dma_start3A_325 = tpu.memref_squeeze %dma_start3A_324 : memref<1x512x64xf32, #tpu.memory_space<vmem>> -> memref<512x64xf32, #tpu.memory_space<vmem>>
    %dma_start3A_326 = arith.constant 0 : i32
    %dma_start3A_327 = tpu.memref_slice %arg4[%add3A_320, %dma_start3A_326] : memref<327680x64xf32, #tpu.memory_space<hbm>> -> memref<512x64xf32, #tpu.memory_space<hbm>>
    %dma_start3A_328 = arith.constant 0 : i32
    %dma_start3A_329 = tpu.memref_slice %arg4[%add3A_320, %dma_start3A_328] : memref<327680x64xf32, #tpu.memory_space<hbm>> -> memref<512x64xf32, #tpu.memory_space<hbm>>
    %dma_start3A_330 = arith.constant 0 : i32
    %dma_start3A_331 = arith.constant 0 : i32
    %dma_start3A_332 = tpu.memref_slice %arg6[%dma_start3A_321, %dma_start3A_330, %dma_start3A_331] : memref<2x512x64xf32, #tpu.memory_space<vmem>> -> memref<1x512x64xf32, #tpu.memory_space<vmem>>
    %dma_start3A_333 = tpu.memref_squeeze %dma_start3A_332 : memref<1x512x64xf32, #tpu.memory_space<vmem>> -> memref<512x64xf32, #tpu.memory_space<vmem>>
    tpu.enqueue_dma source(%dma_start3A_333 : memref<512x64xf32, #tpu.memory_space<vmem>>) target(%dma_start3A_329 : memref<512x64xf32, #tpu.memory_space<hbm>>) target_semaphore(%arg8 : memref<!tpu.dma_semaphore, #tpu.memory_space<semaphore_mem>>)
    %dma_wait3A_334 = arith.constant 0 : i32
    %dma_wait3A_335 = arith.constant 0 : i32
    %dma_wait3A_336 = arith.constant 0 : i32
    %dma_wait3A_337 = tpu.memref_slice %arg6[%dma_wait3A_334, %dma_wait3A_335, %dma_wait3A_336] : memref<2x512x64xf32, #tpu.memory_space<vmem>> -> memref<1x512x64xf32, #tpu.memory_space<vmem>>
    %dma_wait3A_338 = tpu.memref_squeeze %dma_wait3A_337 : memref<1x512x64xf32, #tpu.memory_space<vmem>> -> memref<512x64xf32, #tpu.memory_space<vmem>>
    %dma_wait3A_339 = arith.constant 0 : i32
    %dma_wait3A_340 = tpu.memref_slice %arg4[%add3A_320, %dma_wait3A_339] : memref<327680x64xf32, #tpu.memory_space<hbm>> -> memref<512x64xf32, #tpu.memory_space<hbm>>
    %dma_wait3A_341 = arith.constant 0 : i32
    %dma_wait3A_342 = tpu.memref_slice %arg4[%add3A_320, %dma_wait3A_341] : memref<327680x64xf32, #tpu.memory_space<hbm>> -> memref<512x64xf32, #tpu.memory_space<hbm>>
    %dma_wait3A_343 = arith.constant 0 : i32
    %dma_wait3A_344 = arith.constant 0 : i32
    %dma_wait3A_345 = tpu.memref_slice %arg6[%dma_wait3A_334, %dma_wait3A_343, %dma_wait3A_344] : memref<2x512x64xf32, #tpu.memory_space<vmem>> -> memref<1x512x64xf32, #tpu.memory_space<vmem>>
    %dma_wait3A_346 = tpu.memref_squeeze %dma_wait3A_345 : memref<1x512x64xf32, #tpu.memory_space<vmem>> -> memref<512x64xf32, #tpu.memory_space<vmem>>
    tpu.wait_dma2 semaphore(%arg8 : memref<!tpu.dma_semaphore, #tpu.memory_space<semaphore_mem>>) src(%dma_wait3A_346 : memref<512x64xf32, #tpu.memory_space<vmem>>) dst(%dma_wait3A_342 : memref<512x64xf32, #tpu.memory_space<hbm>>)
    %dma_start3A_347 = arith.constant 0 : i32
    %dma_start3A_348 = arith.constant 0 : i32
    %dma_start3A_349 = arith.constant 0 : i32
    %dma_start3A_350 = tpu.memref_slice %arg6[%dma_start3A_347, %dma_start3A_348, %dma_start3A_349] : memref<2x512x64xf32, #tpu.memory_space<vmem>> -> memref<1x512x64xf32, #tpu.memory_space<vmem>>
    %dma_start3A_351 = tpu.memref_squeeze %dma_start3A_350 : memref<1x512x64xf32, #tpu.memory_space<vmem>> -> memref<512x64xf32, #tpu.memory_space<vmem>>
    %dma_start3A_352 = arith.constant 4096 : i32
    %dma_start3A_353 = tpu.memref_slice %arg5[%dma_start3A_352] : memref<10240xi32, #tpu.memory_space<vmem>> -> memref<512xi32, #tpu.memory_space<vmem>>
    %dma_start3A_354 = arith.constant 0 : i32
    %dma_start3A_355 = arith.constant 0 : i32
    %dma_start3A_356 = tpu.memref_slice %arg3[%dma_start3A_354, %dma_start3A_355] : memref<1000000x64xf32, #tpu.memory_space<hbm>> -> memref<1000000x64xf32, #tpu.memory_space<hbm>>
    tpu.enqueue_indirect_dma source(%dma_start3A_356 : memref<1000000x64xf32, #tpu.memory_space<hbm>>) target(%dma_start3A_351 : memref<512x64xf32, #tpu.memory_space<vmem>>) offsets(%dma_start3A_353 : memref<512xi32, #tpu.memory_space<vmem>>) semaphore(%arg7 : memref<!tpu.dma_semaphore, #tpu.memory_space<semaphore_mem>>)
    %dma_wait3A_357 = arith.constant 1 : i32
    %dma_wait3A_358 = arith.constant 0 : i32
    %dma_wait3A_359 = arith.constant 0 : i32
    %dma_wait3A_360 = tpu.memref_slice %arg6[%dma_wait3A_357, %dma_wait3A_358, %dma_wait3A_359] : memref<2x512x64xf32, #tpu.memory_space<vmem>> -> memref<1x512x64xf32, #tpu.memory_space<vmem>>
    %dma_wait3A_361 = tpu.memref_squeeze %dma_wait3A_360 : memref<1x512x64xf32, #tpu.memory_space<vmem>> -> memref<512x64xf32, #tpu.memory_space<vmem>>
    %dma_wait3A_362 = arith.constant 3584 : i32
    %dma_wait3A_363 = tpu.memref_slice %arg5[%dma_wait3A_362] : memref<10240xi32, #tpu.memory_space<vmem>> -> memref<512xi32, #tpu.memory_space<vmem>>
    %dma_wait3A_364 = arith.constant 0 : i32
    %dma_wait3A_365 = arith.constant 0 : i32
    %dma_wait3A_366 = tpu.memref_slice %arg3[%dma_wait3A_364, %dma_wait3A_365] : memref<1000000x64xf32, #tpu.memory_space<hbm>> -> memref<1000000x64xf32, #tpu.memory_space<hbm>>
    tpu.wait_indirect_dma semaphore(%arg7 : memref<!tpu.dma_semaphore, #tpu.memory_space<semaphore_mem>>) src(%dma_wait3A_366 : memref<1000000x64xf32, #tpu.memory_space<hbm>>) dst(%dma_wait3A_361 : memref<512x64xf32, #tpu.memory_space<vmem>>)
    %add3A_367 = arith.constant 3584 : i32
    %add3A_368 = arith.addi %mul3A_2, %add3A_367 : i32
    %dma_start3A_369 = arith.constant 1 : i32
    %dma_start3A_370 = arith.constant 0 : i32
    %dma_start3A_371 = arith.constant 0 : i32
    %dma_start3A_372 = tpu.memref_slice %arg6[%dma_start3A_369, %dma_start3A_370, %dma_start3A_371] : memref<2x512x64xf32, #tpu.memory_space<vmem>> -> memref<1x512x64xf32, #tpu.memory_space<vmem>>
    %dma_start3A_373 = tpu.memref_squeeze %dma_start3A_372 : memref<1x512x64xf32, #tpu.memory_space<vmem>> -> memref<512x64xf32, #tpu.memory_space<vmem>>
    %dma_start3A_374 = arith.constant 0 : i32
    %dma_start3A_375 = tpu.memref_slice %arg4[%add3A_368, %dma_start3A_374] : memref<327680x64xf32, #tpu.memory_space<hbm>> -> memref<512x64xf32, #tpu.memory_space<hbm>>
    %dma_start3A_376 = arith.constant 0 : i32
    %dma_start3A_377 = tpu.memref_slice %arg4[%add3A_368, %dma_start3A_376] : memref<327680x64xf32, #tpu.memory_space<hbm>> -> memref<512x64xf32, #tpu.memory_space<hbm>>
    %dma_start3A_378 = arith.constant 0 : i32
    %dma_start3A_379 = arith.constant 0 : i32
    %dma_start3A_380 = tpu.memref_slice %arg6[%dma_start3A_369, %dma_start3A_378, %dma_start3A_379] : memref<2x512x64xf32, #tpu.memory_space<vmem>> -> memref<1x512x64xf32, #tpu.memory_space<vmem>>
    %dma_start3A_381 = tpu.memref_squeeze %dma_start3A_380 : memref<1x512x64xf32, #tpu.memory_space<vmem>> -> memref<512x64xf32, #tpu.memory_space<vmem>>
    tpu.enqueue_dma source(%dma_start3A_381 : memref<512x64xf32, #tpu.memory_space<vmem>>) target(%dma_start3A_377 : memref<512x64xf32, #tpu.memory_space<hbm>>) target_semaphore(%arg8 : memref<!tpu.dma_semaphore, #tpu.memory_space<semaphore_mem>>)
    %dma_wait3A_382 = arith.constant 1 : i32
    %dma_wait3A_383 = arith.constant 0 : i32
    %dma_wait3A_384 = arith.constant 0 : i32
    %dma_wait3A_385 = tpu.memref_slice %arg6[%dma_wait3A_382, %dma_wait3A_383, %dma_wait3A_384] : memref<2x512x64xf32, #tpu.memory_space<vmem>> -> memref<1x512x64xf32, #tpu.memory_space<vmem>>
    %dma_wait3A_386 = tpu.memref_squeeze %dma_wait3A_385 : memref<1x512x64xf32, #tpu.memory_space<vmem>> -> memref<512x64xf32, #tpu.memory_space<vmem>>
    %dma_wait3A_387 = arith.constant 0 : i32
    %dma_wait3A_388 = tpu.memref_slice %arg4[%add3A_368, %dma_wait3A_387] : memref<327680x64xf32, #tpu.memory_space<hbm>> -> memref<512x64xf32, #tpu.memory_space<hbm>>
    %dma_wait3A_389 = arith.constant 0 : i32
    %dma_wait3A_390 = tpu.memref_slice %arg4[%add3A_368, %dma_wait3A_389] : memref<327680x64xf32, #tpu.memory_space<hbm>> -> memref<512x64xf32, #tpu.memory_space<hbm>>
    %dma_wait3A_391 = arith.constant 0 : i32
    %dma_wait3A_392 = arith.constant 0 : i32
    %dma_wait3A_393 = tpu.memref_slice %arg6[%dma_wait3A_382, %dma_wait3A_391, %dma_wait3A_392] : memref<2x512x64xf32, #tpu.memory_space<vmem>> -> memref<1x512x64xf32, #tpu.memory_space<vmem>>
    %dma_wait3A_394 = tpu.memref_squeeze %dma_wait3A_393 : memref<1x512x64xf32, #tpu.memory_space<vmem>> -> memref<512x64xf32, #tpu.memory_space<vmem>>
    tpu.wait_dma2 semaphore(%arg8 : memref<!tpu.dma_semaphore, #tpu.memory_space<semaphore_mem>>) src(%dma_wait3A_394 : memref<512x64xf32, #tpu.memory_space<vmem>>) dst(%dma_wait3A_390 : memref<512x64xf32, #tpu.memory_space<hbm>>)
    %dma_start3A_395 = arith.constant 1 : i32
    %dma_start3A_396 = arith.constant 0 : i32
    %dma_start3A_397 = arith.constant 0 : i32
    %dma_start3A_398 = tpu.memref_slice %arg6[%dma_start3A_395, %dma_start3A_396, %dma_start3A_397] : memref<2x512x64xf32, #tpu.memory_space<vmem>> -> memref<1x512x64xf32, #tpu.memory_space<vmem>>
    %dma_start3A_399 = tpu.memref_squeeze %dma_start3A_398 : memref<1x512x64xf32, #tpu.memory_space<vmem>> -> memref<512x64xf32, #tpu.memory_space<vmem>>
    %dma_start3A_400 = arith.constant 4608 : i32
    %dma_start3A_401 = tpu.memref_slice %arg5[%dma_start3A_400] : memref<10240xi32, #tpu.memory_space<vmem>> -> memref<512xi32, #tpu.memory_space<vmem>>
    %dma_start3A_402 = arith.constant 0 : i32
    %dma_start3A_403 = arith.constant 0 : i32
    %dma_start3A_404 = tpu.memref_slice %arg3[%dma_start3A_402, %dma_start3A_403] : memref<1000000x64xf32, #tpu.memory_space<hbm>> -> memref<1000000x64xf32, #tpu.memory_space<hbm>>
    tpu.enqueue_indirect_dma source(%dma_start3A_404 : memref<1000000x64xf32, #tpu.memory_space<hbm>>) target(%dma_start3A_399 : memref<512x64xf32, #tpu.memory_space<vmem>>) offsets(%dma_start3A_401 : memref<512xi32, #tpu.memory_space<vmem>>) semaphore(%arg7 : memref<!tpu.dma_semaphore, #tpu.memory_space<semaphore_mem>>)
    %dma_wait3A_405 = arith.constant 0 : i32
    %dma_wait3A_406 = arith.constant 0 : i32
    %dma_wait3A_407 = arith.constant 0 : i32
    %dma_wait3A_408 = tpu.memref_slice %arg6[%dma_wait3A_405, %dma_wait3A_406, %dma_wait3A_407] : memref<2x512x64xf32, #tpu.memory_space<vmem>> -> memref<1x512x64xf32, #tpu.memory_space<vmem>>
    %dma_wait3A_409 = tpu.memref_squeeze %dma_wait3A_408 : memref<1x512x64xf32, #tpu.memory_space<vmem>> -> memref<512x64xf32, #tpu.memory_space<vmem>>
    %dma_wait3A_410 = arith.constant 4096 : i32
    %dma_wait3A_411 = tpu.memref_slice %arg5[%dma_wait3A_410] : memref<10240xi32, #tpu.memory_space<vmem>> -> memref<512xi32, #tpu.memory_space<vmem>>
    %dma_wait3A_412 = arith.constant 0 : i32
    %dma_wait3A_413 = arith.constant 0 : i32
    %dma_wait3A_414 = tpu.memref_slice %arg3[%dma_wait3A_412, %dma_wait3A_413] : memref<1000000x64xf32, #tpu.memory_space<hbm>> -> memref<1000000x64xf32, #tpu.memory_space<hbm>>
    tpu.wait_indirect_dma semaphore(%arg7 : memref<!tpu.dma_semaphore, #tpu.memory_space<semaphore_mem>>) src(%dma_wait3A_414 : memref<1000000x64xf32, #tpu.memory_space<hbm>>) dst(%dma_wait3A_409 : memref<512x64xf32, #tpu.memory_space<vmem>>)
    %add3A_415 = arith.constant 4096 : i32
    %add3A_416 = arith.addi %mul3A_2, %add3A_415 : i32
    %dma_start3A_417 = arith.constant 0 : i32
    %dma_start3A_418 = arith.constant 0 : i32
    %dma_start3A_419 = arith.constant 0 : i32
    %dma_start3A_420 = tpu.memref_slice %arg6[%dma_start3A_417, %dma_start3A_418, %dma_start3A_419] : memref<2x512x64xf32, #tpu.memory_space<vmem>> -> memref<1x512x64xf32, #tpu.memory_space<vmem>>
    %dma_start3A_421 = tpu.memref_squeeze %dma_start3A_420 : memref<1x512x64xf32, #tpu.memory_space<vmem>> -> memref<512x64xf32, #tpu.memory_space<vmem>>
    %dma_start3A_422 = arith.constant 0 : i32
    %dma_start3A_423 = tpu.memref_slice %arg4[%add3A_416, %dma_start3A_422] : memref<327680x64xf32, #tpu.memory_space<hbm>> -> memref<512x64xf32, #tpu.memory_space<hbm>>
    %dma_start3A_424 = arith.constant 0 : i32
    %dma_start3A_425 = tpu.memref_slice %arg4[%add3A_416, %dma_start3A_424] : memref<327680x64xf32, #tpu.memory_space<hbm>> -> memref<512x64xf32, #tpu.memory_space<hbm>>
    %dma_start3A_426 = arith.constant 0 : i32
    %dma_start3A_427 = arith.constant 0 : i32
    %dma_start3A_428 = tpu.memref_slice %arg6[%dma_start3A_417, %dma_start3A_426, %dma_start3A_427] : memref<2x512x64xf32, #tpu.memory_space<vmem>> -> memref<1x512x64xf32, #tpu.memory_space<vmem>>
    %dma_start3A_429 = tpu.memref_squeeze %dma_start3A_428 : memref<1x512x64xf32, #tpu.memory_space<vmem>> -> memref<512x64xf32, #tpu.memory_space<vmem>>
    tpu.enqueue_dma source(%dma_start3A_429 : memref<512x64xf32, #tpu.memory_space<vmem>>) target(%dma_start3A_425 : memref<512x64xf32, #tpu.memory_space<hbm>>) target_semaphore(%arg8 : memref<!tpu.dma_semaphore, #tpu.memory_space<semaphore_mem>>)
    %dma_wait3A_430 = arith.constant 0 : i32
    %dma_wait3A_431 = arith.constant 0 : i32
    %dma_wait3A_432 = arith.constant 0 : i32
    %dma_wait3A_433 = tpu.memref_slice %arg6[%dma_wait3A_430, %dma_wait3A_431, %dma_wait3A_432] : memref<2x512x64xf32, #tpu.memory_space<vmem>> -> memref<1x512x64xf32, #tpu.memory_space<vmem>>
    %dma_wait3A_434 = tpu.memref_squeeze %dma_wait3A_433 : memref<1x512x64xf32, #tpu.memory_space<vmem>> -> memref<512x64xf32, #tpu.memory_space<vmem>>
    %dma_wait3A_435 = arith.constant 0 : i32
    %dma_wait3A_436 = tpu.memref_slice %arg4[%add3A_416, %dma_wait3A_435] : memref<327680x64xf32, #tpu.memory_space<hbm>> -> memref<512x64xf32, #tpu.memory_space<hbm>>
    %dma_wait3A_437 = arith.constant 0 : i32
    %dma_wait3A_438 = tpu.memref_slice %arg4[%add3A_416, %dma_wait3A_437] : memref<327680x64xf32, #tpu.memory_space<hbm>> -> memref<512x64xf32, #tpu.memory_space<hbm>>
    %dma_wait3A_439 = arith.constant 0 : i32
    %dma_wait3A_440 = arith.constant 0 : i32
    %dma_wait3A_441 = tpu.memref_slice %arg6[%dma_wait3A_430, %dma_wait3A_439, %dma_wait3A_440] : memref<2x512x64xf32, #tpu.memory_space<vmem>> -> memref<1x512x64xf32, #tpu.memory_space<vmem>>
    %dma_wait3A_442 = tpu.memref_squeeze %dma_wait3A_441 : memref<1x512x64xf32, #tpu.memory_space<vmem>> -> memref<512x64xf32, #tpu.memory_space<vmem>>
    tpu.wait_dma2 semaphore(%arg8 : memref<!tpu.dma_semaphore, #tpu.memory_space<semaphore_mem>>) src(%dma_wait3A_442 : memref<512x64xf32, #tpu.memory_space<vmem>>) dst(%dma_wait3A_438 : memref<512x64xf32, #tpu.memory_space<hbm>>)
    %dma_start3A_443 = arith.constant 0 : i32
    %dma_start3A_444 = arith.constant 0 : i32
    %dma_start3A_445 = arith.constant 0 : i32
    %dma_start3A_446 = tpu.memref_slice %arg6[%dma_start3A_443, %dma_start3A_444, %dma_start3A_445] : memref<2x512x64xf32, #tpu.memory_space<vmem>> -> memref<1x512x64xf32, #tpu.memory_space<vmem>>
    %dma_start3A_447 = tpu.memref_squeeze %dma_start3A_446 : memref<1x512x64xf32, #tpu.memory_space<vmem>> -> memref<512x64xf32, #tpu.memory_space<vmem>>
    %dma_start3A_448 = arith.constant 5120 : i32
    %dma_start3A_449 = tpu.memref_slice %arg5[%dma_start3A_448] : memref<10240xi32, #tpu.memory_space<vmem>> -> memref<512xi32, #tpu.memory_space<vmem>>
    %dma_start3A_450 = arith.constant 0 : i32
    %dma_start3A_451 = arith.constant 0 : i32
    %dma_start3A_452 = tpu.memref_slice %arg3[%dma_start3A_450, %dma_start3A_451] : memref<1000000x64xf32, #tpu.memory_space<hbm>> -> memref<1000000x64xf32, #tpu.memory_space<hbm>>
    tpu.enqueue_indirect_dma source(%dma_start3A_452 : memref<1000000x64xf32, #tpu.memory_space<hbm>>) target(%dma_start3A_447 : memref<512x64xf32, #tpu.memory_space<vmem>>) offsets(%dma_start3A_449 : memref<512xi32, #tpu.memory_space<vmem>>) semaphore(%arg7 : memref<!tpu.dma_semaphore, #tpu.memory_space<semaphore_mem>>)
    %dma_wait3A_453 = arith.constant 1 : i32
    %dma_wait3A_454 = arith.constant 0 : i32
    %dma_wait3A_455 = arith.constant 0 : i32
    %dma_wait3A_456 = tpu.memref_slice %arg6[%dma_wait3A_453, %dma_wait3A_454, %dma_wait3A_455] : memref<2x512x64xf32, #tpu.memory_space<vmem>> -> memref<1x512x64xf32, #tpu.memory_space<vmem>>
    %dma_wait3A_457 = tpu.memref_squeeze %dma_wait3A_456 : memref<1x512x64xf32, #tpu.memory_space<vmem>> -> memref<512x64xf32, #tpu.memory_space<vmem>>
    %dma_wait3A_458 = arith.constant 4608 : i32
    %dma_wait3A_459 = tpu.memref_slice %arg5[%dma_wait3A_458] : memref<10240xi32, #tpu.memory_space<vmem>> -> memref<512xi32, #tpu.memory_space<vmem>>
    %dma_wait3A_460 = arith.constant 0 : i32
    %dma_wait3A_461 = arith.constant 0 : i32
    %dma_wait3A_462 = tpu.memref_slice %arg3[%dma_wait3A_460, %dma_wait3A_461] : memref<1000000x64xf32, #tpu.memory_space<hbm>> -> memref<1000000x64xf32, #tpu.memory_space<hbm>>
    tpu.wait_indirect_dma semaphore(%arg7 : memref<!tpu.dma_semaphore, #tpu.memory_space<semaphore_mem>>) src(%dma_wait3A_462 : memref<1000000x64xf32, #tpu.memory_space<hbm>>) dst(%dma_wait3A_457 : memref<512x64xf32, #tpu.memory_space<vmem>>)
    %add3A_463 = arith.constant 4608 : i32
    %add3A_464 = arith.addi %mul3A_2, %add3A_463 : i32
    %dma_start3A_465 = arith.constant 1 : i32
    %dma_start3A_466 = arith.constant 0 : i32
    %dma_start3A_467 = arith.constant 0 : i32
    %dma_start3A_468 = tpu.memref_slice %arg6[%dma_start3A_465, %dma_start3A_466, %dma_start3A_467] : memref<2x512x64xf32, #tpu.memory_space<vmem>> -> memref<1x512x64xf32, #tpu.memory_space<vmem>>
    %dma_start3A_469 = tpu.memref_squeeze %dma_start3A_468 : memref<1x512x64xf32, #tpu.memory_space<vmem>> -> memref<512x64xf32, #tpu.memory_space<vmem>>
    %dma_start3A_470 = arith.constant 0 : i32
    %dma_start3A_471 = tpu.memref_slice %arg4[%add3A_464, %dma_start3A_470] : memref<327680x64xf32, #tpu.memory_space<hbm>> -> memref<512x64xf32, #tpu.memory_space<hbm>>
    %dma_start3A_472 = arith.constant 0 : i32
    %dma_start3A_473 = tpu.memref_slice %arg4[%add3A_464, %dma_start3A_472] : memref<327680x64xf32, #tpu.memory_space<hbm>> -> memref<512x64xf32, #tpu.memory_space<hbm>>
    %dma_start3A_474 = arith.constant 0 : i32
    %dma_start3A_475 = arith.constant 0 : i32
    %dma_start3A_476 = tpu.memref_slice %arg6[%dma_start3A_465, %dma_start3A_474, %dma_start3A_475] : memref<2x512x64xf32, #tpu.memory_space<vmem>> -> memref<1x512x64xf32, #tpu.memory_space<vmem>>
    %dma_start3A_477 = tpu.memref_squeeze %dma_start3A_476 : memref<1x512x64xf32, #tpu.memory_space<vmem>> -> memref<512x64xf32, #tpu.memory_space<vmem>>
    tpu.enqueue_dma source(%dma_start3A_477 : memref<512x64xf32, #tpu.memory_space<vmem>>) target(%dma_start3A_473 : memref<512x64xf32, #tpu.memory_space<hbm>>) target_semaphore(%arg8 : memref<!tpu.dma_semaphore, #tpu.memory_space<semaphore_mem>>)
    %dma_wait3A_478 = arith.constant 1 : i32
    %dma_wait3A_479 = arith.constant 0 : i32
    %dma_wait3A_480 = arith.constant 0 : i32
    %dma_wait3A_481 = tpu.memref_slice %arg6[%dma_wait3A_478, %dma_wait3A_479, %dma_wait3A_480] : memref<2x512x64xf32, #tpu.memory_space<vmem>> -> memref<1x512x64xf32, #tpu.memory_space<vmem>>
    %dma_wait3A_482 = tpu.memref_squeeze %dma_wait3A_481 : memref<1x512x64xf32, #tpu.memory_space<vmem>> -> memref<512x64xf32, #tpu.memory_space<vmem>>
    %dma_wait3A_483 = arith.constant 0 : i32
    %dma_wait3A_484 = tpu.memref_slice %arg4[%add3A_464, %dma_wait3A_483] : memref<327680x64xf32, #tpu.memory_space<hbm>> -> memref<512x64xf32, #tpu.memory_space<hbm>>
    %dma_wait3A_485 = arith.constant 0 : i32
    %dma_wait3A_486 = tpu.memref_slice %arg4[%add3A_464, %dma_wait3A_485] : memref<327680x64xf32, #tpu.memory_space<hbm>> -> memref<512x64xf32, #tpu.memory_space<hbm>>
    %dma_wait3A_487 = arith.constant 0 : i32
    %dma_wait3A_488 = arith.constant 0 : i32
    %dma_wait3A_489 = tpu.memref_slice %arg6[%dma_wait3A_478, %dma_wait3A_487, %dma_wait3A_488] : memref<2x512x64xf32, #tpu.memory_space<vmem>> -> memref<1x512x64xf32, #tpu.memory_space<vmem>>
    %dma_wait3A_490 = tpu.memref_squeeze %dma_wait3A_489 : memref<1x512x64xf32, #tpu.memory_space<vmem>> -> memref<512x64xf32, #tpu.memory_space<vmem>>
    tpu.wait_dma2 semaphore(%arg8 : memref<!tpu.dma_semaphore, #tpu.memory_space<semaphore_mem>>) src(%dma_wait3A_490 : memref<512x64xf32, #tpu.memory_space<vmem>>) dst(%dma_wait3A_486 : memref<512x64xf32, #tpu.memory_space<hbm>>)
    %dma_start3A_491 = arith.constant 1 : i32
    %dma_start3A_492 = arith.constant 0 : i32
    %dma_start3A_493 = arith.constant 0 : i32
    %dma_start3A_494 = tpu.memref_slice %arg6[%dma_start3A_491, %dma_start3A_492, %dma_start3A_493] : memref<2x512x64xf32, #tpu.memory_space<vmem>> -> memref<1x512x64xf32, #tpu.memory_space<vmem>>
    %dma_start3A_495 = tpu.memref_squeeze %dma_start3A_494 : memref<1x512x64xf32, #tpu.memory_space<vmem>> -> memref<512x64xf32, #tpu.memory_space<vmem>>
    %dma_start3A_496 = arith.constant 5632 : i32
    %dma_start3A_497 = tpu.memref_slice %arg5[%dma_start3A_496] : memref<10240xi32, #tpu.memory_space<vmem>> -> memref<512xi32, #tpu.memory_space<vmem>>
    %dma_start3A_498 = arith.constant 0 : i32
    %dma_start3A_499 = arith.constant 0 : i32
    %dma_start3A_500 = tpu.memref_slice %arg3[%dma_start3A_498, %dma_start3A_499] : memref<1000000x64xf32, #tpu.memory_space<hbm>> -> memref<1000000x64xf32, #tpu.memory_space<hbm>>
    tpu.enqueue_indirect_dma source(%dma_start3A_500 : memref<1000000x64xf32, #tpu.memory_space<hbm>>) target(%dma_start3A_495 : memref<512x64xf32, #tpu.memory_space<vmem>>) offsets(%dma_start3A_497 : memref<512xi32, #tpu.memory_space<vmem>>) semaphore(%arg7 : memref<!tpu.dma_semaphore, #tpu.memory_space<semaphore_mem>>)
    %dma_wait3A_501 = arith.constant 0 : i32
    %dma_wait3A_502 = arith.constant 0 : i32
    %dma_wait3A_503 = arith.constant 0 : i32
    %dma_wait3A_504 = tpu.memref_slice %arg6[%dma_wait3A_501, %dma_wait3A_502, %dma_wait3A_503] : memref<2x512x64xf32, #tpu.memory_space<vmem>> -> memref<1x512x64xf32, #tpu.memory_space<vmem>>
    %dma_wait3A_505 = tpu.memref_squeeze %dma_wait3A_504 : memref<1x512x64xf32, #tpu.memory_space<vmem>> -> memref<512x64xf32, #tpu.memory_space<vmem>>
    %dma_wait3A_506 = arith.constant 5120 : i32
    %dma_wait3A_507 = tpu.memref_slice %arg5[%dma_wait3A_506] : memref<10240xi32, #tpu.memory_space<vmem>> -> memref<512xi32, #tpu.memory_space<vmem>>
    %dma_wait3A_508 = arith.constant 0 : i32
    %dma_wait3A_509 = arith.constant 0 : i32
    %dma_wait3A_510 = tpu.memref_slice %arg3[%dma_wait3A_508, %dma_wait3A_509] : memref<1000000x64xf32, #tpu.memory_space<hbm>> -> memref<1000000x64xf32, #tpu.memory_space<hbm>>
    tpu.wait_indirect_dma semaphore(%arg7 : memref<!tpu.dma_semaphore, #tpu.memory_space<semaphore_mem>>) src(%dma_wait3A_510 : memref<1000000x64xf32, #tpu.memory_space<hbm>>) dst(%dma_wait3A_505 : memref<512x64xf32, #tpu.memory_space<vmem>>)
    %add3A_511 = arith.constant 5120 : i32
    %add3A_512 = arith.addi %mul3A_2, %add3A_511 : i32
    %dma_start3A_513 = arith.constant 0 : i32
    %dma_start3A_514 = arith.constant 0 : i32
    %dma_start3A_515 = arith.constant 0 : i32
    %dma_start3A_516 = tpu.memref_slice %arg6[%dma_start3A_513, %dma_start3A_514, %dma_start3A_515] : memref<2x512x64xf32, #tpu.memory_space<vmem>> -> memref<1x512x64xf32, #tpu.memory_space<vmem>>
    %dma_start3A_517 = tpu.memref_squeeze %dma_start3A_516 : memref<1x512x64xf32, #tpu.memory_space<vmem>> -> memref<512x64xf32, #tpu.memory_space<vmem>>
    %dma_start3A_518 = arith.constant 0 : i32
    %dma_start3A_519 = tpu.memref_slice %arg4[%add3A_512, %dma_start3A_518] : memref<327680x64xf32, #tpu.memory_space<hbm>> -> memref<512x64xf32, #tpu.memory_space<hbm>>
    %dma_start3A_520 = arith.constant 0 : i32
    %dma_start3A_521 = tpu.memref_slice %arg4[%add3A_512, %dma_start3A_520] : memref<327680x64xf32, #tpu.memory_space<hbm>> -> memref<512x64xf32, #tpu.memory_space<hbm>>
    %dma_start3A_522 = arith.constant 0 : i32
    %dma_start3A_523 = arith.constant 0 : i32
    %dma_start3A_524 = tpu.memref_slice %arg6[%dma_start3A_513, %dma_start3A_522, %dma_start3A_523] : memref<2x512x64xf32, #tpu.memory_space<vmem>> -> memref<1x512x64xf32, #tpu.memory_space<vmem>>
    %dma_start3A_525 = tpu.memref_squeeze %dma_start3A_524 : memref<1x512x64xf32, #tpu.memory_space<vmem>> -> memref<512x64xf32, #tpu.memory_space<vmem>>
    tpu.enqueue_dma source(%dma_start3A_525 : memref<512x64xf32, #tpu.memory_space<vmem>>) target(%dma_start3A_521 : memref<512x64xf32, #tpu.memory_space<hbm>>) target_semaphore(%arg8 : memref<!tpu.dma_semaphore, #tpu.memory_space<semaphore_mem>>)
    %dma_wait3A_526 = arith.constant 0 : i32
    %dma_wait3A_527 = arith.constant 0 : i32
    %dma_wait3A_528 = arith.constant 0 : i32
    %dma_wait3A_529 = tpu.memref_slice %arg6[%dma_wait3A_526, %dma_wait3A_527, %dma_wait3A_528] : memref<2x512x64xf32, #tpu.memory_space<vmem>> -> memref<1x512x64xf32, #tpu.memory_space<vmem>>
    %dma_wait3A_530 = tpu.memref_squeeze %dma_wait3A_529 : memref<1x512x64xf32, #tpu.memory_space<vmem>> -> memref<512x64xf32, #tpu.memory_space<vmem>>
    %dma_wait3A_531 = arith.constant 0 : i32
    %dma_wait3A_532 = tpu.memref_slice %arg4[%add3A_512, %dma_wait3A_531] : memref<327680x64xf32, #tpu.memory_space<hbm>> -> memref<512x64xf32, #tpu.memory_space<hbm>>
    %dma_wait3A_533 = arith.constant 0 : i32
    %dma_wait3A_534 = tpu.memref_slice %arg4[%add3A_512, %dma_wait3A_533] : memref<327680x64xf32, #tpu.memory_space<hbm>> -> memref<512x64xf32, #tpu.memory_space<hbm>>
    %dma_wait3A_535 = arith.constant 0 : i32
    %dma_wait3A_536 = arith.constant 0 : i32
    %dma_wait3A_537 = tpu.memref_slice %arg6[%dma_wait3A_526, %dma_wait3A_535, %dma_wait3A_536] : memref<2x512x64xf32, #tpu.memory_space<vmem>> -> memref<1x512x64xf32, #tpu.memory_space<vmem>>
    %dma_wait3A_538 = tpu.memref_squeeze %dma_wait3A_537 : memref<1x512x64xf32, #tpu.memory_space<vmem>> -> memref<512x64xf32, #tpu.memory_space<vmem>>
    tpu.wait_dma2 semaphore(%arg8 : memref<!tpu.dma_semaphore, #tpu.memory_space<semaphore_mem>>) src(%dma_wait3A_538 : memref<512x64xf32, #tpu.memory_space<vmem>>) dst(%dma_wait3A_534 : memref<512x64xf32, #tpu.memory_space<hbm>>)
    %dma_start3A_539 = arith.constant 0 : i32
    %dma_start3A_540 = arith.constant 0 : i32
    %dma_start3A_541 = arith.constant 0 : i32
    %dma_start3A_542 = tpu.memref_slice %arg6[%dma_start3A_539, %dma_start3A_540, %dma_start3A_541] : memref<2x512x64xf32, #tpu.memory_space<vmem>> -> memref<1x512x64xf32, #tpu.memory_space<vmem>>
    %dma_start3A_543 = tpu.memref_squeeze %dma_start3A_542 : memref<1x512x64xf32, #tpu.memory_space<vmem>> -> memref<512x64xf32, #tpu.memory_space<vmem>>
    %dma_start3A_544 = arith.constant 6144 : i32
    %dma_start3A_545 = tpu.memref_slice %arg5[%dma_start3A_544] : memref<10240xi32, #tpu.memory_space<vmem>> -> memref<512xi32, #tpu.memory_space<vmem>>
    %dma_start3A_546 = arith.constant 0 : i32
    %dma_start3A_547 = arith.constant 0 : i32
    %dma_start3A_548 = tpu.memref_slice %arg3[%dma_start3A_546, %dma_start3A_547] : memref<1000000x64xf32, #tpu.memory_space<hbm>> -> memref<1000000x64xf32, #tpu.memory_space<hbm>>
    tpu.enqueue_indirect_dma source(%dma_start3A_548 : memref<1000000x64xf32, #tpu.memory_space<hbm>>) target(%dma_start3A_543 : memref<512x64xf32, #tpu.memory_space<vmem>>) offsets(%dma_start3A_545 : memref<512xi32, #tpu.memory_space<vmem>>) semaphore(%arg7 : memref<!tpu.dma_semaphore, #tpu.memory_space<semaphore_mem>>)
    %dma_wait3A_549 = arith.constant 1 : i32
    %dma_wait3A_550 = arith.constant 0 : i32
    %dma_wait3A_551 = arith.constant 0 : i32
    %dma_wait3A_552 = tpu.memref_slice %arg6[%dma_wait3A_549, %dma_wait3A_550, %dma_wait3A_551] : memref<2x512x64xf32, #tpu.memory_space<vmem>> -> memref<1x512x64xf32, #tpu.memory_space<vmem>>
    %dma_wait3A_553 = tpu.memref_squeeze %dma_wait3A_552 : memref<1x512x64xf32, #tpu.memory_space<vmem>> -> memref<512x64xf32, #tpu.memory_space<vmem>>
    %dma_wait3A_554 = arith.constant 5632 : i32
    %dma_wait3A_555 = tpu.memref_slice %arg5[%dma_wait3A_554] : memref<10240xi32, #tpu.memory_space<vmem>> -> memref<512xi32, #tpu.memory_space<vmem>>
    %dma_wait3A_556 = arith.constant 0 : i32
    %dma_wait3A_557 = arith.constant 0 : i32
    %dma_wait3A_558 = tpu.memref_slice %arg3[%dma_wait3A_556, %dma_wait3A_557] : memref<1000000x64xf32, #tpu.memory_space<hbm>> -> memref<1000000x64xf32, #tpu.memory_space<hbm>>
    tpu.wait_indirect_dma semaphore(%arg7 : memref<!tpu.dma_semaphore, #tpu.memory_space<semaphore_mem>>) src(%dma_wait3A_558 : memref<1000000x64xf32, #tpu.memory_space<hbm>>) dst(%dma_wait3A_553 : memref<512x64xf32, #tpu.memory_space<vmem>>)
    %add3A_559 = arith.constant 5632 : i32
    %add3A_560 = arith.addi %mul3A_2, %add3A_559 : i32
    %dma_start3A_561 = arith.constant 1 : i32
    %dma_start3A_562 = arith.constant 0 : i32
    %dma_start3A_563 = arith.constant 0 : i32
    %dma_start3A_564 = tpu.memref_slice %arg6[%dma_start3A_561, %dma_start3A_562, %dma_start3A_563] : memref<2x512x64xf32, #tpu.memory_space<vmem>> -> memref<1x512x64xf32, #tpu.memory_space<vmem>>
    %dma_start3A_565 = tpu.memref_squeeze %dma_start3A_564 : memref<1x512x64xf32, #tpu.memory_space<vmem>> -> memref<512x64xf32, #tpu.memory_space<vmem>>
    %dma_start3A_566 = arith.constant 0 : i32
    %dma_start3A_567 = tpu.memref_slice %arg4[%add3A_560, %dma_start3A_566] : memref<327680x64xf32, #tpu.memory_space<hbm>> -> memref<512x64xf32, #tpu.memory_space<hbm>>
    %dma_start3A_568 = arith.constant 0 : i32
    %dma_start3A_569 = tpu.memref_slice %arg4[%add3A_560, %dma_start3A_568] : memref<327680x64xf32, #tpu.memory_space<hbm>> -> memref<512x64xf32, #tpu.memory_space<hbm>>
    %dma_start3A_570 = arith.constant 0 : i32
    %dma_start3A_571 = arith.constant 0 : i32
    %dma_start3A_572 = tpu.memref_slice %arg6[%dma_start3A_561, %dma_start3A_570, %dma_start3A_571] : memref<2x512x64xf32, #tpu.memory_space<vmem>> -> memref<1x512x64xf32, #tpu.memory_space<vmem>>
    %dma_start3A_573 = tpu.memref_squeeze %dma_start3A_572 : memref<1x512x64xf32, #tpu.memory_space<vmem>> -> memref<512x64xf32, #tpu.memory_space<vmem>>
    tpu.enqueue_dma source(%dma_start3A_573 : memref<512x64xf32, #tpu.memory_space<vmem>>) target(%dma_start3A_569 : memref<512x64xf32, #tpu.memory_space<hbm>>) target_semaphore(%arg8 : memref<!tpu.dma_semaphore, #tpu.memory_space<semaphore_mem>>)
    %dma_wait3A_574 = arith.constant 1 : i32
    %dma_wait3A_575 = arith.constant 0 : i32
    %dma_wait3A_576 = arith.constant 0 : i32
    %dma_wait3A_577 = tpu.memref_slice %arg6[%dma_wait3A_574, %dma_wait3A_575, %dma_wait3A_576] : memref<2x512x64xf32, #tpu.memory_space<vmem>> -> memref<1x512x64xf32, #tpu.memory_space<vmem>>
    %dma_wait3A_578 = tpu.memref_squeeze %dma_wait3A_577 : memref<1x512x64xf32, #tpu.memory_space<vmem>> -> memref<512x64xf32, #tpu.memory_space<vmem>>
    %dma_wait3A_579 = arith.constant 0 : i32
    %dma_wait3A_580 = tpu.memref_slice %arg4[%add3A_560, %dma_wait3A_579] : memref<327680x64xf32, #tpu.memory_space<hbm>> -> memref<512x64xf32, #tpu.memory_space<hbm>>
    %dma_wait3A_581 = arith.constant 0 : i32
    %dma_wait3A_582 = tpu.memref_slice %arg4[%add3A_560, %dma_wait3A_581] : memref<327680x64xf32, #tpu.memory_space<hbm>> -> memref<512x64xf32, #tpu.memory_space<hbm>>
    %dma_wait3A_583 = arith.constant 0 : i32
    %dma_wait3A_584 = arith.constant 0 : i32
    %dma_wait3A_585 = tpu.memref_slice %arg6[%dma_wait3A_574, %dma_wait3A_583, %dma_wait3A_584] : memref<2x512x64xf32, #tpu.memory_space<vmem>> -> memref<1x512x64xf32, #tpu.memory_space<vmem>>
    %dma_wait3A_586 = tpu.memref_squeeze %dma_wait3A_585 : memref<1x512x64xf32, #tpu.memory_space<vmem>> -> memref<512x64xf32, #tpu.memory_space<vmem>>
    tpu.wait_dma2 semaphore(%arg8 : memref<!tpu.dma_semaphore, #tpu.memory_space<semaphore_mem>>) src(%dma_wait3A_586 : memref<512x64xf32, #tpu.memory_space<vmem>>) dst(%dma_wait3A_582 : memref<512x64xf32, #tpu.memory_space<hbm>>)
    %dma_start3A_587 = arith.constant 1 : i32
    %dma_start3A_588 = arith.constant 0 : i32
    %dma_start3A_589 = arith.constant 0 : i32
    %dma_start3A_590 = tpu.memref_slice %arg6[%dma_start3A_587, %dma_start3A_588, %dma_start3A_589] : memref<2x512x64xf32, #tpu.memory_space<vmem>> -> memref<1x512x64xf32, #tpu.memory_space<vmem>>
    %dma_start3A_591 = tpu.memref_squeeze %dma_start3A_590 : memref<1x512x64xf32, #tpu.memory_space<vmem>> -> memref<512x64xf32, #tpu.memory_space<vmem>>
    %dma_start3A_592 = arith.constant 6656 : i32
    %dma_start3A_593 = tpu.memref_slice %arg5[%dma_start3A_592] : memref<10240xi32, #tpu.memory_space<vmem>> -> memref<512xi32, #tpu.memory_space<vmem>>
    %dma_start3A_594 = arith.constant 0 : i32
    %dma_start3A_595 = arith.constant 0 : i32
    %dma_start3A_596 = tpu.memref_slice %arg3[%dma_start3A_594, %dma_start3A_595] : memref<1000000x64xf32, #tpu.memory_space<hbm>> -> memref<1000000x64xf32, #tpu.memory_space<hbm>>
    tpu.enqueue_indirect_dma source(%dma_start3A_596 : memref<1000000x64xf32, #tpu.memory_space<hbm>>) target(%dma_start3A_591 : memref<512x64xf32, #tpu.memory_space<vmem>>) offsets(%dma_start3A_593 : memref<512xi32, #tpu.memory_space<vmem>>) semaphore(%arg7 : memref<!tpu.dma_semaphore, #tpu.memory_space<semaphore_mem>>)
    %dma_wait3A_597 = arith.constant 0 : i32
    %dma_wait3A_598 = arith.constant 0 : i32
    %dma_wait3A_599 = arith.constant 0 : i32
    %dma_wait3A_600 = tpu.memref_slice %arg6[%dma_wait3A_597, %dma_wait3A_598, %dma_wait3A_599] : memref<2x512x64xf32, #tpu.memory_space<vmem>> -> memref<1x512x64xf32, #tpu.memory_space<vmem>>
    %dma_wait3A_601 = tpu.memref_squeeze %dma_wait3A_600 : memref<1x512x64xf32, #tpu.memory_space<vmem>> -> memref<512x64xf32, #tpu.memory_space<vmem>>
    %dma_wait3A_602 = arith.constant 6144 : i32
    %dma_wait3A_603 = tpu.memref_slice %arg5[%dma_wait3A_602] : memref<10240xi32, #tpu.memory_space<vmem>> -> memref<512xi32, #tpu.memory_space<vmem>>
    %dma_wait3A_604 = arith.constant 0 : i32
    %dma_wait3A_605 = arith.constant 0 : i32
    %dma_wait3A_606 = tpu.memref_slice %arg3[%dma_wait3A_604, %dma_wait3A_605] : memref<1000000x64xf32, #tpu.memory_space<hbm>> -> memref<1000000x64xf32, #tpu.memory_space<hbm>>
    tpu.wait_indirect_dma semaphore(%arg7 : memref<!tpu.dma_semaphore, #tpu.memory_space<semaphore_mem>>) src(%dma_wait3A_606 : memref<1000000x64xf32, #tpu.memory_space<hbm>>) dst(%dma_wait3A_601 : memref<512x64xf32, #tpu.memory_space<vmem>>)
    %add3A_607 = arith.constant 6144 : i32
    %add3A_608 = arith.addi %mul3A_2, %add3A_607 : i32
    %dma_start3A_609 = arith.constant 0 : i32
    %dma_start3A_610 = arith.constant 0 : i32
    %dma_start3A_611 = arith.constant 0 : i32
    %dma_start3A_612 = tpu.memref_slice %arg6[%dma_start3A_609, %dma_start3A_610, %dma_start3A_611] : memref<2x512x64xf32, #tpu.memory_space<vmem>> -> memref<1x512x64xf32, #tpu.memory_space<vmem>>
    %dma_start3A_613 = tpu.memref_squeeze %dma_start3A_612 : memref<1x512x64xf32, #tpu.memory_space<vmem>> -> memref<512x64xf32, #tpu.memory_space<vmem>>
    %dma_start3A_614 = arith.constant 0 : i32
    %dma_start3A_615 = tpu.memref_slice %arg4[%add3A_608, %dma_start3A_614] : memref<327680x64xf32, #tpu.memory_space<hbm>> -> memref<512x64xf32, #tpu.memory_space<hbm>>
    %dma_start3A_616 = arith.constant 0 : i32
    %dma_start3A_617 = tpu.memref_slice %arg4[%add3A_608, %dma_start3A_616] : memref<327680x64xf32, #tpu.memory_space<hbm>> -> memref<512x64xf32, #tpu.memory_space<hbm>>
    %dma_start3A_618 = arith.constant 0 : i32
    %dma_start3A_619 = arith.constant 0 : i32
    %dma_start3A_620 = tpu.memref_slice %arg6[%dma_start3A_609, %dma_start3A_618, %dma_start3A_619] : memref<2x512x64xf32, #tpu.memory_space<vmem>> -> memref<1x512x64xf32, #tpu.memory_space<vmem>>
    %dma_start3A_621 = tpu.memref_squeeze %dma_start3A_620 : memref<1x512x64xf32, #tpu.memory_space<vmem>> -> memref<512x64xf32, #tpu.memory_space<vmem>>
    tpu.enqueue_dma source(%dma_start3A_621 : memref<512x64xf32, #tpu.memory_space<vmem>>) target(%dma_start3A_617 : memref<512x64xf32, #tpu.memory_space<hbm>>) target_semaphore(%arg8 : memref<!tpu.dma_semaphore, #tpu.memory_space<semaphore_mem>>)
    %dma_wait3A_622 = arith.constant 0 : i32
    %dma_wait3A_623 = arith.constant 0 : i32
    %dma_wait3A_624 = arith.constant 0 : i32
    %dma_wait3A_625 = tpu.memref_slice %arg6[%dma_wait3A_622, %dma_wait3A_623, %dma_wait3A_624] : memref<2x512x64xf32, #tpu.memory_space<vmem>> -> memref<1x512x64xf32, #tpu.memory_space<vmem>>
    %dma_wait3A_626 = tpu.memref_squeeze %dma_wait3A_625 : memref<1x512x64xf32, #tpu.memory_space<vmem>> -> memref<512x64xf32, #tpu.memory_space<vmem>>
    %dma_wait3A_627 = arith.constant 0 : i32
    %dma_wait3A_628 = tpu.memref_slice %arg4[%add3A_608, %dma_wait3A_627] : memref<327680x64xf32, #tpu.memory_space<hbm>> -> memref<512x64xf32, #tpu.memory_space<hbm>>
    %dma_wait3A_629 = arith.constant 0 : i32
    %dma_wait3A_630 = tpu.memref_slice %arg4[%add3A_608, %dma_wait3A_629] : memref<327680x64xf32, #tpu.memory_space<hbm>> -> memref<512x64xf32, #tpu.memory_space<hbm>>
    %dma_wait3A_631 = arith.constant 0 : i32
    %dma_wait3A_632 = arith.constant 0 : i32
    %dma_wait3A_633 = tpu.memref_slice %arg6[%dma_wait3A_622, %dma_wait3A_631, %dma_wait3A_632] : memref<2x512x64xf32, #tpu.memory_space<vmem>> -> memref<1x512x64xf32, #tpu.memory_space<vmem>>
    %dma_wait3A_634 = tpu.memref_squeeze %dma_wait3A_633 : memref<1x512x64xf32, #tpu.memory_space<vmem>> -> memref<512x64xf32, #tpu.memory_space<vmem>>
    tpu.wait_dma2 semaphore(%arg8 : memref<!tpu.dma_semaphore, #tpu.memory_space<semaphore_mem>>) src(%dma_wait3A_634 : memref<512x64xf32, #tpu.memory_space<vmem>>) dst(%dma_wait3A_630 : memref<512x64xf32, #tpu.memory_space<hbm>>)
    %dma_start3A_635 = arith.constant 0 : i32
    %dma_start3A_636 = arith.constant 0 : i32
    %dma_start3A_637 = arith.constant 0 : i32
    %dma_start3A_638 = tpu.memref_slice %arg6[%dma_start3A_635, %dma_start3A_636, %dma_start3A_637] : memref<2x512x64xf32, #tpu.memory_space<vmem>> -> memref<1x512x64xf32, #tpu.memory_space<vmem>>
    %dma_start3A_639 = tpu.memref_squeeze %dma_start3A_638 : memref<1x512x64xf32, #tpu.memory_space<vmem>> -> memref<512x64xf32, #tpu.memory_space<vmem>>
    %dma_start3A_640 = arith.constant 7168 : i32
    %dma_start3A_641 = tpu.memref_slice %arg5[%dma_start3A_640] : memref<10240xi32, #tpu.memory_space<vmem>> -> memref<512xi32, #tpu.memory_space<vmem>>
    %dma_start3A_642 = arith.constant 0 : i32
    %dma_start3A_643 = arith.constant 0 : i32
    %dma_start3A_644 = tpu.memref_slice %arg3[%dma_start3A_642, %dma_start3A_643] : memref<1000000x64xf32, #tpu.memory_space<hbm>> -> memref<1000000x64xf32, #tpu.memory_space<hbm>>
    tpu.enqueue_indirect_dma source(%dma_start3A_644 : memref<1000000x64xf32, #tpu.memory_space<hbm>>) target(%dma_start3A_639 : memref<512x64xf32, #tpu.memory_space<vmem>>) offsets(%dma_start3A_641 : memref<512xi32, #tpu.memory_space<vmem>>) semaphore(%arg7 : memref<!tpu.dma_semaphore, #tpu.memory_space<semaphore_mem>>)
    %dma_wait3A_645 = arith.constant 1 : i32
    %dma_wait3A_646 = arith.constant 0 : i32
    %dma_wait3A_647 = arith.constant 0 : i32
    %dma_wait3A_648 = tpu.memref_slice %arg6[%dma_wait3A_645, %dma_wait3A_646, %dma_wait3A_647] : memref<2x512x64xf32, #tpu.memory_space<vmem>> -> memref<1x512x64xf32, #tpu.memory_space<vmem>>
    %dma_wait3A_649 = tpu.memref_squeeze %dma_wait3A_648 : memref<1x512x64xf32, #tpu.memory_space<vmem>> -> memref<512x64xf32, #tpu.memory_space<vmem>>
    %dma_wait3A_650 = arith.constant 6656 : i32
    %dma_wait3A_651 = tpu.memref_slice %arg5[%dma_wait3A_650] : memref<10240xi32, #tpu.memory_space<vmem>> -> memref<512xi32, #tpu.memory_space<vmem>>
    %dma_wait3A_652 = arith.constant 0 : i32
    %dma_wait3A_653 = arith.constant 0 : i32
    %dma_wait3A_654 = tpu.memref_slice %arg3[%dma_wait3A_652, %dma_wait3A_653] : memref<1000000x64xf32, #tpu.memory_space<hbm>> -> memref<1000000x64xf32, #tpu.memory_space<hbm>>
    tpu.wait_indirect_dma semaphore(%arg7 : memref<!tpu.dma_semaphore, #tpu.memory_space<semaphore_mem>>) src(%dma_wait3A_654 : memref<1000000x64xf32, #tpu.memory_space<hbm>>) dst(%dma_wait3A_649 : memref<512x64xf32, #tpu.memory_space<vmem>>)
    %add3A_655 = arith.constant 6656 : i32
    %add3A_656 = arith.addi %mul3A_2, %add3A_655 : i32
    %dma_start3A_657 = arith.constant 1 : i32
    %dma_start3A_658 = arith.constant 0 : i32
    %dma_start3A_659 = arith.constant 0 : i32
    %dma_start3A_660 = tpu.memref_slice %arg6[%dma_start3A_657, %dma_start3A_658, %dma_start3A_659] : memref<2x512x64xf32, #tpu.memory_space<vmem>> -> memref<1x512x64xf32, #tpu.memory_space<vmem>>
    %dma_start3A_661 = tpu.memref_squeeze %dma_start3A_660 : memref<1x512x64xf32, #tpu.memory_space<vmem>> -> memref<512x64xf32, #tpu.memory_space<vmem>>
    %dma_start3A_662 = arith.constant 0 : i32
    %dma_start3A_663 = tpu.memref_slice %arg4[%add3A_656, %dma_start3A_662] : memref<327680x64xf32, #tpu.memory_space<hbm>> -> memref<512x64xf32, #tpu.memory_space<hbm>>
    %dma_start3A_664 = arith.constant 0 : i32
    %dma_start3A_665 = tpu.memref_slice %arg4[%add3A_656, %dma_start3A_664] : memref<327680x64xf32, #tpu.memory_space<hbm>> -> memref<512x64xf32, #tpu.memory_space<hbm>>
    %dma_start3A_666 = arith.constant 0 : i32
    %dma_start3A_667 = arith.constant 0 : i32
    %dma_start3A_668 = tpu.memref_slice %arg6[%dma_start3A_657, %dma_start3A_666, %dma_start3A_667] : memref<2x512x64xf32, #tpu.memory_space<vmem>> -> memref<1x512x64xf32, #tpu.memory_space<vmem>>
    %dma_start3A_669 = tpu.memref_squeeze %dma_start3A_668 : memref<1x512x64xf32, #tpu.memory_space<vmem>> -> memref<512x64xf32, #tpu.memory_space<vmem>>
    tpu.enqueue_dma source(%dma_start3A_669 : memref<512x64xf32, #tpu.memory_space<vmem>>) target(%dma_start3A_665 : memref<512x64xf32, #tpu.memory_space<hbm>>) target_semaphore(%arg8 : memref<!tpu.dma_semaphore, #tpu.memory_space<semaphore_mem>>)
    %dma_wait3A_670 = arith.constant 1 : i32
    %dma_wait3A_671 = arith.constant 0 : i32
    %dma_wait3A_672 = arith.constant 0 : i32
    %dma_wait3A_673 = tpu.memref_slice %arg6[%dma_wait3A_670, %dma_wait3A_671, %dma_wait3A_672] : memref<2x512x64xf32, #tpu.memory_space<vmem>> -> memref<1x512x64xf32, #tpu.memory_space<vmem>>
    %dma_wait3A_674 = tpu.memref_squeeze %dma_wait3A_673 : memref<1x512x64xf32, #tpu.memory_space<vmem>> -> memref<512x64xf32, #tpu.memory_space<vmem>>
    %dma_wait3A_675 = arith.constant 0 : i32
    %dma_wait3A_676 = tpu.memref_slice %arg4[%add3A_656, %dma_wait3A_675] : memref<327680x64xf32, #tpu.memory_space<hbm>> -> memref<512x64xf32, #tpu.memory_space<hbm>>
    %dma_wait3A_677 = arith.constant 0 : i32
    %dma_wait3A_678 = tpu.memref_slice %arg4[%add3A_656, %dma_wait3A_677] : memref<327680x64xf32, #tpu.memory_space<hbm>> -> memref<512x64xf32, #tpu.memory_space<hbm>>
    %dma_wait3A_679 = arith.constant 0 : i32
    %dma_wait3A_680 = arith.constant 0 : i32
    %dma_wait3A_681 = tpu.memref_slice %arg6[%dma_wait3A_670, %dma_wait3A_679, %dma_wait3A_680] : memref<2x512x64xf32, #tpu.memory_space<vmem>> -> memref<1x512x64xf32, #tpu.memory_space<vmem>>
    %dma_wait3A_682 = tpu.memref_squeeze %dma_wait3A_681 : memref<1x512x64xf32, #tpu.memory_space<vmem>> -> memref<512x64xf32, #tpu.memory_space<vmem>>
    tpu.wait_dma2 semaphore(%arg8 : memref<!tpu.dma_semaphore, #tpu.memory_space<semaphore_mem>>) src(%dma_wait3A_682 : memref<512x64xf32, #tpu.memory_space<vmem>>) dst(%dma_wait3A_678 : memref<512x64xf32, #tpu.memory_space<hbm>>)
    %dma_start3A_683 = arith.constant 1 : i32
    %dma_start3A_684 = arith.constant 0 : i32
    %dma_start3A_685 = arith.constant 0 : i32
    %dma_start3A_686 = tpu.memref_slice %arg6[%dma_start3A_683, %dma_start3A_684, %dma_start3A_685] : memref<2x512x64xf32, #tpu.memory_space<vmem>> -> memref<1x512x64xf32, #tpu.memory_space<vmem>>
    %dma_start3A_687 = tpu.memref_squeeze %dma_start3A_686 : memref<1x512x64xf32, #tpu.memory_space<vmem>> -> memref<512x64xf32, #tpu.memory_space<vmem>>
    %dma_start3A_688 = arith.constant 7680 : i32
    %dma_start3A_689 = tpu.memref_slice %arg5[%dma_start3A_688] : memref<10240xi32, #tpu.memory_space<vmem>> -> memref<512xi32, #tpu.memory_space<vmem>>
    %dma_start3A_690 = arith.constant 0 : i32
    %dma_start3A_691 = arith.constant 0 : i32
    %dma_start3A_692 = tpu.memref_slice %arg3[%dma_start3A_690, %dma_start3A_691] : memref<1000000x64xf32, #tpu.memory_space<hbm>> -> memref<1000000x64xf32, #tpu.memory_space<hbm>>
    tpu.enqueue_indirect_dma source(%dma_start3A_692 : memref<1000000x64xf32, #tpu.memory_space<hbm>>) target(%dma_start3A_687 : memref<512x64xf32, #tpu.memory_space<vmem>>) offsets(%dma_start3A_689 : memref<512xi32, #tpu.memory_space<vmem>>) semaphore(%arg7 : memref<!tpu.dma_semaphore, #tpu.memory_space<semaphore_mem>>)
    %dma_wait3A_693 = arith.constant 0 : i32
    %dma_wait3A_694 = arith.constant 0 : i32
    %dma_wait3A_695 = arith.constant 0 : i32
    %dma_wait3A_696 = tpu.memref_slice %arg6[%dma_wait3A_693, %dma_wait3A_694, %dma_wait3A_695] : memref<2x512x64xf32, #tpu.memory_space<vmem>> -> memref<1x512x64xf32, #tpu.memory_space<vmem>>
    %dma_wait3A_697 = tpu.memref_squeeze %dma_wait3A_696 : memref<1x512x64xf32, #tpu.memory_space<vmem>> -> memref<512x64xf32, #tpu.memory_space<vmem>>
    %dma_wait3A_698 = arith.constant 7168 : i32
    %dma_wait3A_699 = tpu.memref_slice %arg5[%dma_wait3A_698] : memref<10240xi32, #tpu.memory_space<vmem>> -> memref<512xi32, #tpu.memory_space<vmem>>
    %dma_wait3A_700 = arith.constant 0 : i32
    %dma_wait3A_701 = arith.constant 0 : i32
    %dma_wait3A_702 = tpu.memref_slice %arg3[%dma_wait3A_700, %dma_wait3A_701] : memref<1000000x64xf32, #tpu.memory_space<hbm>> -> memref<1000000x64xf32, #tpu.memory_space<hbm>>
    tpu.wait_indirect_dma semaphore(%arg7 : memref<!tpu.dma_semaphore, #tpu.memory_space<semaphore_mem>>) src(%dma_wait3A_702 : memref<1000000x64xf32, #tpu.memory_space<hbm>>) dst(%dma_wait3A_697 : memref<512x64xf32, #tpu.memory_space<vmem>>)
    %add3A_703 = arith.constant 7168 : i32
    %add3A_704 = arith.addi %mul3A_2, %add3A_703 : i32
    %dma_start3A_705 = arith.constant 0 : i32
    %dma_start3A_706 = arith.constant 0 : i32
    %dma_start3A_707 = arith.constant 0 : i32
    %dma_start3A_708 = tpu.memref_slice %arg6[%dma_start3A_705, %dma_start3A_706, %dma_start3A_707] : memref<2x512x64xf32, #tpu.memory_space<vmem>> -> memref<1x512x64xf32, #tpu.memory_space<vmem>>
    %dma_start3A_709 = tpu.memref_squeeze %dma_start3A_708 : memref<1x512x64xf32, #tpu.memory_space<vmem>> -> memref<512x64xf32, #tpu.memory_space<vmem>>
    %dma_start3A_710 = arith.constant 0 : i32
    %dma_start3A_711 = tpu.memref_slice %arg4[%add3A_704, %dma_start3A_710] : memref<327680x64xf32, #tpu.memory_space<hbm>> -> memref<512x64xf32, #tpu.memory_space<hbm>>
    %dma_start3A_712 = arith.constant 0 : i32
    %dma_start3A_713 = tpu.memref_slice %arg4[%add3A_704, %dma_start3A_712] : memref<327680x64xf32, #tpu.memory_space<hbm>> -> memref<512x64xf32, #tpu.memory_space<hbm>>
    %dma_start3A_714 = arith.constant 0 : i32
    %dma_start3A_715 = arith.constant 0 : i32
    %dma_start3A_716 = tpu.memref_slice %arg6[%dma_start3A_705, %dma_start3A_714, %dma_start3A_715] : memref<2x512x64xf32, #tpu.memory_space<vmem>> -> memref<1x512x64xf32, #tpu.memory_space<vmem>>
    %dma_start3A_717 = tpu.memref_squeeze %dma_start3A_716 : memref<1x512x64xf32, #tpu.memory_space<vmem>> -> memref<512x64xf32, #tpu.memory_space<vmem>>
    tpu.enqueue_dma source(%dma_start3A_717 : memref<512x64xf32, #tpu.memory_space<vmem>>) target(%dma_start3A_713 : memref<512x64xf32, #tpu.memory_space<hbm>>) target_semaphore(%arg8 : memref<!tpu.dma_semaphore, #tpu.memory_space<semaphore_mem>>)
    %dma_wait3A_718 = arith.constant 0 : i32
    %dma_wait3A_719 = arith.constant 0 : i32
    %dma_wait3A_720 = arith.constant 0 : i32
    %dma_wait3A_721 = tpu.memref_slice %arg6[%dma_wait3A_718, %dma_wait3A_719, %dma_wait3A_720] : memref<2x512x64xf32, #tpu.memory_space<vmem>> -> memref<1x512x64xf32, #tpu.memory_space<vmem>>
    %dma_wait3A_722 = tpu.memref_squeeze %dma_wait3A_721 : memref<1x512x64xf32, #tpu.memory_space<vmem>> -> memref<512x64xf32, #tpu.memory_space<vmem>>
    %dma_wait3A_723 = arith.constant 0 : i32
    %dma_wait3A_724 = tpu.memref_slice %arg4[%add3A_704, %dma_wait3A_723] : memref<327680x64xf32, #tpu.memory_space<hbm>> -> memref<512x64xf32, #tpu.memory_space<hbm>>
    %dma_wait3A_725 = arith.constant 0 : i32
    %dma_wait3A_726 = tpu.memref_slice %arg4[%add3A_704, %dma_wait3A_725] : memref<327680x64xf32, #tpu.memory_space<hbm>> -> memref<512x64xf32, #tpu.memory_space<hbm>>
    %dma_wait3A_727 = arith.constant 0 : i32
    %dma_wait3A_728 = arith.constant 0 : i32
    %dma_wait3A_729 = tpu.memref_slice %arg6[%dma_wait3A_718, %dma_wait3A_727, %dma_wait3A_728] : memref<2x512x64xf32, #tpu.memory_space<vmem>> -> memref<1x512x64xf32, #tpu.memory_space<vmem>>
    %dma_wait3A_730 = tpu.memref_squeeze %dma_wait3A_729 : memref<1x512x64xf32, #tpu.memory_space<vmem>> -> memref<512x64xf32, #tpu.memory_space<vmem>>
    tpu.wait_dma2 semaphore(%arg8 : memref<!tpu.dma_semaphore, #tpu.memory_space<semaphore_mem>>) src(%dma_wait3A_730 : memref<512x64xf32, #tpu.memory_space<vmem>>) dst(%dma_wait3A_726 : memref<512x64xf32, #tpu.memory_space<hbm>>)
    %dma_start3A_731 = arith.constant 0 : i32
    %dma_start3A_732 = arith.constant 0 : i32
    %dma_start3A_733 = arith.constant 0 : i32
    %dma_start3A_734 = tpu.memref_slice %arg6[%dma_start3A_731, %dma_start3A_732, %dma_start3A_733] : memref<2x512x64xf32, #tpu.memory_space<vmem>> -> memref<1x512x64xf32, #tpu.memory_space<vmem>>
    %dma_start3A_735 = tpu.memref_squeeze %dma_start3A_734 : memref<1x512x64xf32, #tpu.memory_space<vmem>> -> memref<512x64xf32, #tpu.memory_space<vmem>>
    %dma_start3A_736 = arith.constant 8192 : i32
    %dma_start3A_737 = tpu.memref_slice %arg5[%dma_start3A_736] : memref<10240xi32, #tpu.memory_space<vmem>> -> memref<512xi32, #tpu.memory_space<vmem>>
    %dma_start3A_738 = arith.constant 0 : i32
    %dma_start3A_739 = arith.constant 0 : i32
    %dma_start3A_740 = tpu.memref_slice %arg3[%dma_start3A_738, %dma_start3A_739] : memref<1000000x64xf32, #tpu.memory_space<hbm>> -> memref<1000000x64xf32, #tpu.memory_space<hbm>>
    tpu.enqueue_indirect_dma source(%dma_start3A_740 : memref<1000000x64xf32, #tpu.memory_space<hbm>>) target(%dma_start3A_735 : memref<512x64xf32, #tpu.memory_space<vmem>>) offsets(%dma_start3A_737 : memref<512xi32, #tpu.memory_space<vmem>>) semaphore(%arg7 : memref<!tpu.dma_semaphore, #tpu.memory_space<semaphore_mem>>)
    %dma_wait3A_741 = arith.constant 1 : i32
    %dma_wait3A_742 = arith.constant 0 : i32
    %dma_wait3A_743 = arith.constant 0 : i32
    %dma_wait3A_744 = tpu.memref_slice %arg6[%dma_wait3A_741, %dma_wait3A_742, %dma_wait3A_743] : memref<2x512x64xf32, #tpu.memory_space<vmem>> -> memref<1x512x64xf32, #tpu.memory_space<vmem>>
    %dma_wait3A_745 = tpu.memref_squeeze %dma_wait3A_744 : memref<1x512x64xf32, #tpu.memory_space<vmem>> -> memref<512x64xf32, #tpu.memory_space<vmem>>
    %dma_wait3A_746 = arith.constant 7680 : i32
    %dma_wait3A_747 = tpu.memref_slice %arg5[%dma_wait3A_746] : memref<10240xi32, #tpu.memory_space<vmem>> -> memref<512xi32, #tpu.memory_space<vmem>>
    %dma_wait3A_748 = arith.constant 0 : i32
    %dma_wait3A_749 = arith.constant 0 : i32
    %dma_wait3A_750 = tpu.memref_slice %arg3[%dma_wait3A_748, %dma_wait3A_749] : memref<1000000x64xf32, #tpu.memory_space<hbm>> -> memref<1000000x64xf32, #tpu.memory_space<hbm>>
    tpu.wait_indirect_dma semaphore(%arg7 : memref<!tpu.dma_semaphore, #tpu.memory_space<semaphore_mem>>) src(%dma_wait3A_750 : memref<1000000x64xf32, #tpu.memory_space<hbm>>) dst(%dma_wait3A_745 : memref<512x64xf32, #tpu.memory_space<vmem>>)
    %add3A_751 = arith.constant 7680 : i32
    %add3A_752 = arith.addi %mul3A_2, %add3A_751 : i32
    %dma_start3A_753 = arith.constant 1 : i32
    %dma_start3A_754 = arith.constant 0 : i32
    %dma_start3A_755 = arith.constant 0 : i32
    %dma_start3A_756 = tpu.memref_slice %arg6[%dma_start3A_753, %dma_start3A_754, %dma_start3A_755] : memref<2x512x64xf32, #tpu.memory_space<vmem>> -> memref<1x512x64xf32, #tpu.memory_space<vmem>>
    %dma_start3A_757 = tpu.memref_squeeze %dma_start3A_756 : memref<1x512x64xf32, #tpu.memory_space<vmem>> -> memref<512x64xf32, #tpu.memory_space<vmem>>
    %dma_start3A_758 = arith.constant 0 : i32
    %dma_start3A_759 = tpu.memref_slice %arg4[%add3A_752, %dma_start3A_758] : memref<327680x64xf32, #tpu.memory_space<hbm>> -> memref<512x64xf32, #tpu.memory_space<hbm>>
    %dma_start3A_760 = arith.constant 0 : i32
    %dma_start3A_761 = tpu.memref_slice %arg4[%add3A_752, %dma_start3A_760] : memref<327680x64xf32, #tpu.memory_space<hbm>> -> memref<512x64xf32, #tpu.memory_space<hbm>>
    %dma_start3A_762 = arith.constant 0 : i32
    %dma_start3A_763 = arith.constant 0 : i32
    %dma_start3A_764 = tpu.memref_slice %arg6[%dma_start3A_753, %dma_start3A_762, %dma_start3A_763] : memref<2x512x64xf32, #tpu.memory_space<vmem>> -> memref<1x512x64xf32, #tpu.memory_space<vmem>>
    %dma_start3A_765 = tpu.memref_squeeze %dma_start3A_764 : memref<1x512x64xf32, #tpu.memory_space<vmem>> -> memref<512x64xf32, #tpu.memory_space<vmem>>
    tpu.enqueue_dma source(%dma_start3A_765 : memref<512x64xf32, #tpu.memory_space<vmem>>) target(%dma_start3A_761 : memref<512x64xf32, #tpu.memory_space<hbm>>) target_semaphore(%arg8 : memref<!tpu.dma_semaphore, #tpu.memory_space<semaphore_mem>>)
    %dma_wait3A_766 = arith.constant 1 : i32
    %dma_wait3A_767 = arith.constant 0 : i32
    %dma_wait3A_768 = arith.constant 0 : i32
    %dma_wait3A_769 = tpu.memref_slice %arg6[%dma_wait3A_766, %dma_wait3A_767, %dma_wait3A_768] : memref<2x512x64xf32, #tpu.memory_space<vmem>> -> memref<1x512x64xf32, #tpu.memory_space<vmem>>
    %dma_wait3A_770 = tpu.memref_squeeze %dma_wait3A_769 : memref<1x512x64xf32, #tpu.memory_space<vmem>> -> memref<512x64xf32, #tpu.memory_space<vmem>>
    %dma_wait3A_771 = arith.constant 0 : i32
    %dma_wait3A_772 = tpu.memref_slice %arg4[%add3A_752, %dma_wait3A_771] : memref<327680x64xf32, #tpu.memory_space<hbm>> -> memref<512x64xf32, #tpu.memory_space<hbm>>
    %dma_wait3A_773 = arith.constant 0 : i32
    %dma_wait3A_774 = tpu.memref_slice %arg4[%add3A_752, %dma_wait3A_773] : memref<327680x64xf32, #tpu.memory_space<hbm>> -> memref<512x64xf32, #tpu.memory_space<hbm>>
    %dma_wait3A_775 = arith.constant 0 : i32
    %dma_wait3A_776 = arith.constant 0 : i32
    %dma_wait3A_777 = tpu.memref_slice %arg6[%dma_wait3A_766, %dma_wait3A_775, %dma_wait3A_776] : memref<2x512x64xf32, #tpu.memory_space<vmem>> -> memref<1x512x64xf32, #tpu.memory_space<vmem>>
    %dma_wait3A_778 = tpu.memref_squeeze %dma_wait3A_777 : memref<1x512x64xf32, #tpu.memory_space<vmem>> -> memref<512x64xf32, #tpu.memory_space<vmem>>
    tpu.wait_dma2 semaphore(%arg8 : memref<!tpu.dma_semaphore, #tpu.memory_space<semaphore_mem>>) src(%dma_wait3A_778 : memref<512x64xf32, #tpu.memory_space<vmem>>) dst(%dma_wait3A_774 : memref<512x64xf32, #tpu.memory_space<hbm>>)
    %dma_start3A_779 = arith.constant 1 : i32
    %dma_start3A_780 = arith.constant 0 : i32
    %dma_start3A_781 = arith.constant 0 : i32
    %dma_start3A_782 = tpu.memref_slice %arg6[%dma_start3A_779, %dma_start3A_780, %dma_start3A_781] : memref<2x512x64xf32, #tpu.memory_space<vmem>> -> memref<1x512x64xf32, #tpu.memory_space<vmem>>
    %dma_start3A_783 = tpu.memref_squeeze %dma_start3A_782 : memref<1x512x64xf32, #tpu.memory_space<vmem>> -> memref<512x64xf32, #tpu.memory_space<vmem>>
    %dma_start3A_784 = arith.constant 8704 : i32
    %dma_start3A_785 = tpu.memref_slice %arg5[%dma_start3A_784] : memref<10240xi32, #tpu.memory_space<vmem>> -> memref<512xi32, #tpu.memory_space<vmem>>
    %dma_start3A_786 = arith.constant 0 : i32
    %dma_start3A_787 = arith.constant 0 : i32
    %dma_start3A_788 = tpu.memref_slice %arg3[%dma_start3A_786, %dma_start3A_787] : memref<1000000x64xf32, #tpu.memory_space<hbm>> -> memref<1000000x64xf32, #tpu.memory_space<hbm>>
    tpu.enqueue_indirect_dma source(%dma_start3A_788 : memref<1000000x64xf32, #tpu.memory_space<hbm>>) target(%dma_start3A_783 : memref<512x64xf32, #tpu.memory_space<vmem>>) offsets(%dma_start3A_785 : memref<512xi32, #tpu.memory_space<vmem>>) semaphore(%arg7 : memref<!tpu.dma_semaphore, #tpu.memory_space<semaphore_mem>>)
    %dma_wait3A_789 = arith.constant 0 : i32
    %dma_wait3A_790 = arith.constant 0 : i32
    %dma_wait3A_791 = arith.constant 0 : i32
    %dma_wait3A_792 = tpu.memref_slice %arg6[%dma_wait3A_789, %dma_wait3A_790, %dma_wait3A_791] : memref<2x512x64xf32, #tpu.memory_space<vmem>> -> memref<1x512x64xf32, #tpu.memory_space<vmem>>
    %dma_wait3A_793 = tpu.memref_squeeze %dma_wait3A_792 : memref<1x512x64xf32, #tpu.memory_space<vmem>> -> memref<512x64xf32, #tpu.memory_space<vmem>>
    %dma_wait3A_794 = arith.constant 8192 : i32
    %dma_wait3A_795 = tpu.memref_slice %arg5[%dma_wait3A_794] : memref<10240xi32, #tpu.memory_space<vmem>> -> memref<512xi32, #tpu.memory_space<vmem>>
    %dma_wait3A_796 = arith.constant 0 : i32
    %dma_wait3A_797 = arith.constant 0 : i32
    %dma_wait3A_798 = tpu.memref_slice %arg3[%dma_wait3A_796, %dma_wait3A_797] : memref<1000000x64xf32, #tpu.memory_space<hbm>> -> memref<1000000x64xf32, #tpu.memory_space<hbm>>
    tpu.wait_indirect_dma semaphore(%arg7 : memref<!tpu.dma_semaphore, #tpu.memory_space<semaphore_mem>>) src(%dma_wait3A_798 : memref<1000000x64xf32, #tpu.memory_space<hbm>>) dst(%dma_wait3A_793 : memref<512x64xf32, #tpu.memory_space<vmem>>)
    %add3A_799 = arith.constant 8192 : i32
    %add3A_800 = arith.addi %mul3A_2, %add3A_799 : i32
    %dma_start3A_801 = arith.constant 0 : i32
    %dma_start3A_802 = arith.constant 0 : i32
    %dma_start3A_803 = arith.constant 0 : i32
    %dma_start3A_804 = tpu.memref_slice %arg6[%dma_start3A_801, %dma_start3A_802, %dma_start3A_803] : memref<2x512x64xf32, #tpu.memory_space<vmem>> -> memref<1x512x64xf32, #tpu.memory_space<vmem>>
    %dma_start3A_805 = tpu.memref_squeeze %dma_start3A_804 : memref<1x512x64xf32, #tpu.memory_space<vmem>> -> memref<512x64xf32, #tpu.memory_space<vmem>>
    %dma_start3A_806 = arith.constant 0 : i32
    %dma_start3A_807 = tpu.memref_slice %arg4[%add3A_800, %dma_start3A_806] : memref<327680x64xf32, #tpu.memory_space<hbm>> -> memref<512x64xf32, #tpu.memory_space<hbm>>
    %dma_start3A_808 = arith.constant 0 : i32
    %dma_start3A_809 = tpu.memref_slice %arg4[%add3A_800, %dma_start3A_808] : memref<327680x64xf32, #tpu.memory_space<hbm>> -> memref<512x64xf32, #tpu.memory_space<hbm>>
    %dma_start3A_810 = arith.constant 0 : i32
    %dma_start3A_811 = arith.constant 0 : i32
    %dma_start3A_812 = tpu.memref_slice %arg6[%dma_start3A_801, %dma_start3A_810, %dma_start3A_811] : memref<2x512x64xf32, #tpu.memory_space<vmem>> -> memref<1x512x64xf32, #tpu.memory_space<vmem>>
    %dma_start3A_813 = tpu.memref_squeeze %dma_start3A_812 : memref<1x512x64xf32, #tpu.memory_space<vmem>> -> memref<512x64xf32, #tpu.memory_space<vmem>>
    tpu.enqueue_dma source(%dma_start3A_813 : memref<512x64xf32, #tpu.memory_space<vmem>>) target(%dma_start3A_809 : memref<512x64xf32, #tpu.memory_space<hbm>>) target_semaphore(%arg8 : memref<!tpu.dma_semaphore, #tpu.memory_space<semaphore_mem>>)
    %dma_wait3A_814 = arith.constant 0 : i32
    %dma_wait3A_815 = arith.constant 0 : i32
    %dma_wait3A_816 = arith.constant 0 : i32
    %dma_wait3A_817 = tpu.memref_slice %arg6[%dma_wait3A_814, %dma_wait3A_815, %dma_wait3A_816] : memref<2x512x64xf32, #tpu.memory_space<vmem>> -> memref<1x512x64xf32, #tpu.memory_space<vmem>>
    %dma_wait3A_818 = tpu.memref_squeeze %dma_wait3A_817 : memref<1x512x64xf32, #tpu.memory_space<vmem>> -> memref<512x64xf32, #tpu.memory_space<vmem>>
    %dma_wait3A_819 = arith.constant 0 : i32
    %dma_wait3A_820 = tpu.memref_slice %arg4[%add3A_800, %dma_wait3A_819] : memref<327680x64xf32, #tpu.memory_space<hbm>> -> memref<512x64xf32, #tpu.memory_space<hbm>>
    %dma_wait3A_821 = arith.constant 0 : i32
    %dma_wait3A_822 = tpu.memref_slice %arg4[%add3A_800, %dma_wait3A_821] : memref<327680x64xf32, #tpu.memory_space<hbm>> -> memref<512x64xf32, #tpu.memory_space<hbm>>
    %dma_wait3A_823 = arith.constant 0 : i32
    %dma_wait3A_824 = arith.constant 0 : i32
    %dma_wait3A_825 = tpu.memref_slice %arg6[%dma_wait3A_814, %dma_wait3A_823, %dma_wait3A_824] : memref<2x512x64xf32, #tpu.memory_space<vmem>> -> memref<1x512x64xf32, #tpu.memory_space<vmem>>
    %dma_wait3A_826 = tpu.memref_squeeze %dma_wait3A_825 : memref<1x512x64xf32, #tpu.memory_space<vmem>> -> memref<512x64xf32, #tpu.memory_space<vmem>>
    tpu.wait_dma2 semaphore(%arg8 : memref<!tpu.dma_semaphore, #tpu.memory_space<semaphore_mem>>) src(%dma_wait3A_826 : memref<512x64xf32, #tpu.memory_space<vmem>>) dst(%dma_wait3A_822 : memref<512x64xf32, #tpu.memory_space<hbm>>)
    %dma_start3A_827 = arith.constant 0 : i32
    %dma_start3A_828 = arith.constant 0 : i32
    %dma_start3A_829 = arith.constant 0 : i32
    %dma_start3A_830 = tpu.memref_slice %arg6[%dma_start3A_827, %dma_start3A_828, %dma_start3A_829] : memref<2x512x64xf32, #tpu.memory_space<vmem>> -> memref<1x512x64xf32, #tpu.memory_space<vmem>>
    %dma_start3A_831 = tpu.memref_squeeze %dma_start3A_830 : memref<1x512x64xf32, #tpu.memory_space<vmem>> -> memref<512x64xf32, #tpu.memory_space<vmem>>
    %dma_start3A_832 = arith.constant 9216 : i32
    %dma_start3A_833 = tpu.memref_slice %arg5[%dma_start3A_832] : memref<10240xi32, #tpu.memory_space<vmem>> -> memref<512xi32, #tpu.memory_space<vmem>>
    %dma_start3A_834 = arith.constant 0 : i32
    %dma_start3A_835 = arith.constant 0 : i32
    %dma_start3A_836 = tpu.memref_slice %arg3[%dma_start3A_834, %dma_start3A_835] : memref<1000000x64xf32, #tpu.memory_space<hbm>> -> memref<1000000x64xf32, #tpu.memory_space<hbm>>
    tpu.enqueue_indirect_dma source(%dma_start3A_836 : memref<1000000x64xf32, #tpu.memory_space<hbm>>) target(%dma_start3A_831 : memref<512x64xf32, #tpu.memory_space<vmem>>) offsets(%dma_start3A_833 : memref<512xi32, #tpu.memory_space<vmem>>) semaphore(%arg7 : memref<!tpu.dma_semaphore, #tpu.memory_space<semaphore_mem>>)
    %dma_wait3A_837 = arith.constant 1 : i32
    %dma_wait3A_838 = arith.constant 0 : i32
    %dma_wait3A_839 = arith.constant 0 : i32
    %dma_wait3A_840 = tpu.memref_slice %arg6[%dma_wait3A_837, %dma_wait3A_838, %dma_wait3A_839] : memref<2x512x64xf32, #tpu.memory_space<vmem>> -> memref<1x512x64xf32, #tpu.memory_space<vmem>>
    %dma_wait3A_841 = tpu.memref_squeeze %dma_wait3A_840 : memref<1x512x64xf32, #tpu.memory_space<vmem>> -> memref<512x64xf32, #tpu.memory_space<vmem>>
    %dma_wait3A_842 = arith.constant 8704 : i32
    %dma_wait3A_843 = tpu.memref_slice %arg5[%dma_wait3A_842] : memref<10240xi32, #tpu.memory_space<vmem>> -> memref<512xi32, #tpu.memory_space<vmem>>
    %dma_wait3A_844 = arith.constant 0 : i32
    %dma_wait3A_845 = arith.constant 0 : i32
    %dma_wait3A_846 = tpu.memref_slice %arg3[%dma_wait3A_844, %dma_wait3A_845] : memref<1000000x64xf32, #tpu.memory_space<hbm>> -> memref<1000000x64xf32, #tpu.memory_space<hbm>>
    tpu.wait_indirect_dma semaphore(%arg7 : memref<!tpu.dma_semaphore, #tpu.memory_space<semaphore_mem>>) src(%dma_wait3A_846 : memref<1000000x64xf32, #tpu.memory_space<hbm>>) dst(%dma_wait3A_841 : memref<512x64xf32, #tpu.memory_space<vmem>>)
    %add3A_847 = arith.constant 8704 : i32
    %add3A_848 = arith.addi %mul3A_2, %add3A_847 : i32
    %dma_start3A_849 = arith.constant 1 : i32
    %dma_start3A_850 = arith.constant 0 : i32
    %dma_start3A_851 = arith.constant 0 : i32
    %dma_start3A_852 = tpu.memref_slice %arg6[%dma_start3A_849, %dma_start3A_850, %dma_start3A_851] : memref<2x512x64xf32, #tpu.memory_space<vmem>> -> memref<1x512x64xf32, #tpu.memory_space<vmem>>
    %dma_start3A_853 = tpu.memref_squeeze %dma_start3A_852 : memref<1x512x64xf32, #tpu.memory_space<vmem>> -> memref<512x64xf32, #tpu.memory_space<vmem>>
    %dma_start3A_854 = arith.constant 0 : i32
    %dma_start3A_855 = tpu.memref_slice %arg4[%add3A_848, %dma_start3A_854] : memref<327680x64xf32, #tpu.memory_space<hbm>> -> memref<512x64xf32, #tpu.memory_space<hbm>>
    %dma_start3A_856 = arith.constant 0 : i32
    %dma_start3A_857 = tpu.memref_slice %arg4[%add3A_848, %dma_start3A_856] : memref<327680x64xf32, #tpu.memory_space<hbm>> -> memref<512x64xf32, #tpu.memory_space<hbm>>
    %dma_start3A_858 = arith.constant 0 : i32
    %dma_start3A_859 = arith.constant 0 : i32
    %dma_start3A_860 = tpu.memref_slice %arg6[%dma_start3A_849, %dma_start3A_858, %dma_start3A_859] : memref<2x512x64xf32, #tpu.memory_space<vmem>> -> memref<1x512x64xf32, #tpu.memory_space<vmem>>
    %dma_start3A_861 = tpu.memref_squeeze %dma_start3A_860 : memref<1x512x64xf32, #tpu.memory_space<vmem>> -> memref<512x64xf32, #tpu.memory_space<vmem>>
    tpu.enqueue_dma source(%dma_start3A_861 : memref<512x64xf32, #tpu.memory_space<vmem>>) target(%dma_start3A_857 : memref<512x64xf32, #tpu.memory_space<hbm>>) target_semaphore(%arg8 : memref<!tpu.dma_semaphore, #tpu.memory_space<semaphore_mem>>)
    %dma_wait3A_862 = arith.constant 1 : i32
    %dma_wait3A_863 = arith.constant 0 : i32
    %dma_wait3A_864 = arith.constant 0 : i32
    %dma_wait3A_865 = tpu.memref_slice %arg6[%dma_wait3A_862, %dma_wait3A_863, %dma_wait3A_864] : memref<2x512x64xf32, #tpu.memory_space<vmem>> -> memref<1x512x64xf32, #tpu.memory_space<vmem>>
    %dma_wait3A_866 = tpu.memref_squeeze %dma_wait3A_865 : memref<1x512x64xf32, #tpu.memory_space<vmem>> -> memref<512x64xf32, #tpu.memory_space<vmem>>
    %dma_wait3A_867 = arith.constant 0 : i32
    %dma_wait3A_868 = tpu.memref_slice %arg4[%add3A_848, %dma_wait3A_867] : memref<327680x64xf32, #tpu.memory_space<hbm>> -> memref<512x64xf32, #tpu.memory_space<hbm>>
    %dma_wait3A_869 = arith.constant 0 : i32
    %dma_wait3A_870 = tpu.memref_slice %arg4[%add3A_848, %dma_wait3A_869] : memref<327680x64xf32, #tpu.memory_space<hbm>> -> memref<512x64xf32, #tpu.memory_space<hbm>>
    %dma_wait3A_871 = arith.constant 0 : i32
    %dma_wait3A_872 = arith.constant 0 : i32
    %dma_wait3A_873 = tpu.memref_slice %arg6[%dma_wait3A_862, %dma_wait3A_871, %dma_wait3A_872] : memref<2x512x64xf32, #tpu.memory_space<vmem>> -> memref<1x512x64xf32, #tpu.memory_space<vmem>>
    %dma_wait3A_874 = tpu.memref_squeeze %dma_wait3A_873 : memref<1x512x64xf32, #tpu.memory_space<vmem>> -> memref<512x64xf32, #tpu.memory_space<vmem>>
    tpu.wait_dma2 semaphore(%arg8 : memref<!tpu.dma_semaphore, #tpu.memory_space<semaphore_mem>>) src(%dma_wait3A_874 : memref<512x64xf32, #tpu.memory_space<vmem>>) dst(%dma_wait3A_870 : memref<512x64xf32, #tpu.memory_space<hbm>>)
    %dma_start3A_875 = arith.constant 1 : i32
    %dma_start3A_876 = arith.constant 0 : i32
    %dma_start3A_877 = arith.constant 0 : i32
    %dma_start3A_878 = tpu.memref_slice %arg6[%dma_start3A_875, %dma_start3A_876, %dma_start3A_877] : memref<2x512x64xf32, #tpu.memory_space<vmem>> -> memref<1x512x64xf32, #tpu.memory_space<vmem>>
    %dma_start3A_879 = tpu.memref_squeeze %dma_start3A_878 : memref<1x512x64xf32, #tpu.memory_space<vmem>> -> memref<512x64xf32, #tpu.memory_space<vmem>>
    %dma_start3A_880 = arith.constant 9728 : i32
    %dma_start3A_881 = tpu.memref_slice %arg5[%dma_start3A_880] : memref<10240xi32, #tpu.memory_space<vmem>> -> memref<512xi32, #tpu.memory_space<vmem>>
    %dma_start3A_882 = arith.constant 0 : i32
    %dma_start3A_883 = arith.constant 0 : i32
    %dma_start3A_884 = tpu.memref_slice %arg3[%dma_start3A_882, %dma_start3A_883] : memref<1000000x64xf32, #tpu.memory_space<hbm>> -> memref<1000000x64xf32, #tpu.memory_space<hbm>>
    tpu.enqueue_indirect_dma source(%dma_start3A_884 : memref<1000000x64xf32, #tpu.memory_space<hbm>>) target(%dma_start3A_879 : memref<512x64xf32, #tpu.memory_space<vmem>>) offsets(%dma_start3A_881 : memref<512xi32, #tpu.memory_space<vmem>>) semaphore(%arg7 : memref<!tpu.dma_semaphore, #tpu.memory_space<semaphore_mem>>)
    %dma_wait3A_885 = arith.constant 0 : i32
    %dma_wait3A_886 = arith.constant 0 : i32
    %dma_wait3A_887 = arith.constant 0 : i32
    %dma_wait3A_888 = tpu.memref_slice %arg6[%dma_wait3A_885, %dma_wait3A_886, %dma_wait3A_887] : memref<2x512x64xf32, #tpu.memory_space<vmem>> -> memref<1x512x64xf32, #tpu.memory_space<vmem>>
    %dma_wait3A_889 = tpu.memref_squeeze %dma_wait3A_888 : memref<1x512x64xf32, #tpu.memory_space<vmem>> -> memref<512x64xf32, #tpu.memory_space<vmem>>
    %dma_wait3A_890 = arith.constant 9216 : i32
    %dma_wait3A_891 = tpu.memref_slice %arg5[%dma_wait3A_890] : memref<10240xi32, #tpu.memory_space<vmem>> -> memref<512xi32, #tpu.memory_space<vmem>>
    %dma_wait3A_892 = arith.constant 0 : i32
    %dma_wait3A_893 = arith.constant 0 : i32
    %dma_wait3A_894 = tpu.memref_slice %arg3[%dma_wait3A_892, %dma_wait3A_893] : memref<1000000x64xf32, #tpu.memory_space<hbm>> -> memref<1000000x64xf32, #tpu.memory_space<hbm>>
    tpu.wait_indirect_dma semaphore(%arg7 : memref<!tpu.dma_semaphore, #tpu.memory_space<semaphore_mem>>) src(%dma_wait3A_894 : memref<1000000x64xf32, #tpu.memory_space<hbm>>) dst(%dma_wait3A_889 : memref<512x64xf32, #tpu.memory_space<vmem>>)
    %add3A_895 = arith.constant 9216 : i32
    %add3A_896 = arith.addi %mul3A_2, %add3A_895 : i32
    %dma_start3A_897 = arith.constant 0 : i32
    %dma_start3A_898 = arith.constant 0 : i32
    %dma_start3A_899 = arith.constant 0 : i32
    %dma_start3A_900 = tpu.memref_slice %arg6[%dma_start3A_897, %dma_start3A_898, %dma_start3A_899] : memref<2x512x64xf32, #tpu.memory_space<vmem>> -> memref<1x512x64xf32, #tpu.memory_space<vmem>>
    %dma_start3A_901 = tpu.memref_squeeze %dma_start3A_900 : memref<1x512x64xf32, #tpu.memory_space<vmem>> -> memref<512x64xf32, #tpu.memory_space<vmem>>
    %dma_start3A_902 = arith.constant 0 : i32
    %dma_start3A_903 = tpu.memref_slice %arg4[%add3A_896, %dma_start3A_902] : memref<327680x64xf32, #tpu.memory_space<hbm>> -> memref<512x64xf32, #tpu.memory_space<hbm>>
    %dma_start3A_904 = arith.constant 0 : i32
    %dma_start3A_905 = tpu.memref_slice %arg4[%add3A_896, %dma_start3A_904] : memref<327680x64xf32, #tpu.memory_space<hbm>> -> memref<512x64xf32, #tpu.memory_space<hbm>>
    %dma_start3A_906 = arith.constant 0 : i32
    %dma_start3A_907 = arith.constant 0 : i32
    %dma_start3A_908 = tpu.memref_slice %arg6[%dma_start3A_897, %dma_start3A_906, %dma_start3A_907] : memref<2x512x64xf32, #tpu.memory_space<vmem>> -> memref<1x512x64xf32, #tpu.memory_space<vmem>>
    %dma_start3A_909 = tpu.memref_squeeze %dma_start3A_908 : memref<1x512x64xf32, #tpu.memory_space<vmem>> -> memref<512x64xf32, #tpu.memory_space<vmem>>
    tpu.enqueue_dma source(%dma_start3A_909 : memref<512x64xf32, #tpu.memory_space<vmem>>) target(%dma_start3A_905 : memref<512x64xf32, #tpu.memory_space<hbm>>) target_semaphore(%arg8 : memref<!tpu.dma_semaphore, #tpu.memory_space<semaphore_mem>>)
    %dma_wait3A_910 = arith.constant 1 : i32
    %dma_wait3A_911 = arith.constant 0 : i32
    %dma_wait3A_912 = arith.constant 0 : i32
    %dma_wait3A_913 = tpu.memref_slice %arg6[%dma_wait3A_910, %dma_wait3A_911, %dma_wait3A_912] : memref<2x512x64xf32, #tpu.memory_space<vmem>> -> memref<1x512x64xf32, #tpu.memory_space<vmem>>
    %dma_wait3A_914 = tpu.memref_squeeze %dma_wait3A_913 : memref<1x512x64xf32, #tpu.memory_space<vmem>> -> memref<512x64xf32, #tpu.memory_space<vmem>>
    %dma_wait3A_915 = arith.constant 9728 : i32
    %dma_wait3A_916 = tpu.memref_slice %arg5[%dma_wait3A_915] : memref<10240xi32, #tpu.memory_space<vmem>> -> memref<512xi32, #tpu.memory_space<vmem>>
    %dma_wait3A_917 = arith.constant 0 : i32
    %dma_wait3A_918 = arith.constant 0 : i32
    %dma_wait3A_919 = tpu.memref_slice %arg3[%dma_wait3A_917, %dma_wait3A_918] : memref<1000000x64xf32, #tpu.memory_space<hbm>> -> memref<1000000x64xf32, #tpu.memory_space<hbm>>
    tpu.wait_indirect_dma semaphore(%arg7 : memref<!tpu.dma_semaphore, #tpu.memory_space<semaphore_mem>>) src(%dma_wait3A_919 : memref<1000000x64xf32, #tpu.memory_space<hbm>>) dst(%dma_wait3A_914 : memref<512x64xf32, #tpu.memory_space<vmem>>)
    %add3A_920 = arith.constant 9728 : i32
    %add3A_921 = arith.addi %mul3A_2, %add3A_920 : i32
    %dma_start3A_922 = arith.constant 1 : i32
    %dma_start3A_923 = arith.constant 0 : i32
    %dma_start3A_924 = arith.constant 0 : i32
    %dma_start3A_925 = tpu.memref_slice %arg6[%dma_start3A_922, %dma_start3A_923, %dma_start3A_924] : memref<2x512x64xf32, #tpu.memory_space<vmem>> -> memref<1x512x64xf32, #tpu.memory_space<vmem>>
    %dma_start3A_926 = tpu.memref_squeeze %dma_start3A_925 : memref<1x512x64xf32, #tpu.memory_space<vmem>> -> memref<512x64xf32, #tpu.memory_space<vmem>>
    %dma_start3A_927 = arith.constant 0 : i32
    %dma_start3A_928 = tpu.memref_slice %arg4[%add3A_921, %dma_start3A_927] : memref<327680x64xf32, #tpu.memory_space<hbm>> -> memref<512x64xf32, #tpu.memory_space<hbm>>
    %dma_start3A_929 = arith.constant 0 : i32
    %dma_start3A_930 = tpu.memref_slice %arg4[%add3A_921, %dma_start3A_929] : memref<327680x64xf32, #tpu.memory_space<hbm>> -> memref<512x64xf32, #tpu.memory_space<hbm>>
    %dma_start3A_931 = arith.constant 0 : i32
    %dma_start3A_932 = arith.constant 0 : i32
    %dma_start3A_933 = tpu.memref_slice %arg6[%dma_start3A_922, %dma_start3A_931, %dma_start3A_932] : memref<2x512x64xf32, #tpu.memory_space<vmem>> -> memref<1x512x64xf32, #tpu.memory_space<vmem>>
    %dma_start3A_934 = tpu.memref_squeeze %dma_start3A_933 : memref<1x512x64xf32, #tpu.memory_space<vmem>> -> memref<512x64xf32, #tpu.memory_space<vmem>>
    tpu.enqueue_dma source(%dma_start3A_934 : memref<512x64xf32, #tpu.memory_space<vmem>>) target(%dma_start3A_930 : memref<512x64xf32, #tpu.memory_space<hbm>>) target_semaphore(%arg8 : memref<!tpu.dma_semaphore, #tpu.memory_space<semaphore_mem>>)
    %dma_wait3A_935 = arith.constant 0 : i32
    %dma_wait3A_936 = arith.constant 0 : i32
    %dma_wait3A_937 = arith.constant 0 : i32
    %dma_wait3A_938 = tpu.memref_slice %arg6[%dma_wait3A_935, %dma_wait3A_936, %dma_wait3A_937] : memref<2x512x64xf32, #tpu.memory_space<vmem>> -> memref<1x512x64xf32, #tpu.memory_space<vmem>>
    %dma_wait3A_939 = tpu.memref_squeeze %dma_wait3A_938 : memref<1x512x64xf32, #tpu.memory_space<vmem>> -> memref<512x64xf32, #tpu.memory_space<vmem>>
    %dma_wait3A_940 = arith.constant 0 : i32
    %dma_wait3A_941 = tpu.memref_slice %arg4[%add3A_896, %dma_wait3A_940] : memref<327680x64xf32, #tpu.memory_space<hbm>> -> memref<512x64xf32, #tpu.memory_space<hbm>>
    %dma_wait3A_942 = arith.constant 0 : i32
    %dma_wait3A_943 = tpu.memref_slice %arg4[%add3A_896, %dma_wait3A_942] : memref<327680x64xf32, #tpu.memory_space<hbm>> -> memref<512x64xf32, #tpu.memory_space<hbm>>
    %dma_wait3A_944 = arith.constant 0 : i32
    %dma_wait3A_945 = arith.constant 0 : i32
    %dma_wait3A_946 = tpu.memref_slice %arg6[%dma_wait3A_935, %dma_wait3A_944, %dma_wait3A_945] : memref<2x512x64xf32, #tpu.memory_space<vmem>> -> memref<1x512x64xf32, #tpu.memory_space<vmem>>
    %dma_wait3A_947 = tpu.memref_squeeze %dma_wait3A_946 : memref<1x512x64xf32, #tpu.memory_space<vmem>> -> memref<512x64xf32, #tpu.memory_space<vmem>>
    tpu.wait_dma2 semaphore(%arg8 : memref<!tpu.dma_semaphore, #tpu.memory_space<semaphore_mem>>) src(%dma_wait3A_947 : memref<512x64xf32, #tpu.memory_space<vmem>>) dst(%dma_wait3A_943 : memref<512x64xf32, #tpu.memory_space<hbm>>)
    %dma_wait3A_948 = arith.constant 1 : i32
    %dma_wait3A_949 = arith.constant 0 : i32
    %dma_wait3A_950 = arith.constant 0 : i32
    %dma_wait3A_951 = tpu.memref_slice %arg6[%dma_wait3A_948, %dma_wait3A_949, %dma_wait3A_950] : memref<2x512x64xf32, #tpu.memory_space<vmem>> -> memref<1x512x64xf32, #tpu.memory_space<vmem>>
    %dma_wait3A_952 = tpu.memref_squeeze %dma_wait3A_951 : memref<1x512x64xf32, #tpu.memory_space<vmem>> -> memref<512x64xf32, #tpu.memory_space<vmem>>
    %dma_wait3A_953 = arith.constant 0 : i32
    %dma_wait3A_954 = tpu.memref_slice %arg4[%add3A_921, %dma_wait3A_953] : memref<327680x64xf32, #tpu.memory_space<hbm>> -> memref<512x64xf32, #tpu.memory_space<hbm>>
    %dma_wait3A_955 = arith.constant 0 : i32
    %dma_wait3A_956 = tpu.memref_slice %arg4[%add3A_921, %dma_wait3A_955] : memref<327680x64xf32, #tpu.memory_space<hbm>> -> memref<512x64xf32, #tpu.memory_space<hbm>>
    %dma_wait3A_957 = arith.constant 0 : i32
    %dma_wait3A_958 = arith.constant 0 : i32
    %dma_wait3A_959 = tpu.memref_slice %arg6[%dma_wait3A_948, %dma_wait3A_957, %dma_wait3A_958] : memref<2x512x64xf32, #tpu.memory_space<vmem>> -> memref<1x512x64xf32, #tpu.memory_space<vmem>>
    %dma_wait3A_960 = tpu.memref_squeeze %dma_wait3A_959 : memref<1x512x64xf32, #tpu.memory_space<vmem>> -> memref<512x64xf32, #tpu.memory_space<vmem>>
    tpu.wait_dma2 semaphore(%arg8 : memref<!tpu.dma_semaphore, #tpu.memory_space<semaphore_mem>>) src(%dma_wait3A_960 : memref<512x64xf32, #tpu.memory_space<vmem>>) dst(%dma_wait3A_956 : memref<512x64xf32, #tpu.memory_space<hbm>>)
    return
  }
}

</mosaic_0001>

<sc_bundles>
// kernel: kernel.4.cloned.1.call-start
scs
__scs_entry_jumppad:
0x0: {  	(pc) =	sbr.rel $0x88, $3  }
0x1: {  	(tag) =	ssettag $0x0;
	lr =	simm.s32 $0x1  }
0x2: {  	[smem:$0x3F9F] =	sst lr;
	_ =	strace $0xD0000000  }
0x3: {  	_ = 	snop  }
0x4: {  	_ = 	snop  }
0x5: {  	_ = 	snop  }
0x6: {  	_ = 	snop  }
0x7: {  	_ = 	snop  }
__scs_overlays_trampoline_lowered:
0x8: {  	[smem:$0x3FAE] =	sst s0  }
0x9: {  	[smem:$0x3FAF] =	sst s1  }
0xa: {  	[smem:$0x3FB0] =	sst s2  }
0xb: {  	[smem:$0x3FB1] =	sst s3  }
0xc: {  	[smem:$0x3FB2] =	sst s4  }
0xd: {  	[smem:$0x3FB3] =	sst s5  }
0xe: {  	[smem:$0x3FB4] =	sst s6  }
0xf: {  	[smem:$0x3FB5] =	sst s7  }
0x10: {  	[smem:$0x3FB6] =	sst s8  }
0x11: {  	[smem:$0x3FB7] =	sst s9;
	s0 =	simm.s32 @!p0 $0x0  }
0x12: {  	s1 =	sld [smem:$0x3F9D];
	s0 =	simm.s32 @p0 $0x1  }
0x13: {  	[smem:$0x3FB8] =	sst s0;
	s0 =	simm.s32 @!p1 $0x0  }
0x14: {  	s2 =	sld [smem:$0x3F9C];
	s0 =	simm.s32 @p1 $0x1  }
0x15: {  	[smem:$0x3FB9] =	sst s0;
	s0 =	simm.s32 @!p2 $0x0  }
0x16: {  	s3 =	sld [smem:$0x3FDB];
	s0 =	simm.s32 @p2 $0x1  }
0x17: {  	s4 =	simm.s32 $0x1BF5;
	[smem:$0x3FBB] =	sst s0  }
0x18: {  	s0 =	sld [smem:$0x3F9E];
	_ =	swait.ge [sflag:s4], $0x0  }
0x19: {  	s7 =	sld [smem:$0x3F9F]  }
0x1a: {  	s8 =	sadd.s32 $0xFFFFE003, lr  }
0x1b: {  	s9 =	sadd.s32 $0xFFFFFEF7, lr;
	s5 =	simm.s32 $0xFFFFFFFF;
	p2 =	slt.u32 s8, $0xFFFFF086  }
0x1c: {  	p1 =	slt.u32 s9, $0xF7A;
	s5 =	simm.s32 @!p2 $0x0  }
0x1d: {  	s5 =	simm.s32 @p1 $0x1;
	p0 =	seq.s32 s7, s2  }
0x1e: {  	s7 =	smul.u32 @!p0 $0xF7A, s2;
	p2 =	seq.s32 @!p0 s5, $0x0  }
0x1f: {  	s9 =	smul.u32 $0xF7A, s1;
	s8 =	simm.s32 @!p0 $0x1BF5;
	p2 =	por !p2, p0  }
0x20: {  	[sflag:s8] =	ssyncset.s32 @!p0 $0xFFFFF086;
	s6 =	sadd.s32 @!p0 s3, s7;
	s7 =	simm.s32 @!p0 $0x108  }
0x21: {  	s3 =	sadd.s32 s3, s9;
	s6 =	sadd.s32 @!p0 $0x88, s6;
	s7 =	simm.s32 @p2 $0x1082  }
0x22: {  	[simem:s7], [sflag:s8] =	dma.local @!p0 [hbm:s6], $0xF7A  }
0x23: {  	s9 =	sor.u32 $0xD0000000, s2;
	s6 =	simm.s32 $0x108;
	_ =	swait.ge @!p0 [sflag:s8], $0x0  }
0x24: {  	s3 =	sadd.s32 $0x88, s3;
	s6 =	simm.s32 @!p1 $0x1082;
	[sflag:s4] =	ssyncset.s32 $0xFFFFF086  }
0x25: {  	[simem:s6], [sflag:s4] =	dma.local [hbm:s3], $0xF7A  }
0x26: {  	[smem:$0x3F9F] =	sst s1;
	(tag) =	ssettag s2;
	_ =	strace s9  }
0x27: {  	s1 =	sld [smem:$0x3FAF]  }
0x28: {  	s2 =	sld [smem:$0x3FB0]  }
0x29: {  	s4 =	sld [smem:$0x3FB2]  }
0x2a: {  	p0 =	seq.s32 s5, $0x0;
	s5 =	sld [smem:$0x3FB3]  }
0x2b: {  	s6 =	sld [smem:$0x3FB4]  }
0x2c: {  	s7 =	sld [smem:$0x3FB5]  }
0x2d: {  	s3 =	simm.s32 $0x108;
	s8 =	sld [smem:$0x3FB6]  }
0x2e: {  	s3 =	simm.s32 @!p0 $0x1082;
	s9 =	sld [smem:$0x3FB7]  }
0x2f: {  	lr =	sadd.s32 s0, s3;
	s0 =	sld [smem:$0x3FAE]  }
0x30: {  	s3 =	sld [smem:$0x3FB1]  }
0x31: {  	[smem:$0x3FBA] =	sst s10  }
0x32: {  	s10 =	sld [smem:$0x3FB8];
	_ =	sdelay $0x3  }
0x33: {  	p0 =	seq.s32 s10, $0x1;
	s10 =	sld [smem:$0x3FBA];
	_ =	sdelay $0x3  }
0x34: {  	[smem:$0x3FBA] =	sst s10  }
0x35: {  	s10 =	sld [smem:$0x3FB9];
	_ =	sdelay $0x3  }
0x36: {  	p1 =	seq.s32 s10, $0x1;
	s10 =	sld [smem:$0x3FBA];
	_ =	sdelay $0x3  }
0x37: {  	[smem:$0x3FBA] =	sst s10  }
0x38: {  	s10 =	sld [smem:$0x3FBB]  }
0x39: {  	_ = 	snop;
	(pc) =	sbr.ind lr, $3  }
0x3a: {  	_ = 	snop  }
0x3b: {  	_ = 	snop  }
0x3c: {  	p2 =	seq.s32 s10, $0x1;
	s10 =	sld [smem:$0x3FBA]  }
0x3d: {  	_ =	shalt  }
0x3e: {  	_ =	shalt  }
0x3f: {  	_ =	shalt  }
0x40: {  	_ =	shalt  }
0x41: {  	_ =	shalt  }
0x42: {  	_ =	shalt  }
0x43: {  	_ =	shalt  }
0x44: {  	_ =	shalt  }
0x45: {  	_ =	shalt  }
0x46: {  	_ =	shalt  }
0x47: {  	_ =	shalt  }
0x48: {  	_ =	shalt  }
0x49: {  	_ =	shalt  }
0x4a: {  	_ =	shalt  }
0x4b: {  	_ =	shalt  }
0x4c: {  	_ =	shalt  }
0x4d: {  	_ =	shalt  }
0x4e: {  	_ =	shalt  }
0x4f: {  	_ =	shalt  }
0x50: {  	_ =	shalt  }
0x51: {  	_ =	shalt  }
0x52: {  	_ =	shalt  }
0x53: {  	_ =	shalt  }
0x54: {  	_ =	shalt  }
0x55: {  	_ =	shalt  }
0x56: {  	_ =	shalt  }
0x57: {  	_ =	shalt  }
0x58: {  	_ =	shalt  }
0x59: {  	_ =	shalt  }
0x5a: {  	_ =	shalt  }
0x5b: {  	_ =	shalt  }
0x5c: {  	_ =	shalt  }
0x5d: {  	_ =	shalt  }
0x5e: {  	_ =	shalt  }
0x5f: {  	_ =	shalt  }
0x60: {  	_ =	shalt  }
0x61: {  	_ =	shalt  }
0x62: {  	_ =	shalt  }
0x63: {  	_ =	shalt  }
0x64: {  	_ =	shalt  }
0x65: {  	_ =	shalt  }
0x66: {  	_ =	shalt  }
0x67: {  	_ =	shalt  }
0x68: {  	_ =	shalt  }
0x69: {  	_ =	shalt  }
0x6a: {  	_ =	shalt  }
0x6b: {  	_ =	shalt  }
0x6c: {  	_ =	shalt  }
0x6d: {  	_ =	shalt  }
0x6e: {  	_ =	shalt  }
0x6f: {  	_ =	shalt  }
0x70: {  	_ =	shalt  }
0x71: {  	_ =	shalt  }
0x72: {  	_ =	shalt  }
0x73: {  	_ =	shalt  }
0x74: {  	_ =	shalt  }
0x75: {  	_ =	shalt  }
0x76: {  	_ =	shalt  }
0x77: {  	_ =	shalt  }
0x78: {  	_ =	shalt  }
0x79: {  	_ =	shalt  }
0x7a: {  	_ =	shalt  }
0x7b: {  	_ =	shalt  }
0x7c: {  	_ =	shalt  }
0x7d: {  	_ =	shalt  }
0x7e: {  	_ =	shalt  }
0x7f: {  	_ =	shalt  }
0x80: {  	_ =	shalt  }
0x81: {  	_ =	shalt  }
0x82: {  	_ =	shalt  }
0x83: {  	_ =	shalt  }
0x84: {  	_ =	shalt  }
0x85: {  	_ =	shalt  }
0x86: {  	_ =	shalt  }
0x87: {  	_ =	shalt  }
.Lfunc_end0:
.L_simem_size_0:
called_computation.1_lowered:
.L_overlay_start_0:
0x88: {  	s2 =	sld [smem:$0x3FD9]  }
0x89: {  	s3 =	sld [smem:$0x3FFE];
	_ =	sdelay $0x1  }
0x8a: {  	s1 =	srdreg.scid  }
0x8b: {  	s0 =	sand.u32 $0x1, s1  }
0x8c: {  	s17 =	sshll.u32 s0, $0xA;
	s2 =	sadd.s32 s3, s2  }
0x8d: {  	s2 =	sadd.s32 s2, s17  }
0x8e: {  	[smem:$0x3FC6] =	sst s2  }
0x8f: {  	_ = 	snop  }
0x90: {  	s2 =	sld [smem:$0x3FC8]  }
0x91: {  	s18 =	sld [smem:$0x3FD0];
	(tm) =	ssettm $0x1  }
0x92: {  	s4 =	sld [smem:$0x3FFB];
	_ =	sdelay $0x3  }
0x93: {  	_ =	strace s4  }
0x94: {  	s4 =	sld [smem:$0x3FFC];
	_ =	sdelay $0x3  }
0x95: {  	_ =	strace s4  }
0x96: {  	s4 =	sld [smem:$0x3FFD];
	_ =	sdelay $0x3  }
0x97: {  	_ =	strace s4  }
0x98: {  	_ =	strace $0x8FFFFFFF  }
0x99: {  	s19 =	sld [smem:$0x3FDB];
	_ =	sdelay $0x1  }
0x9a: {  	s5 =	simm.s32 $_scs_section_size  }
0x9b: {  	s6 =	simm.s32 $_size__tile_overlayer_lowered;
	s7 =	simm.s32 $_tile_overlayer_lowered  }
0x9c: {  	s22 =	simm.s32 $0x1BFF;
	s21 =	sshll.u32 s7, $0x1;
	s4 =	sadd.s32 s5, s19  }
0x9d: {  	s8 =	simm.s32 $0x0;
	s20 =	sshll.u32 s6, $0x1;
	s6 =	sadd.s32 s21, s4  }
0x9e: {  	[timem:s8], [sflag:s22] =	dma.local [hbm:s6], s20  }
0x9f: {  	_ =	swait.ge [sflag:s22], s20  }
0xa0: {  	s5 =	ssub.s32 $0x0, s20;
	[sflag:s22] =	ssyncset.done $0x0  }
0xa1: {  	[sflag:s22] =	ssyncadd.s32 s5;
	_ =	sdelay $0x1  }
0xa2: {  	s23 =	simm.s32 $0x1B8B  }
0xa3: {  	_ =	swait.ge [sflag:s23], $0x1  }
0xa4: {  	[sflag:s23] =	ssyncset.done $0x0  }
0xa5: {  	s25 =	simm.s32 $0x1B8E;
	s24 =	sld [smem:$0x3FFE];
	[sflag:s23] =	ssyncadd.s32 $0xFFFFFFFF  }
0xa6: {  	s26 =	simm.s32 $execute0_lowered;
	[smem:$0x3FD2] =	sst s25  }
0xa7: {  	s6 =	sshll.u32 s26, $0x1;
	_ =	strace $0x80000046;
	[dreg:$0x1] =	wrdreg $0xFFFFFFFF  }
0xa8: {  	s28 =	simm.s32 $_size_execute0_lowered;
	s4 =	sadd.s32 s4, s6;
	[dreg:$0x0] =	wrdreg $0x0  }
0xa9: {  	s6 =	sshll.u32 s28, $0x1;
	[dreg:$0x2] =	wrdreg s4  }
0xaa: {  	[dreg:$0x3] =	wrdreg s6  }
0xab: {  	[dreg:$0x4] =	wrdreg $0xC0  }
0xac: {  	_ =	task [dreg:s8], $0x5FFFF  }
0xad: {  	[dreg:$0x1] =	wrdreg $0xFFFFFFFF  }
0xae: {  	[dreg:$0x0] =	wrdreg $0x60  }
0xaf: {  	[dreg:$0x2] =	wrdreg s2  }
0xb0: {  	[dreg:$0x3] =	wrdreg s18  }
0xb1: {  	[dreg:$0x4] =	wrdreg s24  }
0xb2: {  	[dreg:$0x5] =	wrdreg $0x9  }
0xb3: {  	_ =	task.clear_ibuf [dreg:s8], $0x6FFFF;
	_ =	strace $0x90000046  }
0xb4: {  	s29 =	simm.s32 $0x9;
	_ =	strace $0x80000048  }
0xb5: {  	_ =	swait.ge [sflag:s29], $0x1  }
0xb6: {  	[sflag:s29] =	ssyncadd.s32 $0xFFFFFFFF  }
0xb7: {  	_ =	strace $0x90000048  }
0xb8: {  	_ =	sfence  }
0xb9: {  	s30 =	sld [smem:$0x0];
	_ =	sdelay $0x2  }
0xba: {  	s31 =	sshll.u32 s1, $0xD;
	s1 =	sshrl.u32 s1, $0x2  }
0xbb: {  	s3 =	sand.u32 $0x4000, s31;
	s1 =	sadd.s32 s1, s30  }
0xbc: {  	s0 =	sor.u32 s3, s0;
	s1 =	sshll.u32 s1, $0x11  }
0xbd: {  	s0 =	sor.u32 s1, s0  }
0xbe: {  	s0 =	sadd.s32 $0x8F2B, s0  }
0xbf: {  	[sflag:s0] =	ssyncadd.remote.s32 $0x1  }
0xc0: {  	_ =	sfence.sel $0xFFFF  }
0xc1: {  	[dreg:$0x0] =	wrdreg $0xFFFFFFFF;
	(pc) =	sbr.abs _section_cstart, $3  }
0xc2: {  	[dreg:$0x1] =	wrdreg $0xFFFFFFFF  }
0xc3: {  	_ =	task.clear_ibuf [dreg:s8], $0x2FFFF;
	_ =	strace $0x9FFFFFFF  }
0xc4: {  	(tm) =	ssettm $0x7FFFFFFF  }
0xc5: {  	_ =	shalt  }
tec
execute0_lowered:
.L_overlay_start_1:
0x0: {  	(tag) =	ssettag $0x1  }
0x1: {  	s1 =	rddreg [dreg:$0x0]  }
0x2: {  	s0 =	srdreg.scid;
	s3 =	stileid.u32  }
0x3: {  	s2 =	rddreg [dreg:$0x2];
	s4 =	simm.s32 $0x0;
	s28 =	simm.s32 $0x2  }
0x4: {  	s29 =	simm.s32 $0x4000;
	s30 =	simm.s32 $0xC000;
	s31 =	simm.s32 $0x3  }
0x5: {  	s18 =	simm.s32 $0x0;
	s0 =	sand.u32 $0x1, s0;
	s3 =	sshll.u32 s3, $0x1  }
0x6: {  	[smem:$0x7FF] =	sst s4;
	s7 =	sadd.s32 $0xE00, s2;
	s2 =	sadd.s32 $0x7A1E00, s2  }
0x7: {  	v15 =	vlaneseq.u32;
	s5 =	sor.u32 s0, s3;
	_ =	strace $0x80000047;
	s0 =	ssub.s32 $0x2, s0  }
0x8: {  	v0 =	vand.u32 $0x7, v15;
	v1 =	vmul.u32 $0x8, v15;
	[dreg:$0x7] =	wrdreg s2;
	s2 =	simm.s32 $0x4;
	s3 =	sshll.u32 s5, $0x8  }
0x9: {  	v2 =	vmul.u32 $0x4, v15;
	v3 =	vshrl.u32 v15, $0x3;
	v15 =	vmul.u32 $0x80, v15;
	s25 =	sshrl.u32 s0, $0x1;
	s15 =	sor.u32 $0x40, s5;
	s6 =	sadd.s32 s1, s3  }
0xa: {  	v0 =	vmul.u32 $0x800, v0;
	v5 =	vor.u32 $0x1, v1;
	v7 =	vor.u32 $0x2, v1;
	p0 =	sne.s32 s5, $0x1F;
	s0 =	ssub.s32 s0, s25;
	s8 =	sadd.s32 $0x1E8500, s6  }
.Ltmp0:
0xb: {  	v9 =	vor.u32 $0x3, v1;
	v11 =	vor.u32 $0x4, v1;
	v13 =	vor.u32 $0x5, v1;
	s3 =	sadd.s32 $0xF4280, s6;
	s26 =	sadd.s32 $0x2DC780, s6;
	(pc) =	sbr.rel .LBB2_1-.Ltmp0, $4  }
0xc: {  	v16 =	vor.u32 $0x6, v1;
	v19 =	vor.u32 $0x800, v15;
	v20 =	vor.u32 $0x1000, v15;
	s25 =	simm.s32 $0x1;
	s11 =	sadd.s32 $0x3D0A00, s6;
	s12 =	sadd.s32 $0x4C4C80, s6  }
0xd: {  	v18 =	vor.u32 $0x7, v1;
	v21 =	vor.u32 $0x1800, v15;
	v4 =	vor.u32 $0x80, v0;
	s13 =	sadd.s32 $0x5B8F00, s6;
	s14 =	sadd.s32 $0x6AD180, s6;
	[dreg:$0x4] =	wrdreg s3  }
0xe: {  	v6 =	vor.u32 $0x100, v0;
	v8 =	vor.u32 $0x180, v0;
	v10 =	vor.u32 $0x200, v0;
	s17 =	smax.u32 s0, $0x1;
	s0 =	simm.s32 $0x10000;
	[dreg:$0x5] =	wrdreg s8  }
0xf: {  	v12 =	vor.u32 $0x280, v0;
	v14 =	vor.u32 $0x300, v0;
	v17 =	vor.u32 $0x380, v0;
	[dreg:$0x6] =	wrdreg s26;
	s26 =	simm.s32 $0x8000;
	s3 =	simm.s32 $0x5  }
.LBB2_14:
0x10: {  	s18 =	sadd.s32 $0x1, s18  }
0x11: {  	p1 =	sne.s32 s18, s17  }
.Ltmp1:
0x12: {  	_ = 	snop;
	(pc) =	sbr.rel @!p1 .LBB2_15-.Ltmp1, $1  }
0x13: {  	_ =	sdelay $0x3  }
.LBB2_1:
0x14: {  	[tilespmem:s4], [sflag:$0x1] =	stream.linear.gather [hbm4b:s6+s4], $0x800, $0x38;
	[tilespmem:$0x13000] =	vst v63  }
0x15: {  	s8 =	rddreg [dreg:$0x4];
	s9 =	simm.s32 $0x800  }
0x16: {  	[tilespmem:s9], [sflag:$0x1] =	stream.linear.gather [hbm4b:s8+s4], $0x800, $0x38;
	[tilespmem:$0x13000] =	vst v63  }
0x17: {  	s10 =	rddreg [dreg:$0x5];
	s16 =	simm.s32 $0x1000  }
0x18: {  	[tilespmem:s16], [sflag:$0x1] =	stream.linear.gather [hbm4b:s10+s4], $0x800, $0x38;
	[tilespmem:$0x13000] =	vst v63  }
0x19: {  	s19 =	rddreg [dreg:$0x6];
	s20 =	simm.s32 $0x1800  }
0x1a: {  	[tilespmem:s20], [sflag:$0x1] =	stream.linear.gather [hbm4b:s19+s4], $0x800, $0x38;
	[tilespmem:$0x13000] =	vst v63  }
0x1b: {  	s21 =	simm.s32 $0x2000  }
0x1c: {  	[tilespmem:s21], [sflag:$0x1] =	stream.linear.gather [hbm4b:s11+s4], $0x800, $0x38;
	[tilespmem:$0x13000] =	vst v63  }
0x1d: {  	s22 =	simm.s32 $0x2800  }
0x1e: {  	[tilespmem:s22], [sflag:$0x1] =	stream.linear.gather [hbm4b:s12+s4], $0x800, $0x38;
	[tilespmem:$0x13000] =	vst v63  }
.Ltmp2:
0x1f: {  	_ = 	snop;
	(pc) =	sbr.rel .LBB2_2-.Ltmp2, $4  }
0x20: {  	s23 =	simm.s32 $0x3000  }
0x21: {  	[tilespmem:s23], [sflag:$0x1] =	stream.linear.gather [hbm4b:s13+s4], $0x800, $0x38;
	[tilespmem:$0x13000] =	vst v63  }
0x22: {  	s24 =	simm.s32 $0x3800;
	s19 =	simm.s32 $0x0  }
0x23: {  	[tilespmem:s24], [sflag:$0x1] =	stream.linear.gather [hbm4b:s14+s4], $0x800, $0x38;
	[tilespmem:$0x13000] =	vst v63  }
.LBB2_9:
0x24: {  	s19 =	sadd.s32 $0x1, s19  }
0x25: {  	p1 =	sne.s32 s19, $0x3E  }
.Ltmp3:
0x26: {  	_ = 	snop;
	(pc) =	sbr.rel @!p1 .LBB2_10-.Ltmp3, $1  }
0x27: {  	_ =	sdelay $0x3  }
.LBB2_2:
0x28: {  	s21 =	sshll.u32 s19, $0x6  }
0x29: {  	s22 =	sor.u32 s5, s21  }
0x2a: {  	p1 =	sgt.u32 s22, $0xF41  }
.Ltmp4:
0x2b: {  	_ = 	snop;
	(pc) =	sbr.rel @p1 .LBB2_9-.Ltmp4, $1  }
0x2c: {  	_ =	sdelay $0x3  }
0x2d: {  	_ =	swait.ge [sflag:s25], $0x4000;
	s20 =	sor.u32 $0x20, s22  }
0x2e: {  	[sflag:s25] =	ssyncset.done $0x0;
	p2 =	sgt.u32 s20, $0xF41  }
0x2f: {  	[sflag:s25] =	ssyncadd.s32 $0xFFFFC000;
	s16 =	sshll.u32 @!p2 s20, $0x8  }
0x30: {  	s24 =	simm.s32 @!p2 $0x0;
	s8 =	simm.s32 @!p2 $0x4000;
	s23 =	sadd.s32 @!p2 s1, s16  }
0x31: {  	[tilespmem:s8], [sflag:$0x2] =	stream.linear.gather @!p2 [hbm4b:s23+s24], $0x800, $0x38;
	[tilespmem:$0x13000] =	vst v63  }
0x32: {  	s8 =	sand.u32 @!p2 $0x1FFFFF00, s16  }
0x33: {  	s8 =	sadd.s32 @!p2 s1, s8  }
0x34: {  	s23 =	simm.s32 @!p2 $0x4800;
	s16 =	sadd.s32 @!p2 $0xF4280, s8  }
0x35: {  	[tilespmem:s23], [sflag:$0x2] =	stream.linear.gather @!p2 [hbm4b:s16+s24], $0x800, $0x38;
	[tilespmem:$0x13000] =	vst v63  }
0x36: {  	s16 =	sadd.s32 @!p2 $0x1E8500, s8;
	s23 =	simm.s32 @!p2 $0x5000  }
0x37: {  	[tilespmem:s23], [sflag:$0x2] =	stream.linear.gather @!p2 [hbm4b:s16+s24], $0x800, $0x38;
	[tilespmem:$0x13000] =	vst v63  }
0x38: {  	s16 =	sadd.s32 @!p2 $0x2DC780, s8;
	s23 =	simm.s32 @!p2 $0x5800  }
0x39: {  	[tilespmem:s23], [sflag:$0x2] =	stream.linear.gather @!p2 [hbm4b:s16+s24], $0x800, $0x38;
	[tilespmem:$0x13000] =	vst v63  }
0x3a: {  	s9 =	simm.s32 @!p2 $0x6000;
	s16 =	sadd.s32 @!p2 $0x3D0A00, s8;
	s23 =	simm.s32 $0x0  }
0x3b: {  	v22 =	vmov s23;
	[tilespmem:s9], [sflag:$0x2] =	stream.linear.gather @!p2 [hbm4b:s16+s24], $0x800, $0x38;
	[tilespmem:$0x13000] =	vst v63  }
0x3c: {  	s9 =	sadd.s32 @!p2 $0x4C4C80, s8;
	s16 =	simm.s32 @!p2 $0x6800;
	v22 =	vshll.u32 v22, $0x2  }
0x3d: {  	v22 =	vadd.s32 v2, v22;
	[tilespmem:s16], [sflag:$0x2] =	stream.linear.gather @!p2 [hbm4b:s9+s24], $0x800, $0x38;
	[tilespmem:$0x13000] =	vst v63  }
0x3e: {  	s16 =	sand.u32 $0x40, s23;
	v22 =	vand.u32 $0x3C, v22  }
0x3f: {  	s10 =	simm.s32 @!p2 $0x7000;
	s9 =	sadd.s32 @!p2 $0x5B8F00, s8;
	v23 =	vmov s16;
	v24 =	vshll.u32 v22, $0x1  }
0x40: {  	[tilespmem:s10], [sflag:$0x2] =	stream.linear.gather @!p2 [hbm4b:s9+s24], $0x800, $0x38;
	v24 =	vor.u32 v3, v24;
	v23 =	vshll.u32 v23, $0x4;
	[tilespmem:$0x13000] =	vst v63  }
0x41: {  	p1 =	seq.s32 s19, $0x0;
	s8 =	sadd.s32 @!p2 $0x6AD180, s8;
	s9 =	simm.s32 @!p2 $0x7800;
	v23 =	vor.u32 v24, v23  }
0x42: {  	[tilespmem:s9], [sflag:$0x2] =	stream.linear.gather @!p2 [hbm4b:s8+s24], $0x800, $0x38;
	v24 =	vor.u32 v0, v23;
	[tilespmem:$0x13000] =	vst v63  }
0x43: {  	s8 =	simm.s32 @!p1 $0x3  }
0x44: {  	_ =	swait.ge @!p1 [sflag:s8], $0x4000  }
0x45: {  	v25 =	vor.u32 s16, v22;
	[sflag:s8] =	ssyncset.done @!p1 $0x0  }
0x46: {  	v25 =	vshll.u32 v25, $0x7;
	[sflag:s8] =	ssyncadd.s32 @!p1 $0xFFFFC000  }
0x47: {  	v26 =	vor.u32 v1, v25;
	v24 =	vld.idx.msk [tilespmem:v24+s4+$0x0], $0xffff  }
0x48: {  	v27 =	vor.u32 v4, v23;
	_ =	sdelay $0x3  }
0x49: {  	[tilespmem:v26+s26+$0x0] =	vst.idx.msk $0xffff, v24  }
0x4a: {  	v26 =	vor.u32 v5, v25;
	v24 =	vld.idx.msk [tilespmem:v27+s4+$0x0], $0xffff  }
0x4b: {  	v27 =	vor.u32 v6, v23;
	_ =	sdelay $0x3  }
0x4c: {  	[tilespmem:v26+s26+$0x0] =	vst.idx.msk $0xffff, v24  }
0x4d: {  	v26 =	vor.u32 v7, v25;
	v24 =	vld.idx.msk [tilespmem:v27+s4+$0x0], $0xffff  }
0x4e: {  	v27 =	vor.u32 v8, v23;
	_ =	sdelay $0x3  }
0x4f: {  	[tilespmem:v26+s26+$0x0] =	vst.idx.msk $0xffff, v24  }
0x50: {  	v26 =	vor.u32 v9, v25;
	v24 =	vld.idx.msk [tilespmem:v27+s4+$0x0], $0xffff  }
0x51: {  	v27 =	vor.u32 v10, v23;
	_ =	sdelay $0x3  }
0x52: {  	[tilespmem:v26+s26+$0x0] =	vst.idx.msk $0xffff, v24  }
0x53: {  	v26 =	vor.u32 v11, v25;
	v24 =	vld.idx.msk [tilespmem:v27+s4+$0x0], $0xffff  }
0x54: {  	v27 =	vor.u32 v12, v23;
	_ =	sdelay $0x3  }
0x55: {  	[tilespmem:v26+s26+$0x0] =	vst.idx.msk $0xffff, v24  }
0x56: {  	v26 =	vor.u32 v13, v25;
	v24 =	vld.idx.msk [tilespmem:v27+s4+$0x0], $0xffff  }
0x57: {  	v27 =	vor.u32 v14, v23;
	_ =	sdelay $0x3  }
0x58: {  	[tilespmem:v26+s26+$0x0] =	vst.idx.msk $0xffff, v24  }
0x59: {  	v26 =	vor.u32 v16, v25;
	v24 =	vld.idx.msk [tilespmem:v27+s4+$0x0], $0xffff  }
0x5a: {  	s9 =	sor.u32 $0x1, s16;
	v23 =	vor.u32 v17, v23  }
0x5b: {  	v27 =	vor.u32 s9, v22  }
0x5c: {  	v28 =	vmov s9;
	v29 =	vshll.u32 v27, $0x1  }
0x5d: {  	v28 =	vshll.u32 v28, $0x4;
	v29 =	vor.u32 v3, v29  }
0x5e: {  	[tilespmem:v26+s26+$0x0] =	vst.idx.msk $0xffff, v24;
	v24 =	vand.u32 $0x7F, v29;
	v26 =	vand.u32 $0x400, v28  }
0x5f: {  	v25 =	vor.u32 v18, v25;
	v23 =	vld.idx.msk [tilespmem:v23+s4+$0x0], $0xffff;
	v24 =	vor.u32 v26, v24  }
0x60: {  	v26 =	vor.u32 v0, v24;
	_ =	sdelay $0x3  }
0x61: {  	[tilespmem:v25+s26+$0x0] =	vst.idx.msk $0xffff, v23;
	v23 =	vshll.u32 v27, $0x7  }
0x62: {  	v25 =	vld.idx.msk [tilespmem:v26+s4+$0x0], $0xffff;
	v26 =	vor.u32 v1, v23  }
0x63: {  	v27 =	vor.u32 v4, v24;
	_ =	sdelay $0x3  }
0x64: {  	[tilespmem:v26+s26+$0x0] =	vst.idx.msk $0xffff, v25  }
0x65: {  	v26 =	vor.u32 v5, v23;
	v25 =	vld.idx.msk [tilespmem:v27+s4+$0x0], $0xffff  }
0x66: {  	v27 =	vor.u32 v6, v24;
	_ =	sdelay $0x3  }
0x67: {  	[tilespmem:v26+s26+$0x0] =	vst.idx.msk $0xffff, v25  }
0x68: {  	v26 =	vor.u32 v7, v23;
	v25 =	vld.idx.msk [tilespmem:v27+s4+$0x0], $0xffff  }
0x69: {  	v27 =	vor.u32 v8, v24;
	_ =	sdelay $0x3  }
0x6a: {  	[tilespmem:v26+s26+$0x0] =	vst.idx.msk $0xffff, v25  }
0x6b: {  	v26 =	vor.u32 v9, v23;
	v25 =	vld.idx.msk [tilespmem:v27+s4+$0x0], $0xffff  }
0x6c: {  	v27 =	vor.u32 v10, v24;
	_ =	sdelay $0x3  }
0x6d: {  	[tilespmem:v26+s26+$0x0] =	vst.idx.msk $0xffff, v25  }
0x6e: {  	v26 =	vor.u32 v11, v23;
	v25 =	vld.idx.msk [tilespmem:v27+s4+$0x0], $0xffff  }
0x6f: {  	v27 =	vor.u32 v12, v24;
	_ =	sdelay $0x3  }
0x70: {  	[tilespmem:v26+s26+$0x0] =	vst.idx.msk $0xffff, v25  }
0x71: {  	v26 =	vor.u32 v13, v23;
	v25 =	vld.idx.msk [tilespmem:v27+s4+$0x0], $0xffff  }
0x72: {  	v27 =	vor.u32 v14, v24;
	_ =	sdelay $0x3  }
0x73: {  	[tilespmem:v26+s26+$0x0] =	vst.idx.msk $0xffff, v25  }
0x74: {  	v26 =	vor.u32 v16, v23;
	v25 =	vld.idx.msk [tilespmem:v27+s4+$0x0], $0xffff  }
0x75: {  	s10 =	sor.u32 $0x2, s16;
	v24 =	vor.u32 v17, v24  }
0x76: {  	v27 =	vor.u32 s10, v22  }
0x77: {  	v61 =	vmov s10;
	v62 =	vshll.u32 v27, $0x1  }
0x78: {  	v28 =	vshll.u32 v61, $0x4;
	v29 =	vor.u32 v3, v62  }
0x79: {  	[tilespmem:v26+s26+$0x0] =	vst.idx.msk $0xffff, v25;
	v25 =	vand.u32 $0x7F, v29;
	v26 =	vand.u32 $0x400, v28  }
0x7a: {  	v23 =	vor.u32 v18, v23;
	v24 =	vld.idx.msk [tilespmem:v24+s4+$0x0], $0xffff;
	v25 =	vor.u32 v26, v25  }
0x7b: {  	v26 =	vor.u32 v0, v25;
	_ =	sdelay $0x3  }
0x7c: {  	[tilespmem:v23+s26+$0x0] =	vst.idx.msk $0xffff, v24;
	v23 =	vshll.u32 v27, $0x7  }
0x7d: {  	v24 =	vld.idx.msk [tilespmem:v26+s4+$0x0], $0xffff;
	v26 =	vor.u32 v1, v23  }
0x7e: {  	v27 =	vor.u32 v4, v25;
	_ =	sdelay $0x3  }
0x7f: {  	[tilespmem:v26+s26+$0x0] =	vst.idx.msk $0xffff, v24  }
0x80: {  	v26 =	vor.u32 v5, v23;
	v24 =	vld.idx.msk [tilespmem:v27+s4+$0x0], $0xffff  }
0x81: {  	v27 =	vor.u32 v6, v25;
	_ =	sdelay $0x3  }
0x82: {  	[tilespmem:v26+s26+$0x0] =	vst.idx.msk $0xffff, v24  }
0x83: {  	v26 =	vor.u32 v7, v23;
	v24 =	vld.idx.msk [tilespmem:v27+s4+$0x0], $0xffff  }
0x84: {  	v27 =	vor.u32 v8, v25;
	_ =	sdelay $0x3  }
0x85: {  	[tilespmem:v26+s26+$0x0] =	vst.idx.msk $0xffff, v24  }
0x86: {  	v26 =	vor.u32 v9, v23;
	v24 =	vld.idx.msk [tilespmem:v27+s4+$0x0], $0xffff  }
0x87: {  	v27 =	vor.u32 v10, v25;
	_ =	sdelay $0x3  }
0x88: {  	[tilespmem:v26+s26+$0x0] =	vst.idx.msk $0xffff, v24  }
0x89: {  	v26 =	vor.u32 v11, v23;
	v24 =	vld.idx.msk [tilespmem:v27+s4+$0x0], $0xffff  }
0x8a: {  	v27 =	vor.u32 v12, v25;
	_ =	sdelay $0x3  }
0x8b: {  	[tilespmem:v26+s26+$0x0] =	vst.idx.msk $0xffff, v24  }
0x8c: {  	v26 =	vor.u32 v13, v23;
	v24 =	vld.idx.msk [tilespmem:v27+s4+$0x0], $0xffff  }
0x8d: {  	v27 =	vor.u32 v14, v25;
	_ =	sdelay $0x3  }
0x8e: {  	[tilespmem:v26+s26+$0x0] =	vst.idx.msk $0xffff, v24  }
0x8f: {  	v26 =	vor.u32 v16, v23;
	v24 =	vld.idx.msk [tilespmem:v27+s4+$0x0], $0xffff  }
0x90: {  	s16 =	sor.u32 $0x3, s16;
	v25 =	vor.u32 v17, v25  }
0x91: {  	v22 =	vor.u32 s16, v22  }
0x92: {  	v63 =	vshll.u32 v22, $0x1;
	v27 =	vmov s16  }
0x93: {  	v28 =	vor.u32 v3, v63;
	v27 =	vshll.u32 v27, $0x4  }
0x94: {  	[tilespmem:v26+s26+$0x0] =	vst.idx.msk $0xffff, v24;
	v24 =	vand.u32 $0x7F, v28;
	v26 =	vand.u32 $0x400, v27  }
0x95: {  	v23 =	vor.u32 v18, v23;
	v25 =	vld.idx.msk [tilespmem:v25+s4+$0x0], $0xffff;
	v26 =	vor.u32 v26, v24  }
0x96: {  	v24 =	vor.u32 v0, v26;
	_ =	sdelay $0x3  }
0x97: {  	[tilespmem:v23+s26+$0x0] =	vst.idx.msk $0xffff, v25;
	v23 =	vshll.u32 v22, $0x7  }
0x98: {  	v22 =	vld.idx.msk [tilespmem:v24+s4+$0x0], $0xffff;
	v24 =	vor.u32 v1, v23  }
0x99: {  	v25 =	vor.u32 v4, v26;
	_ =	sdelay $0x3  }
0x9a: {  	[tilespmem:v24+s26+$0x0] =	vst.idx.msk $0xffff, v22  }
0x9b: {  	v24 =	vor.u32 v5, v23;
	v22 =	vld.idx.msk [tilespmem:v25+s4+$0x0], $0xffff  }
0x9c: {  	v25 =	vor.u32 v6, v26;
	_ =	sdelay $0x3  }
0x9d: {  	[tilespmem:v24+s26+$0x0] =	vst.idx.msk $0xffff, v22  }
0x9e: {  	v24 =	vor.u32 v7, v23;
	v22 =	vld.idx.msk [tilespmem:v25+s4+$0x0], $0xffff  }
0x9f: {  	v25 =	vor.u32 v8, v26;
	_ =	sdelay $0x3  }
0xa0: {  	[tilespmem:v24+s26+$0x0] =	vst.idx.msk $0xffff, v22  }
0xa1: {  	v24 =	vor.u32 v9, v23;
	v22 =	vld.idx.msk [tilespmem:v25+s4+$0x0], $0xffff  }
0xa2: {  	v25 =	vor.u32 v10, v26;
	_ =	sdelay $0x3  }
0xa3: {  	[tilespmem:v24+s26+$0x0] =	vst.idx.msk $0xffff, v22  }
0xa4: {  	v24 =	vor.u32 v11, v23;
	v22 =	vld.idx.msk [tilespmem:v25+s4+$0x0], $0xffff  }
0xa5: {  	v25 =	vor.u32 v12, v26;
	_ =	sdelay $0x3  }
0xa6: {  	[tilespmem:v24+s26+$0x0] =	vst.idx.msk $0xffff, v22  }
0xa7: {  	v24 =	vor.u32 v13, v23;
	v22 =	vld.idx.msk [tilespmem:v25+s4+$0x0], $0xffff  }
0xa8: {  	v25 =	vor.u32 v14, v26;
	_ =	sdelay $0x3  }
0xa9: {  	[tilespmem:v24+s26+$0x0] =	vst.idx.msk $0xffff, v22  }
0xaa: {  	s24 =	simm.s32 $0x1;
	v24 =	vld.idx.msk [tilespmem:v25+s4+$0x0], $0xffff;
	v25 =	vor.u32 v16, v23  }
0xab: {  	v26 =	vor.u32 v17, v26;
	v22 =	vmov s24;
	s24 =	simm.s32 $0x2  }
.LBB2_4:
0xac: {  	p3 =	sne.s32 s24, $0x1F;
	v22 =	vshll.u32 v22, $0x2  }
0xad: {  	s23 =	sadd.s32 $0x4, s23;
	v22 =	vadd.s32 v2, v22  }
0xae: {  	s16 =	sand.u32 $0x40, s23;
	v22 =	vand.u32 $0x3C, v22  }
0xaf: {  	v27 =	vmov s16;
	v28 =	vshll.u32 v22, $0x1;
	[tilespmem:v25+s26+$0x0] =	vst.idx.msk $0xffff, v24  }
0xb0: {  	v25 =	vshll.u32 v27, $0x4;
	v24 =	vor.u32 v3, v28;
	v26 =	vld.idx.msk [tilespmem:v26+s4+$0x0], $0xffff  }
0xb1: {  	v23 =	vor.u32 v18, v23;
	v24 =	vor.u32 v24, v25  }
0xb2: {  	v25 =	vor.u32 v0, v24;
	_ =	sdelay $0x3  }
0xb3: {  	v27 =	vor.u32 s16, v22;
	[tilespmem:v23+s26+$0x0] =	vst.idx.msk $0xffff, v26  }
0xb4: {  	v23 =	vld.idx.msk [tilespmem:v25+s4+$0x0], $0xffff;
	v25 =	vshll.u32 v27, $0x7  }
0xb5: {  	v26 =	vor.u32 v1, v25  }
0xb6: {  	v27 =	vor.u32 v4, v24;
	_ =	sdelay $0x3  }
0xb7: {  	[tilespmem:v26+s26+$0x0] =	vst.idx.msk $0xffff, v23  }
0xb8: {  	v23 =	vld.idx.msk [tilespmem:v27+s4+$0x0], $0xffff  }
0xb9: {  	v26 =	vor.u32 v5, v25  }
0xba: {  	v27 =	vor.u32 v6, v24;
	_ =	sdelay $0x3  }
0xbb: {  	[tilespmem:v26+s26+$0x0] =	vst.idx.msk $0xffff, v23  }
0xbc: {  	v23 =	vld.idx.msk [tilespmem:v27+s4+$0x0], $0xffff  }
0xbd: {  	v26 =	vor.u32 v7, v25  }
0xbe: {  	v27 =	vor.u32 v8, v24;
	_ =	sdelay $0x3  }
0xbf: {  	[tilespmem:v26+s26+$0x0] =	vst.idx.msk $0xffff, v23  }
0xc0: {  	v23 =	vld.idx.msk [tilespmem:v27+s4+$0x0], $0xffff  }
0xc1: {  	v26 =	vor.u32 v9, v25  }
0xc2: {  	v27 =	vor.u32 v10, v24;
	_ =	sdelay $0x3  }
0xc3: {  	[tilespmem:v26+s26+$0x0] =	vst.idx.msk $0xffff, v23  }
0xc4: {  	v23 =	vld.idx.msk [tilespmem:v27+s4+$0x0], $0xffff  }
0xc5: {  	v26 =	vor.u32 v11, v25  }
0xc6: {  	v27 =	vor.u32 v12, v24;
	_ =	sdelay $0x3  }
0xc7: {  	[tilespmem:v26+s26+$0x0] =	vst.idx.msk $0xffff, v23  }
0xc8: {  	v23 =	vld.idx.msk [tilespmem:v27+s4+$0x0], $0xffff  }
0xc9: {  	v26 =	vor.u32 v13, v25  }
0xca: {  	v27 =	vor.u32 v14, v24;
	_ =	sdelay $0x3  }
0xcb: {  	[tilespmem:v26+s26+$0x0] =	vst.idx.msk $0xffff, v23  }
0xcc: {  	v23 =	vld.idx.msk [tilespmem:v27+s4+$0x0], $0xffff  }
0xcd: {  	v26 =	vor.u32 v16, v25  }
0xce: {  	v24 =	vor.u32 v17, v24  }
0xcf: {  	s8 =	sor.u32 $0x1, s16  }
0xd0: {  	v27 =	vor.u32 s8, v22  }
0xd1: {  	v28 =	vmov s8;
	v29 =	vshll.u32 v27, $0x1  }
0xd2: {  	[tilespmem:v26+s26+$0x0] =	vst.idx.msk $0xffff, v23;
	v23 =	vor.u32 v3, v29;
	v26 =	vshll.u32 v28, $0x4  }
0xd3: {  	v24 =	vld.idx.msk [tilespmem:v24+s4+$0x0], $0xffff;
	v23 =	vand.u32 $0x7F, v23;
	v26 =	vand.u32 $0x400, v26  }
0xd4: {  	v25 =	vor.u32 v18, v25;
	v23 =	vor.u32 v26, v23  }
0xd5: {  	v26 =	vor.u32 v0, v23;
	_ =	sdelay $0x3  }
0xd6: {  	[tilespmem:v25+s26+$0x0] =	vst.idx.msk $0xffff, v24  }
0xd7: {  	v25 =	vshll.u32 v27, $0x7;
	v24 =	vld.idx.msk [tilespmem:v26+s4+$0x0], $0xffff  }
0xd8: {  	v26 =	vor.u32 v1, v25  }
0xd9: {  	v27 =	vor.u32 v4, v23;
	_ =	sdelay $0x3  }
0xda: {  	[tilespmem:v26+s26+$0x0] =	vst.idx.msk $0xffff, v24  }
0xdb: {  	v24 =	vld.idx.msk [tilespmem:v27+s4+$0x0], $0xffff  }
0xdc: {  	v26 =	vor.u32 v5, v25  }
0xdd: {  	v27 =	vor.u32 v6, v23;
	_ =	sdelay $0x3  }
0xde: {  	[tilespmem:v26+s26+$0x0] =	vst.idx.msk $0xffff, v24  }
0xdf: {  	v24 =	vld.idx.msk [tilespmem:v27+s4+$0x0], $0xffff  }
0xe0: {  	v26 =	vor.u32 v7, v25  }
0xe1: {  	v27 =	vor.u32 v8, v23;
	_ =	sdelay $0x3  }
0xe2: {  	[tilespmem:v26+s26+$0x0] =	vst.idx.msk $0xffff, v24  }
0xe3: {  	v24 =	vld.idx.msk [tilespmem:v27+s4+$0x0], $0xffff  }
0xe4: {  	v26 =	vor.u32 v9, v25  }
0xe5: {  	v27 =	vor.u32 v10, v23;
	_ =	sdelay $0x3  }
0xe6: {  	[tilespmem:v26+s26+$0x0] =	vst.idx.msk $0xffff, v24  }
0xe7: {  	v24 =	vld.idx.msk [tilespmem:v27+s4+$0x0], $0xffff  }
0xe8: {  	v26 =	vor.u32 v11, v25  }
0xe9: {  	v27 =	vor.u32 v12, v23;
	_ =	sdelay $0x3  }
0xea: {  	[tilespmem:v26+s26+$0x0] =	vst.idx.msk $0xffff, v24  }
0xeb: {  	v24 =	vld.idx.msk [tilespmem:v27+s4+$0x0], $0xffff  }
0xec: {  	v26 =	vor.u32 v13, v25  }
0xed: {  	v27 =	vor.u32 v14, v23;
	_ =	sdelay $0x3  }
0xee: {  	[tilespmem:v26+s26+$0x0] =	vst.idx.msk $0xffff, v24  }
0xef: {  	v24 =	vld.idx.msk [tilespmem:v27+s4+$0x0], $0xffff  }
0xf0: {  	v26 =	vor.u32 v16, v25  }
0xf1: {  	v23 =	vor.u32 v17, v23  }
0xf2: {  	s8 =	sor.u32 $0x2, s16  }
0xf3: {  	v27 =	vor.u32 s8, v22  }
0xf4: {  	v28 =	vmov s8;
	v29 =	vshll.u32 v27, $0x1  }
0xf5: {  	[tilespmem:v26+s26+$0x0] =	vst.idx.msk $0xffff, v24;
	v24 =	vor.u32 v3, v29;
	v26 =	vshll.u32 v28, $0x4  }
0xf6: {  	v23 =	vld.idx.msk [tilespmem:v23+s4+$0x0], $0xffff;
	v24 =	vand.u32 $0x7F, v24;
	v26 =	vand.u32 $0x400, v26  }
0xf7: {  	v25 =	vor.u32 v18, v25;
	v24 =	vor.u32 v26, v24  }
0xf8: {  	v26 =	vor.u32 v0, v24;
	_ =	sdelay $0x3  }
0xf9: {  	[tilespmem:v25+s26+$0x0] =	vst.idx.msk $0xffff, v23  }
0xfa: {  	v25 =	vshll.u32 v27, $0x7;
	v23 =	vld.idx.msk [tilespmem:v26+s4+$0x0], $0xffff  }
0xfb: {  	v26 =	vor.u32 v1, v25  }
0xfc: {  	v27 =	vor.u32 v4, v24;
	_ =	sdelay $0x3  }
0xfd: {  	[tilespmem:v26+s26+$0x0] =	vst.idx.msk $0xffff, v23  }
0xfe: {  	v23 =	vld.idx.msk [tilespmem:v27+s4+$0x0], $0xffff  }
0xff: {  	v26 =	vor.u32 v5, v25  }
0x100: {  	v27 =	vor.u32 v6, v24;
	_ =	sdelay $0x3  }
0x101: {  	[tilespmem:v26+s26+$0x0] =	vst.idx.msk $0xffff, v23  }
0x102: {  	v23 =	vld.idx.msk [tilespmem:v27+s4+$0x0], $0xffff  }
0x103: {  	v26 =	vor.u32 v7, v25  }
0x104: {  	v27 =	vor.u32 v8, v24;
	_ =	sdelay $0x3  }
0x105: {  	[tilespmem:v26+s26+$0x0] =	vst.idx.msk $0xffff, v23  }
0x106: {  	v23 =	vld.idx.msk [tilespmem:v27+s4+$0x0], $0xffff  }
0x107: {  	v26 =	vor.u32 v9, v25  }
0x108: {  	v27 =	vor.u32 v10, v24;
	_ =	sdelay $0x3  }
0x109: {  	[tilespmem:v26+s26+$0x0] =	vst.idx.msk $0xffff, v23  }
0x10a: {  	v23 =	vld.idx.msk [tilespmem:v27+s4+$0x0], $0xffff  }
0x10b: {  	v26 =	vor.u32 v11, v25  }
0x10c: {  	v27 =	vor.u32 v12, v24;
	_ =	sdelay $0x3  }
0x10d: {  	[tilespmem:v26+s26+$0x0] =	vst.idx.msk $0xffff, v23  }
0x10e: {  	v23 =	vld.idx.msk [tilespmem:v27+s4+$0x0], $0xffff  }
0x10f: {  	v26 =	vor.u32 v13, v25  }
0x110: {  	v27 =	vor.u32 v14, v24;
	_ =	sdelay $0x3  }
0x111: {  	[tilespmem:v26+s26+$0x0] =	vst.idx.msk $0xffff, v23  }
0x112: {  	v23 =	vld.idx.msk [tilespmem:v27+s4+$0x0], $0xffff  }
0x113: {  	v26 =	vor.u32 v16, v25  }
0x114: {  	v24 =	vor.u32 v17, v24  }
0x115: {  	s8 =	sor.u32 $0x3, s16  }
0x116: {  	v22 =	vor.u32 s8, v22  }
0x117: {  	v28 =	vshll.u32 v22, $0x1;
	v27 =	vmov s8  }
0x118: {  	[tilespmem:v26+s26+$0x0] =	vst.idx.msk $0xffff, v23;
	v23 =	vor.u32 v3, v28;
	v26 =	vshll.u32 v27, $0x4  }
0x119: {  	v24 =	vld.idx.msk [tilespmem:v24+s4+$0x0], $0xffff;
	v23 =	vand.u32 $0x7F, v23;
	v26 =	vand.u32 $0x400, v26  }
0x11a: {  	v25 =	vor.u32 v18, v25;
	v26 =	vor.u32 v26, v23  }
0x11b: {  	v23 =	vor.u32 v0, v26;
	_ =	sdelay $0x3  }
0x11c: {  	[tilespmem:v25+s26+$0x0] =	vst.idx.msk $0xffff, v24  }
0x11d: {  	v24 =	vld.idx.msk [tilespmem:v23+s4+$0x0], $0xffff;
	v23 =	vshll.u32 v22, $0x7  }
0x11e: {  	v22 =	vor.u32 v1, v23  }
0x11f: {  	v25 =	vor.u32 v4, v26;
	_ =	sdelay $0x3  }
0x120: {  	[tilespmem:v22+s26+$0x0] =	vst.idx.msk $0xffff, v24  }
0x121: {  	v22 =	vld.idx.msk [tilespmem:v25+s4+$0x0], $0xffff  }
0x122: {  	v24 =	vor.u32 v5, v23  }
0x123: {  	v25 =	vor.u32 v6, v26;
	_ =	sdelay $0x3  }
0x124: {  	[tilespmem:v24+s26+$0x0] =	vst.idx.msk $0xffff, v22  }
0x125: {  	v22 =	vld.idx.msk [tilespmem:v25+s4+$0x0], $0xffff  }
0x126: {  	v24 =	vor.u32 v7, v23  }
0x127: {  	v25 =	vor.u32 v8, v26;
	_ =	sdelay $0x3  }
0x128: {  	[tilespmem:v24+s26+$0x0] =	vst.idx.msk $0xffff, v22  }
0x129: {  	v22 =	vld.idx.msk [tilespmem:v25+s4+$0x0], $0xffff  }
0x12a: {  	v24 =	vor.u32 v9, v23  }
0x12b: {  	v25 =	vor.u32 v10, v26;
	_ =	sdelay $0x3  }
0x12c: {  	[tilespmem:v24+s26+$0x0] =	vst.idx.msk $0xffff, v22  }
0x12d: {  	v22 =	vld.idx.msk [tilespmem:v25+s4+$0x0], $0xffff  }
0x12e: {  	v24 =	vor.u32 v11, v23  }
0x12f: {  	v25 =	vor.u32 v12, v26;
	_ =	sdelay $0x3  }
0x130: {  	[tilespmem:v24+s26+$0x0] =	vst.idx.msk $0xffff, v22  }
0x131: {  	v22 =	vld.idx.msk [tilespmem:v25+s4+$0x0], $0xffff  }
0x132: {  	v24 =	vor.u32 v13, v23  }
0x133: {  	v25 =	vor.u32 v14, v26;
	_ =	sdelay $0x2  }
.Ltmp5:
0x134: {  	(pc) =	sbr.rel @p3 .LBB2_4-.Ltmp5, $4  }
0x135: {  	[tilespmem:v24+s26+$0x0] =	vst.idx.msk $0xffff, v22  }
0x136: {  	v24 =	vld.idx.msk [tilespmem:v25+s4+$0x0], $0xffff  }
0x137: {  	v25 =	vor.u32 v16, v23  }
0x138: {  	v26 =	vor.u32 v17, v26;
	v22 =	vmov s24;
	s24 =	sadd.s32 $0x1, s24  }
0x139: {  	v22 =	vshll.u32 v22, $0x2  }
0x13a: {  	s8 =	sadd.s32 $0x4, s23;
	v22 =	vadd.s32 v2, v22  }
0x13b: {  	s16 =	sand.u32 $0x40, s8;
	v22 =	vand.u32 $0x3C, v22  }
0x13c: {  	v27 =	vmov s16;
	v28 =	vshll.u32 v22, $0x1  }
0x13d: {  	[tilespmem:v25+s26+$0x0] =	vst.idx.msk $0xffff, v24;
	v29 =	vshll.u32 v27, $0x4;
	v28 =	vor.u32 v3, v28  }
0x13e: {  	v23 =	vor.u32 v18, v23;
	v26 =	vld.idx.msk [tilespmem:v26+s4+$0x0], $0xffff;
	v24 =	vor.u32 v28, v29  }
0x13f: {  	v25 =	vor.u32 v0, v24;
	_ =	sdelay $0x2  }
0x140: {  	v30 =	vor.u32 s16, v22  }
0x141: {  	[tilespmem:v23+s26+$0x0] =	vst.idx.msk $0xffff, v26;
	v23 =	vshll.u32 v30, $0x7  }
0x142: {  	v31 =	vor.u32 v1, v23;
	v25 =	vld.idx.msk [tilespmem:v25+s4+$0x0], $0xffff  }
0x143: {  	v32 =	vor.u32 v4, v24;
	_ =	sdelay $0x3  }
0x144: {  	[tilespmem:v31+s26+$0x0] =	vst.idx.msk $0xffff, v25  }
0x145: {  	v33 =	vor.u32 v5, v23;
	v25 =	vld.idx.msk [tilespmem:v32+s4+$0x0], $0xffff  }
0x146: {  	v34 =	vor.u32 v6, v24;
	_ =	sdelay $0x3  }
0x147: {  	[tilespmem:v33+s26+$0x0] =	vst.idx.msk $0xffff, v25  }
0x148: {  	v35 =	vor.u32 v7, v23;
	v25 =	vld.idx.msk [tilespmem:v34+s4+$0x0], $0xffff  }
0x149: {  	v36 =	vor.u32 v8, v24;
	_ =	sdelay $0x3  }
0x14a: {  	[tilespmem:v35+s26+$0x0] =	vst.idx.msk $0xffff, v25  }
0x14b: {  	v37 =	vor.u32 v9, v23;
	v25 =	vld.idx.msk [tilespmem:v36+s4+$0x0], $0xffff  }
0x14c: {  	v38 =	vor.u32 v10, v24;
	_ =	sdelay $0x3  }
0x14d: {  	[tilespmem:v37+s26+$0x0] =	vst.idx.msk $0xffff, v25  }
0x14e: {  	v39 =	vor.u32 v11, v23;
	v25 =	vld.idx.msk [tilespmem:v38+s4+$0x0], $0xffff  }
0x14f: {  	v40 =	vor.u32 v12, v24;
	_ =	sdelay $0x3  }
0x150: {  	[tilespmem:v39+s26+$0x0] =	vst.idx.msk $0xffff, v25  }
0x151: {  	v41 =	vor.u32 v13, v23;
	v25 =	vld.idx.msk [tilespmem:v40+s4+$0x0], $0xffff  }
0x152: {  	v42 =	vor.u32 v14, v24;
	_ =	sdelay $0x3  }
0x153: {  	[tilespmem:v41+s26+$0x0] =	vst.idx.msk $0xffff, v25  }
0x154: {  	v43 =	vor.u32 v16, v23;
	v25 =	vld.idx.msk [tilespmem:v42+s4+$0x0], $0xffff  }
0x155: {  	s8 =	sor.u32 $0x1, s16;
	v24 =	vor.u32 v17, v24  }
0x156: {  	v44 =	vor.u32 s8, v22  }
0x157: {  	v45 =	vmov s8;
	v29 =	vshll.u32 v44, $0x1  }
0x158: {  	v28 =	vshll.u32 v45, $0x4;
	v29 =	vor.u32 v3, v29  }
0x159: {  	v47 =	vand.u32 $0x400, v28;
	v46 =	vand.u32 $0x7F, v29;
	[tilespmem:v43+s26+$0x0] =	vst.idx.msk $0xffff, v25  }
0x15a: {  	v23 =	vor.u32 v18, v23;
	v25 =	vor.u32 v47, v46;
	v24 =	vld.idx.msk [tilespmem:v24+s4+$0x0], $0xffff  }
0x15b: {  	v26 =	vor.u32 v0, v25;
	_ =	sdelay $0x3  }
0x15c: {  	[tilespmem:v23+s26+$0x0] =	vst.idx.msk $0xffff, v24;
	v23 =	vshll.u32 v44, $0x7  }
0x15d: {  	v24 =	vld.idx.msk [tilespmem:v26+s4+$0x0], $0xffff;
	v48 =	vor.u32 v1, v23  }
0x15e: {  	v49 =	vor.u32 v4, v25;
	_ =	sdelay $0x3  }
0x15f: {  	[tilespmem:v48+s26+$0x0] =	vst.idx.msk $0xffff, v24  }
0x160: {  	v50 =	vor.u32 v5, v23;
	v24 =	vld.idx.msk [tilespmem:v49+s4+$0x0], $0xffff  }
0x161: {  	v51 =	vor.u32 v6, v25;
	_ =	sdelay $0x3  }
0x162: {  	[tilespmem:v50+s26+$0x0] =	vst.idx.msk $0xffff, v24  }
0x163: {  	v52 =	vor.u32 v7, v23;
	v24 =	vld.idx.msk [tilespmem:v51+s4+$0x0], $0xffff  }
0x164: {  	v53 =	vor.u32 v8, v25;
	_ =	sdelay $0x3  }
0x165: {  	[tilespmem:v52+s26+$0x0] =	vst.idx.msk $0xffff, v24  }
0x166: {  	v54 =	vor.u32 v9, v23;
	v24 =	vld.idx.msk [tilespmem:v53+s4+$0x0], $0xffff  }
0x167: {  	v55 =	vor.u32 v10, v25;
	_ =	sdelay $0x3  }
0x168: {  	[tilespmem:v54+s26+$0x0] =	vst.idx.msk $0xffff, v24  }
0x169: {  	v56 =	vor.u32 v11, v23;
	v24 =	vld.idx.msk [tilespmem:v55+s4+$0x0], $0xffff  }
0x16a: {  	v57 =	vor.u32 v12, v25;
	_ =	sdelay $0x3  }
0x16b: {  	[tilespmem:v56+s26+$0x0] =	vst.idx.msk $0xffff, v24  }
0x16c: {  	v58 =	vor.u32 v13, v23;
	v24 =	vld.idx.msk [tilespmem:v57+s4+$0x0], $0xffff  }
0x16d: {  	v59 =	vor.u32 v14, v25;
	_ =	sdelay $0x3  }
0x16e: {  	[tilespmem:v58+s26+$0x0] =	vst.idx.msk $0xffff, v24  }
0x16f: {  	v60 =	vor.u32 v16, v23;
	v24 =	vld.idx.msk [tilespmem:v59+s4+$0x0], $0xffff  }
0x170: {  	s10 =	sor.u32 $0x2, s16;
	v25 =	vor.u32 v17, v25  }
0x171: {  	v61 =	vor.u32 s10, v22  }
0x172: {  	v62 =	vmov s10;
	v63 =	vshll.u32 v61, $0x1  }
0x173: {  	v28 =	vshll.u32 v62, $0x4;
	v29 =	vor.u32 v3, v63  }
0x174: {  	v32 =	vand.u32 $0x7F, v29;
	v33 =	vand.u32 $0x400, v28;
	[tilespmem:v60+s26+$0x0] =	vst.idx.msk $0xffff, v24  }
0x175: {  	v23 =	vor.u32 v18, v23;
	v24 =	vor.u32 v33, v32;
	v25 =	vld.idx.msk [tilespmem:v25+s4+$0x0], $0xffff  }
0x176: {  	v26 =	vor.u32 v0, v24;
	_ =	sdelay $0x3  }
0x177: {  	[tilespmem:v23+s26+$0x0] =	vst.idx.msk $0xffff, v25;
	v23 =	vshll.u32 v61, $0x7  }
0x178: {  	v25 =	vld.idx.msk [tilespmem:v26+s4+$0x0], $0xffff;
	v34 =	vor.u32 v1, v23  }
0x179: {  	v35 =	vor.u32 v4, v24;
	_ =	sdelay $0x3  }
0x17a: {  	[tilespmem:v34+s26+$0x0] =	vst.idx.msk $0xffff, v25  }
0x17b: {  	v36 =	vor.u32 v5, v23;
	v25 =	vld.idx.msk [tilespmem:v35+s4+$0x0], $0xffff  }
0x17c: {  	v37 =	vor.u32 v6, v24;
	_ =	sdelay $0x3  }
0x17d: {  	[tilespmem:v36+s26+$0x0] =	vst.idx.msk $0xffff, v25  }
0x17e: {  	v38 =	vor.u32 v7, v23;
	v25 =	vld.idx.msk [tilespmem:v37+s4+$0x0], $0xffff  }
0x17f: {  	v39 =	vor.u32 v8, v24;
	_ =	sdelay $0x3  }
0x180: {  	[tilespmem:v38+s26+$0x0] =	vst.idx.msk $0xffff, v25  }
0x181: {  	v40 =	vor.u32 v9, v23;
	v25 =	vld.idx.msk [tilespmem:v39+s4+$0x0], $0xffff  }
0x182: {  	v41 =	vor.u32 v10, v24;
	_ =	sdelay $0x3  }
0x183: {  	[tilespmem:v40+s26+$0x0] =	vst.idx.msk $0xffff, v25  }
0x184: {  	v42 =	vor.u32 v11, v23;
	v25 =	vld.idx.msk [tilespmem:v41+s4+$0x0], $0xffff  }
0x185: {  	v43 =	vor.u32 v12, v24;
	_ =	sdelay $0x3  }
0x186: {  	[tilespmem:v42+s26+$0x0] =	vst.idx.msk $0xffff, v25  }
0x187: {  	v44 =	vor.u32 v13, v23;
	v25 =	vld.idx.msk [tilespmem:v43+s4+$0x0], $0xffff  }
0x188: {  	v45 =	vor.u32 v14, v24;
	_ =	sdelay $0x3  }
0x189: {  	[tilespmem:v44+s26+$0x0] =	vst.idx.msk $0xffff, v25  }
0x18a: {  	v46 =	vor.u32 v16, v23;
	v25 =	vld.idx.msk [tilespmem:v45+s4+$0x0], $0xffff  }
0x18b: {  	s23 =	sor.u32 $0x3, s16;
	v24 =	vor.u32 v17, v24  }
0x18c: {  	v22 =	vor.u32 s23, v22  }
0x18d: {  	v47 =	vmov s23;
	v48 =	vshll.u32 v22, $0x1  }
0x18e: {  	v27 =	vshll.u32 v47, $0x4;
	v28 =	vor.u32 v3, v48  }
0x18f: {  	v49 =	vand.u32 $0x7F, v28;
	v50 =	vand.u32 $0x400, v27;
	[tilespmem:v46+s26+$0x0] =	vst.idx.msk $0xffff, v25  }
0x190: {  	v23 =	vor.u32 v18, v23;
	v25 =	vor.u32 v50, v49;
	v24 =	vld.idx.msk [tilespmem:v24+s4+$0x0], $0xffff  }
0x191: {  	v26 =	vor.u32 v0, v25;
	_ =	sdelay $0x3  }
0x192: {  	v22 =	vshll.u32 v22, $0x7;
	[tilespmem:v23+s26+$0x0] =	vst.idx.msk $0xffff, v24  }
0x193: {  	v51 =	vor.u32 v1, v22;
	v23 =	vld.idx.msk [tilespmem:v26+s4+$0x0], $0xffff  }
0x194: {  	v52 =	vor.u32 v4, v25;
	_ =	sdelay $0x3  }
0x195: {  	[tilespmem:v51+s26+$0x0] =	vst.idx.msk $0xffff, v23  }
0x196: {  	v53 =	vor.u32 v5, v22;
	v23 =	vld.idx.msk [tilespmem:v52+s4+$0x0], $0xffff  }
0x197: {  	v54 =	vor.u32 v6, v25;
	_ =	sdelay $0x3  }
0x198: {  	[tilespmem:v53+s26+$0x0] =	vst.idx.msk $0xffff, v23  }
0x199: {  	v55 =	vor.u32 v7, v22;
	v23 =	vld.idx.msk [tilespmem:v54+s4+$0x0], $0xffff  }
0x19a: {  	v56 =	vor.u32 v8, v25;
	_ =	sdelay $0x3  }
0x19b: {  	[tilespmem:v55+s26+$0x0] =	vst.idx.msk $0xffff, v23  }
0x19c: {  	v57 =	vor.u32 v9, v22;
	v23 =	vld.idx.msk [tilespmem:v56+s4+$0x0], $0xffff  }
0x19d: {  	v58 =	vor.u32 v10, v25;
	_ =	sdelay $0x3  }
0x19e: {  	[tilespmem:v57+s26+$0x0] =	vst.idx.msk $0xffff, v23  }
0x19f: {  	v59 =	vor.u32 v11, v22;
	v23 =	vld.idx.msk [tilespmem:v58+s4+$0x0], $0xffff  }
0x1a0: {  	v60 =	vor.u32 v12, v25;
	_ =	sdelay $0x3  }
0x1a1: {  	[tilespmem:v59+s26+$0x0] =	vst.idx.msk $0xffff, v23  }
0x1a2: {  	v61 =	vor.u32 v13, v22;
	v23 =	vld.idx.msk [tilespmem:v60+s4+$0x0], $0xffff  }
0x1a3: {  	v62 =	vor.u32 v14, v25;
	_ =	sdelay $0x3  }
0x1a4: {  	[tilespmem:v61+s26+$0x0] =	vst.idx.msk $0xffff, v23  }
0x1a5: {  	v63 =	vor.u32 v16, v22;
	v23 =	vld.idx.msk [tilespmem:v62+s4+$0x0], $0xffff  }
0x1a6: {  	v25 =	vor.u32 v17, v25;
	_ =	sdelay $0x3  }
0x1a7: {  	[tilespmem:v63+s26+$0x0] =	vst.idx.msk $0xffff, v23  }
0x1a8: {  	v22 =	vor.u32 v18, v22;
	v23 =	vld.idx.msk [tilespmem:v25+s4+$0x0], $0xffff;
	_ =	sdelay $0x1  }
.Ltmp6:
0x1a9: {  	_ = 	snop;
	(pc) =	sbr.rel @p2 .LBB2_9-.Ltmp6, $4  }
0x1aa: {  	_ = 	snop  }
0x1ab: {  	s24 =	sshll.u32 s22, $0xB  }
0x1ac: {  	s8 =	sadd.s32 s7, s24;
	[tilespmem:v22+s26+$0x0] =	vst.idx.msk $0xffff, v23  }
0x1ad: {  	[hbm4b:s8+s4] =	stream.linear.scatter [tilespmem:s26], [sflag:$0x3], $0x4000, $0x38;
	[tilespmem:$0x13000] =	vst v63  }
0x1ae: {  	s8 =	sadd.s32 s15, s21;
	_ =	swait.ge [sflag:s28], $0x4000  }
0x1af: {  	p2 =	sgt.u32 s8, $0xF41;
	[sflag:s28] =	ssyncset.done $0x0  }
0x1b0: {  	s8 =	sshll.u32 @!p2 s8, $0x8;
	[sflag:s28] =	ssyncadd.s32 $0xFFFFC000  }
0x1b1: {  	s10 =	simm.s32 @!p2 $0x0;
	s9 =	sadd.s32 @!p2 s1, s8;
	s8 =	sand.u32 @!p2 $0x1FFFFF00, s8  }
0x1b2: {  	[tilespmem:s10], [sflag:$0x1] =	stream.linear.gather @!p2 [hbm4b:s9+s10], $0x800, $0x38;
	[tilespmem:$0x13000] =	vst v63  }
0x1b3: {  	s8 =	sadd.s32 @!p2 s1, s8  }
0x1b4: {  	s16 =	simm.s32 @!p2 $0x800;
	s9 =	sadd.s32 @!p2 $0xF4280, s8  }
0x1b5: {  	[tilespmem:s16], [sflag:$0x1] =	stream.linear.gather @!p2 [hbm4b:s9+s10], $0x800, $0x38;
	[tilespmem:$0x13000] =	vst v63  }
0x1b6: {  	s9 =	sadd.s32 @!p2 $0x1E8500, s8;
	s16 =	simm.s32 @!p2 $0x1000  }
0x1b7: {  	[tilespmem:s16], [sflag:$0x1] =	stream.linear.gather @!p2 [hbm4b:s9+s10], $0x800, $0x38;
	[tilespmem:$0x13000] =	vst v63  }
0x1b8: {  	s21 =	simm.s32 $0x0;
	s9 =	sadd.s32 @!p2 $0x2DC780, s8;
	s16 =	simm.s32 @!p2 $0x1800  }
0x1b9: {  	[tilespmem:s16], [sflag:$0x1] =	stream.linear.gather @!p2 [hbm4b:s9+s10], $0x800, $0x38;
	[tilespmem:$0x13000] =	vst v63  }
0x1ba: {  	v22 =	vmov s21;
	s9 =	sadd.s32 @!p2 $0x3D0A00, s8;
	s16 =	simm.s32 @!p2 $0x2000  }
0x1bb: {  	v22 =	vshll.u32 v22, $0x2;
	[tilespmem:s16], [sflag:$0x1] =	stream.linear.gather @!p2 [hbm4b:s9+s10], $0x800, $0x38;
	[tilespmem:$0x13000] =	vst v63  }
0x1bc: {  	s24 =	sand.u32 $0x40, s21;
	v22 =	vadd.s32 v2, v22;
	s9 =	sadd.s32 @!p2 $0x4C4C80, s8;
	s16 =	simm.s32 @!p2 $0x2800  }
0x1bd: {  	v22 =	vand.u32 $0x3C, v22;
	[tilespmem:s16], [sflag:$0x1] =	stream.linear.gather @!p2 [hbm4b:s9+s10], $0x800, $0x38;
	[tilespmem:$0x13000] =	vst v63  }
0x1be: {  	s22 =	simm.s32 @!p2 $0x3000;
	v23 =	vmov s24;
	v24 =	vshll.u32 v22, $0x1;
	s9 =	sadd.s32 @!p2 $0x5B8F00, s8  }
0x1bf: {  	v23 =	vshll.u32 v23, $0x4;
	v24 =	vor.u32 v3, v24;
	[tilespmem:s22], [sflag:$0x1] =	stream.linear.gather @!p2 [hbm4b:s9+s10], $0x800, $0x38;
	[tilespmem:$0x13000] =	vst v63  }
0x1c0: {  	v23 =	vor.u32 v24, v23;
	s8 =	sadd.s32 @!p2 $0x6AD180, s8;
	s9 =	simm.s32 @!p2 $0x3800  }
0x1c1: {  	v24 =	vor.u32 v0, v23;
	[tilespmem:s9], [sflag:$0x1] =	stream.linear.gather @!p2 [hbm4b:s8+s10], $0x800, $0x38;
	[tilespmem:$0x13000] =	vst v63  }
0x1c2: {  	s8 =	simm.s32 @!p1 $0x4  }
0x1c3: {  	_ =	swait.ge @!p1 [sflag:s8], $0x4000  }
0x1c4: {  	v25 =	vor.u32 s24, v22;
	[sflag:s8] =	ssyncset.done @!p1 $0x0  }
0x1c5: {  	v25 =	vshll.u32 v25, $0x7;
	[sflag:s8] =	ssyncadd.s32 @!p1 $0xFFFFC000  }
0x1c6: {  	v26 =	vor.u32 v1, v25;
	v24 =	vld.idx.msk [tilespmem:v24+s29+$0x0], $0xffff  }
0x1c7: {  	v27 =	vor.u32 v4, v23;
	_ =	sdelay $0x3  }
0x1c8: {  	[tilespmem:v26+s30+$0x0] =	vst.idx.msk $0xffff, v24  }
0x1c9: {  	v26 =	vor.u32 v5, v25;
	v24 =	vld.idx.msk [tilespmem:v27+s29+$0x0], $0xffff  }
0x1ca: {  	v27 =	vor.u32 v6, v23;
	_ =	sdelay $0x3  }
0x1cb: {  	[tilespmem:v26+s30+$0x0] =	vst.idx.msk $0xffff, v24  }
0x1cc: {  	v26 =	vor.u32 v7, v25;
	v24 =	vld.idx.msk [tilespmem:v27+s29+$0x0], $0xffff  }
0x1cd: {  	v27 =	vor.u32 v8, v23;
	_ =	sdelay $0x3  }
0x1ce: {  	[tilespmem:v26+s30+$0x0] =	vst.idx.msk $0xffff, v24  }
0x1cf: {  	v26 =	vor.u32 v9, v25;
	v24 =	vld.idx.msk [tilespmem:v27+s29+$0x0], $0xffff  }
0x1d0: {  	v27 =	vor.u32 v10, v23;
	_ =	sdelay $0x3  }
0x1d1: {  	[tilespmem:v26+s30+$0x0] =	vst.idx.msk $0xffff, v24  }
0x1d2: {  	v26 =	vor.u32 v11, v25;
	v24 =	vld.idx.msk [tilespmem:v27+s29+$0x0], $0xffff  }
0x1d3: {  	v27 =	vor.u32 v12, v23;
	_ =	sdelay $0x3  }
0x1d4: {  	[tilespmem:v26+s30+$0x0] =	vst.idx.msk $0xffff, v24  }
0x1d5: {  	v26 =	vor.u32 v13, v25;
	v24 =	vld.idx.msk [tilespmem:v27+s29+$0x0], $0xffff  }
0x1d6: {  	v27 =	vor.u32 v14, v23;
	_ =	sdelay $0x3  }
0x1d7: {  	[tilespmem:v26+s30+$0x0] =	vst.idx.msk $0xffff, v24  }
0x1d8: {  	v26 =	vor.u32 v16, v25;
	v24 =	vld.idx.msk [tilespmem:v27+s29+$0x0], $0xffff  }
0x1d9: {  	s10 =	sor.u32 $0x1, s24;
	v23 =	vor.u32 v17, v23  }
0x1da: {  	v27 =	vor.u32 s10, v22  }
0x1db: {  	v28 =	vmov s10;
	v29 =	vshll.u32 v27, $0x1  }
0x1dc: {  	v28 =	vshll.u32 v28, $0x4;
	v29 =	vor.u32 v3, v29  }
0x1dd: {  	[tilespmem:v26+s30+$0x0] =	vst.idx.msk $0xffff, v24;
	v24 =	vand.u32 $0x7F, v29;
	v26 =	vand.u32 $0x400, v28  }
0x1de: {  	v25 =	vor.u32 v18, v25;
	v23 =	vld.idx.msk [tilespmem:v23+s29+$0x0], $0xffff;
	v24 =	vor.u32 v26, v24  }
0x1df: {  	v26 =	vor.u32 v0, v24;
	_ =	sdelay $0x3  }
0x1e0: {  	[tilespmem:v25+s30+$0x0] =	vst.idx.msk $0xffff, v23;
	v23 =	vshll.u32 v27, $0x7  }
0x1e1: {  	v25 =	vld.idx.msk [tilespmem:v26+s29+$0x0], $0xffff;
	v26 =	vor.u32 v1, v23  }
0x1e2: {  	v27 =	vor.u32 v4, v24;
	_ =	sdelay $0x3  }
0x1e3: {  	[tilespmem:v26+s30+$0x0] =	vst.idx.msk $0xffff, v25  }
0x1e4: {  	v26 =	vor.u32 v5, v23;
	v25 =	vld.idx.msk [tilespmem:v27+s29+$0x0], $0xffff  }
0x1e5: {  	v27 =	vor.u32 v6, v24;
	_ =	sdelay $0x3  }
0x1e6: {  	[tilespmem:v26+s30+$0x0] =	vst.idx.msk $0xffff, v25  }
0x1e7: {  	v26 =	vor.u32 v7, v23;
	v25 =	vld.idx.msk [tilespmem:v27+s29+$0x0], $0xffff  }
0x1e8: {  	v27 =	vor.u32 v8, v24;
	_ =	sdelay $0x3  }
0x1e9: {  	[tilespmem:v26+s30+$0x0] =	vst.idx.msk $0xffff, v25  }
0x1ea: {  	v26 =	vor.u32 v9, v23;
	v25 =	vld.idx.msk [tilespmem:v27+s29+$0x0], $0xffff  }
0x1eb: {  	v27 =	vor.u32 v10, v24;
	_ =	sdelay $0x3  }
0x1ec: {  	[tilespmem:v26+s30+$0x0] =	vst.idx.msk $0xffff, v25  }
0x1ed: {  	v26 =	vor.u32 v11, v23;
	v25 =	vld.idx.msk [tilespmem:v27+s29+$0x0], $0xffff  }
0x1ee: {  	v27 =	vor.u32 v12, v24;
	_ =	sdelay $0x3  }
0x1ef: {  	[tilespmem:v26+s30+$0x0] =	vst.idx.msk $0xffff, v25  }
0x1f0: {  	v26 =	vor.u32 v13, v23;
	v25 =	vld.idx.msk [tilespmem:v27+s29+$0x0], $0xffff  }
0x1f1: {  	v27 =	vor.u32 v14, v24;
	_ =	sdelay $0x3  }
0x1f2: {  	[tilespmem:v26+s30+$0x0] =	vst.idx.msk $0xffff, v25  }
0x1f3: {  	v26 =	vor.u32 v16, v23;
	v25 =	vld.idx.msk [tilespmem:v27+s29+$0x0], $0xffff  }
0x1f4: {  	s22 =	sor.u32 $0x2, s24;
	v24 =	vor.u32 v17, v24  }
0x1f5: {  	v27 =	vor.u32 s22, v22  }
0x1f6: {  	v61 =	vmov s22;
	v62 =	vshll.u32 v27, $0x1  }
0x1f7: {  	v28 =	vshll.u32 v61, $0x4;
	v29 =	vor.u32 v3, v62  }
0x1f8: {  	[tilespmem:v26+s30+$0x0] =	vst.idx.msk $0xffff, v25;
	v25 =	vand.u32 $0x7F, v29;
	v26 =	vand.u32 $0x400, v28  }
0x1f9: {  	v23 =	vor.u32 v18, v23;
	v24 =	vld.idx.msk [tilespmem:v24+s29+$0x0], $0xffff;
	v25 =	vor.u32 v26, v25  }
0x1fa: {  	v26 =	vor.u32 v0, v25;
	_ =	sdelay $0x3  }
0x1fb: {  	[tilespmem:v23+s30+$0x0] =	vst.idx.msk $0xffff, v24;
	v23 =	vshll.u32 v27, $0x7  }
0x1fc: {  	v24 =	vld.idx.msk [tilespmem:v26+s29+$0x0], $0xffff;
	v26 =	vor.u32 v1, v23  }
0x1fd: {  	v27 =	vor.u32 v4, v25;
	_ =	sdelay $0x3  }
0x1fe: {  	[tilespmem:v26+s30+$0x0] =	vst.idx.msk $0xffff, v24  }
0x1ff: {  	v26 =	vor.u32 v5, v23;
	v24 =	vld.idx.msk [tilespmem:v27+s29+$0x0], $0xffff  }
0x200: {  	v27 =	vor.u32 v6, v25;
	_ =	sdelay $0x3  }
0x201: {  	[tilespmem:v26+s30+$0x0] =	vst.idx.msk $0xffff, v24  }
0x202: {  	v26 =	vor.u32 v7, v23;
	v24 =	vld.idx.msk [tilespmem:v27+s29+$0x0], $0xffff  }
0x203: {  	v27 =	vor.u32 v8, v25;
	_ =	sdelay $0x3  }
0x204: {  	[tilespmem:v26+s30+$0x0] =	vst.idx.msk $0xffff, v24  }
0x205: {  	v26 =	vor.u32 v9, v23;
	v24 =	vld.idx.msk [tilespmem:v27+s29+$0x0], $0xffff  }
0x206: {  	v27 =	vor.u32 v10, v25;
	_ =	sdelay $0x3  }
0x207: {  	[tilespmem:v26+s30+$0x0] =	vst.idx.msk $0xffff, v24  }
0x208: {  	v26 =	vor.u32 v11, v23;
	v24 =	vld.idx.msk [tilespmem:v27+s29+$0x0], $0xffff  }
0x209: {  	v27 =	vor.u32 v12, v25;
	_ =	sdelay $0x3  }
0x20a: {  	[tilespmem:v26+s30+$0x0] =	vst.idx.msk $0xffff, v24  }
0x20b: {  	v26 =	vor.u32 v13, v23;
	v24 =	vld.idx.msk [tilespmem:v27+s29+$0x0], $0xffff  }
0x20c: {  	v27 =	vor.u32 v14, v25;
	_ =	sdelay $0x3  }
0x20d: {  	[tilespmem:v26+s30+$0x0] =	vst.idx.msk $0xffff, v24  }
0x20e: {  	v26 =	vor.u32 v16, v23;
	v24 =	vld.idx.msk [tilespmem:v27+s29+$0x0], $0xffff  }
0x20f: {  	s23 =	sor.u32 $0x3, s24;
	v25 =	vor.u32 v17, v25  }
0x210: {  	v22 =	vor.u32 s23, v22  }
0x211: {  	v63 =	vshll.u32 v22, $0x1;
	v27 =	vmov s23  }
0x212: {  	v28 =	vor.u32 v3, v63;
	v27 =	vshll.u32 v27, $0x4  }
0x213: {  	[tilespmem:v26+s30+$0x0] =	vst.idx.msk $0xffff, v24;
	v24 =	vand.u32 $0x7F, v28;
	v26 =	vand.u32 $0x400, v27  }
0x214: {  	v23 =	vor.u32 v18, v23;
	v25 =	vld.idx.msk [tilespmem:v25+s29+$0x0], $0xffff;
	v26 =	vor.u32 v26, v24  }
0x215: {  	v24 =	vor.u32 v0, v26;
	_ =	sdelay $0x3  }
0x216: {  	[tilespmem:v23+s30+$0x0] =	vst.idx.msk $0xffff, v25;
	v23 =	vshll.u32 v22, $0x7  }
0x217: {  	v22 =	vld.idx.msk [tilespmem:v24+s29+$0x0], $0xffff;
	v24 =	vor.u32 v1, v23  }
0x218: {  	v25 =	vor.u32 v4, v26;
	_ =	sdelay $0x3  }
0x219: {  	[tilespmem:v24+s30+$0x0] =	vst.idx.msk $0xffff, v22  }
0x21a: {  	v24 =	vor.u32 v5, v23;
	v22 =	vld.idx.msk [tilespmem:v25+s29+$0x0], $0xffff  }
0x21b: {  	v25 =	vor.u32 v6, v26;
	_ =	sdelay $0x3  }
0x21c: {  	[tilespmem:v24+s30+$0x0] =	vst.idx.msk $0xffff, v22  }
0x21d: {  	v24 =	vor.u32 v7, v23;
	v22 =	vld.idx.msk [tilespmem:v25+s29+$0x0], $0xffff  }
0x21e: {  	v25 =	vor.u32 v8, v26;
	_ =	sdelay $0x3  }
0x21f: {  	[tilespmem:v24+s30+$0x0] =	vst.idx.msk $0xffff, v22  }
0x220: {  	v24 =	vor.u32 v9, v23;
	v22 =	vld.idx.msk [tilespmem:v25+s29+$0x0], $0xffff  }
0x221: {  	v25 =	vor.u32 v10, v26;
	_ =	sdelay $0x3  }
0x222: {  	[tilespmem:v24+s30+$0x0] =	vst.idx.msk $0xffff, v22  }
0x223: {  	v24 =	vor.u32 v11, v23;
	v22 =	vld.idx.msk [tilespmem:v25+s29+$0x0], $0xffff  }
0x224: {  	v25 =	vor.u32 v12, v26;
	_ =	sdelay $0x3  }
0x225: {  	[tilespmem:v24+s30+$0x0] =	vst.idx.msk $0xffff, v22  }
0x226: {  	v24 =	vor.u32 v13, v23;
	v22 =	vld.idx.msk [tilespmem:v25+s29+$0x0], $0xffff  }
0x227: {  	v25 =	vor.u32 v14, v26;
	_ =	sdelay $0x3  }
0x228: {  	[tilespmem:v24+s30+$0x0] =	vst.idx.msk $0xffff, v22  }
0x229: {  	s24 =	simm.s32 $0x1;
	v24 =	vld.idx.msk [tilespmem:v25+s29+$0x0], $0xffff;
	v25 =	vor.u32 v16, v23  }
0x22a: {  	s22 =	simm.s32 $0x2;
	v26 =	vor.u32 v17, v26;
	v22 =	vmov s24  }
.LBB2_7:
0x22b: {  	p1 =	sne.s32 s22, $0x1F;
	v22 =	vshll.u32 v22, $0x2  }
0x22c: {  	s21 =	sadd.s32 $0x4, s21;
	v22 =	vadd.s32 v2, v22  }
0x22d: {  	s16 =	sand.u32 $0x40, s21;
	v22 =	vand.u32 $0x3C, v22  }
0x22e: {  	v27 =	vmov s16;
	v28 =	vshll.u32 v22, $0x1;
	[tilespmem:v25+s30+$0x0] =	vst.idx.msk $0xffff, v24  }
0x22f: {  	v25 =	vshll.u32 v27, $0x4;
	v24 =	vor.u32 v3, v28;
	v26 =	vld.idx.msk [tilespmem:v26+s29+$0x0], $0xffff  }
0x230: {  	v23 =	vor.u32 v18, v23;
	v24 =	vor.u32 v24, v25  }
0x231: {  	v25 =	vor.u32 v0, v24;
	_ =	sdelay $0x3  }
0x232: {  	v27 =	vor.u32 s16, v22;
	[tilespmem:v23+s30+$0x0] =	vst.idx.msk $0xffff, v26  }
0x233: {  	v23 =	vld.idx.msk [tilespmem:v25+s29+$0x0], $0xffff;
	v25 =	vshll.u32 v27, $0x7  }
0x234: {  	v26 =	vor.u32 v1, v25  }
0x235: {  	v27 =	vor.u32 v4, v24;
	_ =	sdelay $0x3  }
0x236: {  	[tilespmem:v26+s30+$0x0] =	vst.idx.msk $0xffff, v23  }
0x237: {  	v23 =	vld.idx.msk [tilespmem:v27+s29+$0x0], $0xffff  }
0x238: {  	v26 =	vor.u32 v5, v25  }
0x239: {  	v27 =	vor.u32 v6, v24;
	_ =	sdelay $0x3  }
0x23a: {  	[tilespmem:v26+s30+$0x0] =	vst.idx.msk $0xffff, v23  }
0x23b: {  	v23 =	vld.idx.msk [tilespmem:v27+s29+$0x0], $0xffff  }
0x23c: {  	v26 =	vor.u32 v7, v25  }
0x23d: {  	v27 =	vor.u32 v8, v24;
	_ =	sdelay $0x3  }
0x23e: {  	[tilespmem:v26+s30+$0x0] =	vst.idx.msk $0xffff, v23  }
0x23f: {  	v23 =	vld.idx.msk [tilespmem:v27+s29+$0x0], $0xffff  }
0x240: {  	v26 =	vor.u32 v9, v25  }
0x241: {  	v27 =	vor.u32 v10, v24;
	_ =	sdelay $0x3  }
0x242: {  	[tilespmem:v26+s30+$0x0] =	vst.idx.msk $0xffff, v23  }
0x243: {  	v23 =	vld.idx.msk [tilespmem:v27+s29+$0x0], $0xffff  }
0x244: {  	v26 =	vor.u32 v11, v25  }
0x245: {  	v27 =	vor.u32 v12, v24;
	_ =	sdelay $0x3  }
0x246: {  	[tilespmem:v26+s30+$0x0] =	vst.idx.msk $0xffff, v23  }
0x247: {  	v23 =	vld.idx.msk [tilespmem:v27+s29+$0x0], $0xffff  }
0x248: {  	v26 =	vor.u32 v13, v25  }
0x249: {  	v27 =	vor.u32 v14, v24;
	_ =	sdelay $0x3  }
0x24a: {  	[tilespmem:v26+s30+$0x0] =	vst.idx.msk $0xffff, v23  }
0x24b: {  	v23 =	vld.idx.msk [tilespmem:v27+s29+$0x0], $0xffff  }
0x24c: {  	v26 =	vor.u32 v16, v25  }
0x24d: {  	v24 =	vor.u32 v17, v24  }
0x24e: {  	s8 =	sor.u32 $0x1, s16  }
0x24f: {  	v27 =	vor.u32 s8, v22  }
0x250: {  	v28 =	vmov s8;
	v29 =	vshll.u32 v27, $0x1  }
0x251: {  	[tilespmem:v26+s30+$0x0] =	vst.idx.msk $0xffff, v23;
	v23 =	vor.u32 v3, v29;
	v26 =	vshll.u32 v28, $0x4  }
0x252: {  	v24 =	vld.idx.msk [tilespmem:v24+s29+$0x0], $0xffff;
	v23 =	vand.u32 $0x7F, v23;
	v26 =	vand.u32 $0x400, v26  }
0x253: {  	v25 =	vor.u32 v18, v25;
	v23 =	vor.u32 v26, v23  }
0x254: {  	v26 =	vor.u32 v0, v23;
	_ =	sdelay $0x3  }
0x255: {  	[tilespmem:v25+s30+$0x0] =	vst.idx.msk $0xffff, v24  }
0x256: {  	v25 =	vshll.u32 v27, $0x7;
	v24 =	vld.idx.msk [tilespmem:v26+s29+$0x0], $0xffff  }
0x257: {  	v26 =	vor.u32 v1, v25  }
0x258: {  	v27 =	vor.u32 v4, v23;
	_ =	sdelay $0x3  }
0x259: {  	[tilespmem:v26+s30+$0x0] =	vst.idx.msk $0xffff, v24  }
0x25a: {  	v24 =	vld.idx.msk [tilespmem:v27+s29+$0x0], $0xffff  }
0x25b: {  	v26 =	vor.u32 v5, v25  }
0x25c: {  	v27 =	vor.u32 v6, v23;
	_ =	sdelay $0x3  }
0x25d: {  	[tilespmem:v26+s30+$0x0] =	vst.idx.msk $0xffff, v24  }
0x25e: {  	v24 =	vld.idx.msk [tilespmem:v27+s29+$0x0], $0xffff  }
0x25f: {  	v26 =	vor.u32 v7, v25  }
0x260: {  	v27 =	vor.u32 v8, v23;
	_ =	sdelay $0x3  }
0x261: {  	[tilespmem:v26+s30+$0x0] =	vst.idx.msk $0xffff, v24  }
0x262: {  	v24 =	vld.idx.msk [tilespmem:v27+s29+$0x0], $0xffff  }
0x263: {  	v26 =	vor.u32 v9, v25  }
0x264: {  	v27 =	vor.u32 v10, v23;
	_ =	sdelay $0x3  }
0x265: {  	[tilespmem:v26+s30+$0x0] =	vst.idx.msk $0xffff, v24  }
0x266: {  	v24 =	vld.idx.msk [tilespmem:v27+s29+$0x0], $0xffff  }
0x267: {  	v26 =	vor.u32 v11, v25  }
0x268: {  	v27 =	vor.u32 v12, v23;
	_ =	sdelay $0x3  }
0x269: {  	[tilespmem:v26+s30+$0x0] =	vst.idx.msk $0xffff, v24  }
0x26a: {  	v24 =	vld.idx.msk [tilespmem:v27+s29+$0x0], $0xffff  }
0x26b: {  	v26 =	vor.u32 v13, v25  }
0x26c: {  	v27 =	vor.u32 v14, v23;
	_ =	sdelay $0x3  }
0x26d: {  	[tilespmem:v26+s30+$0x0] =	vst.idx.msk $0xffff, v24  }
0x26e: {  	v24 =	vld.idx.msk [tilespmem:v27+s29+$0x0], $0xffff  }
0x26f: {  	v26 =	vor.u32 v16, v25  }
0x270: {  	v23 =	vor.u32 v17, v23  }
0x271: {  	s8 =	sor.u32 $0x2, s16  }
0x272: {  	v27 =	vor.u32 s8, v22  }
0x273: {  	v28 =	vmov s8;
	v29 =	vshll.u32 v27, $0x1  }
0x274: {  	[tilespmem:v26+s30+$0x0] =	vst.idx.msk $0xffff, v24;
	v24 =	vor.u32 v3, v29;
	v26 =	vshll.u32 v28, $0x4  }
0x275: {  	v23 =	vld.idx.msk [tilespmem:v23+s29+$0x0], $0xffff;
	v24 =	vand.u32 $0x7F, v24;
	v26 =	vand.u32 $0x400, v26  }
0x276: {  	v25 =	vor.u32 v18, v25;
	v24 =	vor.u32 v26, v24  }
0x277: {  	v26 =	vor.u32 v0, v24;
	_ =	sdelay $0x3  }
0x278: {  	[tilespmem:v25+s30+$0x0] =	vst.idx.msk $0xffff, v23  }
0x279: {  	v25 =	vshll.u32 v27, $0x7;
	v23 =	vld.idx.msk [tilespmem:v26+s29+$0x0], $0xffff  }
0x27a: {  	v26 =	vor.u32 v1, v25  }
0x27b: {  	v27 =	vor.u32 v4, v24;
	_ =	sdelay $0x3  }
0x27c: {  	[tilespmem:v26+s30+$0x0] =	vst.idx.msk $0xffff, v23  }
0x27d: {  	v23 =	vld.idx.msk [tilespmem:v27+s29+$0x0], $0xffff  }
0x27e: {  	v26 =	vor.u32 v5, v25  }
0x27f: {  	v27 =	vor.u32 v6, v24;
	_ =	sdelay $0x3  }
0x280: {  	[tilespmem:v26+s30+$0x0] =	vst.idx.msk $0xffff, v23  }
0x281: {  	v23 =	vld.idx.msk [tilespmem:v27+s29+$0x0], $0xffff  }
0x282: {  	v26 =	vor.u32 v7, v25  }
0x283: {  	v27 =	vor.u32 v8, v24;
	_ =	sdelay $0x3  }
0x284: {  	[tilespmem:v26+s30+$0x0] =	vst.idx.msk $0xffff, v23  }
0x285: {  	v23 =	vld.idx.msk [tilespmem:v27+s29+$0x0], $0xffff  }
0x286: {  	v26 =	vor.u32 v9, v25  }
0x287: {  	v27 =	vor.u32 v10, v24;
	_ =	sdelay $0x3  }
0x288: {  	[tilespmem:v26+s30+$0x0] =	vst.idx.msk $0xffff, v23  }
0x289: {  	v23 =	vld.idx.msk [tilespmem:v27+s29+$0x0], $0xffff  }
0x28a: {  	v26 =	vor.u32 v11, v25  }
0x28b: {  	v27 =	vor.u32 v12, v24;
	_ =	sdelay $0x3  }
0x28c: {  	[tilespmem:v26+s30+$0x0] =	vst.idx.msk $0xffff, v23  }
0x28d: {  	v23 =	vld.idx.msk [tilespmem:v27+s29+$0x0], $0xffff  }
0x28e: {  	v26 =	vor.u32 v13, v25  }
0x28f: {  	v27 =	vor.u32 v14, v24;
	_ =	sdelay $0x3  }
0x290: {  	[tilespmem:v26+s30+$0x0] =	vst.idx.msk $0xffff, v23  }
0x291: {  	v23 =	vld.idx.msk [tilespmem:v27+s29+$0x0], $0xffff  }
0x292: {  	v26 =	vor.u32 v16, v25  }
0x293: {  	v24 =	vor.u32 v17, v24  }
0x294: {  	s8 =	sor.u32 $0x3, s16  }
0x295: {  	v22 =	vor.u32 s8, v22  }
0x296: {  	v28 =	vshll.u32 v22, $0x1;
	v27 =	vmov s8  }
0x297: {  	[tilespmem:v26+s30+$0x0] =	vst.idx.msk $0xffff, v23;
	v23 =	vor.u32 v3, v28;
	v26 =	vshll.u32 v27, $0x4  }
0x298: {  	v24 =	vld.idx.msk [tilespmem:v24+s29+$0x0], $0xffff;
	v23 =	vand.u32 $0x7F, v23;
	v26 =	vand.u32 $0x400, v26  }
0x299: {  	v25 =	vor.u32 v18, v25;
	v26 =	vor.u32 v26, v23  }
0x29a: {  	v23 =	vor.u32 v0, v26;
	_ =	sdelay $0x3  }
0x29b: {  	[tilespmem:v25+s30+$0x0] =	vst.idx.msk $0xffff, v24  }
0x29c: {  	v24 =	vld.idx.msk [tilespmem:v23+s29+$0x0], $0xffff;
	v23 =	vshll.u32 v22, $0x7  }
0x29d: {  	v22 =	vor.u32 v1, v23  }
0x29e: {  	v25 =	vor.u32 v4, v26;
	_ =	sdelay $0x3  }
0x29f: {  	[tilespmem:v22+s30+$0x0] =	vst.idx.msk $0xffff, v24  }
0x2a0: {  	v22 =	vld.idx.msk [tilespmem:v25+s29+$0x0], $0xffff  }
0x2a1: {  	v24 =	vor.u32 v5, v23  }
0x2a2: {  	v25 =	vor.u32 v6, v26;
	_ =	sdelay $0x3  }
0x2a3: {  	[tilespmem:v24+s30+$0x0] =	vst.idx.msk $0xffff, v22  }
0x2a4: {  	v22 =	vld.idx.msk [tilespmem:v25+s29+$0x0], $0xffff  }
0x2a5: {  	v24 =	vor.u32 v7, v23  }
0x2a6: {  	v25 =	vor.u32 v8, v26;
	_ =	sdelay $0x3  }
0x2a7: {  	[tilespmem:v24+s30+$0x0] =	vst.idx.msk $0xffff, v22  }
0x2a8: {  	v22 =	vld.idx.msk [tilespmem:v25+s29+$0x0], $0xffff  }
0x2a9: {  	v24 =	vor.u32 v9, v23  }
0x2aa: {  	v25 =	vor.u32 v10, v26;
	_ =	sdelay $0x3  }
0x2ab: {  	[tilespmem:v24+s30+$0x0] =	vst.idx.msk $0xffff, v22  }
0x2ac: {  	v22 =	vld.idx.msk [tilespmem:v25+s29+$0x0], $0xffff  }
0x2ad: {  	v24 =	vor.u32 v11, v23  }
0x2ae: {  	v25 =	vor.u32 v12, v26;
	_ =	sdelay $0x3  }
0x2af: {  	[tilespmem:v24+s30+$0x0] =	vst.idx.msk $0xffff, v22  }
0x2b0: {  	v22 =	vld.idx.msk [tilespmem:v25+s29+$0x0], $0xffff  }
0x2b1: {  	v24 =	vor.u32 v13, v23  }
0x2b2: {  	v25 =	vor.u32 v14, v26;
	_ =	sdelay $0x2  }
.Ltmp7:
0x2b3: {  	(pc) =	sbr.rel @p1 .LBB2_7-.Ltmp7, $4  }
0x2b4: {  	[tilespmem:v24+s30+$0x0] =	vst.idx.msk $0xffff, v22  }
0x2b5: {  	v24 =	vld.idx.msk [tilespmem:v25+s29+$0x0], $0xffff  }
0x2b6: {  	v25 =	vor.u32 v16, v23  }
0x2b7: {  	v26 =	vor.u32 v17, v26;
	v22 =	vmov s22;
	s22 =	sadd.s32 $0x1, s22  }
0x2b8: {  	v22 =	vshll.u32 v22, $0x2  }
0x2b9: {  	s8 =	sadd.s32 $0x4, s21;
	v22 =	vadd.s32 v2, v22  }
0x2ba: {  	s16 =	sand.u32 $0x40, s8;
	v22 =	vand.u32 $0x3C, v22  }
0x2bb: {  	v27 =	vmov s16;
	v28 =	vshll.u32 v22, $0x1  }
0x2bc: {  	[tilespmem:v25+s30+$0x0] =	vst.idx.msk $0xffff, v24;
	v29 =	vshll.u32 v27, $0x4;
	v28 =	vor.u32 v3, v28  }
0x2bd: {  	v23 =	vor.u32 v18, v23;
	v26 =	vld.idx.msk [tilespmem:v26+s29+$0x0], $0xffff;
	v24 =	vor.u32 v28, v29  }
0x2be: {  	v25 =	vor.u32 v0, v24;
	_ =	sdelay $0x2  }
0x2bf: {  	v30 =	vor.u32 s16, v22  }
0x2c0: {  	[tilespmem:v23+s30+$0x0] =	vst.idx.msk $0xffff, v26;
	v23 =	vshll.u32 v30, $0x7  }
0x2c1: {  	v31 =	vor.u32 v1, v23;
	v25 =	vld.idx.msk [tilespmem:v25+s29+$0x0], $0xffff  }
0x2c2: {  	v32 =	vor.u32 v4, v24;
	_ =	sdelay $0x3  }
0x2c3: {  	[tilespmem:v31+s30+$0x0] =	vst.idx.msk $0xffff, v25  }
0x2c4: {  	v33 =	vor.u32 v5, v23;
	v25 =	vld.idx.msk [tilespmem:v32+s29+$0x0], $0xffff  }
0x2c5: {  	v34 =	vor.u32 v6, v24;
	_ =	sdelay $0x3  }
0x2c6: {  	[tilespmem:v33+s30+$0x0] =	vst.idx.msk $0xffff, v25  }
0x2c7: {  	v35 =	vor.u32 v7, v23;
	v25 =	vld.idx.msk [tilespmem:v34+s29+$0x0], $0xffff  }
0x2c8: {  	v36 =	vor.u32 v8, v24;
	_ =	sdelay $0x3  }
0x2c9: {  	[tilespmem:v35+s30+$0x0] =	vst.idx.msk $0xffff, v25  }
0x2ca: {  	v37 =	vor.u32 v9, v23;
	v25 =	vld.idx.msk [tilespmem:v36+s29+$0x0], $0xffff  }
0x2cb: {  	v38 =	vor.u32 v10, v24;
	_ =	sdelay $0x3  }
0x2cc: {  	[tilespmem:v37+s30+$0x0] =	vst.idx.msk $0xffff, v25  }
0x2cd: {  	v39 =	vor.u32 v11, v23;
	v25 =	vld.idx.msk [tilespmem:v38+s29+$0x0], $0xffff  }
0x2ce: {  	v40 =	vor.u32 v12, v24;
	_ =	sdelay $0x3  }
0x2cf: {  	[tilespmem:v39+s30+$0x0] =	vst.idx.msk $0xffff, v25  }
0x2d0: {  	v41 =	vor.u32 v13, v23;
	v25 =	vld.idx.msk [tilespmem:v40+s29+$0x0], $0xffff  }
0x2d1: {  	v42 =	vor.u32 v14, v24;
	_ =	sdelay $0x3  }
0x2d2: {  	[tilespmem:v41+s30+$0x0] =	vst.idx.msk $0xffff, v25  }
0x2d3: {  	v43 =	vor.u32 v16, v23;
	v25 =	vld.idx.msk [tilespmem:v42+s29+$0x0], $0xffff  }
0x2d4: {  	s8 =	sor.u32 $0x1, s16;
	v24 =	vor.u32 v17, v24  }
0x2d5: {  	v44 =	vor.u32 s8, v22  }
0x2d6: {  	v45 =	vmov s8;
	v29 =	vshll.u32 v44, $0x1  }
0x2d7: {  	v28 =	vshll.u32 v45, $0x4;
	v29 =	vor.u32 v3, v29  }
0x2d8: {  	v47 =	vand.u32 $0x400, v28;
	v46 =	vand.u32 $0x7F, v29;
	[tilespmem:v43+s30+$0x0] =	vst.idx.msk $0xffff, v25  }
0x2d9: {  	v23 =	vor.u32 v18, v23;
	v25 =	vor.u32 v47, v46;
	v24 =	vld.idx.msk [tilespmem:v24+s29+$0x0], $0xffff  }
0x2da: {  	v26 =	vor.u32 v0, v25;
	_ =	sdelay $0x3  }
0x2db: {  	[tilespmem:v23+s30+$0x0] =	vst.idx.msk $0xffff, v24;
	v23 =	vshll.u32 v44, $0x7  }
0x2dc: {  	v24 =	vld.idx.msk [tilespmem:v26+s29+$0x0], $0xffff;
	v48 =	vor.u32 v1, v23  }
0x2dd: {  	v49 =	vor.u32 v4, v25;
	_ =	sdelay $0x3  }
0x2de: {  	[tilespmem:v48+s30+$0x0] =	vst.idx.msk $0xffff, v24  }
0x2df: {  	v50 =	vor.u32 v5, v23;
	v24 =	vld.idx.msk [tilespmem:v49+s29+$0x0], $0xffff  }
0x2e0: {  	v51 =	vor.u32 v6, v25;
	_ =	sdelay $0x3  }
0x2e1: {  	[tilespmem:v50+s30+$0x0] =	vst.idx.msk $0xffff, v24  }
0x2e2: {  	v52 =	vor.u32 v7, v23;
	v24 =	vld.idx.msk [tilespmem:v51+s29+$0x0], $0xffff  }
0x2e3: {  	v53 =	vor.u32 v8, v25;
	_ =	sdelay $0x3  }
0x2e4: {  	[tilespmem:v52+s30+$0x0] =	vst.idx.msk $0xffff, v24  }
0x2e5: {  	v54 =	vor.u32 v9, v23;
	v24 =	vld.idx.msk [tilespmem:v53+s29+$0x0], $0xffff  }
0x2e6: {  	v55 =	vor.u32 v10, v25;
	_ =	sdelay $0x3  }
0x2e7: {  	[tilespmem:v54+s30+$0x0] =	vst.idx.msk $0xffff, v24  }
0x2e8: {  	v56 =	vor.u32 v11, v23;
	v24 =	vld.idx.msk [tilespmem:v55+s29+$0x0], $0xffff  }
0x2e9: {  	v57 =	vor.u32 v12, v25;
	_ =	sdelay $0x3  }
0x2ea: {  	[tilespmem:v56+s30+$0x0] =	vst.idx.msk $0xffff, v24  }
0x2eb: {  	v58 =	vor.u32 v13, v23;
	v24 =	vld.idx.msk [tilespmem:v57+s29+$0x0], $0xffff  }
0x2ec: {  	v59 =	vor.u32 v14, v25;
	_ =	sdelay $0x3  }
0x2ed: {  	[tilespmem:v58+s30+$0x0] =	vst.idx.msk $0xffff, v24  }
0x2ee: {  	v60 =	vor.u32 v16, v23;
	v24 =	vld.idx.msk [tilespmem:v59+s29+$0x0], $0xffff  }
0x2ef: {  	s22 =	sor.u32 $0x2, s16;
	v25 =	vor.u32 v17, v25  }
0x2f0: {  	v61 =	vor.u32 s22, v22  }
0x2f1: {  	v62 =	vmov s22;
	v63 =	vshll.u32 v61, $0x1  }
0x2f2: {  	v28 =	vshll.u32 v62, $0x4;
	v29 =	vor.u32 v3, v63  }
0x2f3: {  	v32 =	vand.u32 $0x7F, v29;
	v33 =	vand.u32 $0x400, v28;
	[tilespmem:v60+s30+$0x0] =	vst.idx.msk $0xffff, v24  }
0x2f4: {  	v23 =	vor.u32 v18, v23;
	v24 =	vor.u32 v33, v32;
	v25 =	vld.idx.msk [tilespmem:v25+s29+$0x0], $0xffff  }
0x2f5: {  	v26 =	vor.u32 v0, v24;
	_ =	sdelay $0x3  }
0x2f6: {  	[tilespmem:v23+s30+$0x0] =	vst.idx.msk $0xffff, v25;
	v23 =	vshll.u32 v61, $0x7  }
0x2f7: {  	v25 =	vld.idx.msk [tilespmem:v26+s29+$0x0], $0xffff;
	v34 =	vor.u32 v1, v23  }
0x2f8: {  	v35 =	vor.u32 v4, v24;
	_ =	sdelay $0x3  }
0x2f9: {  	[tilespmem:v34+s30+$0x0] =	vst.idx.msk $0xffff, v25  }
0x2fa: {  	v36 =	vor.u32 v5, v23;
	v25 =	vld.idx.msk [tilespmem:v35+s29+$0x0], $0xffff  }
0x2fb: {  	v37 =	vor.u32 v6, v24;
	_ =	sdelay $0x3  }
0x2fc: {  	[tilespmem:v36+s30+$0x0] =	vst.idx.msk $0xffff, v25  }
0x2fd: {  	v38 =	vor.u32 v7, v23;
	v25 =	vld.idx.msk [tilespmem:v37+s29+$0x0], $0xffff  }
0x2fe: {  	v39 =	vor.u32 v8, v24;
	_ =	sdelay $0x3  }
0x2ff: {  	[tilespmem:v38+s30+$0x0] =	vst.idx.msk $0xffff, v25  }
0x300: {  	v40 =	vor.u32 v9, v23;
	v25 =	vld.idx.msk [tilespmem:v39+s29+$0x0], $0xffff  }
0x301: {  	v41 =	vor.u32 v10, v24;
	_ =	sdelay $0x3  }
0x302: {  	[tilespmem:v40+s30+$0x0] =	vst.idx.msk $0xffff, v25  }
0x303: {  	v42 =	vor.u32 v11, v23;
	v25 =	vld.idx.msk [tilespmem:v41+s29+$0x0], $0xffff  }
0x304: {  	v43 =	vor.u32 v12, v24;
	_ =	sdelay $0x3  }
0x305: {  	[tilespmem:v42+s30+$0x0] =	vst.idx.msk $0xffff, v25  }
0x306: {  	v44 =	vor.u32 v13, v23;
	v25 =	vld.idx.msk [tilespmem:v43+s29+$0x0], $0xffff  }
0x307: {  	v45 =	vor.u32 v14, v24;
	_ =	sdelay $0x3  }
0x308: {  	[tilespmem:v44+s30+$0x0] =	vst.idx.msk $0xffff, v25  }
0x309: {  	v46 =	vor.u32 v16, v23;
	v25 =	vld.idx.msk [tilespmem:v45+s29+$0x0], $0xffff  }
0x30a: {  	s23 =	sor.u32 $0x3, s16;
	v24 =	vor.u32 v17, v24  }
0x30b: {  	v22 =	vor.u32 s23, v22  }
0x30c: {  	v47 =	vmov s23;
	v48 =	vshll.u32 v22, $0x1  }
0x30d: {  	v27 =	vshll.u32 v47, $0x4;
	v28 =	vor.u32 v3, v48  }
0x30e: {  	v49 =	vand.u32 $0x7F, v28;
	v50 =	vand.u32 $0x400, v27;
	[tilespmem:v46+s30+$0x0] =	vst.idx.msk $0xffff, v25  }
0x30f: {  	v23 =	vor.u32 v18, v23;
	v25 =	vor.u32 v50, v49;
	v24 =	vld.idx.msk [tilespmem:v24+s29+$0x0], $0xffff  }
0x310: {  	v26 =	vor.u32 v0, v25;
	_ =	sdelay $0x3  }
0x311: {  	v22 =	vshll.u32 v22, $0x7;
	[tilespmem:v23+s30+$0x0] =	vst.idx.msk $0xffff, v24  }
0x312: {  	v51 =	vor.u32 v1, v22;
	v23 =	vld.idx.msk [tilespmem:v26+s29+$0x0], $0xffff  }
0x313: {  	v52 =	vor.u32 v4, v25;
	_ =	sdelay $0x3  }
0x314: {  	[tilespmem:v51+s30+$0x0] =	vst.idx.msk $0xffff, v23  }
0x315: {  	v53 =	vor.u32 v5, v22;
	v23 =	vld.idx.msk [tilespmem:v52+s29+$0x0], $0xffff  }
0x316: {  	v54 =	vor.u32 v6, v25;
	_ =	sdelay $0x3  }
0x317: {  	[tilespmem:v53+s30+$0x0] =	vst.idx.msk $0xffff, v23  }
0x318: {  	v55 =	vor.u32 v7, v22;
	v23 =	vld.idx.msk [tilespmem:v54+s29+$0x0], $0xffff  }
0x319: {  	v56 =	vor.u32 v8, v25;
	_ =	sdelay $0x3  }
0x31a: {  	[tilespmem:v55+s30+$0x0] =	vst.idx.msk $0xffff, v23  }
0x31b: {  	v57 =	vor.u32 v9, v22;
	v23 =	vld.idx.msk [tilespmem:v56+s29+$0x0], $0xffff  }
0x31c: {  	v58 =	vor.u32 v10, v25;
	_ =	sdelay $0x3  }
0x31d: {  	[tilespmem:v57+s30+$0x0] =	vst.idx.msk $0xffff, v23  }
0x31e: {  	v59 =	vor.u32 v11, v22;
	v23 =	vld.idx.msk [tilespmem:v58+s29+$0x0], $0xffff  }
0x31f: {  	v60 =	vor.u32 v12, v25;
	_ =	sdelay $0x3  }
0x320: {  	[tilespmem:v59+s30+$0x0] =	vst.idx.msk $0xffff, v23  }
0x321: {  	v61 =	vor.u32 v13, v22;
	v23 =	vld.idx.msk [tilespmem:v60+s29+$0x0], $0xffff  }
0x322: {  	v62 =	vor.u32 v14, v25;
	_ =	sdelay $0x3  }
0x323: {  	[tilespmem:v61+s30+$0x0] =	vst.idx.msk $0xffff, v23  }
0x324: {  	v63 =	vor.u32 v16, v22;
	v23 =	vld.idx.msk [tilespmem:v62+s29+$0x0], $0xffff  }
0x325: {  	v25 =	vor.u32 v17, v25;
	_ =	sdelay $0x3  }
0x326: {  	[tilespmem:v63+s30+$0x0] =	vst.idx.msk $0xffff, v23  }
0x327: {  	v22 =	vor.u32 v18, v22;
	v23 =	vld.idx.msk [tilespmem:v25+s29+$0x0], $0xffff;
	_ =	sdelay $0x1  }
.Ltmp8:
0x328: {  	_ = 	snop;
	(pc) =	sbr.rel .LBB2_9-.Ltmp8, $4  }
0x329: {  	_ = 	snop  }
0x32a: {  	s24 =	sshll.u32 s20, $0xB  }
0x32b: {  	s8 =	sadd.s32 s7, s24;
	[tilespmem:v22+s30+$0x0] =	vst.idx.msk $0xffff, v23  }
0x32c: {  	[hbm4b:s8+s4] =	stream.linear.scatter [tilespmem:s30], [sflag:$0x4], $0x4000, $0x38;
	[tilespmem:$0x13000] =	vst v63  }
.LBB2_10:
0x32d: {  	_ =	swait.ge [sflag:s31], $0x4000  }
.Ltmp9:
0x32e: {  	[sflag:s31] =	ssyncset.done $0x0;
	(pc) =	sbr.rel @p0 .LBB2_14-.Ltmp9, $4  }
0x32f: {  	[sflag:s31] =	ssyncadd.s32 $0xFFFFC000  }
0x330: {  	_ =	swait.ge [sflag:s2], $0x4000  }
0x331: {  	[sflag:s2] =	ssyncset.done $0x0  }
0x332: {  	[sflag:s2] =	ssyncadd.s32 $0xFFFFC000  }
0x333: {  	s8 =	simm.s32 $0x0  }
0x334: {  	v22 =	vmov s8  }
0x335: {  	v22 =	vand.u32 $0x7E, v22  }
0x336: {  	v22 =	vbroadcast v22, $0x0;
	_ =	sdelay $0x1  }
0x337: {  	s9 =	rddreg [dreg:$0x1];
	v23 =	vor.u32 v15, v22  }
0x338: {  	[tilespmem:s0], [sflag:$0x5] =	stream.linear.gather [hbm4b:s9+s8], $0x2000, $0x38;
	[tilespmem:$0x13000] =	vst v63  }
0x339: {  	_ =	swait.ge [sflag:s3], $0x2000  }
0x33a: {  	[sflag:s3] =	ssyncset.done $0x0  }
0x33b: {  	[sflag:s3] =	ssyncadd.s32 $0xFFFFE000  }
0x33c: {  	v23 =	vld.idx.msk [tilespmem:v23+s0+$0x0], $0xffff  }
0x33d: {  	v24 =	vor.u32 v19, v22;
	_ =	sdelay $0x2  }
0x33e: {  	s16 =	simm.s32 $0x12040  }
0x33f: {  	[tilespmem:s16+$0xFFFFFFC0] =	vst v23  }
0x340: {  	v23 =	vld.idx.msk [tilespmem:v24+s0+$0x0], $0xffff  }
0x341: {  	v24 =	vor.u32 v20, v22;
	_ =	sdelay $0x3  }
0x342: {  	[tilespmem:s16+$0xFFFFFFD0] =	vst v23  }
0x343: {  	v23 =	vld.idx.msk [tilespmem:v24+s0+$0x0], $0xffff  }
0x344: {  	v22 =	vor.u32 v21, v22  }
0x345: {  	s24 =	simm.s32 $0x1  }
0x346: {  	v24 =	vmov s24  }
0x347: {  	v24 =	vand.u32 $0x7F, v24  }
0x348: {  	v24 =	vbroadcast v24, $0x0;
	[tilespmem:s16+$0xFFFFFFE0] =	vst v23  }
0x349: {  	v22 =	vld.idx.msk [tilespmem:v22+s0+$0x0], $0xffff  }
0x34a: {  	v23 =	vor.u32 v15, v24;
	_ =	sdelay $0x3  }
0x34b: {  	[tilespmem:s16+$0xFFFFFFF0] =	vst v22  }
0x34c: {  	v22 =	vld.idx.msk [tilespmem:v23+s0+$0x0], $0xffff  }
0x34d: {  	v23 =	vor.u32 v19, v24;
	_ =	sdelay $0x3  }
0x34e: {  	[tilespmem:s16+$0x0] =	vst v22  }
0x34f: {  	v22 =	vld.idx.msk [tilespmem:v23+s0+$0x0], $0xffff  }
0x350: {  	v23 =	vor.u32 v20, v24;
	_ =	sdelay $0x3  }
0x351: {  	[tilespmem:s16+$0x10] =	vst v22  }
0x352: {  	v23 =	vld.idx.msk [tilespmem:v23+s0+$0x0], $0xffff  }
0x353: {  	v22 =	vor.u32 v21, v24;
	_ =	sdelay $0x1  }
0x354: {  	s19 =	simm.s32 $0x2  }
0x355: {  	s20 =	simm.s32 $0x4;
	v24 =	vmov s19  }
.LBB2_12:
0x356: {  	p1 =	sne.s32 s20, $0x3E;
	v24 =	vand.u32 $0x7E, v24;
	[tilespmem:s16+$0x20] =	vst v23  }
0x357: {  	v23 =	vbroadcast v24, $0x0;
	v22 =	vld.idx.msk [tilespmem:v22+s0+$0x0], $0xffff;
	_ =	sdelay $0x1  }
0x358: {  	v24 =	vor.u32 v15, v23;
	_ =	sdelay $0x3  }
0x359: {  	[tilespmem:s16+$0x30] =	vst v22  }
0x35a: {  	v22 =	vld.idx.msk [tilespmem:v24+s0+$0x0], $0xffff;
	_ =	sdelay $0x1  }
0x35b: {  	v24 =	vor.u32 v19, v23;
	_ =	sdelay $0x2  }
0x35c: {  	s16 =	sadd.s32 $0x80, s16  }
0x35d: {  	[tilespmem:s16+$0xFFFFFFC0] =	vst v22  }
0x35e: {  	v22 =	vld.idx.msk [tilespmem:v24+s0+$0x0], $0xffff;
	_ =	sdelay $0x1  }
0x35f: {  	v24 =	vor.u32 v20, v23;
	_ =	sdelay $0x3  }
0x360: {  	[tilespmem:s16+$0xFFFFFFD0] =	vst v22  }
0x361: {  	v22 =	vld.idx.msk [tilespmem:v24+s0+$0x0], $0xffff;
	_ =	sdelay $0x1  }
0x362: {  	v23 =	vor.u32 v21, v23;
	_ =	sdelay $0x1  }
0x363: {  	s8 =	sadd.s32 $0x1, s19;
	s19 =	smov.u32 s20  }
0x364: {  	v24 =	vmov s8  }
0x365: {  	[tilespmem:s16+$0xFFFFFFE0] =	vst v22;
	v22 =	vand.u32 $0x7F, v24  }
0x366: {  	v23 =	vld.idx.msk [tilespmem:v23+s0+$0x0], $0xffff;
	v22 =	vbroadcast v22, $0x0;
	_ =	sdelay $0x1  }
0x367: {  	v24 =	vor.u32 v15, v22;
	_ =	sdelay $0x3  }
0x368: {  	[tilespmem:s16+$0xFFFFFFF0] =	vst v23  }
0x369: {  	v23 =	vld.idx.msk [tilespmem:v24+s0+$0x0], $0xffff;
	_ =	sdelay $0x1  }
0x36a: {  	v24 =	vor.u32 v19, v22;
	_ =	sdelay $0x3  }
0x36b: {  	[tilespmem:s16+$0x0] =	vst v23  }
0x36c: {  	v23 =	vld.idx.msk [tilespmem:v24+s0+$0x0], $0xffff;
	_ =	sdelay $0x1  }
0x36d: {  	v24 =	vor.u32 v20, v22;
	_ =	sdelay $0x3  }
0x36e: {  	[tilespmem:s16+$0x10] =	vst v23  }
0x36f: {  	v23 =	vld.idx.msk [tilespmem:v24+s0+$0x0], $0xffff  }
.Ltmp10:
0x370: {  	(pc) =	sbr.rel @p1 .LBB2_12-.Ltmp10, $2  }
0x371: {  	v22 =	vor.u32 v21, v22;
	_ =	sdelay $0x2  }
0x372: {  	s20 =	sadd.s32 $0x2, s20;
	v24 =	vmov s19  }
0x373: {  	_ =	sdelay $0x1  }
0x374: {  	v24 =	vand.u32 $0x7E, v24  }
0x375: {  	[tilespmem:s16+$0x20] =	vst v23;
	v23 =	vbroadcast v24, $0x0  }
0x376: {  	v22 =	vld.idx.msk [tilespmem:v22+s0+$0x0], $0xffff  }
0x377: {  	v24 =	vor.u32 v15, v23;
	_ =	sdelay $0x3  }
0x378: {  	[tilespmem:s16+$0x30] =	vst v22  }
0x379: {  	v22 =	vld.idx.msk [tilespmem:v24+s0+$0x0], $0xffff  }
0x37a: {  	v59 =	vor.u32 v19, v23;
	_ =	sdelay $0x2  }
0x37b: {  	s8 =	sadd.s32 $0x80, s16  }
0x37c: {  	[tilespmem:s8+$0xFFFFFFC0] =	vst v22  }
0x37d: {  	v22 =	vld.idx.msk [tilespmem:v59+s0+$0x0], $0xffff  }
0x37e: {  	v60 =	vor.u32 v20, v23;
	_ =	sdelay $0x3  }
0x37f: {  	[tilespmem:s8+$0xFFFFFFD0] =	vst v22  }
0x380: {  	v22 =	vld.idx.msk [tilespmem:v60+s0+$0x0], $0xffff  }
0x381: {  	v23 =	vor.u32 v21, v23  }
0x382: {  	s9 =	sadd.s32 $0x1, s19  }
0x383: {  	v61 =	vmov s9  }
0x384: {  	v24 =	vand.u32 $0x7F, v61  }
0x385: {  	[tilespmem:s8+$0xFFFFFFE0] =	vst v22;
	v22 =	vbroadcast v24, $0x0  }
0x386: {  	v23 =	vld.idx.msk [tilespmem:v23+s0+$0x0], $0xffff  }
0x387: {  	v24 =	vor.u32 v15, v22;
	_ =	sdelay $0x3  }
0x388: {  	[tilespmem:s8+$0xFFFFFFF0] =	vst v23  }
0x389: {  	v23 =	vld.idx.msk [tilespmem:v24+s0+$0x0], $0xffff  }
0x38a: {  	v62 =	vor.u32 v19, v22;
	_ =	sdelay $0x3  }
0x38b: {  	[tilespmem:s8+$0x0] =	vst v23  }
0x38c: {  	v23 =	vld.idx.msk [tilespmem:v62+s0+$0x0], $0xffff  }
0x38d: {  	v63 =	vor.u32 v20, v22;
	_ =	sdelay $0x3  }
0x38e: {  	[tilespmem:s8+$0x10] =	vst v23  }
0x38f: {  	v23 =	vld.idx.msk [tilespmem:v63+s0+$0x0], $0xffff  }
0x390: {  	v22 =	vor.u32 v21, v22;
	_ =	sdelay $0x3  }
0x391: {  	[tilespmem:s8+$0x20] =	vst v23  }
0x392: {  	v22 =	vld.idx.msk [tilespmem:v22+s0+$0x0], $0xffff;
	_ =	sdelay $0x4  }
.Ltmp11:
0x393: {  	s23 =	rddreg [dreg:$0x7];
	s24 =	simm.s32 $0x12000;
	[tilespmem:s8+$0x30] =	vst v22;
	(pc) =	sbr.rel .LBB2_14-.Ltmp11, $4  }
0x394: {  	[hbm4b:s23+s4] =	stream.linear.scatter [tilespmem:s24], [sflag:$0x5], $0x1000, $0x38;
	[tilespmem:$0x13000] =	vst v63  }
0x395: {  	_ =	swait.ge [sflag:s3], $0x1000  }
0x396: {  	[sflag:s3] =	ssyncset.done $0x0  }
0x397: {  	[sflag:s3] =	ssyncadd.s32 $0xFFFFF000  }
.LBB2_15:
0x398: {  	_ =	sfence.sel $0x180000  }
0x399: {  	[bflag:$0x0] =	sbarrier.arrive $0xFFFF  }
0x39a: {  	_ =	strace $0x90000047  }
0x39b: {  	s0 =	stileid.u32;
	[bflag:$0x2] =	sbarrier.arrive $0xFFFF  }
0x39c: {  	p0 =	sne.s32 s0, $0x0;
	s0 =	rddreg [dreg:$0x3]  }
0x39d: {  	s0 =	sadd.s32 @!p0 $0x100000, s0  }
0x39e: {  	[sflag:s0] =	ssyncadd.tile.s32 @!p0 $0x1;
	_ =	shalt  }
.Lfunc_end2:
_tile_overlayer_lowered:
.L_overlay_start_2:
0x39f: {  	(tag) =	ssettag $0x2  }
0x3a0: {  	s0 =	rddreg [dreg:$0x0];
	s2 =	stileid.u32  }
0x3a1: {  	s1 =	rddreg [dreg:$0x1];
	p0 =	sne.s32 s2, $0x0  }
0x3a2: {  	s3 =	rddreg [dreg:$0x2];
	[bflag:$0x3] =	sbarrier.arrive $0xFFFF;
	s2 =	simm.s32 @!p0 $0x1C05  }
0x3a3: {  	[timem:s3], [sflag:s2] =	dma.local @!p0 [hbm:s0], s1  }
0x3a4: {  	s0 =	simm.s32 @!p0 $0x5  }
0x3a5: {  	_ =	swait.ge @!p0 [sflag:s0], s1  }
0x3a6: {  	s1 =	ssub.s32 @!p0 $0x0, s1;
	[sflag:s0] =	ssyncset.done @!p0 $0x0  }
0x3a7: {  	[sflag:s0] =	ssyncadd.s32 @!p0 s1  }
0x3a8: {  	[bflag:$0x3] =	sbarrier.arrive $0xFFFF  }
0x3a9: {  	_ =	shalt  }

// kernel: kernel.7.cloned.1.call-start
scs
__scs_entry_jumppad:
0x0: {  	(pc) =	sbr.rel $0x88, $3  }
0x1: {  	(tag) =	ssettag $0x0;
	lr =	simm.s32 $0x1  }
0x2: {  	[smem:$0x3F9F] =	sst lr;
	_ =	strace $0xD0000000  }
0x3: {  	_ = 	snop  }
0x4: {  	_ = 	snop  }
0x5: {  	_ = 	snop  }
0x6: {  	_ = 	snop  }
0x7: {  	_ = 	snop  }
__scs_overlays_trampoline_lowered:
0x8: {  	[smem:$0x3FAE] =	sst s0  }
0x9: {  	[smem:$0x3FAF] =	sst s1  }
0xa: {  	[smem:$0x3FB0] =	sst s2  }
0xb: {  	[smem:$0x3FB1] =	sst s3  }
0xc: {  	[smem:$0x3FB2] =	sst s4  }
0xd: {  	[smem:$0x3FB3] =	sst s5  }
0xe: {  	[smem:$0x3FB4] =	sst s6  }
0xf: {  	[smem:$0x3FB5] =	sst s7  }
0x10: {  	[smem:$0x3FB6] =	sst s8  }
0x11: {  	[smem:$0x3FB7] =	sst s9;
	s0 =	simm.s32 @!p0 $0x0  }
0x12: {  	s1 =	sld [smem:$0x3F9D];
	s0 =	simm.s32 @p0 $0x1  }
0x13: {  	[smem:$0x3FB8] =	sst s0;
	s0 =	simm.s32 @!p1 $0x0  }
0x14: {  	s2 =	sld [smem:$0x3F9C];
	s0 =	simm.s32 @p1 $0x1  }
0x15: {  	[smem:$0x3FB9] =	sst s0;
	s0 =	simm.s32 @!p2 $0x0  }
0x16: {  	s3 =	sld [smem:$0x3FDB];
	s0 =	simm.s32 @p2 $0x1  }
0x17: {  	s4 =	simm.s32 $0x1BF5;
	[smem:$0x3FBB] =	sst s0  }
0x18: {  	s0 =	sld [smem:$0x3F9E];
	_ =	swait.ge [sflag:s4], $0x0  }
0x19: {  	s7 =	sld [smem:$0x3F9F]  }
0x1a: {  	s8 =	sadd.s32 $0xFFFFE003, lr  }
0x1b: {  	s9 =	sadd.s32 $0xFFFFFEF7, lr;
	s5 =	simm.s32 $0xFFFFFFFF;
	p2 =	slt.u32 s8, $0xFFFFF086  }
0x1c: {  	p1 =	slt.u32 s9, $0xF7A;
	s5 =	simm.s32 @!p2 $0x0  }
0x1d: {  	s5 =	simm.s32 @p1 $0x1;
	p0 =	seq.s32 s7, s2  }
0x1e: {  	s7 =	smul.u32 @!p0 $0xF7A, s2;
	p2 =	seq.s32 @!p0 s5, $0x0  }
0x1f: {  	s9 =	smul.u32 $0xF7A, s1;
	s8 =	simm.s32 @!p0 $0x1BF5;
	p2 =	por !p2, p0  }
0x20: {  	[sflag:s8] =	ssyncset.s32 @!p0 $0xFFFFF086;
	s6 =	sadd.s32 @!p0 s3, s7;
	s7 =	simm.s32 @!p0 $0x108  }
0x21: {  	s3 =	sadd.s32 s3, s9;
	s6 =	sadd.s32 @!p0 $0x88, s6;
	s7 =	simm.s32 @p2 $0x1082  }
0x22: {  	[simem:s7], [sflag:s8] =	dma.local @!p0 [hbm:s6], $0xF7A  }
0x23: {  	s9 =	sor.u32 $0xD0000000, s2;
	s6 =	simm.s32 $0x108;
	_ =	swait.ge @!p0 [sflag:s8], $0x0  }
0x24: {  	s3 =	sadd.s32 $0x88, s3;
	s6 =	simm.s32 @!p1 $0x1082;
	[sflag:s4] =	ssyncset.s32 $0xFFFFF086  }
0x25: {  	[simem:s6], [sflag:s4] =	dma.local [hbm:s3], $0xF7A  }
0x26: {  	[smem:$0x3F9F] =	sst s1;
	(tag) =	ssettag s2;
	_ =	strace s9  }
0x27: {  	s1 =	sld [smem:$0x3FAF]  }
0x28: {  	s2 =	sld [smem:$0x3FB0]  }
0x29: {  	s4 =	sld [smem:$0x3FB2]  }
0x2a: {  	p0 =	seq.s32 s5, $0x0;
	s5 =	sld [smem:$0x3FB3]  }
0x2b: {  	s6 =	sld [smem:$0x3FB4]  }
0x2c: {  	s7 =	sld [smem:$0x3FB5]  }
0x2d: {  	s3 =	simm.s32 $0x108;
	s8 =	sld [smem:$0x3FB6]  }
0x2e: {  	s3 =	simm.s32 @!p0 $0x1082;
	s9 =	sld [smem:$0x3FB7]  }
0x2f: {  	lr =	sadd.s32 s0, s3;
	s0 =	sld [smem:$0x3FAE]  }
0x30: {  	s3 =	sld [smem:$0x3FB1]  }
0x31: {  	[smem:$0x3FBA] =	sst s10  }
0x32: {  	s10 =	sld [smem:$0x3FB8];
	_ =	sdelay $0x3  }
0x33: {  	p0 =	seq.s32 s10, $0x1;
	s10 =	sld [smem:$0x3FBA];
	_ =	sdelay $0x3  }
0x34: {  	[smem:$0x3FBA] =	sst s10  }
0x35: {  	s10 =	sld [smem:$0x3FB9];
	_ =	sdelay $0x3  }
0x36: {  	p1 =	seq.s32 s10, $0x1;
	s10 =	sld [smem:$0x3FBA];
	_ =	sdelay $0x3  }
0x37: {  	[smem:$0x3FBA] =	sst s10  }
0x38: {  	s10 =	sld [smem:$0x3FBB]  }
0x39: {  	_ = 	snop;
	(pc) =	sbr.ind lr, $3  }
0x3a: {  	_ = 	snop  }
0x3b: {  	_ = 	snop  }
0x3c: {  	p2 =	seq.s32 s10, $0x1;
	s10 =	sld [smem:$0x3FBA]  }
0x3d: {  	_ =	shalt  }
0x3e: {  	_ =	shalt  }
0x3f: {  	_ =	shalt  }
0x40: {  	_ =	shalt  }
0x41: {  	_ =	shalt  }
0x42: {  	_ =	shalt  }
0x43: {  	_ =	shalt  }
0x44: {  	_ =	shalt  }
0x45: {  	_ =	shalt  }
0x46: {  	_ =	shalt  }
0x47: {  	_ =	shalt  }
0x48: {  	_ =	shalt  }
0x49: {  	_ =	shalt  }
0x4a: {  	_ =	shalt  }
0x4b: {  	_ =	shalt  }
0x4c: {  	_ =	shalt  }
0x4d: {  	_ =	shalt  }
0x4e: {  	_ =	shalt  }
0x4f: {  	_ =	shalt  }
0x50: {  	_ =	shalt  }
0x51: {  	_ =	shalt  }
0x52: {  	_ =	shalt  }
0x53: {  	_ =	shalt  }
0x54: {  	_ =	shalt  }
0x55: {  	_ =	shalt  }
0x56: {  	_ =	shalt  }
0x57: {  	_ =	shalt  }
0x58: {  	_ =	shalt  }
0x59: {  	_ =	shalt  }
0x5a: {  	_ =	shalt  }
0x5b: {  	_ =	shalt  }
0x5c: {  	_ =	shalt  }
0x5d: {  	_ =	shalt  }
0x5e: {  	_ =	shalt  }
0x5f: {  	_ =	shalt  }
0x60: {  	_ =	shalt  }
0x61: {  	_ =	shalt  }
0x62: {  	_ =	shalt  }
0x63: {  	_ =	shalt  }
0x64: {  	_ =	shalt  }
0x65: {  	_ =	shalt  }
0x66: {  	_ =	shalt  }
0x67: {  	_ =	shalt  }
0x68: {  	_ =	shalt  }
0x69: {  	_ =	shalt  }
0x6a: {  	_ =	shalt  }
0x6b: {  	_ =	shalt  }
0x6c: {  	_ =	shalt  }
0x6d: {  	_ =	shalt  }
0x6e: {  	_ =	shalt  }
0x6f: {  	_ =	shalt  }
0x70: {  	_ =	shalt  }
0x71: {  	_ =	shalt  }
0x72: {  	_ =	shalt  }
0x73: {  	_ =	shalt  }
0x74: {  	_ =	shalt  }
0x75: {  	_ =	shalt  }
0x76: {  	_ =	shalt  }
0x77: {  	_ =	shalt  }
0x78: {  	_ =	shalt  }
0x79: {  	_ =	shalt  }
0x7a: {  	_ =	shalt  }
0x7b: {  	_ =	shalt  }
0x7c: {  	_ =	shalt  }
0x7d: {  	_ =	shalt  }
0x7e: {  	_ =	shalt  }
0x7f: {  	_ =	shalt  }
0x80: {  	_ =	shalt  }
0x81: {  	_ =	shalt  }
0x82: {  	_ =	shalt  }
0x83: {  	_ =	shalt  }
0x84: {  	_ =	shalt  }
0x85: {  	_ =	shalt  }
0x86: {  	_ =	shalt  }
0x87: {  	_ =	shalt  }
.Lfunc_end0:
.L_simem_size_0:
called_computation.2_lowered:
.L_overlay_start_0:
0x88: {  	s2 =	sld [smem:$0x3FD9]  }
0x89: {  	s3 =	sld [smem:$0x3FFE];
	_ =	sdelay $0x1  }
0x8a: {  	s1 =	srdreg.scid  }
0x8b: {  	s0 =	sand.u32 $0x1, s1  }
0x8c: {  	s17 =	sshll.u32 s0, $0xA;
	s2 =	sadd.s32 s3, s2  }
0x8d: {  	s2 =	sadd.s32 s2, s17  }
0x8e: {  	[smem:$0x3FC6] =	sst s2  }
0x8f: {  	_ = 	snop  }
0x90: {  	s2 =	sld [smem:$0x3FD0];
	(tm) =	ssettm $0x1  }
0x91: {  	s18 =	sld [smem:$0x3FFB];
	_ =	sdelay $0x3  }
0x92: {  	_ =	strace s18  }
0x93: {  	s3 =	sld [smem:$0x3FFC];
	_ =	sdelay $0x3  }
0x94: {  	_ =	strace s3  }
0x95: {  	s3 =	sld [smem:$0x3FFD];
	_ =	sdelay $0x3  }
0x96: {  	_ =	strace s3  }
0x97: {  	_ =	strace $0x8FFFFFFF  }
0x98: {  	s19 =	sld [smem:$0x3FDB];
	_ =	sdelay $0x1  }
0x99: {  	s4 =	simm.s32 $_scs_section_size  }
0x9a: {  	s5 =	simm.s32 $_size__tile_overlayer_lowered;
	s6 =	simm.s32 $_tile_overlayer_lowered  }
0x9b: {  	s22 =	simm.s32 $0x1BFF;
	s21 =	sshll.u32 s6, $0x1;
	s3 =	sadd.s32 s4, s19  }
0x9c: {  	s7 =	simm.s32 $0x0;
	s20 =	sshll.u32 s5, $0x1;
	s5 =	sadd.s32 s21, s3  }
0x9d: {  	[timem:s7], [sflag:s22] =	dma.local [hbm:s5], s20  }
0x9e: {  	_ =	swait.ge [sflag:s22], s20  }
0x9f: {  	s4 =	ssub.s32 $0x0, s20;
	[sflag:s22] =	ssyncset.done $0x0  }
0xa0: {  	[sflag:s22] =	ssyncadd.s32 s4;
	_ =	sdelay $0x1  }
0xa1: {  	s23 =	simm.s32 $0x1B8B  }
0xa2: {  	_ =	swait.ge [sflag:s23], $0x1  }
0xa3: {  	[sflag:s23] =	ssyncset.done $0x0  }
0xa4: {  	s25 =	simm.s32 $0x1B8E;
	s24 =	sld [smem:$0x3FFE];
	[sflag:s23] =	ssyncadd.s32 $0xFFFFFFFF  }
0xa5: {  	s26 =	simm.s32 $execute0_lowered;
	[smem:$0x3FD2] =	sst s25  }
0xa6: {  	s5 =	sshll.u32 s26, $0x1;
	_ =	strace $0x80000049;
	[dreg:$0x1] =	wrdreg $0xFFFFFFFF  }
0xa7: {  	s28 =	simm.s32 $_size_execute0_lowered;
	s3 =	sadd.s32 s3, s5;
	[dreg:$0x0] =	wrdreg $0x0  }
0xa8: {  	s5 =	sshll.u32 s28, $0x1;
	[dreg:$0x2] =	wrdreg s3  }
0xa9: {  	[dreg:$0x3] =	wrdreg s5  }
0xaa: {  	[dreg:$0x4] =	wrdreg $0xC0  }
0xab: {  	_ =	task [dreg:s7], $0x5FFFF  }
0xac: {  	[dreg:$0x1] =	wrdreg $0xFFFFFFFF  }
0xad: {  	[dreg:$0x0] =	wrdreg $0x60  }
0xae: {  	[dreg:$0x2] =	wrdreg s24  }
0xaf: {  	[dreg:$0x3] =	wrdreg s2  }
0xb0: {  	[dreg:$0x4] =	wrdreg $0x9  }
0xb1: {  	_ =	task.clear_ibuf [dreg:s7], $0x5FFFF;
	_ =	strace $0x90000049  }
0xb2: {  	s29 =	simm.s32 $0x9;
	_ =	strace $0x8000004B  }
0xb3: {  	_ =	swait.ge [sflag:s29], $0x1  }
0xb4: {  	[sflag:s29] =	ssyncadd.s32 $0xFFFFFFFF  }
0xb5: {  	_ =	strace $0x9000004B  }
0xb6: {  	_ =	sfence  }
0xb7: {  	s30 =	sld [smem:$0x0];
	_ =	sdelay $0x2  }
0xb8: {  	s31 =	sshll.u32 s1, $0xD;
	s1 =	sshrl.u32 s1, $0x2  }
0xb9: {  	s3 =	sand.u32 $0x4000, s31;
	s1 =	sadd.s32 s1, s30  }
0xba: {  	s0 =	sor.u32 s3, s0;
	s1 =	sshll.u32 s1, $0x11  }
0xbb: {  	s0 =	sor.u32 s1, s0  }
0xbc: {  	s0 =	sadd.s32 $0x8F2B, s0  }
0xbd: {  	[sflag:s0] =	ssyncadd.remote.s32 $0x1  }
0xbe: {  	_ =	sfence.sel $0xFFFF  }
0xbf: {  	[dreg:$0x0] =	wrdreg $0xFFFFFFFF;
	(pc) =	sbr.abs _section_cstart, $3  }
0xc0: {  	[dreg:$0x1] =	wrdreg $0xFFFFFFFF  }
0xc1: {  	_ =	task.clear_ibuf [dreg:s7], $0x2FFFF;
	_ =	strace $0x9FFFFFFF  }
0xc2: {  	(tm) =	ssettm $0x7FFFFFFF  }
0xc3: {  	_ =	shalt  }
tec
execute0_lowered:
.L_overlay_start_1:
0x0: {  	(tag) =	ssettag $0x1  }
0x1: {  	s0 =	srdreg.scid;
	s2 =	stileid.u32  }
0x2: {  	s1 =	rddreg [dreg:$0x0];
	s0 =	sand.u32 $0x1, s0;
	s2 =	sshll.u32 s2, $0x1  }
0x3: {  	s3 =	rddreg [dreg:$0x1];
	s31 =	simm.s32 $0x3;
	s4 =	sor.u32 s0, s2  }
0x4: {  	s7 =	simm.s32 $0xA800;
	s8 =	simm.s32 $0x1;
	s5 =	smul.u32 $0x500, s4  }
0x5: {  	s30 =	simm.s32 $0x400;
	s2 =	simm.s32 $0x0;
	s6 =	smul.u32 $0x14000, s4  }
0x6: {  	s29 =	simm.s32 $0x600;
	[smem:$0x7FF] =	sst s2;
	s5 =	sadd.s32 s5, s1  }
0x7: {  	s4 =	smul.u32 $0xA0000, s4;
	s22 =	sadd.s32 s3, s6;
	s5 =	sadd.s32 $0x7A2000, s5  }
0x8: {  	_ =	strace $0x8000004A;
	s9 =	sadd.s32 $0x1000, s22;
	[dreg:$0x3] =	wrdreg s5  }
0x9: {  	s4 =	sshrl.u32 s4, $0x3;
	s10 =	sadd.s32 $0x2000, s22;
	[dreg:$0x4] =	wrdreg s9  }
0xa: {  	s11 =	sadd.s32 $0x3000, s22;
	s4 =	sadd.s32 s3, s4;
	[dreg:$0x5] =	wrdreg s10  }
0xb: {  	s28 =	simm.s32 $0x800;
	[dreg:$0x6] =	wrdreg s11;
	s3 =	sadd.s32 $0x4000, s4  }
0xc: {  	p0 =	por $0x0, $0x0;
	s12 =	sadd.s32 $0x5000, s4;
	[dreg:$0x7] =	wrdreg s3  }
0xd: {  	s0 =	ssub.s32 $0x2, s0;
	s13 =	sadd.s32 $0x6000, s4;
	[dreg:$0x8] =	wrdreg s12  }
0xe: {  	s25 =	sshrl.u32 s0, $0x1;
	s14 =	sadd.s32 $0x7000, s4;
	[dreg:$0x9] =	wrdreg s13  }
0xf: {  	s0 =	ssub.s32 s0, s25;
	s15 =	sadd.s32 $0x8000, s4;
	[dreg:$0xa] =	wrdreg s14  }
0x10: {  	s25 =	simm.s32 $0xC00;
	s16 =	sadd.s32 $0x9000, s4;
	[dreg:$0xb] =	wrdreg s15  }
0x11: {  	s0 =	smax.u32 s0, $0x1;
	s17 =	sadd.s32 $0xA000, s4;
	[dreg:$0xc] =	wrdreg s16  }
0x12: {  	p1 =	sne.s32 s0, $0x1;
	s18 =	sadd.s32 $0xB000, s4;
	[dreg:$0xd] =	wrdreg s17  }
0x13: {  	s19 =	sadd.s32 $0xC000, s4;
	s20 =	sadd.s32 $0xD000, s4;
	[dreg:$0xe] =	wrdreg s18  }
0x14: {  	s21 =	sadd.s32 $0xE000, s4;
	s23 =	sadd.s32 $0xF000, s4;
	[dreg:$0xf] =	wrdreg s19  }
0x15: {  	s24 =	sadd.s32 $0x10000, s4;
	s26 =	sadd.s32 $0x11000, s4;
	[dreg:$0x10] =	wrdreg s20  }
0x16: {  	s6 =	sadd.s32 $0x12000, s4;
	s4 =	sadd.s32 $0x13000, s4;
	[dreg:$0x11] =	wrdreg s21  }
0x17: {  	s10 =	simm.s32 $0x200;
	s9 =	simm.s32 $0x2800;
	[dreg:$0x12] =	wrdreg s23  }
0x18: {  	s5 =	simm.s32 $0x2;
	s11 =	simm.s32 $0x2600;
	[dreg:$0x13] =	wrdreg s24  }
0x19: {  	s3 =	sadd.s32 $0xE00, s1;
	[dreg:$0x14] =	wrdreg s26;
	s26 =	simm.s32 $0xA00  }
.Ltmp0:
0x1a: {  	s24 =	simm.s32 $0xE00;
	s23 =	simm.s32 $0x1000;
	(pc) =	sbr.rel @!p1 .LBB2_3-.Ltmp0, $4  }
0x1b: {  	s21 =	simm.s32 $0x1200;
	s20 =	simm.s32 $0x1400;
	s19 =	simm.s32 $0x1600  }
0x1c: {  	s18 =	simm.s32 $0x1800;
	s17 =	simm.s32 $0x1A00;
	s1 =	sadd.s32 $0xFFFFFFFF, s0  }
0x1d: {  	s16 =	simm.s32 $0x1C00;
	s15 =	simm.s32 $0x1E00;
	s14 =	simm.s32 $0x2000  }
0x1e: {  	s13 =	simm.s32 $0x2200;
	s12 =	simm.s32 $0x2400;
	s0 =	rddreg [dreg:$0x3]  }
0x1f: {  	[tilespmem:s2], [sflag:$0x3] =	stream.linear.gather [hbm4b:s0+s2], $0x2800, $0x38;
	[tilespmem:$0x12800] =	vst v63  }
0x20: {  	_ =	swait.ge [sflag:s31], $0x2800  }
0x21: {  	[sflag:s31] =	ssyncset.done $0x0  }
0x22: {  	[sflag:s31] =	ssyncadd.s32 $0xFFFFD800  }
0x23: {  	[tilespmem:s9], [sflag:$0x1] =	stream.indirect.gather [hbm4b:s3+s10], $0x40, s2, s10, $0xb8;
	[tilespmem:$0x12800] =	vst v63  }
0x24: {  	_ = 	snop  }
0x25: {  	[tilespmem:s7], [sflag:$0x1] =	stream.indirect.gather [hbm4b:s3+s10], $0x40, s10, s10, $0xb8;
	[tilespmem:$0x12800] =	vst v63  }
0x26: {  	_ =	swait.ge [sflag:s8], $0x8000  }
0x27: {  	[sflag:s8] =	ssyncset.done $0x0  }
0x28: {  	[sflag:s8] =	ssyncadd.s32 $0xFFFF8000  }
0x29: {  	[hbm4b:s22+s2] =	stream.linear.scatter [tilespmem:s9], [sflag:$0x2], $0x8000, $0x38;
	[tilespmem:$0x12800] =	vst v63  }
0x2a: {  	_ =	swait.ge [sflag:s5], $0x8000  }
0x2b: {  	[sflag:s5] =	ssyncset.done $0x0  }
0x2c: {  	[sflag:s5] =	ssyncadd.s32 $0xFFFF8000  }
0x2d: {  	[tilespmem:s9], [sflag:$0x1] =	stream.indirect.gather [hbm4b:s3+s10], $0x40, s30, s10, $0xb8;
	[tilespmem:$0x12800] =	vst v63  }
0x2e: {  	_ =	swait.ge [sflag:s8], $0x8000  }
0x2f: {  	[sflag:s8] =	ssyncset.done $0x0  }
0x30: {  	s0 =	rddreg [dreg:$0x4];
	[sflag:s8] =	ssyncadd.s32 $0xFFFF8000  }
0x31: {  	[hbm4b:s0+s2] =	stream.linear.scatter [tilespmem:s7], [sflag:$0x2], $0x8000, $0x38;
	[tilespmem:$0x12800] =	vst v63  }
0x32: {  	_ =	swait.ge [sflag:s5], $0x8000  }
0x33: {  	[sflag:s5] =	ssyncset.done $0x0  }
0x34: {  	[sflag:s5] =	ssyncadd.s32 $0xFFFF8000  }
0x35: {  	[tilespmem:s7], [sflag:$0x1] =	stream.indirect.gather [hbm4b:s3+s10], $0x40, s29, s10, $0xb8;
	[tilespmem:$0x12800] =	vst v63  }
0x36: {  	_ =	swait.ge [sflag:s8], $0x8000  }
0x37: {  	[sflag:s8] =	ssyncset.done $0x0  }
0x38: {  	s0 =	rddreg [dreg:$0x5];
	[sflag:s8] =	ssyncadd.s32 $0xFFFF8000  }
0x39: {  	[hbm4b:s0+s2] =	stream.linear.scatter [tilespmem:s9], [sflag:$0x2], $0x8000, $0x38;
	[tilespmem:$0x12800] =	vst v63  }
0x3a: {  	_ =	swait.ge [sflag:s5], $0x8000  }
0x3b: {  	[sflag:s5] =	ssyncset.done $0x0  }
0x3c: {  	[sflag:s5] =	ssyncadd.s32 $0xFFFF8000  }
0x3d: {  	[tilespmem:s9], [sflag:$0x1] =	stream.indirect.gather [hbm4b:s3+s10], $0x40, s28, s10, $0xb8;
	[tilespmem:$0x12800] =	vst v63  }
0x3e: {  	_ =	swait.ge [sflag:s8], $0x8000  }
0x3f: {  	[sflag:s8] =	ssyncset.done $0x0  }
0x40: {  	s0 =	rddreg [dreg:$0x6];
	[sflag:s8] =	ssyncadd.s32 $0xFFFF8000  }
0x41: {  	[hbm4b:s0+s2] =	stream.linear.scatter [tilespmem:s7], [sflag:$0x2], $0x8000, $0x38;
	[tilespmem:$0x12800] =	vst v63  }
0x42: {  	_ =	swait.ge [sflag:s5], $0x8000  }
0x43: {  	[sflag:s5] =	ssyncset.done $0x0  }
0x44: {  	[sflag:s5] =	ssyncadd.s32 $0xFFFF8000  }
0x45: {  	[tilespmem:s7], [sflag:$0x1] =	stream.indirect.gather [hbm4b:s3+s10], $0x40, s26, s10, $0xb8;
	[tilespmem:$0x12800] =	vst v63  }
0x46: {  	_ =	swait.ge [sflag:s8], $0x8000  }
0x47: {  	[sflag:s8] =	ssyncset.done $0x0  }
0x48: {  	s0 =	rddreg [dreg:$0x7];
	[sflag:s8] =	ssyncadd.s32 $0xFFFF8000  }
0x49: {  	[hbm4b:s0+s2] =	stream.linear.scatter [tilespmem:s9], [sflag:$0x2], $0x8000, $0x38;
	[tilespmem:$0x12800] =	vst v63  }
0x4a: {  	_ =	swait.ge [sflag:s5], $0x8000  }
0x4b: {  	[sflag:s5] =	ssyncset.done $0x0  }
0x4c: {  	[sflag:s5] =	ssyncadd.s32 $0xFFFF8000  }
0x4d: {  	[tilespmem:s9], [sflag:$0x1] =	stream.indirect.gather [hbm4b:s3+s10], $0x40, s25, s10, $0xb8;
	[tilespmem:$0x12800] =	vst v63  }
0x4e: {  	_ =	swait.ge [sflag:s8], $0x8000  }
0x4f: {  	[sflag:s8] =	ssyncset.done $0x0  }
0x50: {  	s0 =	rddreg [dreg:$0x8];
	[sflag:s8] =	ssyncadd.s32 $0xFFFF8000  }
0x51: {  	[hbm4b:s0+s2] =	stream.linear.scatter [tilespmem:s7], [sflag:$0x2], $0x8000, $0x38;
	[tilespmem:$0x12800] =	vst v63  }
0x52: {  	_ =	swait.ge [sflag:s5], $0x8000  }
0x53: {  	[sflag:s5] =	ssyncset.done $0x0  }
0x54: {  	[sflag:s5] =	ssyncadd.s32 $0xFFFF8000  }
0x55: {  	[tilespmem:s7], [sflag:$0x1] =	stream.indirect.gather [hbm4b:s3+s10], $0x40, s24, s10, $0xb8;
	[tilespmem:$0x12800] =	vst v63  }
0x56: {  	_ =	swait.ge [sflag:s8], $0x8000  }
0x57: {  	[sflag:s8] =	ssyncset.done $0x0  }
0x58: {  	s0 =	rddreg [dreg:$0x9];
	[sflag:s8] =	ssyncadd.s32 $0xFFFF8000  }
0x59: {  	[hbm4b:s0+s2] =	stream.linear.scatter [tilespmem:s9], [sflag:$0x2], $0x8000, $0x38;
	[tilespmem:$0x12800] =	vst v63  }
0x5a: {  	_ =	swait.ge [sflag:s5], $0x8000  }
0x5b: {  	[sflag:s5] =	ssyncset.done $0x0  }
0x5c: {  	[sflag:s5] =	ssyncadd.s32 $0xFFFF8000  }
0x5d: {  	[tilespmem:s9], [sflag:$0x1] =	stream.indirect.gather [hbm4b:s3+s10], $0x40, s23, s10, $0xb8;
	[tilespmem:$0x12800] =	vst v63  }
0x5e: {  	_ =	swait.ge [sflag:s8], $0x8000  }
0x5f: {  	[sflag:s8] =	ssyncset.done $0x0  }
0x60: {  	s0 =	rddreg [dreg:$0xa];
	[sflag:s8] =	ssyncadd.s32 $0xFFFF8000  }
0x61: {  	[hbm4b:s0+s2] =	stream.linear.scatter [tilespmem:s7], [sflag:$0x2], $0x8000, $0x38;
	[tilespmem:$0x12800] =	vst v63  }
0x62: {  	_ =	swait.ge [sflag:s5], $0x8000  }
0x63: {  	[sflag:s5] =	ssyncset.done $0x0  }
0x64: {  	[sflag:s5] =	ssyncadd.s32 $0xFFFF8000  }
0x65: {  	[tilespmem:s7], [sflag:$0x1] =	stream.indirect.gather [hbm4b:s3+s10], $0x40, s21, s10, $0xb8;
	[tilespmem:$0x12800] =	vst v63  }
0x66: {  	_ =	swait.ge [sflag:s8], $0x8000  }
0x67: {  	[sflag:s8] =	ssyncset.done $0x0  }
0x68: {  	s0 =	rddreg [dreg:$0xb];
	[sflag:s8] =	ssyncadd.s32 $0xFFFF8000  }
0x69: {  	[hbm4b:s0+s2] =	stream.linear.scatter [tilespmem:s9], [sflag:$0x2], $0x8000, $0x38;
	[tilespmem:$0x12800] =	vst v63  }
0x6a: {  	_ =	swait.ge [sflag:s5], $0x8000  }
0x6b: {  	[sflag:s5] =	ssyncset.done $0x0  }
0x6c: {  	[sflag:s5] =	ssyncadd.s32 $0xFFFF8000  }
0x6d: {  	[tilespmem:s9], [sflag:$0x1] =	stream.indirect.gather [hbm4b:s3+s10], $0x40, s20, s10, $0xb8;
	[tilespmem:$0x12800] =	vst v63  }
0x6e: {  	_ =	swait.ge [sflag:s8], $0x8000  }
0x6f: {  	[sflag:s8] =	ssyncset.done $0x0  }
0x70: {  	s0 =	rddreg [dreg:$0xc];
	[sflag:s8] =	ssyncadd.s32 $0xFFFF8000  }
0x71: {  	[hbm4b:s0+s2] =	stream.linear.scatter [tilespmem:s7], [sflag:$0x2], $0x8000, $0x38;
	[tilespmem:$0x12800] =	vst v63  }
0x72: {  	_ =	swait.ge [sflag:s5], $0x8000  }
0x73: {  	[sflag:s5] =	ssyncset.done $0x0  }
0x74: {  	[sflag:s5] =	ssyncadd.s32 $0xFFFF8000  }
0x75: {  	[tilespmem:s7], [sflag:$0x1] =	stream.indirect.gather [hbm4b:s3+s10], $0x40, s19, s10, $0xb8;
	[tilespmem:$0x12800] =	vst v63  }
0x76: {  	_ =	swait.ge [sflag:s8], $0x8000  }
0x77: {  	[sflag:s8] =	ssyncset.done $0x0  }
0x78: {  	s0 =	rddreg [dreg:$0xd];
	[sflag:s8] =	ssyncadd.s32 $0xFFFF8000  }
0x79: {  	[hbm4b:s0+s2] =	stream.linear.scatter [tilespmem:s9], [sflag:$0x2], $0x8000, $0x38;
	[tilespmem:$0x12800] =	vst v63  }
0x7a: {  	_ =	swait.ge [sflag:s5], $0x8000  }
0x7b: {  	[sflag:s5] =	ssyncset.done $0x0  }
0x7c: {  	[sflag:s5] =	ssyncadd.s32 $0xFFFF8000  }
0x7d: {  	[tilespmem:s9], [sflag:$0x1] =	stream.indirect.gather [hbm4b:s3+s10], $0x40, s18, s10, $0xb8;
	[tilespmem:$0x12800] =	vst v63  }
0x7e: {  	_ =	swait.ge [sflag:s8], $0x8000  }
0x7f: {  	[sflag:s8] =	ssyncset.done $0x0  }
0x80: {  	s0 =	rddreg [dreg:$0xe];
	[sflag:s8] =	ssyncadd.s32 $0xFFFF8000  }
0x81: {  	[hbm4b:s0+s2] =	stream.linear.scatter [tilespmem:s7], [sflag:$0x2], $0x8000, $0x38;
	[tilespmem:$0x12800] =	vst v63  }
0x82: {  	_ =	swait.ge [sflag:s5], $0x8000  }
0x83: {  	[sflag:s5] =	ssyncset.done $0x0  }
0x84: {  	[sflag:s5] =	ssyncadd.s32 $0xFFFF8000  }
0x85: {  	[tilespmem:s7], [sflag:$0x1] =	stream.indirect.gather [hbm4b:s3+s10], $0x40, s17, s10, $0xb8;
	[tilespmem:$0x12800] =	vst v63  }
0x86: {  	_ =	swait.ge [sflag:s8], $0x8000  }
0x87: {  	[sflag:s8] =	ssyncset.done $0x0  }
0x88: {  	s0 =	rddreg [dreg:$0xf];
	[sflag:s8] =	ssyncadd.s32 $0xFFFF8000  }
0x89: {  	[hbm4b:s0+s2] =	stream.linear.scatter [tilespmem:s9], [sflag:$0x2], $0x8000, $0x38;
	[tilespmem:$0x12800] =	vst v63  }
0x8a: {  	_ =	swait.ge [sflag:s5], $0x8000  }
0x8b: {  	[sflag:s5] =	ssyncset.done $0x0  }
0x8c: {  	[sflag:s5] =	ssyncadd.s32 $0xFFFF8000  }
0x8d: {  	[tilespmem:s9], [sflag:$0x1] =	stream.indirect.gather [hbm4b:s3+s10], $0x40, s16, s10, $0xb8;
	[tilespmem:$0x12800] =	vst v63  }
0x8e: {  	_ =	swait.ge [sflag:s8], $0x8000  }
0x8f: {  	[sflag:s8] =	ssyncset.done $0x0  }
0x90: {  	s0 =	rddreg [dreg:$0x10];
	[sflag:s8] =	ssyncadd.s32 $0xFFFF8000  }
0x91: {  	[hbm4b:s0+s2] =	stream.linear.scatter [tilespmem:s7], [sflag:$0x2], $0x8000, $0x38;
	[tilespmem:$0x12800] =	vst v63  }
0x92: {  	_ =	swait.ge [sflag:s5], $0x8000  }
0x93: {  	[sflag:s5] =	ssyncset.done $0x0  }
0x94: {  	[sflag:s5] =	ssyncadd.s32 $0xFFFF8000  }
0x95: {  	[tilespmem:s7], [sflag:$0x1] =	stream.indirect.gather [hbm4b:s3+s10], $0x40, s15, s10, $0xb8;
	[tilespmem:$0x12800] =	vst v63  }
0x96: {  	_ =	swait.ge [sflag:s8], $0x8000  }
0x97: {  	[sflag:s8] =	ssyncset.done $0x0  }
0x98: {  	s0 =	rddreg [dreg:$0x11];
	[sflag:s8] =	ssyncadd.s32 $0xFFFF8000  }
0x99: {  	[hbm4b:s0+s2] =	stream.linear.scatter [tilespmem:s9], [sflag:$0x2], $0x8000, $0x38;
	[tilespmem:$0x12800] =	vst v63  }
0x9a: {  	_ =	swait.ge [sflag:s5], $0x8000  }
0x9b: {  	[sflag:s5] =	ssyncset.done $0x0  }
0x9c: {  	[sflag:s5] =	ssyncadd.s32 $0xFFFF8000  }
0x9d: {  	[tilespmem:s9], [sflag:$0x1] =	stream.indirect.gather [hbm4b:s3+s10], $0x40, s14, s10, $0xb8;
	[tilespmem:$0x12800] =	vst v63  }
0x9e: {  	_ =	swait.ge [sflag:s8], $0x8000  }
0x9f: {  	[sflag:s8] =	ssyncset.done $0x0  }
0xa0: {  	s0 =	rddreg [dreg:$0x12];
	[sflag:s8] =	ssyncadd.s32 $0xFFFF8000  }
0xa1: {  	[hbm4b:s0+s2] =	stream.linear.scatter [tilespmem:s7], [sflag:$0x2], $0x8000, $0x38;
	[tilespmem:$0x12800] =	vst v63  }
0xa2: {  	_ =	swait.ge [sflag:s5], $0x8000  }
0xa3: {  	[sflag:s5] =	ssyncset.done $0x0  }
0xa4: {  	[sflag:s5] =	ssyncadd.s32 $0xFFFF8000  }
0xa5: {  	[tilespmem:s7], [sflag:$0x1] =	stream.indirect.gather [hbm4b:s3+s10], $0x40, s13, s10, $0xb8;
	[tilespmem:$0x12800] =	vst v63  }
0xa6: {  	_ =	swait.ge [sflag:s8], $0x8000  }
0xa7: {  	[sflag:s8] =	ssyncset.done $0x0  }
0xa8: {  	s0 =	rddreg [dreg:$0x13];
	[sflag:s8] =	ssyncadd.s32 $0xFFFF8000  }
0xa9: {  	[hbm4b:s0+s2] =	stream.linear.scatter [tilespmem:s9], [sflag:$0x2], $0x8000, $0x38;
	[tilespmem:$0x12800] =	vst v63  }
0xaa: {  	_ =	swait.ge [sflag:s5], $0x8000  }
0xab: {  	[sflag:s5] =	ssyncset.done $0x0  }
0xac: {  	[sflag:s5] =	ssyncadd.s32 $0xFFFF8000  }
0xad: {  	[tilespmem:s9], [sflag:$0x1] =	stream.indirect.gather [hbm4b:s3+s10], $0x40, s12, s10, $0xb8;
	[tilespmem:$0x12800] =	vst v63  }
0xae: {  	_ =	swait.ge [sflag:s8], $0x8000  }
0xaf: {  	[sflag:s8] =	ssyncset.done $0x0  }
0xb0: {  	s0 =	rddreg [dreg:$0x14];
	[sflag:s8] =	ssyncadd.s32 $0xFFFF8000  }
0xb1: {  	[hbm4b:s0+s2] =	stream.linear.scatter [tilespmem:s7], [sflag:$0x2], $0x8000, $0x38;
	[tilespmem:$0x12800] =	vst v63  }
0xb2: {  	_ =	swait.ge [sflag:s5], $0x8000  }
0xb3: {  	[sflag:s5] =	ssyncset.done $0x0  }
0xb4: {  	[sflag:s5] =	ssyncadd.s32 $0xFFFF8000  }
0xb5: {  	[tilespmem:s7], [sflag:$0x1] =	stream.indirect.gather [hbm4b:s3+s10], $0x40, s11, s10, $0xb8;
	[tilespmem:$0x12800] =	vst v63  }
0xb6: {  	_ =	swait.ge [sflag:s8], $0x8000  }
0xb7: {  	[sflag:s8] =	ssyncset.done $0x0  }
0xb8: {  	[sflag:s8] =	ssyncadd.s32 $0xFFFF8000  }
0xb9: {  	[hbm4b:s6+s2] =	stream.linear.scatter [tilespmem:s9], [sflag:$0x2], $0x8000, $0x38;
	[tilespmem:$0x12800] =	vst v63  }
0xba: {  	_ =	swait.ge [sflag:s8], $0x8000  }
0xbb: {  	[sflag:s8] =	ssyncset.done $0x0  }
0xbc: {  	p1 =	sne.s32 s1, $0x1;
	[sflag:s8] =	ssyncadd.s32 $0xFFFF8000  }
0xbd: {  	[hbm4b:s4+s2] =	stream.linear.scatter [tilespmem:s7], [sflag:$0x2], $0x8000, $0x38;
	[tilespmem:$0x12800] =	vst v63  }
.Ltmp1:
0xbe: {  	_ =	swait.ge [sflag:s5], $0x8000;
	(pc) =	sbr.rel @!p1 .LBB2_3-.Ltmp1, $4  }
0xbf: {  	[sflag:s5] =	ssyncset.done $0x0  }
0xc0: {  	[sflag:s5] =	ssyncadd.s32 $0xFFFF8000  }
0xc1: {  	s1 =	sadd.s32 $0xFFFFFFFF, s1;
	_ =	swait.ge [sflag:s5], $0x8000  }
0xc2: {  	p0 =	por $0x1, $0x1;
	s0 =	rddreg [dreg:$0x3];
	[sflag:s5] =	ssyncset.done $0x0  }
.LBB2_2:
0xc3: {  	[sflag:s5] =	ssyncadd.s32 $0xFFFF8000  }
0xc4: {  	[tilespmem:s2], [sflag:$0x3] =	stream.linear.gather [hbm4b:s0+s2], $0x2800, $0x38;
	[tilespmem:$0x12800] =	vst v63  }
0xc5: {  	_ =	swait.ge [sflag:s31], $0x2800  }
0xc6: {  	[sflag:s31] =	ssyncset.done $0x0  }
0xc7: {  	[sflag:s31] =	ssyncadd.s32 $0xFFFFD800  }
0xc8: {  	[tilespmem:s9], [sflag:$0x1] =	stream.indirect.gather [hbm4b:s3+s10], $0x40, s2, s10, $0xb8;
	[tilespmem:$0x12800] =	vst v63  }
0xc9: {  	_ = 	snop  }
0xca: {  	[tilespmem:s7], [sflag:$0x1] =	stream.indirect.gather [hbm4b:s3+s10], $0x40, s10, s10, $0xb8;
	[tilespmem:$0x12800] =	vst v63  }
0xcb: {  	_ =	swait.ge [sflag:s8], $0x8000  }
0xcc: {  	[sflag:s8] =	ssyncset.done $0x0  }
0xcd: {  	[sflag:s8] =	ssyncadd.s32 $0xFFFF8000  }
0xce: {  	[hbm4b:s22+s2] =	stream.linear.scatter [tilespmem:s9], [sflag:$0x2], $0x8000, $0x38;
	[tilespmem:$0x12800] =	vst v63  }
0xcf: {  	_ =	swait.ge [sflag:s5], $0x8000  }
0xd0: {  	[sflag:s5] =	ssyncset.done $0x0  }
0xd1: {  	[sflag:s5] =	ssyncadd.s32 $0xFFFF8000  }
0xd2: {  	[tilespmem:s9], [sflag:$0x1] =	stream.indirect.gather [hbm4b:s3+s10], $0x40, s30, s10, $0xb8;
	[tilespmem:$0x12800] =	vst v63  }
0xd3: {  	_ =	swait.ge [sflag:s8], $0x8000  }
0xd4: {  	[sflag:s8] =	ssyncset.done $0x0  }
0xd5: {  	s0 =	rddreg [dreg:$0x4];
	[sflag:s8] =	ssyncadd.s32 $0xFFFF8000  }
0xd6: {  	[hbm4b:s0+s2] =	stream.linear.scatter [tilespmem:s7], [sflag:$0x2], $0x8000, $0x38;
	[tilespmem:$0x12800] =	vst v63  }
0xd7: {  	_ =	swait.ge [sflag:s5], $0x8000  }
0xd8: {  	[sflag:s5] =	ssyncset.done $0x0  }
0xd9: {  	[sflag:s5] =	ssyncadd.s32 $0xFFFF8000  }
0xda: {  	[tilespmem:s7], [sflag:$0x1] =	stream.indirect.gather [hbm4b:s3+s10], $0x40, s29, s10, $0xb8;
	[tilespmem:$0x12800] =	vst v63  }
0xdb: {  	_ =	swait.ge [sflag:s8], $0x8000  }
0xdc: {  	[sflag:s8] =	ssyncset.done $0x0  }
0xdd: {  	s0 =	rddreg [dreg:$0x5];
	[sflag:s8] =	ssyncadd.s32 $0xFFFF8000  }
0xde: {  	[hbm4b:s0+s2] =	stream.linear.scatter [tilespmem:s9], [sflag:$0x2], $0x8000, $0x38;
	[tilespmem:$0x12800] =	vst v63  }
0xdf: {  	_ =	swait.ge [sflag:s5], $0x8000  }
0xe0: {  	[sflag:s5] =	ssyncset.done $0x0  }
0xe1: {  	[sflag:s5] =	ssyncadd.s32 $0xFFFF8000  }
0xe2: {  	[tilespmem:s9], [sflag:$0x1] =	stream.indirect.gather [hbm4b:s3+s10], $0x40, s28, s10, $0xb8;
	[tilespmem:$0x12800] =	vst v63  }
0xe3: {  	_ =	swait.ge [sflag:s8], $0x8000  }
0xe4: {  	[sflag:s8] =	ssyncset.done $0x0  }
0xe5: {  	s0 =	rddreg [dreg:$0x6];
	[sflag:s8] =	ssyncadd.s32 $0xFFFF8000  }
0xe6: {  	[hbm4b:s0+s2] =	stream.linear.scatter [tilespmem:s7], [sflag:$0x2], $0x8000, $0x38;
	[tilespmem:$0x12800] =	vst v63  }
0xe7: {  	_ =	swait.ge [sflag:s5], $0x8000  }
0xe8: {  	[sflag:s5] =	ssyncset.done $0x0  }
0xe9: {  	[sflag:s5] =	ssyncadd.s32 $0xFFFF8000  }
0xea: {  	[tilespmem:s7], [sflag:$0x1] =	stream.indirect.gather [hbm4b:s3+s10], $0x40, s26, s10, $0xb8;
	[tilespmem:$0x12800] =	vst v63  }
0xeb: {  	_ =	swait.ge [sflag:s8], $0x8000  }
0xec: {  	[sflag:s8] =	ssyncset.done $0x0  }
0xed: {  	s0 =	rddreg [dreg:$0x7];
	[sflag:s8] =	ssyncadd.s32 $0xFFFF8000  }
0xee: {  	[hbm4b:s0+s2] =	stream.linear.scatter [tilespmem:s9], [sflag:$0x2], $0x8000, $0x38;
	[tilespmem:$0x12800] =	vst v63  }
0xef: {  	_ =	swait.ge [sflag:s5], $0x8000  }
0xf0: {  	[sflag:s5] =	ssyncset.done $0x0  }
0xf1: {  	[sflag:s5] =	ssyncadd.s32 $0xFFFF8000  }
0xf2: {  	[tilespmem:s9], [sflag:$0x1] =	stream.indirect.gather [hbm4b:s3+s10], $0x40, s25, s10, $0xb8;
	[tilespmem:$0x12800] =	vst v63  }
0xf3: {  	_ =	swait.ge [sflag:s8], $0x8000  }
0xf4: {  	[sflag:s8] =	ssyncset.done $0x0  }
0xf5: {  	s0 =	rddreg [dreg:$0x8];
	[sflag:s8] =	ssyncadd.s32 $0xFFFF8000  }
0xf6: {  	[hbm4b:s0+s2] =	stream.linear.scatter [tilespmem:s7], [sflag:$0x2], $0x8000, $0x38;
	[tilespmem:$0x12800] =	vst v63  }
0xf7: {  	_ =	swait.ge [sflag:s5], $0x8000  }
0xf8: {  	[sflag:s5] =	ssyncset.done $0x0  }
0xf9: {  	[sflag:s5] =	ssyncadd.s32 $0xFFFF8000  }
0xfa: {  	[tilespmem:s7], [sflag:$0x1] =	stream.indirect.gather [hbm4b:s3+s10], $0x40, s24, s10, $0xb8;
	[tilespmem:$0x12800] =	vst v63  }
0xfb: {  	_ =	swait.ge [sflag:s8], $0x8000  }
0xfc: {  	[sflag:s8] =	ssyncset.done $0x0  }
0xfd: {  	s0 =	rddreg [dreg:$0x9];
	[sflag:s8] =	ssyncadd.s32 $0xFFFF8000  }
0xfe: {  	[hbm4b:s0+s2] =	stream.linear.scatter [tilespmem:s9], [sflag:$0x2], $0x8000, $0x38;
	[tilespmem:$0x12800] =	vst v63  }
0xff: {  	_ =	swait.ge [sflag:s5], $0x8000  }
0x100: {  	[sflag:s5] =	ssyncset.done $0x0  }
0x101: {  	[sflag:s5] =	ssyncadd.s32 $0xFFFF8000  }
0x102: {  	[tilespmem:s9], [sflag:$0x1] =	stream.indirect.gather [hbm4b:s3+s10], $0x40, s23, s10, $0xb8;
	[tilespmem:$0x12800] =	vst v63  }
0x103: {  	_ =	swait.ge [sflag:s8], $0x8000  }
0x104: {  	[sflag:s8] =	ssyncset.done $0x0  }
0x105: {  	s0 =	rddreg [dreg:$0xa];
	[sflag:s8] =	ssyncadd.s32 $0xFFFF8000  }
0x106: {  	[hbm4b:s0+s2] =	stream.linear.scatter [tilespmem:s7], [sflag:$0x2], $0x8000, $0x38;
	[tilespmem:$0x12800] =	vst v63  }
0x107: {  	_ =	swait.ge [sflag:s5], $0x8000  }
0x108: {  	[sflag:s5] =	ssyncset.done $0x0  }
0x109: {  	[sflag:s5] =	ssyncadd.s32 $0xFFFF8000  }
0x10a: {  	[tilespmem:s7], [sflag:$0x1] =	stream.indirect.gather [hbm4b:s3+s10], $0x40, s21, s10, $0xb8;
	[tilespmem:$0x12800] =	vst v63  }
0x10b: {  	_ =	swait.ge [sflag:s8], $0x8000  }
0x10c: {  	[sflag:s8] =	ssyncset.done $0x0  }
0x10d: {  	s0 =	rddreg [dreg:$0xb];
	[sflag:s8] =	ssyncadd.s32 $0xFFFF8000  }
0x10e: {  	[hbm4b:s0+s2] =	stream.linear.scatter [tilespmem:s9], [sflag:$0x2], $0x8000, $0x38;
	[tilespmem:$0x12800] =	vst v63  }
0x10f: {  	_ =	swait.ge [sflag:s5], $0x8000  }
0x110: {  	[sflag:s5] =	ssyncset.done $0x0  }
0x111: {  	[sflag:s5] =	ssyncadd.s32 $0xFFFF8000  }
0x112: {  	[tilespmem:s9], [sflag:$0x1] =	stream.indirect.gather [hbm4b:s3+s10], $0x40, s20, s10, $0xb8;
	[tilespmem:$0x12800] =	vst v63  }
0x113: {  	_ =	swait.ge [sflag:s8], $0x8000  }
0x114: {  	[sflag:s8] =	ssyncset.done $0x0  }
0x115: {  	s0 =	rddreg [dreg:$0xc];
	[sflag:s8] =	ssyncadd.s32 $0xFFFF8000  }
0x116: {  	[hbm4b:s0+s2] =	stream.linear.scatter [tilespmem:s7], [sflag:$0x2], $0x8000, $0x38;
	[tilespmem:$0x12800] =	vst v63  }
0x117: {  	_ =	swait.ge [sflag:s5], $0x8000  }
0x118: {  	[sflag:s5] =	ssyncset.done $0x0  }
0x119: {  	[sflag:s5] =	ssyncadd.s32 $0xFFFF8000  }
0x11a: {  	[tilespmem:s7], [sflag:$0x1] =	stream.indirect.gather [hbm4b:s3+s10], $0x40, s19, s10, $0xb8;
	[tilespmem:$0x12800] =	vst v63  }
0x11b: {  	_ =	swait.ge [sflag:s8], $0x8000  }
0x11c: {  	[sflag:s8] =	ssyncset.done $0x0  }
0x11d: {  	s0 =	rddreg [dreg:$0xd];
	[sflag:s8] =	ssyncadd.s32 $0xFFFF8000  }
0x11e: {  	[hbm4b:s0+s2] =	stream.linear.scatter [tilespmem:s9], [sflag:$0x2], $0x8000, $0x38;
	[tilespmem:$0x12800] =	vst v63  }
0x11f: {  	_ =	swait.ge [sflag:s5], $0x8000  }
0x120: {  	[sflag:s5] =	ssyncset.done $0x0  }
0x121: {  	[sflag:s5] =	ssyncadd.s32 $0xFFFF8000  }
0x122: {  	[tilespmem:s9], [sflag:$0x1] =	stream.indirect.gather [hbm4b:s3+s10], $0x40, s18, s10, $0xb8;
	[tilespmem:$0x12800] =	vst v63  }
0x123: {  	_ =	swait.ge [sflag:s8], $0x8000  }
0x124: {  	[sflag:s8] =	ssyncset.done $0x0  }
0x125: {  	s0 =	rddreg [dreg:$0xe];
	[sflag:s8] =	ssyncadd.s32 $0xFFFF8000  }
0x126: {  	[hbm4b:s0+s2] =	stream.linear.scatter [tilespmem:s7], [sflag:$0x2], $0x8000, $0x38;
	[tilespmem:$0x12800] =	vst v63  }
0x127: {  	_ =	swait.ge [sflag:s5], $0x8000  }
0x128: {  	[sflag:s5] =	ssyncset.done $0x0  }
0x129: {  	[sflag:s5] =	ssyncadd.s32 $0xFFFF8000  }
0x12a: {  	[tilespmem:s7], [sflag:$0x1] =	stream.indirect.gather [hbm4b:s3+s10], $0x40, s17, s10, $0xb8;
	[tilespmem:$0x12800] =	vst v63  }
0x12b: {  	_ =	swait.ge [sflag:s8], $0x8000  }
0x12c: {  	[sflag:s8] =	ssyncset.done $0x0  }
0x12d: {  	s0 =	rddreg [dreg:$0xf];
	[sflag:s8] =	ssyncadd.s32 $0xFFFF8000  }
0x12e: {  	[hbm4b:s0+s2] =	stream.linear.scatter [tilespmem:s9], [sflag:$0x2], $0x8000, $0x38;
	[tilespmem:$0x12800] =	vst v63  }
0x12f: {  	_ =	swait.ge [sflag:s5], $0x8000  }
0x130: {  	[sflag:s5] =	ssyncset.done $0x0  }
0x131: {  	[sflag:s5] =	ssyncadd.s32 $0xFFFF8000  }
0x132: {  	[tilespmem:s9], [sflag:$0x1] =	stream.indirect.gather [hbm4b:s3+s10], $0x40, s16, s10, $0xb8;
	[tilespmem:$0x12800] =	vst v63  }
0x133: {  	_ =	swait.ge [sflag:s8], $0x8000  }
0x134: {  	[sflag:s8] =	ssyncset.done $0x0  }
0x135: {  	s0 =	rddreg [dreg:$0x10];
	[sflag:s8] =	ssyncadd.s32 $0xFFFF8000  }
0x136: {  	[hbm4b:s0+s2] =	stream.linear.scatter [tilespmem:s7], [sflag:$0x2], $0x8000, $0x38;
	[tilespmem:$0x12800] =	vst v63  }
0x137: {  	_ =	swait.ge [sflag:s5], $0x8000  }
0x138: {  	[sflag:s5] =	ssyncset.done $0x0  }
0x139: {  	[sflag:s5] =	ssyncadd.s32 $0xFFFF8000  }
0x13a: {  	[tilespmem:s7], [sflag:$0x1] =	stream.indirect.gather [hbm4b:s3+s10], $0x40, s15, s10, $0xb8;
	[tilespmem:$0x12800] =	vst v63  }
0x13b: {  	_ =	swait.ge [sflag:s8], $0x8000  }
0x13c: {  	[sflag:s8] =	ssyncset.done $0x0  }
0x13d: {  	s0 =	rddreg [dreg:$0x11];
	[sflag:s8] =	ssyncadd.s32 $0xFFFF8000  }
0x13e: {  	[hbm4b:s0+s2] =	stream.linear.scatter [tilespmem:s9], [sflag:$0x2], $0x8000, $0x38;
	[tilespmem:$0x12800] =	vst v63  }
0x13f: {  	_ =	swait.ge [sflag:s5], $0x8000  }
0x140: {  	[sflag:s5] =	ssyncset.done $0x0  }
0x141: {  	[sflag:s5] =	ssyncadd.s32 $0xFFFF8000  }
0x142: {  	[tilespmem:s9], [sflag:$0x1] =	stream.indirect.gather [hbm4b:s3+s10], $0x40, s14, s10, $0xb8;
	[tilespmem:$0x12800] =	vst v63  }
0x143: {  	_ =	swait.ge [sflag:s8], $0x8000  }
0x144: {  	[sflag:s8] =	ssyncset.done $0x0  }
0x145: {  	s0 =	rddreg [dreg:$0x12];
	[sflag:s8] =	ssyncadd.s32 $0xFFFF8000  }
0x146: {  	[hbm4b:s0+s2] =	stream.linear.scatter [tilespmem:s7], [sflag:$0x2], $0x8000, $0x38;
	[tilespmem:$0x12800] =	vst v63  }
0x147: {  	_ =	swait.ge [sflag:s5], $0x8000  }
0x148: {  	[sflag:s5] =	ssyncset.done $0x0  }
0x149: {  	[sflag:s5] =	ssyncadd.s32 $0xFFFF8000  }
0x14a: {  	[tilespmem:s7], [sflag:$0x1] =	stream.indirect.gather [hbm4b:s3+s10], $0x40, s13, s10, $0xb8;
	[tilespmem:$0x12800] =	vst v63  }
0x14b: {  	_ =	swait.ge [sflag:s8], $0x8000  }
0x14c: {  	[sflag:s8] =	ssyncset.done $0x0  }
0x14d: {  	s0 =	rddreg [dreg:$0x13];
	[sflag:s8] =	ssyncadd.s32 $0xFFFF8000  }
0x14e: {  	[hbm4b:s0+s2] =	stream.linear.scatter [tilespmem:s9], [sflag:$0x2], $0x8000, $0x38;
	[tilespmem:$0x12800] =	vst v63  }
0x14f: {  	_ =	swait.ge [sflag:s5], $0x8000  }
0x150: {  	[sflag:s5] =	ssyncset.done $0x0  }
0x151: {  	[sflag:s5] =	ssyncadd.s32 $0xFFFF8000  }
0x152: {  	[tilespmem:s9], [sflag:$0x1] =	stream.indirect.gather [hbm4b:s3+s10], $0x40, s12, s10, $0xb8;
	[tilespmem:$0x12800] =	vst v63  }
0x153: {  	_ =	swait.ge [sflag:s8], $0x8000  }
0x154: {  	[sflag:s8] =	ssyncset.done $0x0  }
0x155: {  	s0 =	rddreg [dreg:$0x14];
	[sflag:s8] =	ssyncadd.s32 $0xFFFF8000  }
0x156: {  	[hbm4b:s0+s2] =	stream.linear.scatter [tilespmem:s7], [sflag:$0x2], $0x8000, $0x38;
	[tilespmem:$0x12800] =	vst v63  }
0x157: {  	_ =	swait.ge [sflag:s5], $0x8000  }
0x158: {  	[sflag:s5] =	ssyncset.done $0x0  }
0x159: {  	[sflag:s5] =	ssyncadd.s32 $0xFFFF8000  }
0x15a: {  	[tilespmem:s7], [sflag:$0x1] =	stream.indirect.gather [hbm4b:s3+s10], $0x40, s11, s10, $0xb8;
	[tilespmem:$0x12800] =	vst v63  }
0x15b: {  	_ =	swait.ge [sflag:s8], $0x8000  }
0x15c: {  	[sflag:s8] =	ssyncset.done $0x0  }
0x15d: {  	[sflag:s8] =	ssyncadd.s32 $0xFFFF8000  }
0x15e: {  	[hbm4b:s6+s2] =	stream.linear.scatter [tilespmem:s9], [sflag:$0x2], $0x8000, $0x38;
	[tilespmem:$0x12800] =	vst v63  }
0x15f: {  	_ =	swait.ge [sflag:s8], $0x8000  }
0x160: {  	[sflag:s8] =	ssyncset.done $0x0  }
0x161: {  	p1 =	sne.s32 s1, $0x1;
	[sflag:s8] =	ssyncadd.s32 $0xFFFF8000  }
0x162: {  	[hbm4b:s4+s2] =	stream.linear.scatter [tilespmem:s7], [sflag:$0x2], $0x8000, $0x38;
	[tilespmem:$0x12800] =	vst v63  }
.Ltmp2:
0x163: {  	_ =	swait.ge [sflag:s5], $0x8000;
	(pc) =	sbr.rel @p1 .LBB2_2-.Ltmp2, $4  }
0x164: {  	[sflag:s5] =	ssyncset.done $0x0  }
0x165: {  	[sflag:s5] =	ssyncadd.s32 $0xFFFF8000  }
0x166: {  	_ =	swait.ge [sflag:s5], $0x8000  }
0x167: {  	s1 =	sadd.s32 $0xFFFFFFFF, s1;
	s0 =	rddreg [dreg:$0x3];
	[sflag:s5] =	ssyncset.done $0x0  }
.LBB2_3:
0x168: {  	[sflag:s5] =	ssyncadd.s32 @p0 $0xFFFF8000  }
0x169: {  	[tilespmem:s2], [sflag:$0x3] =	stream.linear.gather [hbm4b:s0+s2], $0x2800, $0x38;
	[tilespmem:$0x12800] =	vst v63  }
0x16a: {  	_ =	swait.ge [sflag:s31], $0x2800  }
0x16b: {  	[sflag:s31] =	ssyncset.done $0x0  }
0x16c: {  	[sflag:s31] =	ssyncadd.s32 $0xFFFFD800  }
0x16d: {  	[tilespmem:s9], [sflag:$0x1] =	stream.indirect.gather [hbm4b:s3+s10], $0x40, s2, s10, $0xb8;
	[tilespmem:$0x12800] =	vst v63  }
0x16e: {  	_ = 	snop  }
0x16f: {  	[tilespmem:s7], [sflag:$0x1] =	stream.indirect.gather [hbm4b:s3+s10], $0x40, s10, s10, $0xb8;
	[tilespmem:$0x12800] =	vst v63  }
0x170: {  	_ =	swait.ge [sflag:s8], $0x8000  }
0x171: {  	[sflag:s8] =	ssyncset.done $0x0  }
0x172: {  	[sflag:s8] =	ssyncadd.s32 $0xFFFF8000  }
0x173: {  	[hbm4b:s22+s2] =	stream.linear.scatter [tilespmem:s9], [sflag:$0x2], $0x8000, $0x38;
	[tilespmem:$0x12800] =	vst v63  }
0x174: {  	_ =	swait.ge [sflag:s5], $0x8000  }
0x175: {  	[sflag:s5] =	ssyncset.done $0x0  }
0x176: {  	[sflag:s5] =	ssyncadd.s32 $0xFFFF8000  }
0x177: {  	[tilespmem:s9], [sflag:$0x1] =	stream.indirect.gather [hbm4b:s3+s10], $0x40, s30, s10, $0xb8;
	[tilespmem:$0x12800] =	vst v63  }
0x178: {  	_ =	swait.ge [sflag:s8], $0x8000  }
0x179: {  	[sflag:s8] =	ssyncset.done $0x0  }
0x17a: {  	s31 =	rddreg [dreg:$0x4];
	[sflag:s8] =	ssyncadd.s32 $0xFFFF8000  }
0x17b: {  	[hbm4b:s31+s2] =	stream.linear.scatter [tilespmem:s7], [sflag:$0x2], $0x8000, $0x38;
	[tilespmem:$0x12800] =	vst v63  }
0x17c: {  	_ =	swait.ge [sflag:s5], $0x8000  }
0x17d: {  	[sflag:s5] =	ssyncset.done $0x0  }
0x17e: {  	[sflag:s5] =	ssyncadd.s32 $0xFFFF8000  }
0x17f: {  	[tilespmem:s7], [sflag:$0x1] =	stream.indirect.gather [hbm4b:s3+s10], $0x40, s29, s10, $0xb8;
	[tilespmem:$0x12800] =	vst v63  }
0x180: {  	_ =	swait.ge [sflag:s8], $0x8000  }
0x181: {  	[sflag:s8] =	ssyncset.done $0x0  }
0x182: {  	s1 =	rddreg [dreg:$0x5];
	[sflag:s8] =	ssyncadd.s32 $0xFFFF8000  }
0x183: {  	[hbm4b:s1+s2] =	stream.linear.scatter [tilespmem:s9], [sflag:$0x2], $0x8000, $0x38;
	[tilespmem:$0x12800] =	vst v63  }
0x184: {  	_ =	swait.ge [sflag:s5], $0x8000  }
0x185: {  	[sflag:s5] =	ssyncset.done $0x0  }
0x186: {  	[sflag:s5] =	ssyncadd.s32 $0xFFFF8000  }
0x187: {  	[tilespmem:s9], [sflag:$0x1] =	stream.indirect.gather [hbm4b:s3+s10], $0x40, s28, s10, $0xb8;
	[tilespmem:$0x12800] =	vst v63  }
0x188: {  	_ =	swait.ge [sflag:s8], $0x8000  }
0x189: {  	[sflag:s8] =	ssyncset.done $0x0  }
0x18a: {  	s22 =	rddreg [dreg:$0x6];
	[sflag:s8] =	ssyncadd.s32 $0xFFFF8000  }
0x18b: {  	[hbm4b:s22+s2] =	stream.linear.scatter [tilespmem:s7], [sflag:$0x2], $0x8000, $0x38;
	[tilespmem:$0x12800] =	vst v63  }
0x18c: {  	_ =	swait.ge [sflag:s5], $0x8000  }
0x18d: {  	[sflag:s5] =	ssyncset.done $0x0  }
0x18e: {  	[sflag:s5] =	ssyncadd.s32 $0xFFFF8000  }
0x18f: {  	[tilespmem:s7], [sflag:$0x1] =	stream.indirect.gather [hbm4b:s3+s10], $0x40, s26, s10, $0xb8;
	[tilespmem:$0x12800] =	vst v63  }
0x190: {  	_ =	swait.ge [sflag:s8], $0x8000  }
0x191: {  	[sflag:s8] =	ssyncset.done $0x0  }
0x192: {  	s28 =	rddreg [dreg:$0x7];
	[sflag:s8] =	ssyncadd.s32 $0xFFFF8000  }
0x193: {  	[hbm4b:s28+s2] =	stream.linear.scatter [tilespmem:s9], [sflag:$0x2], $0x8000, $0x38;
	[tilespmem:$0x12800] =	vst v63  }
0x194: {  	_ =	swait.ge [sflag:s5], $0x8000  }
0x195: {  	[sflag:s5] =	ssyncset.done $0x0  }
0x196: {  	[sflag:s5] =	ssyncadd.s32 $0xFFFF8000  }
0x197: {  	[tilespmem:s9], [sflag:$0x1] =	stream.indirect.gather [hbm4b:s3+s10], $0x40, s25, s10, $0xb8;
	[tilespmem:$0x12800] =	vst v63  }
0x198: {  	_ =	swait.ge [sflag:s8], $0x8000  }
0x199: {  	[sflag:s8] =	ssyncset.done $0x0  }
0x19a: {  	s29 =	rddreg [dreg:$0x8];
	[sflag:s8] =	ssyncadd.s32 $0xFFFF8000  }
0x19b: {  	[hbm4b:s29+s2] =	stream.linear.scatter [tilespmem:s7], [sflag:$0x2], $0x8000, $0x38;
	[tilespmem:$0x12800] =	vst v63  }
0x19c: {  	_ =	swait.ge [sflag:s5], $0x8000  }
0x19d: {  	[sflag:s5] =	ssyncset.done $0x0  }
0x19e: {  	[sflag:s5] =	ssyncadd.s32 $0xFFFF8000  }
0x19f: {  	[tilespmem:s7], [sflag:$0x1] =	stream.indirect.gather [hbm4b:s3+s10], $0x40, s24, s10, $0xb8;
	[tilespmem:$0x12800] =	vst v63  }
0x1a0: {  	_ =	swait.ge [sflag:s8], $0x8000  }
0x1a1: {  	[sflag:s8] =	ssyncset.done $0x0  }
0x1a2: {  	s30 =	rddreg [dreg:$0x9];
	[sflag:s8] =	ssyncadd.s32 $0xFFFF8000  }
0x1a3: {  	[hbm4b:s30+s2] =	stream.linear.scatter [tilespmem:s9], [sflag:$0x2], $0x8000, $0x38;
	[tilespmem:$0x12800] =	vst v63  }
0x1a4: {  	_ =	swait.ge [sflag:s5], $0x8000  }
0x1a5: {  	[sflag:s5] =	ssyncset.done $0x0  }
0x1a6: {  	[sflag:s5] =	ssyncadd.s32 $0xFFFF8000  }
0x1a7: {  	[tilespmem:s9], [sflag:$0x1] =	stream.indirect.gather [hbm4b:s3+s10], $0x40, s23, s10, $0xb8;
	[tilespmem:$0x12800] =	vst v63  }
0x1a8: {  	_ =	swait.ge [sflag:s8], $0x8000  }
0x1a9: {  	[sflag:s8] =	ssyncset.done $0x0  }
0x1aa: {  	s31 =	rddreg [dreg:$0xa];
	[sflag:s8] =	ssyncadd.s32 $0xFFFF8000  }
0x1ab: {  	[hbm4b:s31+s2] =	stream.linear.scatter [tilespmem:s7], [sflag:$0x2], $0x8000, $0x38;
	[tilespmem:$0x12800] =	vst v63  }
0x1ac: {  	_ =	swait.ge [sflag:s5], $0x8000  }
0x1ad: {  	[sflag:s5] =	ssyncset.done $0x0  }
0x1ae: {  	[sflag:s5] =	ssyncadd.s32 $0xFFFF8000  }
0x1af: {  	[tilespmem:s7], [sflag:$0x1] =	stream.indirect.gather [hbm4b:s3+s10], $0x40, s21, s10, $0xb8;
	[tilespmem:$0x12800] =	vst v63  }
0x1b0: {  	_ =	swait.ge [sflag:s8], $0x8000  }
0x1b1: {  	[sflag:s8] =	ssyncset.done $0x0  }
0x1b2: {  	s1 =	rddreg [dreg:$0xb];
	[sflag:s8] =	ssyncadd.s32 $0xFFFF8000  }
0x1b3: {  	[hbm4b:s1+s2] =	stream.linear.scatter [tilespmem:s9], [sflag:$0x2], $0x8000, $0x38;
	[tilespmem:$0x12800] =	vst v63  }
0x1b4: {  	_ =	swait.ge [sflag:s5], $0x8000  }
0x1b5: {  	[sflag:s5] =	ssyncset.done $0x0  }
0x1b6: {  	[sflag:s5] =	ssyncadd.s32 $0xFFFF8000  }
0x1b7: {  	[tilespmem:s9], [sflag:$0x1] =	stream.indirect.gather [hbm4b:s3+s10], $0x40, s20, s10, $0xb8;
	[tilespmem:$0x12800] =	vst v63  }
0x1b8: {  	_ =	swait.ge [sflag:s8], $0x8000  }
0x1b9: {  	[sflag:s8] =	ssyncset.done $0x0  }
0x1ba: {  	s21 =	rddreg [dreg:$0xc];
	[sflag:s8] =	ssyncadd.s32 $0xFFFF8000  }
0x1bb: {  	[hbm4b:s21+s2] =	stream.linear.scatter [tilespmem:s7], [sflag:$0x2], $0x8000, $0x38;
	[tilespmem:$0x12800] =	vst v63  }
0x1bc: {  	_ =	swait.ge [sflag:s5], $0x8000  }
0x1bd: {  	[sflag:s5] =	ssyncset.done $0x0  }
0x1be: {  	[sflag:s5] =	ssyncadd.s32 $0xFFFF8000  }
0x1bf: {  	[tilespmem:s7], [sflag:$0x1] =	stream.indirect.gather [hbm4b:s3+s10], $0x40, s19, s10, $0xb8;
	[tilespmem:$0x12800] =	vst v63  }
0x1c0: {  	_ =	swait.ge [sflag:s8], $0x8000  }
0x1c1: {  	[sflag:s8] =	ssyncset.done $0x0  }
0x1c2: {  	s22 =	rddreg [dreg:$0xd];
	[sflag:s8] =	ssyncadd.s32 $0xFFFF8000  }
0x1c3: {  	[hbm4b:s22+s2] =	stream.linear.scatter [tilespmem:s9], [sflag:$0x2], $0x8000, $0x38;
	[tilespmem:$0x12800] =	vst v63  }
0x1c4: {  	_ =	swait.ge [sflag:s5], $0x8000  }
0x1c5: {  	[sflag:s5] =	ssyncset.done $0x0  }
0x1c6: {  	[sflag:s5] =	ssyncadd.s32 $0xFFFF8000  }
0x1c7: {  	[tilespmem:s9], [sflag:$0x1] =	stream.indirect.gather [hbm4b:s3+s10], $0x40, s18, s10, $0xb8;
	[tilespmem:$0x12800] =	vst v63  }
0x1c8: {  	_ =	swait.ge [sflag:s8], $0x8000  }
0x1c9: {  	[sflag:s8] =	ssyncset.done $0x0  }
0x1ca: {  	s23 =	rddreg [dreg:$0xe];
	[sflag:s8] =	ssyncadd.s32 $0xFFFF8000  }
0x1cb: {  	[hbm4b:s23+s2] =	stream.linear.scatter [tilespmem:s7], [sflag:$0x2], $0x8000, $0x38;
	[tilespmem:$0x12800] =	vst v63  }
0x1cc: {  	_ =	swait.ge [sflag:s5], $0x8000  }
0x1cd: {  	[sflag:s5] =	ssyncset.done $0x0  }
0x1ce: {  	[sflag:s5] =	ssyncadd.s32 $0xFFFF8000  }
0x1cf: {  	[tilespmem:s7], [sflag:$0x1] =	stream.indirect.gather [hbm4b:s3+s10], $0x40, s17, s10, $0xb8;
	[tilespmem:$0x12800] =	vst v63  }
0x1d0: {  	_ =	swait.ge [sflag:s8], $0x8000  }
0x1d1: {  	[sflag:s8] =	ssyncset.done $0x0  }
0x1d2: {  	s24 =	rddreg [dreg:$0xf];
	[sflag:s8] =	ssyncadd.s32 $0xFFFF8000  }
0x1d3: {  	[hbm4b:s24+s2] =	stream.linear.scatter [tilespmem:s9], [sflag:$0x2], $0x8000, $0x38;
	[tilespmem:$0x12800] =	vst v63  }
0x1d4: {  	_ =	swait.ge [sflag:s5], $0x8000  }
0x1d5: {  	[sflag:s5] =	ssyncset.done $0x0  }
0x1d6: {  	[sflag:s5] =	ssyncadd.s32 $0xFFFF8000  }
0x1d7: {  	[tilespmem:s9], [sflag:$0x1] =	stream.indirect.gather [hbm4b:s3+s10], $0x40, s16, s10, $0xb8;
	[tilespmem:$0x12800] =	vst v63  }
0x1d8: {  	_ =	swait.ge [sflag:s8], $0x8000  }
0x1d9: {  	[sflag:s8] =	ssyncset.done $0x0  }
0x1da: {  	s25 =	rddreg [dreg:$0x10];
	[sflag:s8] =	ssyncadd.s32 $0xFFFF8000  }
0x1db: {  	[hbm4b:s25+s2] =	stream.linear.scatter [tilespmem:s7], [sflag:$0x2], $0x8000, $0x38;
	[tilespmem:$0x12800] =	vst v63  }
0x1dc: {  	_ =	swait.ge [sflag:s5], $0x8000  }
0x1dd: {  	[sflag:s5] =	ssyncset.done $0x0  }
0x1de: {  	[sflag:s5] =	ssyncadd.s32 $0xFFFF8000  }
0x1df: {  	[tilespmem:s7], [sflag:$0x1] =	stream.indirect.gather [hbm4b:s3+s10], $0x40, s15, s10, $0xb8;
	[tilespmem:$0x12800] =	vst v63  }
0x1e0: {  	_ =	swait.ge [sflag:s8], $0x8000  }
0x1e1: {  	[sflag:s8] =	ssyncset.done $0x0  }
0x1e2: {  	s26 =	rddreg [dreg:$0x11];
	[sflag:s8] =	ssyncadd.s32 $0xFFFF8000  }
0x1e3: {  	[hbm4b:s26+s2] =	stream.linear.scatter [tilespmem:s9], [sflag:$0x2], $0x8000, $0x38;
	[tilespmem:$0x12800] =	vst v63  }
0x1e4: {  	_ =	swait.ge [sflag:s5], $0x8000  }
0x1e5: {  	[sflag:s5] =	ssyncset.done $0x0  }
0x1e6: {  	[sflag:s5] =	ssyncadd.s32 $0xFFFF8000  }
0x1e7: {  	[tilespmem:s9], [sflag:$0x1] =	stream.indirect.gather [hbm4b:s3+s10], $0x40, s14, s10, $0xb8;
	[tilespmem:$0x12800] =	vst v63  }
0x1e8: {  	_ =	swait.ge [sflag:s8], $0x8000  }
0x1e9: {  	[sflag:s8] =	ssyncset.done $0x0  }
0x1ea: {  	s28 =	rddreg [dreg:$0x12];
	[sflag:s8] =	ssyncadd.s32 $0xFFFF8000  }
0x1eb: {  	[hbm4b:s28+s2] =	stream.linear.scatter [tilespmem:s7], [sflag:$0x2], $0x8000, $0x38;
	[tilespmem:$0x12800] =	vst v63  }
0x1ec: {  	_ =	swait.ge [sflag:s5], $0x8000  }
0x1ed: {  	[sflag:s5] =	ssyncset.done $0x0  }
0x1ee: {  	[sflag:s5] =	ssyncadd.s32 $0xFFFF8000  }
0x1ef: {  	[tilespmem:s7], [sflag:$0x1] =	stream.indirect.gather [hbm4b:s3+s10], $0x40, s13, s10, $0xb8;
	[tilespmem:$0x12800] =	vst v63  }
0x1f0: {  	_ =	swait.ge [sflag:s8], $0x8000  }
0x1f1: {  	[sflag:s8] =	ssyncset.done $0x0  }
0x1f2: {  	s29 =	rddreg [dreg:$0x13];
	[sflag:s8] =	ssyncadd.s32 $0xFFFF8000  }
0x1f3: {  	[hbm4b:s29+s2] =	stream.linear.scatter [tilespmem:s9], [sflag:$0x2], $0x8000, $0x38;
	[tilespmem:$0x12800] =	vst v63  }
0x1f4: {  	_ =	swait.ge [sflag:s5], $0x8000  }
0x1f5: {  	[sflag:s5] =	ssyncset.done $0x0  }
0x1f6: {  	[sflag:s5] =	ssyncadd.s32 $0xFFFF8000  }
0x1f7: {  	[tilespmem:s9], [sflag:$0x1] =	stream.indirect.gather [hbm4b:s3+s10], $0x40, s12, s10, $0xb8;
	[tilespmem:$0x12800] =	vst v63  }
0x1f8: {  	_ =	swait.ge [sflag:s8], $0x8000  }
0x1f9: {  	[sflag:s8] =	ssyncset.done $0x0  }
0x1fa: {  	s30 =	rddreg [dreg:$0x14];
	[sflag:s8] =	ssyncadd.s32 $0xFFFF8000  }
0x1fb: {  	[hbm4b:s30+s2] =	stream.linear.scatter [tilespmem:s7], [sflag:$0x2], $0x8000, $0x38;
	[tilespmem:$0x12800] =	vst v63  }
0x1fc: {  	_ =	swait.ge [sflag:s5], $0x8000  }
0x1fd: {  	[sflag:s5] =	ssyncset.done $0x0  }
0x1fe: {  	[sflag:s5] =	ssyncadd.s32 $0xFFFF8000  }
0x1ff: {  	[tilespmem:s7], [sflag:$0x1] =	stream.indirect.gather [hbm4b:s3+s10], $0x40, s11, s10, $0xb8;
	[tilespmem:$0x12800] =	vst v63  }
0x200: {  	_ =	swait.ge [sflag:s8], $0x8000  }
0x201: {  	[sflag:s8] =	ssyncset.done $0x0  }
0x202: {  	[sflag:s8] =	ssyncadd.s32 $0xFFFF8000  }
0x203: {  	[hbm4b:s6+s2] =	stream.linear.scatter [tilespmem:s9], [sflag:$0x2], $0x8000, $0x38;
	[tilespmem:$0x12800] =	vst v63  }
0x204: {  	_ =	swait.ge [sflag:s8], $0x8000  }
0x205: {  	[sflag:s8] =	ssyncset.done $0x0  }
0x206: {  	[sflag:s8] =	ssyncadd.s32 $0xFFFF8000  }
0x207: {  	[hbm4b:s4+s2] =	stream.linear.scatter [tilespmem:s7], [sflag:$0x2], $0x8000, $0x38;
	[tilespmem:$0x12800] =	vst v63  }
0x208: {  	_ =	swait.ge [sflag:s5], $0x8000  }
0x209: {  	[sflag:s5] =	ssyncset.done $0x0  }
0x20a: {  	[sflag:s5] =	ssyncadd.s32 $0xFFFF8000  }
0x20b: {  	_ =	swait.ge [sflag:s5], $0x8000  }
0x20c: {  	[sflag:s5] =	ssyncset.done $0x0  }
0x20d: {  	[sflag:s5] =	ssyncadd.s32 $0xFFFF8000  }
0x20e: {  	_ =	sfence.sel $0x180000  }
0x20f: {  	[bflag:$0x0] =	sbarrier.arrive $0xFFFF  }
0x210: {  	_ =	strace $0x9000004A  }
0x211: {  	s31 =	stileid.u32;
	[bflag:$0x2] =	sbarrier.arrive $0xFFFF  }
0x212: {  	p0 =	sne.s32 s31, $0x0;
	s0 =	rddreg [dreg:$0x2]  }
0x213: {  	s0 =	sadd.s32 @!p0 $0x100000, s0  }
0x214: {  	[sflag:s0] =	ssyncadd.tile.s32 @!p0 $0x1;
	_ =	shalt  }
.Lfunc_end2:
_tile_overlayer_lowered:
.L_overlay_start_2:
0x215: {  	(tag) =	ssettag $0x2  }
0x216: {  	s0 =	rddreg [dreg:$0x0];
	s2 =	stileid.u32  }
0x217: {  	s1 =	rddreg [dreg:$0x1];
	p0 =	sne.s32 s2, $0x0  }
0x218: {  	s3 =	rddreg [dreg:$0x2];
	[bflag:$0x3] =	sbarrier.arrive $0xFFFF;
	s2 =	simm.s32 @!p0 $0x1C03  }
0x219: {  	[timem:s3], [sflag:s2] =	dma.local @!p0 [hbm:s0], s1  }
0x21a: {  	s0 =	simm.s32 @!p0 $0x3  }
0x21b: {  	_ =	swait.ge @!p0 [sflag:s0], s1  }
0x21c: {  	s1 =	ssub.s32 @!p0 $0x0, s1;
	[sflag:s0] =	ssyncset.done @!p0 $0x0  }
0x21d: {  	[sflag:s0] =	ssyncadd.s32 @!p0 s1  }
0x21e: {  	[bflag:$0x3] =	sbarrier.arrive $0xFFFF  }
0x21f: {  	_ =	shalt  }

// kernel: sparse-core-data-format-call.cloned.1.call-start
scs
called_computation_lowered:
.L_overlay_start_0:
0x0: {  	s2 =	sld [smem:$0x3FD9]  }
0x1: {  	s3 =	sld [smem:$0x3FFE];
	_ =	sdelay $0x1  }
0x2: {  	s1 =	srdreg.scid  }
0x3: {  	s0 =	sand.u32 $0x1, s1  }
0x4: {  	s18 =	sshll.u32 s0, $0xA;
	s2 =	sadd.s32 s3, s2  }
0x5: {  	s2 =	sadd.s32 s2, s18  }
0x6: {  	[smem:$0x3FC6] =	sst s2  }
0x7: {  	_ = 	snop  }
0x8: {  	s2 =	sld [smem:$0x3FD0];
	(tm) =	ssettm $0x1  }
0x9: {  	s19 =	sld [smem:$0x3FFB];
	_ =	sdelay $0x3  }
0xa: {  	_ =	strace s19  }
0xb: {  	s3 =	sld [smem:$0x3FFC];
	_ =	sdelay $0x3  }
0xc: {  	_ =	strace s3  }
0xd: {  	s3 =	sld [smem:$0x3FFD];
	_ =	sdelay $0x3  }
0xe: {  	_ =	strace s3  }
0xf: {  	_ =	strace $0x8FFFFFFF  }
0x10: {  	s20 =	sld [smem:$0x3FDB];
	_ =	sdelay $0x1  }
0x11: {  	s4 =	simm.s32 $_scs_section_size  }
0x12: {  	s5 =	simm.s32 $_size__tile_overlayer_lowered;
	s6 =	simm.s32 $_tile_overlayer_lowered  }
0x13: {  	s23 =	simm.s32 $0x1BFF;
	s22 =	sshll.u32 s6, $0x1;
	s3 =	sadd.s32 s4, s20  }
0x14: {  	s7 =	simm.s32 $0x0;
	s21 =	sshll.u32 s5, $0x1;
	s5 =	sadd.s32 s22, s3  }
0x15: {  	[timem:s7], [sflag:s23] =	dma.local [hbm:s5], s21  }
0x16: {  	_ =	swait.ge [sflag:s23], s21  }
0x17: {  	s4 =	ssub.s32 $0x0, s21;
	[sflag:s23] =	ssyncset.done $0x0  }
0x18: {  	[sflag:s23] =	ssyncadd.s32 s4;
	_ =	sdelay $0x1  }
0x19: {  	s24 =	simm.s32 $0x1B8B  }
0x1a: {  	_ =	swait.ge [sflag:s24], $0x1  }
0x1b: {  	[sflag:s24] =	ssyncset.done $0x0  }
0x1c: {  	s26 =	simm.s32 $0x1B8E;
	s25 =	sld [smem:$0x3FFE];
	[sflag:s24] =	ssyncadd.s32 $0xFFFFFFFF  }
0x1d: {  	s27 =	simm.s32 $execute0_lowered;
	[smem:$0x3FD2] =	sst s26  }
0x1e: {  	s5 =	sshll.u32 s27, $0x1;
	_ =	strace $0x8000004C;
	[dreg:$0x1] =	wrdreg $0xFFFFFFFF  }
0x1f: {  	s28 =	simm.s32 $_size_execute0_lowered;
	s3 =	sadd.s32 s3, s5;
	[dreg:$0x0] =	wrdreg $0x0  }
0x20: {  	s5 =	sshll.u32 s28, $0x1;
	[dreg:$0x2] =	wrdreg s3  }
0x21: {  	[dreg:$0x3] =	wrdreg s5  }
0x22: {  	[dreg:$0x4] =	wrdreg $0xC0  }
0x23: {  	_ =	task [dreg:s7], $0x5FFFF  }
0x24: {  	[dreg:$0x1] =	wrdreg $0xFFFFFFFF  }
0x25: {  	[dreg:$0x0] =	wrdreg $0x60  }
0x26: {  	[dreg:$0x2] =	wrdreg s25  }
0x27: {  	[dreg:$0x3] =	wrdreg s2  }
0x28: {  	[dreg:$0x4] =	wrdreg $0x9  }
0x29: {  	_ =	task.clear_ibuf [dreg:s7], $0x5FFFF;
	_ =	strace $0x9000004C  }
0x2a: {  	s29 =	simm.s32 $0x9;
	_ =	strace $0x8000004E  }
0x2b: {  	_ =	swait.ge [sflag:s29], $0x1  }
0x2c: {  	[sflag:s29] =	ssyncadd.s32 $0xFFFFFFFF  }
0x2d: {  	_ =	strace $0x9000004E  }
0x2e: {  	_ =	sfence  }
0x2f: {  	s30 =	sld [smem:$0x0];
	_ =	sdelay $0x2  }
0x30: {  	s31 =	sshll.u32 s1, $0xD;
	s1 =	sshrl.u32 s1, $0x2  }
0x31: {  	s3 =	sand.u32 $0x4000, s31;
	s1 =	sadd.s32 s1, s30  }
0x32: {  	s0 =	sor.u32 s3, s0;
	s1 =	sshll.u32 s1, $0x11  }
0x33: {  	s0 =	sor.u32 s1, s0  }
0x34: {  	s0 =	sadd.s32 $0x8F2B, s0  }
0x35: {  	[sflag:s0] =	ssyncadd.remote.s32 $0x1  }
0x36: {  	_ =	sfence.sel $0xFFFF  }
0x37: {  	[dreg:$0x0] =	wrdreg $0xFFFFFFFF;
	(pc) =	sbr.abs _section_cstart, $3  }
0x38: {  	[dreg:$0x1] =	wrdreg $0xFFFFFFFF  }
0x39: {  	_ =	task.clear_ibuf [dreg:s7], $0x2FFFF;
	_ =	strace $0x9FFFFFFF  }
0x3a: {  	(tm) =	ssettm $0x7FFFFFFF  }
0x3b: {  	_ =	shalt  }
tec
execute0_lowered:
.L_overlay_start_1:
0x0: {  	(tag) =	ssettag $0x1  }
0x1: {  	s0 =	srdreg.scid  }
0x2: {  	s1 =	sshll.u32 s0, $0x4  }
0x3: {  	s0 =	stileid.u32;
	s1 =	sand.u32 $0x10, s1  }
0x4: {  	s1 =	sor.u32 s0, s1  }
0x5: {  	s6 =	rddreg [dreg:$0x0];
	s4 =	simm.s32 $0x1;
	s2 =	sshll.u32 s1, $0x7  }
0x6: {  	s7 =	simm.s32 $0x2;
	s12 =	simm.s32 $0x0;
	s1 =	ssub.s32 $0x4000, s2  }
0x7: {  	s8 =	simm.s32 $0x20000;
	s13 =	simm.s32 $0x0;
	s3 =	sand.u32 $0xF80, s1  }
0x8: {  	s9 =	simm.s32 $0x0;
	s5 =	sshrl.u32 s1, $0xC;
	p0 =	sne.s32 s3, $0x0  }
.Ltmp0:
0x9: {  	s1 =	rddreg [dreg:$0x2];
	s4 =	simm.s32 @!p0 $0x0;
	(pc) =	sbr.rel .LBB1_1-.Ltmp0, $4  }
0xa: {  	s11 =	simm.s32 $0x0;
	s3 =	rddreg [dreg:$0x1];
	s5 =	sadd.s32 s4, s5  }
0xb: {  	_ =	strace $0x8000004D;
	s4 =	simm.s32 $0x1;
	s5 =	smul.u32 $0x14, s5  }
0xc: {  	s6 =	sadd.s32 $0xE00, s6;
	s10 =	smov.u32 s2;
	[sflag:s4] =	ssyncpa.u1 $0x0  }
0xd: {  	p0 =	por $0x0, $0x0;
	[sflag:s7] =	ssyncpa.u1 $0x0;
	s7 =	sor.u32 $0x1, s5  }
.LBB1_4:
0xe: {  	s16 =	sshll.u32 s13, $0x3;
	s17 =	sand.u32 $0x78, s13  }
0xf: {  	s30 =	sand.u32 $0x1F800, s13;
	s12 =	sshll.u32 s12, $0x11;
	s16 =	sand.u32 $0x3C00, s16  }
0x10: {  	[tilespmem:s15+$0x810 ss:$0x81] =	vst.msk $0xffff, v2;
	s31 =	sand.u32 $0x7, s13;
	s16 =	sor.u32 s17, s16;
	s17 =	sadd.s32 s3, s30  }
0x11: {  	[tilespmem:s15+$0x1020 ss:$0x81] =	vst.msk $0xffff, v0;
	s13 =	sshll.u32 s31, $0x12;
	s12 =	sadd.s32 s12, s17;
	s16 =	sshrl.u32 s16, $0x3  }
0x12: {  	[tilespmem:s15+$0x0 ss:$0x81] =	vst.msk $0xffff, v1;
	s13 =	sor.u32 $0x400, s13;
	s12 =	sadd.s32 s16, s12  }
0x13: {  	[hbm4b:s12+s13] =	stream.strided.scatter [tilespmem:s14], [sflag:$0x2], $0x2000, s8, s13, $0x20;
	[tilespmem:$0x8080] =	vst v63  }
.LBB1_5:
0x14: {  	s14 =	sadd.s32 $0x1, s9  }
0x15: {  	s12 =	sadd.s32 $0x1000, s10;
	s16 =	smov.u32 s10;
	p2 =	sgt.s32 s14, $0x13  }
0x16: {  	s16 =	smov.u32 @p2 s12  }
0x17: {  	s14 =	simm.s32 @p2 $0x0;
	p2 =	sgt.s32 s16, $0x3FFF  }
0x18: {  	s16 =	smov.u32 @p2 s2;
	p2 =	sne.s32 s11, s7  }
.Ltmp1:
0x19: {  	p1 =	slt.u32 s11, $0x2;
	(pc) =	sbr.rel @!p2 .LBB1_6-.Ltmp1, $4  }
0x1a: {  	s15 =	simm.s32 @!p1 $0x2  }
0x1b: {  	s13 =	smov.u32 s10;
	p0 =	por !p0, !p0;
	_ =	swait.ge @!p1 [sflag:s15], $0x2000  }
0x1c: {  	s12 =	smov.u32 s9;
	[sflag:s15] =	ssyncset.done @!p1 $0x0;
	s9 =	smov.u32 s14  }
0x1d: {  	s11 =	sadd.s32 $0x1, s11;
	[sflag:s15] =	ssyncadd.s32 @!p1 $0xFFFFE000;
	s10 =	smov.u32 s16  }
.LBB1_1:
0x1e: {  	p1 =	sge.u32 s11, s5  }
0x1f: {  	s14 =	sand.u32 @!p1 $0x1FFFFFF, s9  }
0x20: {  	s15 =	smulhi.u32 @!p1 $0xAAAAAAB, s14;
	_ =	sdelay $0x1  }
0x21: {  	s15 =	smul.u32 @!p1 $0x18, s15  }
0x22: {  	s16 =	sxor.u32 @!p1 $0xFFFFFFFF, s11;
	s17 =	smul.u32 @!p1 $0x180, s10  }
0x23: {  	s31 =	sadd.s32 $0xFFFFFFFF, s11;
	s16 =	sshll.u32 @!p1 s16, $0xD;
	s14 =	ssub.s32 @!p1 s14, s15  }
0x24: {  	s15 =	sand.u32 @!p1 $0x2000, s16;
	s16 =	sadd.s32 @!p1 s6, s17;
	s14 =	sshll.u32 @!p1 s14, $0x4  }
0x25: {  	s17 =	simm.s32 @!p1 $0xC00;
	s14 =	sadd.s32 @!p1 s14, s16;
	s16 =	simm.s32 @!p1 $0x40  }
0x26: {  	[tilespmem:s15], [sflag:$0x1] =	stream.strided.gather @!p1 [hbm4b:s14+s16], $0x2000, s17, s16, $0x38;
	[tilespmem:$0x8080] =	vst v63  }
0x27: {  	p1 =	sge.u32 s31, s5  }
.Ltmp2:
0x28: {  	_ = 	snop;
	(pc) =	sbr.rel @p1 .LBB1_5-.Ltmp2, $1  }
0x29: {  	_ =	sdelay $0x3  }
0x2a: {  	s14 =	simm.s32 $0x1  }
0x2b: {  	_ =	swait.ge [sflag:s4], $0x2000;
	s14 =	simm.s32 @!p0 $0x0  }
0x2c: {  	[sflag:s4] =	ssyncset.done $0x0;
	s15 =	sshll.u32 s14, $0xD  }
0x2d: {  	[sflag:s4] =	ssyncadd.s32 $0xFFFFE000;
	s18 =	sor.u32 $0x20, s15  }
0x2e: {  	s14 =	smul.u32 $0x8100, s14;
	v3 =	vld [tilespmem:s18+$0x10]  }
0x2f: {  	s30 =	sand.u32 $0x1, s11;
	v2 =	vld [tilespmem:s18+$0xFFFFFFF0]  }
0x30: {  	s15 =	smul.u32 $0x8100, s30;
	s14 =	sshrl.u32 s14, $0x2;
	v0 =	vld [tilespmem:s18+$0x0]  }
0x31: {  	v1 =	vld [tilespmem:s18+$0xFFFFFFE0];
	s16 =	sor.u32 $0x4000, s14  }
0x32: {  	s31 =	sshrl.u32 s15, $0x2;
	s15 =	sadd.s32 $0x0, s16  }
0x33: {  	s17 =	simm.s32 $0x4;
	s18 =	sadd.s32 $0x40, s18;
	s14 =	sor.u32 $0x4000, s31;
	[tilespmem:s15+$0x1830 ss:$0x81] =	vst.msk $0xffff, v3  }
.LBB1_3:
0x34: {  	v3 =	vld [tilespmem:s18+$0x10];
	p1 =	sne.s32 s17, $0x1FC;
	[tilespmem:s15+$0x810 ss:$0x81] =	vst.msk $0xffff, v2;
	s19 =	smov.u32 s17;
	s17 =	sadd.s32 $0x4, s17  }
.Ltmp3:
0x35: {  	v2 =	vld [tilespmem:s18+$0xFFFFFFF0];
	[tilespmem:s15+$0x1020 ss:$0x81] =	vst.msk $0xffff, v0;
	(pc) =	sbr.rel @p1 .LBB1_3-.Ltmp3, $4  }
0x36: {  	v0 =	vld [tilespmem:s18+$0x0];
	[tilespmem:s15+$0x0 ss:$0x81] =	vst.msk $0xffff, v1  }
0x37: {  	s15 =	sshra.s32 s19, $0x2;
	v1 =	vld [tilespmem:s18+$0xFFFFFFE0]  }
0x38: {  	s15 =	sadd.s32 s15, s16  }
0x39: {  	s18 =	sadd.s32 $0x40, s18;
	[tilespmem:s15+$0x1830 ss:$0x81] =	vst.msk $0xffff, v3  }
.Ltmp4:
0x3a: {  	_ = 	snop;
	(pc) =	sbr.rel .LBB1_4-.Ltmp4, $1  }
0x3b: {  	_ =	sdelay $0x3  }
.LBB1_6:
0x3c: {  	_ =	sfence.sel $0x180000  }
0x3d: {  	s2 =	simm.s32 $0x1;
	[bflag:$0x0] =	sbarrier.arrive $0xFFFF  }
0x3e: {  	s31 =	simm.s32 $0x2;
	[sflag:s2] =	ssyncpa.u1 $0x1  }
0x3f: {  	[sflag:s31] =	ssyncpa.u1 $0x1  }
0x40: {  	p0 =	sne.s32 s0, $0x0;
	_ =	strace $0x9000004D  }
0x41: {  	s0 =	sadd.s32 @!p0 $0x100000, s1;
	[bflag:$0x2] =	sbarrier.arrive $0xFFFF  }
0x42: {  	[sflag:s0] =	ssyncadd.tile.s32 @!p0 $0x1;
	_ =	shalt  }
.Lfunc_end1:
_tile_overlayer_lowered:
.L_overlay_start_2:
0x43: {  	(tag) =	ssettag $0x2  }
0x44: {  	s0 =	rddreg [dreg:$0x0];
	s2 =	stileid.u32  }
0x45: {  	s1 =	rddreg [dreg:$0x1];
	p0 =	sne.s32 s2, $0x0  }
0x46: {  	s3 =	rddreg [dreg:$0x2];
	[bflag:$0x3] =	sbarrier.arrive $0xFFFF;
	s2 =	simm.s32 @!p0 $0x1C01  }
0x47: {  	[timem:s3], [sflag:s2] =	dma.local @!p0 [hbm:s0], s1  }
0x48: {  	s0 =	simm.s32 @!p0 $0x1  }
0x49: {  	_ =	swait.ge @!p0 [sflag:s0], s1  }
0x4a: {  	s1 =	ssub.s32 @!p0 $0x0, s1;
	[sflag:s0] =	ssyncset.done @!p0 $0x0  }
0x4b: {  	[sflag:s0] =	ssyncadd.s32 @!p0 s1  }
0x4c: {  	[bflag:$0x3] =	sbarrier.arrive $0xFFFF  }
0x4d: {  	_ =	shalt  }

</sc_bundles>
